<compile_context>
chip_gen: v7x
topology: tpu7x:2x2x1
jax: 0.10.2.dev20260603
libtpu: 0.0.44.dev20260713+nightly
codegen_flags: <defaults>
</compile_context>

<pallas_src>
import functools

import jax
import jax.numpy as jnp
from jax import lax
from jax.experimental import pallas as pl
from jax.experimental.pallas import tpu as pltpu, tpu_sc as plsc

N = 10000
D = 128
DH = D // 2
E = 320000

NC = 2
NS = 16
EDGES_T = 20480
E_PAD = NS * EDGES_T
CHUNK = 128
JJ = 4
ROWS_T = EDGES_T // CHUNK
STEPS = ROWS_T // JJ
N_PAD = 10240
ZR = 64
N_OUT_T = N_PAD // NS

_mesh = plsc.VectorSubcoreMesh(core_axis_name="c", subcore_axis_name="s")


def _agg_body(want_deg, *refs):
    if want_deg:
        (xn_hbm, src_hbm, dst_hbm, agg_out, deg_out,
         src_v, dst_v, raw_v, ones_v, z16_v, agg_sh, deg_sh,
         gsem, ssem0, ssem1, dsem) = refs
    else:
        (xn_hbm, src_hbm, dst_hbm, agg_out,
         src_v, dst_v, raw_v, agg_sh, gsem, ssem0, ssem1) = refs

    c = lax.axis_index("c")
    s = lax.axis_index("s")

    zz32 = jnp.zeros((32,), jnp.bfloat16)

    def zrow(i, carry):
        for j in range(DH // 32):
            raw_v[i, pl.ds(j * 32, 32)] = zz32
        return carry
    lax.fori_loop(0, ZR, zrow, 0)

    if want_deg:
        zz = jnp.zeros((16,), jnp.float32)
        oo = jnp.ones((16,), jnp.float32)

        def orow(i, carry):
            ones_v[i, :] = oo
            return carry
        lax.fori_loop(0, CHUNK, orow, 0)

        def z16row(i, carry):
            z16_v[i, :] = zz
            return carry
        lax.fori_loop(0, ZR, z16row, 0)

    zbase = s * (N_PAD // NS)
    for k in range(N_PAD // NS // ZR):
        pltpu.sync_copy(raw_v.at[pl.ds(0, ZR)],
                        agg_sh.at[pl.ds(zbase + k * ZR, ZR)])
        if want_deg:
            pltpu.sync_copy(z16_v, deg_sh.at[pl.ds(zbase + k * ZR, ZR)])
    plsc.subcore_barrier()

    pltpu.sync_copy(src_hbm.at[pl.ds(s * ROWS_T, ROWS_T)], src_v)
    pltpu.sync_copy(dst_hbm.at[pl.ds(s * ROWS_T, ROWS_T)], dst_v)

    my_xn = xn_hbm.at[c]
    HALF = JJ * CHUNK

    def fire_gather(sidx, base):
        for j in range(JJ):
            pltpu.async_copy(
                my_xn.at[src_v.at[sidx * JJ + j]],
                raw_v.at[pl.ds(base + j * CHUNK, CHUNK)], gsem)

    def wait_gather(base):
        for j in range(JJ):
            pltpu.make_async_copy(
                my_xn.at[src_v.at[0]],
                raw_v.at[pl.ds(base + j * CHUNK, CHUNK)], gsem).wait()

    def fire_scatter(sidx, base, sem):
        for j in range(JJ):
            pltpu.async_copy(
                raw_v.at[pl.ds(base + j * CHUNK, CHUNK)],
                agg_sh.at[dst_v.at[sidx * JJ + j]], sem, add=True)

    def wait_scatter(base, sem):
        for j in range(JJ):
            pltpu.make_async_copy(
                raw_v.at[pl.ds(base + j * CHUNK, CHUNK)],
                agg_sh.at[dst_v.at[0]], sem).wait()

    def fire_deg(sidx):
        for j in range(JJ):
            pltpu.async_copy(ones_v, deg_sh.at[dst_v.at[sidx * JJ + j]],
                             dsem, add=True)

    def wait_deg():
        for j in range(JJ):
            pltpu.make_async_copy(ones_v, deg_sh.at[dst_v.at[0]],
                                  dsem).wait()

    fire_gather(0, 0)

    def outer(t, carry):
        for b in range(2):
            s2 = t * 2 + b
            cur = b * HALF
            oth = (1 - b) * HALF
            semc = ssem0 if b == 0 else ssem1
            semo = ssem1 if b == 0 else ssem0
            wait_gather(cur)

            @pl.when(s2 >= 1)
            def _():
                wait_scatter(oth, semo)
            if want_deg:
                @pl.when((s2 >= 1) & (((s2 - 1) & 1) == c))
                def _():
                    wait_deg()

            @pl.when(s2 + 1 < STEPS)
            def _():
                fire_gather(s2 + 1, oth)
            fire_scatter(s2, cur, semc)
            if want_deg:
                @pl.when((s2 & 1) == c)
                def _():
                    fire_deg(s2)
        return carry
    lax.fori_loop(0, STEPS // 2, outer, 0)
    wait_scatter(HALF, ssem1)
    if want_deg:
        @pl.when(((STEPS - 1) & 1) == c)
        def _():
            wait_deg()

    plsc.subcore_barrier()

    obase = s * N_OUT_T
    pltpu.sync_copy(agg_sh.at[pl.ds(obase, N_OUT_T)],
                    agg_out.at[c, pl.ds(obase, N_OUT_T)])
    if want_deg:
        pltpu.sync_copy(deg_sh.at[pl.ds(obase, N_OUT_T)],
                        deg_out.at[c, pl.ds(obase, N_OUT_T)])


def _make_agg(want_deg):
    if want_deg:
        out_type = (jax.ShapeDtypeStruct((NC, N_PAD, DH), jnp.bfloat16),
                    jax.ShapeDtypeStruct((NC, N_PAD, 16), jnp.float32))
        scratch = [
            pltpu.VMEM((ROWS_T, CHUNK), jnp.int32),
            pltpu.VMEM((ROWS_T, CHUNK), jnp.int32),
            pltpu.VMEM((2 * JJ * CHUNK, DH), jnp.bfloat16),
            pltpu.VMEM((CHUNK, 16), jnp.float32),
            pltpu.VMEM((ZR, 16), jnp.float32),
            pltpu.VMEM_SHARED((N_PAD, DH), jnp.bfloat16),
            pltpu.VMEM_SHARED((N_PAD, 16), jnp.float32),
            pltpu.SemaphoreType.DMA,
            pltpu.SemaphoreType.DMA,
            pltpu.SemaphoreType.DMA,
            pltpu.SemaphoreType.DMA,
        ]
    else:
        out_type = jax.ShapeDtypeStruct((NC, N_PAD, DH), jnp.bfloat16)
        scratch = [
            pltpu.VMEM((ROWS_T, CHUNK), jnp.int32),
            pltpu.VMEM((ROWS_T, CHUNK), jnp.int32),
            pltpu.VMEM((2 * JJ * CHUNK, DH), jnp.bfloat16),
            pltpu.VMEM_SHARED((N_PAD, DH), jnp.bfloat16),
            pltpu.SemaphoreType.DMA,
            pltpu.SemaphoreType.DMA,
            pltpu.SemaphoreType.DMA,
        ]
    return pl.kernel(functools.partial(_agg_body, want_deg),
                     out_type=out_type, mesh=_mesh, scratch_types=scratch,
                     compiler_params=pltpu.CompilerParams(
                         use_tc_tiling_on_sc=False,
                         needs_layout_passes=False))


_agg_with_deg = _make_agg(True)
_agg_only = _make_agg(False)



_BLK = 5000
_GRID = N // _BLK


def _proj_body(x_ref, ws_ref, wn_ref, b_ref, xs_ref, xn_ref):
    x = x_ref[...]
    xs_ref[...] = jnp.dot(x, ws_ref[...],
                          preferred_element_type=jnp.float32) + b_ref[...]
    xn = jnp.dot(x, wn_ref[...], preferred_element_type=jnp.float32)
    xn_ref[0] = xn[:, :DH].astype(jnp.bfloat16)
    xn_ref[1] = xn[:, DH:].astype(jnp.bfloat16)


def _mid_body(xs_ref, aggp_ref, degp_ref, ws_ref, wn_ref, b_ref,
              xs2_ref, xn2_ref):
    agg = jnp.concatenate([aggp_ref[0].astype(jnp.float32),
                           aggp_ref[1].astype(jnp.float32)], axis=1)
    deg = degp_ref[0, :, 0:1] + degp_ref[1, :, 0:1]
    h = jnp.maximum(xs_ref[...] + agg / jnp.maximum(deg, 1.0), 0.0)
    xs2_ref[...] = jnp.dot(h, ws_ref[...],
                           preferred_element_type=jnp.float32) + b_ref[...]
    xn2 = jnp.dot(h, wn_ref[...], preferred_element_type=jnp.float32)
    xn2_ref[0] = xn2[:, :DH].astype(jnp.bfloat16)
    xn2_ref[1] = xn2[:, DH:].astype(jnp.bfloat16)


def _final_body(xs_ref, aggp_ref, degp_ref, out_ref):
    agg = jnp.concatenate([aggp_ref[0].astype(jnp.float32),
                           aggp_ref[1].astype(jnp.float32)], axis=1)
    deg = degp_ref[0, :, 0:1] + degp_ref[1, :, 0:1]
    out_ref[...] = jnp.maximum(xs_ref[...] + agg / jnp.maximum(deg, 1.0), 0.0)


_row_spec = pl.BlockSpec((_BLK, D), lambda i: (i, 0))
_w_spec = pl.BlockSpec((D, D), lambda i: (0, 0))
_b_spec = pl.BlockSpec((1, D), lambda i: (0, 0))
_xnh_spec = pl.BlockSpec((NC, _BLK, DH), lambda i: (0, i, 0))
_aggp_spec = pl.BlockSpec((NC, _BLK, DH), lambda i: (0, i, 0))
_degp_spec = pl.BlockSpec((NC, _BLK, 16), lambda i: (0, i, 0))
_nd = jax.ShapeDtypeStruct((N, D), jnp.float32)
_xnh_shape = jax.ShapeDtypeStruct((NC, N, DH), jnp.bfloat16)

_proj = pl.pallas_call(
    _proj_body, grid=(_GRID,),
    in_specs=[_row_spec, _w_spec, _w_spec, _b_spec],
    out_specs=[_row_spec, _xnh_spec], out_shape=[_nd, _xnh_shape])

_mid = pl.pallas_call(
    _mid_body, grid=(_GRID,),
    in_specs=[_row_spec, _aggp_spec, _degp_spec, _w_spec, _w_spec, _b_spec],
    out_specs=[_row_spec, _xnh_spec], out_shape=[_nd, _xnh_shape])

_final = pl.pallas_call(
    _final_body, grid=(_GRID,),
    in_specs=[_row_spec, _aggp_spec, _degp_spec],
    out_specs=_row_spec, out_shape=_nd)


def kernel(graph, features, W_self1, W_neigh1, b1, W_self2, W_neigh2, b2):
    src = graph[0].astype(jnp.int32)
    dst = graph[1].astype(jnp.int32)
    pad = E_PAD - src.shape[0]
    srcp = jnp.concatenate([src, jnp.zeros((pad,), jnp.int32)]
                           ).reshape(E_PAD // CHUNK, CHUNK)
    dstp = jnp.concatenate([dst, jnp.full((pad,), N, jnp.int32)]
                           ).reshape(E_PAD // CHUNK, CHUNK)
    b1r = b1.reshape(1, D)
    b2r = b2.reshape(1, D)

    xs1, xn1 = _proj(features, W_self1, W_neigh1, b1r)
    aggp1, degp = _agg_with_deg(xn1, srcp, dstp)
    xs2, xn2 = _mid(xs1, aggp1, degp, W_self2, W_neigh2, b2r)
    aggp2 = _agg_only(xn2, srcp, dstp)
    return _final(xs2, aggp2, degp)

# --- scband reference (transcript-rebuilt; emitter-appended) ---
"""Pipeline reference for scband-graph-sage-48232482734201 (READ-ONLY COPY).

The authoritative reference and input builder live on the scoring server;
editing this copy changes nothing except your own understanding.
"""

import jax, jax.numpy as jnp
import numpy as np

N = 10000
E = 320000
D = 128


def setup_inputs(seed: int = 0) -> dict:
    key = jax.random.key(seed)
    ks = jax.random.split(key, 9)
    features = jax.random.normal(ks[0], (N, D), dtype=jnp.float32)
    graph = jax.random.randint(ks[1], (2, E), 0, N, dtype=jnp.int64)
    s = 1.0 / np.sqrt(D)
    W_self1 = jax.random.uniform(ks[2], (D, D), jnp.float32, -s, s)
    W_neigh1 = jax.random.uniform(ks[3], (D, D), jnp.float32, -s, s)
    b1 = jnp.zeros((D,), jnp.float32)
    W_self2 = jax.random.uniform(ks[4], (D, D), jnp.float32, -s, s)
    W_neigh2 = jax.random.uniform(ks[5], (D, D), jnp.float32, -s, s)
    b2 = jnp.zeros((D,), jnp.float32)
    return {"graph": graph, "features": features,
            "W_self1": W_self1, "W_neigh1": W_neigh1, "b1": b1,
            "W_self2": W_self2, "W_neigh2": W_neigh2, "b2": b2}


def _sage_conv(graph, x, W_self, W_neigh, b):
    # DGL-style SAGEConv with mean aggregator:
    # h_neigh[v] = mean_{u in in-neighbors(v)} x[u]
    # out[v] = x[v] @ W_self + h_neigh[v] @ W_neigh + b
    src = graph[0]
    dst = graph[1]
    msg = jnp.take(x, src, axis=0)                       # gather [E, D]
    agg = jax.ops.segment_sum(msg, dst, num_segments=N)  # scatter-add [N, D]
    deg = jax.ops.segment_sum(jnp.ones((E,), jnp.float32), dst, num_segments=N)
    h_neigh = agg / jnp.maximum(deg, 1.0)[:, None]
    return x @ W_self + h_neigh @ W_neigh + b


def reference(graph, features, W_self1, W_neigh1, b1, W_self2, W_neigh2, b2):
    h = _sage_conv(graph, features, W_self1, W_neigh1, b1)
    h = jax.nn.relu(h)
    h = _sage_conv(graph, h, W_self2, W_neigh2, b2)
    h = jax.nn.relu(h)
    return h

if __name__ == "__main__":
    import jax
    _d = setup_inputs()
    print(jax.jit(kernel)(*tuple(_d.values())))

</pallas_src>

<mosaic_0001>
#map = affine_map<(d0, d1) -> (0, 0, 0)>
#map1 = affine_map<(d0, d1) -> (0, 0)>
module attributes {stable_mosaic.version = 14 : i64} {
  func.func @_agg_body(%arg0: i32, %arg1: i32, %arg2: memref<2x10000x64xbf16, #tpu.memory_space<hbm>>, %arg3: memref<2560x128xi32, #tpu.memory_space<hbm>>, %arg4: memref<2560x128xi32, #tpu.memory_space<hbm>>, %arg5: memref<2x10240x64xbf16, #tpu.memory_space<hbm>>, %arg6: memref<2x10240x16xf32, #tpu.memory_space<hbm>>, %arg7: memref<160x128xi32, #tpu.memory_space<vmem>>, %arg8: memref<160x128xi32, #tpu.memory_space<vmem>>, %arg9: memref<1024x64xbf16, #tpu.memory_space<vmem>>, %arg10: memref<128x16xf32, #tpu.memory_space<vmem>>, %arg11: memref<64x16xf32, #tpu.memory_space<vmem>>, %arg12: memref<10240x64xbf16, #tpu.memory_space<vmem_shared>>, %arg13: memref<10240x16xf32, #tpu.memory_space<vmem_shared>>, %arg14: memref<!tpu.dma_semaphore, #tpu.memory_space<semaphore_mem>>, %arg15: memref<!tpu.dma_semaphore, #tpu.memory_space<semaphore_mem>>, %arg16: memref<!tpu.dma_semaphore, #tpu.memory_space<semaphore_mem>>, %arg17: memref<!tpu.dma_semaphore, #tpu.memory_space<semaphore_mem>>) attributes {dimension_semantics = [#tpu.dimension_semantics<core_parallel>, #tpu.dimension_semantics<subcore_parallel>], iteration_bounds = array<i64: 2, 16>, scalar_prefetch = 0 : i64, scratch_operands = 11 : i64, tpu.core_type = #tpu.core_type<sc_vector_subcore>, window_params = [{transform_indices = #map}, {transform_indices = #map1}, {transform_indices = #map1}, {transform_indices = #map}, {transform_indices = #map}]} {
    %broadcast_in_dim3A = arith.constant 0.000000e+00 : bf16
    %broadcast_in_dim3A_0 = vector.broadcast %broadcast_in_dim3A : bf16 to vector<32xbf16>
    %scan3A = arith.constant 0 : i32
    %scan3A_1 = arith.constant 0 : i32
    %scan3A_2 = arith.constant 64 : i32
    %scan3A_3 = arith.addi %scan3A_1, %scan3A_2 : i32
    %scan3A_4 = arith.constant 1 : i32
    scf.for %scan3A_171 = %scan3A_1 to %scan3A_3 step %scan3A_4  : i32 {
      %swap3A = arith.index_cast %scan3A_171 : i32 to index
      %swap3A_172 = arith.constant 0 : index
      %swap3A_173 = tpu.vector_load %arg9[%swap3A, %swap3A_172] {strides = array<i32>} : memref<1024x64xbf16, #tpu.memory_space<vmem>>, vector<32xbf16>,
      tpu.vector_store %arg9[%swap3A, %swap3A_172], %broadcast_in_dim3A_0 {strides = array<i32>} : memref<1024x64xbf16, #tpu.memory_space<vmem>>, vector<32xbf16>,
      %swap3A_174 = arith.index_cast %scan3A_171 : i32 to index
      %swap3A_175 = arith.constant 32 : index
      %swap3A_176 = tpu.vector_load %arg9[%swap3A_174, %swap3A_175] {strides = array<i32>} : memref<1024x64xbf16, #tpu.memory_space<vmem>>, vector<32xbf16>,
      tpu.vector_store %arg9[%swap3A_174, %swap3A_175], %broadcast_in_dim3A_0 {strides = array<i32>} : memref<1024x64xbf16, #tpu.memory_space<vmem>>, vector<32xbf16>,
    }
    %scan3A_5 = arith.constant 64 : i32
    %broadcast_in_dim3A_6 = arith.constant 0.000000e+00 : f32
    %broadcast_in_dim3A_7 = vector.broadcast %broadcast_in_dim3A_6 : f32 to vector<16xf32>
    %broadcast_in_dim3A_8 = arith.constant 1.000000e+00 : f32
    %broadcast_in_dim3A_9 = vector.broadcast %broadcast_in_dim3A_8 : f32 to vector<16xf32>
    %scan3A_10 = arith.constant 0 : i32
    %scan3A_11 = arith.constant 0 : i32
    %scan3A_12 = arith.constant 128 : i32
    %scan3A_13 = arith.addi %scan3A_11, %scan3A_12 : i32
    %scan3A_14 = arith.constant 1 : i32
    scf.for %scan3A_171 = %scan3A_11 to %scan3A_13 step %scan3A_14  : i32 {
      %swap3A = arith.index_cast %scan3A_171 : i32 to index
      %swap3A_172 = arith.constant 0 : index
      %swap3A_173 = tpu.vector_load %arg10[%swap3A, %swap3A_172] {strides = array<i32>} : memref<128x16xf32, #tpu.memory_space<vmem>>, vector<16xf32>,
      tpu.vector_store %arg10[%swap3A, %swap3A_172], %broadcast_in_dim3A_9 {strides = array<i32>} : memref<128x16xf32, #tpu.memory_space<vmem>>, vector<16xf32>,
    }
    %scan3A_15 = arith.constant 128 : i32
    %scan3A_16 = arith.constant 0 : i32
    %scan3A_17 = arith.constant 0 : i32
    %scan3A_18 = arith.constant 64 : i32
    %scan3A_19 = arith.addi %scan3A_17, %scan3A_18 : i32
    %scan3A_20 = arith.constant 1 : i32
    scf.for %scan3A_171 = %scan3A_17 to %scan3A_19 step %scan3A_20  : i32 {
      %swap3A = arith.index_cast %scan3A_171 : i32 to index
      %swap3A_172 = arith.constant 0 : index
      %swap3A_173 = tpu.vector_load %arg11[%swap3A, %swap3A_172] {strides = array<i32>} : memref<64x16xf32, #tpu.memory_space<vmem>>, vector<16xf32>,
      tpu.vector_store %arg11[%swap3A, %swap3A_172], %broadcast_in_dim3A_7 {strides = array<i32>} : memref<64x16xf32, #tpu.memory_space<vmem>>, vector<16xf32>,
    }
    %scan3A_21 = arith.constant 64 : i32
    %mul3A = arith.constant 640 : i32
    %mul3A_22 = arith.muli %arg1, %mul3A : i32
    %add3A = arith.constant 0 : i32
    %add3A_23 = arith.addi %mul3A_22, %add3A : i32
    "tpu.region"() ({
      %run_scoped3A = tpu.sem_alloc : memref<!tpu.dma_semaphore, #tpu.memory_space<semaphore_mem>>
      %dma_start3A_171 = arith.constant 0 : i32
      %dma_start3A_172 = arith.constant 0 : i32
      %dma_start3A_173 = tpu.memref_slice %arg9[%dma_start3A_171, %dma_start3A_172] : memref<1024x64xbf16, #tpu.memory_space<vmem>> -> memref<64x64xbf16, #tpu.memory_space<vmem>>
      %dma_start3A_174 = arith.constant 0 : i32
      %dma_start3A_175 = tpu.memref_slice %arg12[%add3A_23, %dma_start3A_174] : memref<10240x64xbf16, #tpu.memory_space<vmem_shared>> -> memref<64x64xbf16, #tpu.memory_space<vmem_shared>>
      %dma_start3A_176 = arith.constant 0 : i32
      %dma_start3A_177 = tpu.memref_slice %arg12[%add3A_23, %dma_start3A_176] : memref<10240x64xbf16, #tpu.memory_space<vmem_shared>> -> memref<64x64xbf16, #tpu.memory_space<vmem_shared>>
      %dma_start3A_178 = arith.constant 0 : i32
      %dma_start3A_179 = arith.constant 0 : i32
      %dma_start3A_180 = tpu.memref_slice %arg9[%dma_start3A_178, %dma_start3A_179] : memref<1024x64xbf16, #tpu.memory_space<vmem>> -> memref<64x64xbf16, #tpu.memory_space<vmem>>
      tpu.enqueue_dma source(%dma_start3A_180 : memref<64x64xbf16, #tpu.memory_space<vmem>>) target(%dma_start3A_177 : memref<64x64xbf16, #tpu.memory_space<vmem_shared>>) target_semaphore(%run_scoped3A : memref<!tpu.dma_semaphore, #tpu.memory_space<semaphore_mem>>)
      %dma_wait3A_181 = arith.constant 0 : i32
      %dma_wait3A_182 = arith.constant 0 : i32
      %dma_wait3A_183 = tpu.memref_slice %arg9[%dma_wait3A_181, %dma_wait3A_182] : memref<1024x64xbf16, #tpu.memory_space<vmem>> -> memref<64x64xbf16, #tpu.memory_space<vmem>>
      %dma_wait3A_184 = arith.constant 0 : i32
      %dma_wait3A_185 = tpu.memref_slice %arg12[%add3A_23, %dma_wait3A_184] : memref<10240x64xbf16, #tpu.memory_space<vmem_shared>> -> memref<64x64xbf16, #tpu.memory_space<vmem_shared>>
      %dma_wait3A_186 = arith.constant 0 : i32
      %dma_wait3A_187 = tpu.memref_slice %arg12[%add3A_23, %dma_wait3A_186] : memref<10240x64xbf16, #tpu.memory_space<vmem_shared>> -> memref<64x64xbf16, #tpu.memory_space<vmem_shared>>
      %dma_wait3A_188 = arith.constant 0 : i32
      %dma_wait3A_189 = arith.constant 0 : i32
      %dma_wait3A_190 = tpu.memref_slice %arg9[%dma_wait3A_188, %dma_wait3A_189] : memref<1024x64xbf16, #tpu.memory_space<vmem>> -> memref<64x64xbf16, #tpu.memory_space<vmem>>
      tpu.wait_dma2 semaphore(%run_scoped3A : memref<!tpu.dma_semaphore, #tpu.memory_space<semaphore_mem>>) src(%dma_wait3A_190 : memref<64x64xbf16, #tpu.memory_space<vmem>>) dst(%dma_wait3A_187 : memref<64x64xbf16, #tpu.memory_space<vmem_shared>>)
      tpu.yield
    }) : () -> ()
    %add3A_24 = arith.constant 0 : i32
    %add3A_25 = arith.addi %mul3A_22, %add3A_24 : i32
    "tpu.region"() ({
      %run_scoped3A = tpu.sem_alloc : memref<!tpu.dma_semaphore, #tpu.memory_space<semaphore_mem>>
      %dma_start3A_171 = arith.constant 0 : i32
      %dma_start3A_172 = tpu.memref_slice %arg13[%add3A_25, %dma_start3A_171] : memref<10240x16xf32, #tpu.memory_space<vmem_shared>> -> memref<64x16xf32, #tpu.memory_space<vmem_shared>>
      %dma_start3A_173 = arith.constant 0 : i32
      %dma_start3A_174 = tpu.memref_slice %arg13[%add3A_25, %dma_start3A_173] : memref<10240x16xf32, #tpu.memory_space<vmem_shared>> -> memref<64x16xf32, #tpu.memory_space<vmem_shared>>
      tpu.enqueue_dma source(%arg11 : memref<64x16xf32, #tpu.memory_space<vmem>>) target(%dma_start3A_174 : memref<64x16xf32, #tpu.memory_space<vmem_shared>>) target_semaphore(%run_scoped3A : memref<!tpu.dma_semaphore, #tpu.memory_space<semaphore_mem>>)
      %dma_wait3A_175 = arith.constant 0 : i32
      %dma_wait3A_176 = tpu.memref_slice %arg13[%add3A_25, %dma_wait3A_175] : memref<10240x16xf32, #tpu.memory_space<vmem_shared>> -> memref<64x16xf32, #tpu.memory_space<vmem_shared>>
      %dma_wait3A_177 = arith.constant 0 : i32
      %dma_wait3A_178 = tpu.memref_slice %arg13[%add3A_25, %dma_wait3A_177] : memref<10240x16xf32, #tpu.memory_space<vmem_shared>> -> memref<64x16xf32, #tpu.memory_space<vmem_shared>>
      tpu.wait_dma2 semaphore(%run_scoped3A : memref<!tpu.dma_semaphore, #tpu.memory_space<semaphore_mem>>) src(%arg11 : memref<64x16xf32, #tpu.memory_space<vmem>>) dst(%dma_wait3A_178 : memref<64x16xf32, #tpu.memory_space<vmem_shared>>)
      tpu.yield
    }) : () -> ()
    %add3A_26 = arith.constant 64 : i32
    %add3A_27 = arith.addi %mul3A_22, %add3A_26 : i32
    "tpu.region"() ({
      %run_scoped3A = tpu.sem_alloc : memref<!tpu.dma_semaphore, #tpu.memory_space<semaphore_mem>>
      %dma_start3A_171 = arith.constant 0 : i32
      %dma_start3A_172 = arith.constant 0 : i32
      %dma_start3A_173 = tpu.memref_slice %arg9[%dma_start3A_171, %dma_start3A_172] : memref<1024x64xbf16, #tpu.memory_space<vmem>> -> memref<64x64xbf16, #tpu.memory_space<vmem>>
      %dma_start3A_174 = arith.constant 0 : i32
      %dma_start3A_175 = tpu.memref_slice %arg12[%add3A_27, %dma_start3A_174] : memref<10240x64xbf16, #tpu.memory_space<vmem_shared>> -> memref<64x64xbf16, #tpu.memory_space<vmem_shared>>
      %dma_start3A_176 = arith.constant 0 : i32
      %dma_start3A_177 = tpu.memref_slice %arg12[%add3A_27, %dma_start3A_176] : memref<10240x64xbf16, #tpu.memory_space<vmem_shared>> -> memref<64x64xbf16, #tpu.memory_space<vmem_shared>>
      %dma_start3A_178 = arith.constant 0 : i32
      %dma_start3A_179 = arith.constant 0 : i32
      %dma_start3A_180 = tpu.memref_slice %arg9[%dma_start3A_178, %dma_start3A_179] : memref<1024x64xbf16, #tpu.memory_space<vmem>> -> memref<64x64xbf16, #tpu.memory_space<vmem>>
      tpu.enqueue_dma source(%dma_start3A_180 : memref<64x64xbf16, #tpu.memory_space<vmem>>) target(%dma_start3A_177 : memref<64x64xbf16, #tpu.memory_space<vmem_shared>>) target_semaphore(%run_scoped3A : memref<!tpu.dma_semaphore, #tpu.memory_space<semaphore_mem>>)
      %dma_wait3A_181 = arith.constant 0 : i32
      %dma_wait3A_182 = arith.constant 0 : i32
      %dma_wait3A_183 = tpu.memref_slice %arg9[%dma_wait3A_181, %dma_wait3A_182] : memref<1024x64xbf16, #tpu.memory_space<vmem>> -> memref<64x64xbf16, #tpu.memory_space<vmem>>
      %dma_wait3A_184 = arith.constant 0 : i32
      %dma_wait3A_185 = tpu.memref_slice %arg12[%add3A_27, %dma_wait3A_184] : memref<10240x64xbf16, #tpu.memory_space<vmem_shared>> -> memref<64x64xbf16, #tpu.memory_space<vmem_shared>>
      %dma_wait3A_186 = arith.constant 0 : i32
      %dma_wait3A_187 = tpu.memref_slice %arg12[%add3A_27, %dma_wait3A_186] : memref<10240x64xbf16, #tpu.memory_space<vmem_shared>> -> memref<64x64xbf16, #tpu.memory_space<vmem_shared>>
      %dma_wait3A_188 = arith.constant 0 : i32
      %dma_wait3A_189 = arith.constant 0 : i32
      %dma_wait3A_190 = tpu.memref_slice %arg9[%dma_wait3A_188, %dma_wait3A_189] : memref<1024x64xbf16, #tpu.memory_space<vmem>> -> memref<64x64xbf16, #tpu.memory_space<vmem>>
      tpu.wait_dma2 semaphore(%run_scoped3A : memref<!tpu.dma_semaphore, #tpu.memory_space<semaphore_mem>>) src(%dma_wait3A_190 : memref<64x64xbf16, #tpu.memory_space<vmem>>) dst(%dma_wait3A_187 : memref<64x64xbf16, #tpu.memory_space<vmem_shared>>)
      tpu.yield
    }) : () -> ()
    %add3A_28 = arith.constant 64 : i32
    %add3A_29 = arith.addi %mul3A_22, %add3A_28 : i32
    "tpu.region"() ({
      %run_scoped3A = tpu.sem_alloc : memref<!tpu.dma_semaphore, #tpu.memory_space<semaphore_mem>>
      %dma_start3A_171 = arith.constant 0 : i32
      %dma_start3A_172 = tpu.memref_slice %arg13[%add3A_29, %dma_start3A_171] : memref<10240x16xf32, #tpu.memory_space<vmem_shared>> -> memref<64x16xf32, #tpu.memory_space<vmem_shared>>
      %dma_start3A_173 = arith.constant 0 : i32
      %dma_start3A_174 = tpu.memref_slice %arg13[%add3A_29, %dma_start3A_173] : memref<10240x16xf32, #tpu.memory_space<vmem_shared>> -> memref<64x16xf32, #tpu.memory_space<vmem_shared>>
      tpu.enqueue_dma source(%arg11 : memref<64x16xf32, #tpu.memory_space<vmem>>) target(%dma_start3A_174 : memref<64x16xf32, #tpu.memory_space<vmem_shared>>) target_semaphore(%run_scoped3A : memref<!tpu.dma_semaphore, #tpu.memory_space<semaphore_mem>>)
      %dma_wait3A_175 = arith.constant 0 : i32
      %dma_wait3A_176 = tpu.memref_slice %arg13[%add3A_29, %dma_wait3A_175] : memref<10240x16xf32, #tpu.memory_space<vmem_shared>> -> memref<64x16xf32, #tpu.memory_space<vmem_shared>>
      %dma_wait3A_177 = arith.constant 0 : i32
      %dma_wait3A_178 = tpu.memref_slice %arg13[%add3A_29, %dma_wait3A_177] : memref<10240x16xf32, #tpu.memory_space<vmem_shared>> -> memref<64x16xf32, #tpu.memory_space<vmem_shared>>
      tpu.wait_dma2 semaphore(%run_scoped3A : memref<!tpu.dma_semaphore, #tpu.memory_space<semaphore_mem>>) src(%arg11 : memref<64x16xf32, #tpu.memory_space<vmem>>) dst(%dma_wait3A_178 : memref<64x16xf32, #tpu.memory_space<vmem_shared>>)
      tpu.yield
    }) : () -> ()
    %add3A_30 = arith.constant 128 : i32
    %add3A_31 = arith.addi %mul3A_22, %add3A_30 : i32
    "tpu.region"() ({
      %run_scoped3A = tpu.sem_alloc : memref<!tpu.dma_semaphore, #tpu.memory_space<semaphore_mem>>
      %dma_start3A_171 = arith.constant 0 : i32
      %dma_start3A_172 = arith.constant 0 : i32
      %dma_start3A_173 = tpu.memref_slice %arg9[%dma_start3A_171, %dma_start3A_172] : memref<1024x64xbf16, #tpu.memory_space<vmem>> -> memref<64x64xbf16, #tpu.memory_space<vmem>>
      %dma_start3A_174 = arith.constant 0 : i32
      %dma_start3A_175 = tpu.memref_slice %arg12[%add3A_31, %dma_start3A_174] : memref<10240x64xbf16, #tpu.memory_space<vmem_shared>> -> memref<64x64xbf16, #tpu.memory_space<vmem_shared>>
      %dma_start3A_176 = arith.constant 0 : i32
      %dma_start3A_177 = tpu.memref_slice %arg12[%add3A_31, %dma_start3A_176] : memref<10240x64xbf16, #tpu.memory_space<vmem_shared>> -> memref<64x64xbf16, #tpu.memory_space<vmem_shared>>
      %dma_start3A_178 = arith.constant 0 : i32
      %dma_start3A_179 = arith.constant 0 : i32
      %dma_start3A_180 = tpu.memref_slice %arg9[%dma_start3A_178, %dma_start3A_179] : memref<1024x64xbf16, #tpu.memory_space<vmem>> -> memref<64x64xbf16, #tpu.memory_space<vmem>>
      tpu.enqueue_dma source(%dma_start3A_180 : memref<64x64xbf16, #tpu.memory_space<vmem>>) target(%dma_start3A_177 : memref<64x64xbf16, #tpu.memory_space<vmem_shared>>) target_semaphore(%run_scoped3A : memref<!tpu.dma_semaphore, #tpu.memory_space<semaphore_mem>>)
      %dma_wait3A_181 = arith.constant 0 : i32
      %dma_wait3A_182 = arith.constant 0 : i32
      %dma_wait3A_183 = tpu.memref_slice %arg9[%dma_wait3A_181, %dma_wait3A_182] : memref<1024x64xbf16, #tpu.memory_space<vmem>> -> memref<64x64xbf16, #tpu.memory_space<vmem>>
      %dma_wait3A_184 = arith.constant 0 : i32
      %dma_wait3A_185 = tpu.memref_slice %arg12[%add3A_31, %dma_wait3A_184] : memref<10240x64xbf16, #tpu.memory_space<vmem_shared>> -> memref<64x64xbf16, #tpu.memory_space<vmem_shared>>
      %dma_wait3A_186 = arith.constant 0 : i32
      %dma_wait3A_187 = tpu.memref_slice %arg12[%add3A_31, %dma_wait3A_186] : memref<10240x64xbf16, #tpu.memory_space<vmem_shared>> -> memref<64x64xbf16, #tpu.memory_space<vmem_shared>>
      %dma_wait3A_188 = arith.constant 0 : i32
      %dma_wait3A_189 = arith.constant 0 : i32
      %dma_wait3A_190 = tpu.memref_slice %arg9[%dma_wait3A_188, %dma_wait3A_189] : memref<1024x64xbf16, #tpu.memory_space<vmem>> -> memref<64x64xbf16, #tpu.memory_space<vmem>>
      tpu.wait_dma2 semaphore(%run_scoped3A : memref<!tpu.dma_semaphore, #tpu.memory_space<semaphore_mem>>) src(%dma_wait3A_190 : memref<64x64xbf16, #tpu.memory_space<vmem>>) dst(%dma_wait3A_187 : memref<64x64xbf16, #tpu.memory_space<vmem_shared>>)
      tpu.yield
    }) : () -> ()
    %add3A_32 = arith.constant 128 : i32
    %add3A_33 = arith.addi %mul3A_22, %add3A_32 : i32
    "tpu.region"() ({
      %run_scoped3A = tpu.sem_alloc : memref<!tpu.dma_semaphore, #tpu.memory_space<semaphore_mem>>
      %dma_start3A_171 = arith.constant 0 : i32
      %dma_start3A_172 = tpu.memref_slice %arg13[%add3A_33, %dma_start3A_171] : memref<10240x16xf32, #tpu.memory_space<vmem_shared>> -> memref<64x16xf32, #tpu.memory_space<vmem_shared>>
      %dma_start3A_173 = arith.constant 0 : i32
      %dma_start3A_174 = tpu.memref_slice %arg13[%add3A_33, %dma_start3A_173] : memref<10240x16xf32, #tpu.memory_space<vmem_shared>> -> memref<64x16xf32, #tpu.memory_space<vmem_shared>>
      tpu.enqueue_dma source(%arg11 : memref<64x16xf32, #tpu.memory_space<vmem>>) target(%dma_start3A_174 : memref<64x16xf32, #tpu.memory_space<vmem_shared>>) target_semaphore(%run_scoped3A : memref<!tpu.dma_semaphore, #tpu.memory_space<semaphore_mem>>)
      %dma_wait3A_175 = arith.constant 0 : i32
      %dma_wait3A_176 = tpu.memref_slice %arg13[%add3A_33, %dma_wait3A_175] : memref<10240x16xf32, #tpu.memory_space<vmem_shared>> -> memref<64x16xf32, #tpu.memory_space<vmem_shared>>
      %dma_wait3A_177 = arith.constant 0 : i32
      %dma_wait3A_178 = tpu.memref_slice %arg13[%add3A_33, %dma_wait3A_177] : memref<10240x16xf32, #tpu.memory_space<vmem_shared>> -> memref<64x16xf32, #tpu.memory_space<vmem_shared>>
      tpu.wait_dma2 semaphore(%run_scoped3A : memref<!tpu.dma_semaphore, #tpu.memory_space<semaphore_mem>>) src(%arg11 : memref<64x16xf32, #tpu.memory_space<vmem>>) dst(%dma_wait3A_178 : memref<64x16xf32, #tpu.memory_space<vmem_shared>>)
      tpu.yield
    }) : () -> ()
    %add3A_34 = arith.constant 192 : i32
    %add3A_35 = arith.addi %mul3A_22, %add3A_34 : i32
    "tpu.region"() ({
      %run_scoped3A = tpu.sem_alloc : memref<!tpu.dma_semaphore, #tpu.memory_space<semaphore_mem>>
      %dma_start3A_171 = arith.constant 0 : i32
      %dma_start3A_172 = arith.constant 0 : i32
      %dma_start3A_173 = tpu.memref_slice %arg9[%dma_start3A_171, %dma_start3A_172] : memref<1024x64xbf16, #tpu.memory_space<vmem>> -> memref<64x64xbf16, #tpu.memory_space<vmem>>
      %dma_start3A_174 = arith.constant 0 : i32
      %dma_start3A_175 = tpu.memref_slice %arg12[%add3A_35, %dma_start3A_174] : memref<10240x64xbf16, #tpu.memory_space<vmem_shared>> -> memref<64x64xbf16, #tpu.memory_space<vmem_shared>>
      %dma_start3A_176 = arith.constant 0 : i32
      %dma_start3A_177 = tpu.memref_slice %arg12[%add3A_35, %dma_start3A_176] : memref<10240x64xbf16, #tpu.memory_space<vmem_shared>> -> memref<64x64xbf16, #tpu.memory_space<vmem_shared>>
      %dma_start3A_178 = arith.constant 0 : i32
      %dma_start3A_179 = arith.constant 0 : i32
      %dma_start3A_180 = tpu.memref_slice %arg9[%dma_start3A_178, %dma_start3A_179] : memref<1024x64xbf16, #tpu.memory_space<vmem>> -> memref<64x64xbf16, #tpu.memory_space<vmem>>
      tpu.enqueue_dma source(%dma_start3A_180 : memref<64x64xbf16, #tpu.memory_space<vmem>>) target(%dma_start3A_177 : memref<64x64xbf16, #tpu.memory_space<vmem_shared>>) target_semaphore(%run_scoped3A : memref<!tpu.dma_semaphore, #tpu.memory_space<semaphore_mem>>)
      %dma_wait3A_181 = arith.constant 0 : i32
      %dma_wait3A_182 = arith.constant 0 : i32
      %dma_wait3A_183 = tpu.memref_slice %arg9[%dma_wait3A_181, %dma_wait3A_182] : memref<1024x64xbf16, #tpu.memory_space<vmem>> -> memref<64x64xbf16, #tpu.memory_space<vmem>>
      %dma_wait3A_184 = arith.constant 0 : i32
      %dma_wait3A_185 = tpu.memref_slice %arg12[%add3A_35, %dma_wait3A_184] : memref<10240x64xbf16, #tpu.memory_space<vmem_shared>> -> memref<64x64xbf16, #tpu.memory_space<vmem_shared>>
      %dma_wait3A_186 = arith.constant 0 : i32
      %dma_wait3A_187 = tpu.memref_slice %arg12[%add3A_35, %dma_wait3A_186] : memref<10240x64xbf16, #tpu.memory_space<vmem_shared>> -> memref<64x64xbf16, #tpu.memory_space<vmem_shared>>
      %dma_wait3A_188 = arith.constant 0 : i32
      %dma_wait3A_189 = arith.constant 0 : i32
      %dma_wait3A_190 = tpu.memref_slice %arg9[%dma_wait3A_188, %dma_wait3A_189] : memref<1024x64xbf16, #tpu.memory_space<vmem>> -> memref<64x64xbf16, #tpu.memory_space<vmem>>
      tpu.wait_dma2 semaphore(%run_scoped3A : memref<!tpu.dma_semaphore, #tpu.memory_space<semaphore_mem>>) src(%dma_wait3A_190 : memref<64x64xbf16, #tpu.memory_space<vmem>>) dst(%dma_wait3A_187 : memref<64x64xbf16, #tpu.memory_space<vmem_shared>>)
      tpu.yield
    }) : () -> ()
    %add3A_36 = arith.constant 192 : i32
    %add3A_37 = arith.addi %mul3A_22, %add3A_36 : i32
    "tpu.region"() ({
      %run_scoped3A = tpu.sem_alloc : memref<!tpu.dma_semaphore, #tpu.memory_space<semaphore_mem>>
      %dma_start3A_171 = arith.constant 0 : i32
      %dma_start3A_172 = tpu.memref_slice %arg13[%add3A_37, %dma_start3A_171] : memref<10240x16xf32, #tpu.memory_space<vmem_shared>> -> memref<64x16xf32, #tpu.memory_space<vmem_shared>>
      %dma_start3A_173 = arith.constant 0 : i32
      %dma_start3A_174 = tpu.memref_slice %arg13[%add3A_37, %dma_start3A_173] : memref<10240x16xf32, #tpu.memory_space<vmem_shared>> -> memref<64x16xf32, #tpu.memory_space<vmem_shared>>
      tpu.enqueue_dma source(%arg11 : memref<64x16xf32, #tpu.memory_space<vmem>>) target(%dma_start3A_174 : memref<64x16xf32, #tpu.memory_space<vmem_shared>>) target_semaphore(%run_scoped3A : memref<!tpu.dma_semaphore, #tpu.memory_space<semaphore_mem>>)
      %dma_wait3A_175 = arith.constant 0 : i32
      %dma_wait3A_176 = tpu.memref_slice %arg13[%add3A_37, %dma_wait3A_175] : memref<10240x16xf32, #tpu.memory_space<vmem_shared>> -> memref<64x16xf32, #tpu.memory_space<vmem_shared>>
      %dma_wait3A_177 = arith.constant 0 : i32
      %dma_wait3A_178 = tpu.memref_slice %arg13[%add3A_37, %dma_wait3A_177] : memref<10240x16xf32, #tpu.memory_space<vmem_shared>> -> memref<64x16xf32, #tpu.memory_space<vmem_shared>>
      tpu.wait_dma2 semaphore(%run_scoped3A : memref<!tpu.dma_semaphore, #tpu.memory_space<semaphore_mem>>) src(%arg11 : memref<64x16xf32, #tpu.memory_space<vmem>>) dst(%dma_wait3A_178 : memref<64x16xf32, #tpu.memory_space<vmem_shared>>)
      tpu.yield
    }) : () -> ()
    %add3A_38 = arith.constant 256 : i32
    %add3A_39 = arith.addi %mul3A_22, %add3A_38 : i32
    "tpu.region"() ({
      %run_scoped3A = tpu.sem_alloc : memref<!tpu.dma_semaphore, #tpu.memory_space<semaphore_mem>>
      %dma_start3A_171 = arith.constant 0 : i32
      %dma_start3A_172 = arith.constant 0 : i32
      %dma_start3A_173 = tpu.memref_slice %arg9[%dma_start3A_171, %dma_start3A_172] : memref<1024x64xbf16, #tpu.memory_space<vmem>> -> memref<64x64xbf16, #tpu.memory_space<vmem>>
      %dma_start3A_174 = arith.constant 0 : i32
      %dma_start3A_175 = tpu.memref_slice %arg12[%add3A_39, %dma_start3A_174] : memref<10240x64xbf16, #tpu.memory_space<vmem_shared>> -> memref<64x64xbf16, #tpu.memory_space<vmem_shared>>
      %dma_start3A_176 = arith.constant 0 : i32
      %dma_start3A_177 = tpu.memref_slice %arg12[%add3A_39, %dma_start3A_176] : memref<10240x64xbf16, #tpu.memory_space<vmem_shared>> -> memref<64x64xbf16, #tpu.memory_space<vmem_shared>>
      %dma_start3A_178 = arith.constant 0 : i32
      %dma_start3A_179 = arith.constant 0 : i32
      %dma_start3A_180 = tpu.memref_slice %arg9[%dma_start3A_178, %dma_start3A_179] : memref<1024x64xbf16, #tpu.memory_space<vmem>> -> memref<64x64xbf16, #tpu.memory_space<vmem>>
      tpu.enqueue_dma source(%dma_start3A_180 : memref<64x64xbf16, #tpu.memory_space<vmem>>) target(%dma_start3A_177 : memref<64x64xbf16, #tpu.memory_space<vmem_shared>>) target_semaphore(%run_scoped3A : memref<!tpu.dma_semaphore, #tpu.memory_space<semaphore_mem>>)
      %dma_wait3A_181 = arith.constant 0 : i32
      %dma_wait3A_182 = arith.constant 0 : i32
      %dma_wait3A_183 = tpu.memref_slice %arg9[%dma_wait3A_181, %dma_wait3A_182] : memref<1024x64xbf16, #tpu.memory_space<vmem>> -> memref<64x64xbf16, #tpu.memory_space<vmem>>
      %dma_wait3A_184 = arith.constant 0 : i32
      %dma_wait3A_185 = tpu.memref_slice %arg12[%add3A_39, %dma_wait3A_184] : memref<10240x64xbf16, #tpu.memory_space<vmem_shared>> -> memref<64x64xbf16, #tpu.memory_space<vmem_shared>>
      %dma_wait3A_186 = arith.constant 0 : i32
      %dma_wait3A_187 = tpu.memref_slice %arg12[%add3A_39, %dma_wait3A_186] : memref<10240x64xbf16, #tpu.memory_space<vmem_shared>> -> memref<64x64xbf16, #tpu.memory_space<vmem_shared>>
      %dma_wait3A_188 = arith.constant 0 : i32
      %dma_wait3A_189 = arith.constant 0 : i32
      %dma_wait3A_190 = tpu.memref_slice %arg9[%dma_wait3A_188, %dma_wait3A_189] : memref<1024x64xbf16, #tpu.memory_space<vmem>> -> memref<64x64xbf16, #tpu.memory_space<vmem>>
      tpu.wait_dma2 semaphore(%run_scoped3A : memref<!tpu.dma_semaphore, #tpu.memory_space<semaphore_mem>>) src(%dma_wait3A_190 : memref<64x64xbf16, #tpu.memory_space<vmem>>) dst(%dma_wait3A_187 : memref<64x64xbf16, #tpu.memory_space<vmem_shared>>)
      tpu.yield
    }) : () -> ()
    %add3A_40 = arith.constant 256 : i32
    %add3A_41 = arith.addi %mul3A_22, %add3A_40 : i32
    "tpu.region"() ({
      %run_scoped3A = tpu.sem_alloc : memref<!tpu.dma_semaphore, #tpu.memory_space<semaphore_mem>>
      %dma_start3A_171 = arith.constant 0 : i32
      %dma_start3A_172 = tpu.memref_slice %arg13[%add3A_41, %dma_start3A_171] : memref<10240x16xf32, #tpu.memory_space<vmem_shared>> -> memref<64x16xf32, #tpu.memory_space<vmem_shared>>
      %dma_start3A_173 = arith.constant 0 : i32
      %dma_start3A_174 = tpu.memref_slice %arg13[%add3A_41, %dma_start3A_173] : memref<10240x16xf32, #tpu.memory_space<vmem_shared>> -> memref<64x16xf32, #tpu.memory_space<vmem_shared>>
      tpu.enqueue_dma source(%arg11 : memref<64x16xf32, #tpu.memory_space<vmem>>) target(%dma_start3A_174 : memref<64x16xf32, #tpu.memory_space<vmem_shared>>) target_semaphore(%run_scoped3A : memref<!tpu.dma_semaphore, #tpu.memory_space<semaphore_mem>>)
      %dma_wait3A_175 = arith.constant 0 : i32
      %dma_wait3A_176 = tpu.memref_slice %arg13[%add3A_41, %dma_wait3A_175] : memref<10240x16xf32, #tpu.memory_space<vmem_shared>> -> memref<64x16xf32, #tpu.memory_space<vmem_shared>>
      %dma_wait3A_177 = arith.constant 0 : i32
      %dma_wait3A_178 = tpu.memref_slice %arg13[%add3A_41, %dma_wait3A_177] : memref<10240x16xf32, #tpu.memory_space<vmem_shared>> -> memref<64x16xf32, #tpu.memory_space<vmem_shared>>
      tpu.wait_dma2 semaphore(%run_scoped3A : memref<!tpu.dma_semaphore, #tpu.memory_space<semaphore_mem>>) src(%arg11 : memref<64x16xf32, #tpu.memory_space<vmem>>) dst(%dma_wait3A_178 : memref<64x16xf32, #tpu.memory_space<vmem_shared>>)
      tpu.yield
    }) : () -> ()
    %add3A_42 = arith.constant 320 : i32
    %add3A_43 = arith.addi %mul3A_22, %add3A_42 : i32
    "tpu.region"() ({
      %run_scoped3A = tpu.sem_alloc : memref<!tpu.dma_semaphore, #tpu.memory_space<semaphore_mem>>
      %dma_start3A_171 = arith.constant 0 : i32
      %dma_start3A_172 = arith.constant 0 : i32
      %dma_start3A_173 = tpu.memref_slice %arg9[%dma_start3A_171, %dma_start3A_172] : memref<1024x64xbf16, #tpu.memory_space<vmem>> -> memref<64x64xbf16, #tpu.memory_space<vmem>>
      %dma_start3A_174 = arith.constant 0 : i32
      %dma_start3A_175 = tpu.memref_slice %arg12[%add3A_43, %dma_start3A_174] : memref<10240x64xbf16, #tpu.memory_space<vmem_shared>> -> memref<64x64xbf16, #tpu.memory_space<vmem_shared>>
      %dma_start3A_176 = arith.constant 0 : i32
      %dma_start3A_177 = tpu.memref_slice %arg12[%add3A_43, %dma_start3A_176] : memref<10240x64xbf16, #tpu.memory_space<vmem_shared>> -> memref<64x64xbf16, #tpu.memory_space<vmem_shared>>
      %dma_start3A_178 = arith.constant 0 : i32
      %dma_start3A_179 = arith.constant 0 : i32
      %dma_start3A_180 = tpu.memref_slice %arg9[%dma_start3A_178, %dma_start3A_179] : memref<1024x64xbf16, #tpu.memory_space<vmem>> -> memref<64x64xbf16, #tpu.memory_space<vmem>>
      tpu.enqueue_dma source(%dma_start3A_180 : memref<64x64xbf16, #tpu.memory_space<vmem>>) target(%dma_start3A_177 : memref<64x64xbf16, #tpu.memory_space<vmem_shared>>) target_semaphore(%run_scoped3A : memref<!tpu.dma_semaphore, #tpu.memory_space<semaphore_mem>>)
      %dma_wait3A_181 = arith.constant 0 : i32
      %dma_wait3A_182 = arith.constant 0 : i32
      %dma_wait3A_183 = tpu.memref_slice %arg9[%dma_wait3A_181, %dma_wait3A_182] : memref<1024x64xbf16, #tpu.memory_space<vmem>> -> memref<64x64xbf16, #tpu.memory_space<vmem>>
      %dma_wait3A_184 = arith.constant 0 : i32
      %dma_wait3A_185 = tpu.memref_slice %arg12[%add3A_43, %dma_wait3A_184] : memref<10240x64xbf16, #tpu.memory_space<vmem_shared>> -> memref<64x64xbf16, #tpu.memory_space<vmem_shared>>
      %dma_wait3A_186 = arith.constant 0 : i32
      %dma_wait3A_187 = tpu.memref_slice %arg12[%add3A_43, %dma_wait3A_186] : memref<10240x64xbf16, #tpu.memory_space<vmem_shared>> -> memref<64x64xbf16, #tpu.memory_space<vmem_shared>>
      %dma_wait3A_188 = arith.constant 0 : i32
      %dma_wait3A_189 = arith.constant 0 : i32
      %dma_wait3A_190 = tpu.memref_slice %arg9[%dma_wait3A_188, %dma_wait3A_189] : memref<1024x64xbf16, #tpu.memory_space<vmem>> -> memref<64x64xbf16, #tpu.memory_space<vmem>>
      tpu.wait_dma2 semaphore(%run_scoped3A : memref<!tpu.dma_semaphore, #tpu.memory_space<semaphore_mem>>) src(%dma_wait3A_190 : memref<64x64xbf16, #tpu.memory_space<vmem>>) dst(%dma_wait3A_187 : memref<64x64xbf16, #tpu.memory_space<vmem_shared>>)
      tpu.yield
    }) : () -> ()
    %add3A_44 = arith.constant 320 : i32
    %add3A_45 = arith.addi %mul3A_22, %add3A_44 : i32
    "tpu.region"() ({
      %run_scoped3A = tpu.sem_alloc : memref<!tpu.dma_semaphore, #tpu.memory_space<semaphore_mem>>
      %dma_start3A_171 = arith.constant 0 : i32
      %dma_start3A_172 = tpu.memref_slice %arg13[%add3A_45, %dma_start3A_171] : memref<10240x16xf32, #tpu.memory_space<vmem_shared>> -> memref<64x16xf32, #tpu.memory_space<vmem_shared>>
      %dma_start3A_173 = arith.constant 0 : i32
      %dma_start3A_174 = tpu.memref_slice %arg13[%add3A_45, %dma_start3A_173] : memref<10240x16xf32, #tpu.memory_space<vmem_shared>> -> memref<64x16xf32, #tpu.memory_space<vmem_shared>>
      tpu.enqueue_dma source(%arg11 : memref<64x16xf32, #tpu.memory_space<vmem>>) target(%dma_start3A_174 : memref<64x16xf32, #tpu.memory_space<vmem_shared>>) target_semaphore(%run_scoped3A : memref<!tpu.dma_semaphore, #tpu.memory_space<semaphore_mem>>)
      %dma_wait3A_175 = arith.constant 0 : i32
      %dma_wait3A_176 = tpu.memref_slice %arg13[%add3A_45, %dma_wait3A_175] : memref<10240x16xf32, #tpu.memory_space<vmem_shared>> -> memref<64x16xf32, #tpu.memory_space<vmem_shared>>
      %dma_wait3A_177 = arith.constant 0 : i32
      %dma_wait3A_178 = tpu.memref_slice %arg13[%add3A_45, %dma_wait3A_177] : memref<10240x16xf32, #tpu.memory_space<vmem_shared>> -> memref<64x16xf32, #tpu.memory_space<vmem_shared>>
      tpu.wait_dma2 semaphore(%run_scoped3A : memref<!tpu.dma_semaphore, #tpu.memory_space<semaphore_mem>>) src(%arg11 : memref<64x16xf32, #tpu.memory_space<vmem>>) dst(%dma_wait3A_178 : memref<64x16xf32, #tpu.memory_space<vmem_shared>>)
      tpu.yield
    }) : () -> ()
    %add3A_46 = arith.constant 384 : i32
    %add3A_47 = arith.addi %mul3A_22, %add3A_46 : i32
    "tpu.region"() ({
      %run_scoped3A = tpu.sem_alloc : memref<!tpu.dma_semaphore, #tpu.memory_space<semaphore_mem>>
      %dma_start3A_171 = arith.constant 0 : i32
      %dma_start3A_172 = arith.constant 0 : i32
      %dma_start3A_173 = tpu.memref_slice %arg9[%dma_start3A_171, %dma_start3A_172] : memref<1024x64xbf16, #tpu.memory_space<vmem>> -> memref<64x64xbf16, #tpu.memory_space<vmem>>
      %dma_start3A_174 = arith.constant 0 : i32
      %dma_start3A_175 = tpu.memref_slice %arg12[%add3A_47, %dma_start3A_174] : memref<10240x64xbf16, #tpu.memory_space<vmem_shared>> -> memref<64x64xbf16, #tpu.memory_space<vmem_shared>>
      %dma_start3A_176 = arith.constant 0 : i32
      %dma_start3A_177 = tpu.memref_slice %arg12[%add3A_47, %dma_start3A_176] : memref<10240x64xbf16, #tpu.memory_space<vmem_shared>> -> memref<64x64xbf16, #tpu.memory_space<vmem_shared>>
      %dma_start3A_178 = arith.constant 0 : i32
      %dma_start3A_179 = arith.constant 0 : i32
      %dma_start3A_180 = tpu.memref_slice %arg9[%dma_start3A_178, %dma_start3A_179] : memref<1024x64xbf16, #tpu.memory_space<vmem>> -> memref<64x64xbf16, #tpu.memory_space<vmem>>
      tpu.enqueue_dma source(%dma_start3A_180 : memref<64x64xbf16, #tpu.memory_space<vmem>>) target(%dma_start3A_177 : memref<64x64xbf16, #tpu.memory_space<vmem_shared>>) target_semaphore(%run_scoped3A : memref<!tpu.dma_semaphore, #tpu.memory_space<semaphore_mem>>)
      %dma_wait3A_181 = arith.constant 0 : i32
      %dma_wait3A_182 = arith.constant 0 : i32
      %dma_wait3A_183 = tpu.memref_slice %arg9[%dma_wait3A_181, %dma_wait3A_182] : memref<1024x64xbf16, #tpu.memory_space<vmem>> -> memref<64x64xbf16, #tpu.memory_space<vmem>>
      %dma_wait3A_184 = arith.constant 0 : i32
      %dma_wait3A_185 = tpu.memref_slice %arg12[%add3A_47, %dma_wait3A_184] : memref<10240x64xbf16, #tpu.memory_space<vmem_shared>> -> memref<64x64xbf16, #tpu.memory_space<vmem_shared>>
      %dma_wait3A_186 = arith.constant 0 : i32
      %dma_wait3A_187 = tpu.memref_slice %arg12[%add3A_47, %dma_wait3A_186] : memref<10240x64xbf16, #tpu.memory_space<vmem_shared>> -> memref<64x64xbf16, #tpu.memory_space<vmem_shared>>
      %dma_wait3A_188 = arith.constant 0 : i32
      %dma_wait3A_189 = arith.constant 0 : i32
      %dma_wait3A_190 = tpu.memref_slice %arg9[%dma_wait3A_188, %dma_wait3A_189] : memref<1024x64xbf16, #tpu.memory_space<vmem>> -> memref<64x64xbf16, #tpu.memory_space<vmem>>
      tpu.wait_dma2 semaphore(%run_scoped3A : memref<!tpu.dma_semaphore, #tpu.memory_space<semaphore_mem>>) src(%dma_wait3A_190 : memref<64x64xbf16, #tpu.memory_space<vmem>>) dst(%dma_wait3A_187 : memref<64x64xbf16, #tpu.memory_space<vmem_shared>>)
      tpu.yield
    }) : () -> ()
    %add3A_48 = arith.constant 384 : i32
    %add3A_49 = arith.addi %mul3A_22, %add3A_48 : i32
    "tpu.region"() ({
      %run_scoped3A = tpu.sem_alloc : memref<!tpu.dma_semaphore, #tpu.memory_space<semaphore_mem>>
      %dma_start3A_171 = arith.constant 0 : i32
      %dma_start3A_172 = tpu.memref_slice %arg13[%add3A_49, %dma_start3A_171] : memref<10240x16xf32, #tpu.memory_space<vmem_shared>> -> memref<64x16xf32, #tpu.memory_space<vmem_shared>>
      %dma_start3A_173 = arith.constant 0 : i32
      %dma_start3A_174 = tpu.memref_slice %arg13[%add3A_49, %dma_start3A_173] : memref<10240x16xf32, #tpu.memory_space<vmem_shared>> -> memref<64x16xf32, #tpu.memory_space<vmem_shared>>
      tpu.enqueue_dma source(%arg11 : memref<64x16xf32, #tpu.memory_space<vmem>>) target(%dma_start3A_174 : memref<64x16xf32, #tpu.memory_space<vmem_shared>>) target_semaphore(%run_scoped3A : memref<!tpu.dma_semaphore, #tpu.memory_space<semaphore_mem>>)
      %dma_wait3A_175 = arith.constant 0 : i32
      %dma_wait3A_176 = tpu.memref_slice %arg13[%add3A_49, %dma_wait3A_175] : memref<10240x16xf32, #tpu.memory_space<vmem_shared>> -> memref<64x16xf32, #tpu.memory_space<vmem_shared>>
      %dma_wait3A_177 = arith.constant 0 : i32
      %dma_wait3A_178 = tpu.memref_slice %arg13[%add3A_49, %dma_wait3A_177] : memref<10240x16xf32, #tpu.memory_space<vmem_shared>> -> memref<64x16xf32, #tpu.memory_space<vmem_shared>>
      tpu.wait_dma2 semaphore(%run_scoped3A : memref<!tpu.dma_semaphore, #tpu.memory_space<semaphore_mem>>) src(%arg11 : memref<64x16xf32, #tpu.memory_space<vmem>>) dst(%dma_wait3A_178 : memref<64x16xf32, #tpu.memory_space<vmem_shared>>)
      tpu.yield
    }) : () -> ()
    %add3A_50 = arith.constant 448 : i32
    %add3A_51 = arith.addi %mul3A_22, %add3A_50 : i32
    "tpu.region"() ({
      %run_scoped3A = tpu.sem_alloc : memref<!tpu.dma_semaphore, #tpu.memory_space<semaphore_mem>>
      %dma_start3A_171 = arith.constant 0 : i32
      %dma_start3A_172 = arith.constant 0 : i32
      %dma_start3A_173 = tpu.memref_slice %arg9[%dma_start3A_171, %dma_start3A_172] : memref<1024x64xbf16, #tpu.memory_space<vmem>> -> memref<64x64xbf16, #tpu.memory_space<vmem>>
      %dma_start3A_174 = arith.constant 0 : i32
      %dma_start3A_175 = tpu.memref_slice %arg12[%add3A_51, %dma_start3A_174] : memref<10240x64xbf16, #tpu.memory_space<vmem_shared>> -> memref<64x64xbf16, #tpu.memory_space<vmem_shared>>
      %dma_start3A_176 = arith.constant 0 : i32
      %dma_start3A_177 = tpu.memref_slice %arg12[%add3A_51, %dma_start3A_176] : memref<10240x64xbf16, #tpu.memory_space<vmem_shared>> -> memref<64x64xbf16, #tpu.memory_space<vmem_shared>>
      %dma_start3A_178 = arith.constant 0 : i32
      %dma_start3A_179 = arith.constant 0 : i32
      %dma_start3A_180 = tpu.memref_slice %arg9[%dma_start3A_178, %dma_start3A_179] : memref<1024x64xbf16, #tpu.memory_space<vmem>> -> memref<64x64xbf16, #tpu.memory_space<vmem>>
      tpu.enqueue_dma source(%dma_start3A_180 : memref<64x64xbf16, #tpu.memory_space<vmem>>) target(%dma_start3A_177 : memref<64x64xbf16, #tpu.memory_space<vmem_shared>>) target_semaphore(%run_scoped3A : memref<!tpu.dma_semaphore, #tpu.memory_space<semaphore_mem>>)
      %dma_wait3A_181 = arith.constant 0 : i32
      %dma_wait3A_182 = arith.constant 0 : i32
      %dma_wait3A_183 = tpu.memref_slice %arg9[%dma_wait3A_181, %dma_wait3A_182] : memref<1024x64xbf16, #tpu.memory_space<vmem>> -> memref<64x64xbf16, #tpu.memory_space<vmem>>
      %dma_wait3A_184 = arith.constant 0 : i32
      %dma_wait3A_185 = tpu.memref_slice %arg12[%add3A_51, %dma_wait3A_184] : memref<10240x64xbf16, #tpu.memory_space<vmem_shared>> -> memref<64x64xbf16, #tpu.memory_space<vmem_shared>>
      %dma_wait3A_186 = arith.constant 0 : i32
      %dma_wait3A_187 = tpu.memref_slice %arg12[%add3A_51, %dma_wait3A_186] : memref<10240x64xbf16, #tpu.memory_space<vmem_shared>> -> memref<64x64xbf16, #tpu.memory_space<vmem_shared>>
      %dma_wait3A_188 = arith.constant 0 : i32
      %dma_wait3A_189 = arith.constant 0 : i32
      %dma_wait3A_190 = tpu.memref_slice %arg9[%dma_wait3A_188, %dma_wait3A_189] : memref<1024x64xbf16, #tpu.memory_space<vmem>> -> memref<64x64xbf16, #tpu.memory_space<vmem>>
      tpu.wait_dma2 semaphore(%run_scoped3A : memref<!tpu.dma_semaphore, #tpu.memory_space<semaphore_mem>>) src(%dma_wait3A_190 : memref<64x64xbf16, #tpu.memory_space<vmem>>) dst(%dma_wait3A_187 : memref<64x64xbf16, #tpu.memory_space<vmem_shared>>)
      tpu.yield
    }) : () -> ()
    %add3A_52 = arith.constant 448 : i32
    %add3A_53 = arith.addi %mul3A_22, %add3A_52 : i32
    "tpu.region"() ({
      %run_scoped3A = tpu.sem_alloc : memref<!tpu.dma_semaphore, #tpu.memory_space<semaphore_mem>>
      %dma_start3A_171 = arith.constant 0 : i32
      %dma_start3A_172 = tpu.memref_slice %arg13[%add3A_53, %dma_start3A_171] : memref<10240x16xf32, #tpu.memory_space<vmem_shared>> -> memref<64x16xf32, #tpu.memory_space<vmem_shared>>
      %dma_start3A_173 = arith.constant 0 : i32
      %dma_start3A_174 = tpu.memref_slice %arg13[%add3A_53, %dma_start3A_173] : memref<10240x16xf32, #tpu.memory_space<vmem_shared>> -> memref<64x16xf32, #tpu.memory_space<vmem_shared>>
      tpu.enqueue_dma source(%arg11 : memref<64x16xf32, #tpu.memory_space<vmem>>) target(%dma_start3A_174 : memref<64x16xf32, #tpu.memory_space<vmem_shared>>) target_semaphore(%run_scoped3A : memref<!tpu.dma_semaphore, #tpu.memory_space<semaphore_mem>>)
      %dma_wait3A_175 = arith.constant 0 : i32
      %dma_wait3A_176 = tpu.memref_slice %arg13[%add3A_53, %dma_wait3A_175] : memref<10240x16xf32, #tpu.memory_space<vmem_shared>> -> memref<64x16xf32, #tpu.memory_space<vmem_shared>>
      %dma_wait3A_177 = arith.constant 0 : i32
      %dma_wait3A_178 = tpu.memref_slice %arg13[%add3A_53, %dma_wait3A_177] : memref<10240x16xf32, #tpu.memory_space<vmem_shared>> -> memref<64x16xf32, #tpu.memory_space<vmem_shared>>
      tpu.wait_dma2 semaphore(%run_scoped3A : memref<!tpu.dma_semaphore, #tpu.memory_space<semaphore_mem>>) src(%arg11 : memref<64x16xf32, #tpu.memory_space<vmem>>) dst(%dma_wait3A_178 : memref<64x16xf32, #tpu.memory_space<vmem_shared>>)
      tpu.yield
    }) : () -> ()
    %add3A_54 = arith.constant 512 : i32
    %add3A_55 = arith.addi %mul3A_22, %add3A_54 : i32
    "tpu.region"() ({
      %run_scoped3A = tpu.sem_alloc : memref<!tpu.dma_semaphore, #tpu.memory_space<semaphore_mem>>
      %dma_start3A_171 = arith.constant 0 : i32
      %dma_start3A_172 = arith.constant 0 : i32
      %dma_start3A_173 = tpu.memref_slice %arg9[%dma_start3A_171, %dma_start3A_172] : memref<1024x64xbf16, #tpu.memory_space<vmem>> -> memref<64x64xbf16, #tpu.memory_space<vmem>>
      %dma_start3A_174 = arith.constant 0 : i32
      %dma_start3A_175 = tpu.memref_slice %arg12[%add3A_55, %dma_start3A_174] : memref<10240x64xbf16, #tpu.memory_space<vmem_shared>> -> memref<64x64xbf16, #tpu.memory_space<vmem_shared>>
      %dma_start3A_176 = arith.constant 0 : i32
      %dma_start3A_177 = tpu.memref_slice %arg12[%add3A_55, %dma_start3A_176] : memref<10240x64xbf16, #tpu.memory_space<vmem_shared>> -> memref<64x64xbf16, #tpu.memory_space<vmem_shared>>
      %dma_start3A_178 = arith.constant 0 : i32
      %dma_start3A_179 = arith.constant 0 : i32
      %dma_start3A_180 = tpu.memref_slice %arg9[%dma_start3A_178, %dma_start3A_179] : memref<1024x64xbf16, #tpu.memory_space<vmem>> -> memref<64x64xbf16, #tpu.memory_space<vmem>>
      tpu.enqueue_dma source(%dma_start3A_180 : memref<64x64xbf16, #tpu.memory_space<vmem>>) target(%dma_start3A_177 : memref<64x64xbf16, #tpu.memory_space<vmem_shared>>) target_semaphore(%run_scoped3A : memref<!tpu.dma_semaphore, #tpu.memory_space<semaphore_mem>>)
      %dma_wait3A_181 = arith.constant 0 : i32
      %dma_wait3A_182 = arith.constant 0 : i32
      %dma_wait3A_183 = tpu.memref_slice %arg9[%dma_wait3A_181, %dma_wait3A_182] : memref<1024x64xbf16, #tpu.memory_space<vmem>> -> memref<64x64xbf16, #tpu.memory_space<vmem>>
      %dma_wait3A_184 = arith.constant 0 : i32
      %dma_wait3A_185 = tpu.memref_slice %arg12[%add3A_55, %dma_wait3A_184] : memref<10240x64xbf16, #tpu.memory_space<vmem_shared>> -> memref<64x64xbf16, #tpu.memory_space<vmem_shared>>
      %dma_wait3A_186 = arith.constant 0 : i32
      %dma_wait3A_187 = tpu.memref_slice %arg12[%add3A_55, %dma_wait3A_186] : memref<10240x64xbf16, #tpu.memory_space<vmem_shared>> -> memref<64x64xbf16, #tpu.memory_space<vmem_shared>>
      %dma_wait3A_188 = arith.constant 0 : i32
      %dma_wait3A_189 = arith.constant 0 : i32
      %dma_wait3A_190 = tpu.memref_slice %arg9[%dma_wait3A_188, %dma_wait3A_189] : memref<1024x64xbf16, #tpu.memory_space<vmem>> -> memref<64x64xbf16, #tpu.memory_space<vmem>>
      tpu.wait_dma2 semaphore(%run_scoped3A : memref<!tpu.dma_semaphore, #tpu.memory_space<semaphore_mem>>) src(%dma_wait3A_190 : memref<64x64xbf16, #tpu.memory_space<vmem>>) dst(%dma_wait3A_187 : memref<64x64xbf16, #tpu.memory_space<vmem_shared>>)
      tpu.yield
    }) : () -> ()
    %add3A_56 = arith.constant 512 : i32
    %add3A_57 = arith.addi %mul3A_22, %add3A_56 : i32
    "tpu.region"() ({
      %run_scoped3A = tpu.sem_alloc : memref<!tpu.dma_semaphore, #tpu.memory_space<semaphore_mem>>
      %dma_start3A_171 = arith.constant 0 : i32
      %dma_start3A_172 = tpu.memref_slice %arg13[%add3A_57, %dma_start3A_171] : memref<10240x16xf32, #tpu.memory_space<vmem_shared>> -> memref<64x16xf32, #tpu.memory_space<vmem_shared>>
      %dma_start3A_173 = arith.constant 0 : i32
      %dma_start3A_174 = tpu.memref_slice %arg13[%add3A_57, %dma_start3A_173] : memref<10240x16xf32, #tpu.memory_space<vmem_shared>> -> memref<64x16xf32, #tpu.memory_space<vmem_shared>>
      tpu.enqueue_dma source(%arg11 : memref<64x16xf32, #tpu.memory_space<vmem>>) target(%dma_start3A_174 : memref<64x16xf32, #tpu.memory_space<vmem_shared>>) target_semaphore(%run_scoped3A : memref<!tpu.dma_semaphore, #tpu.memory_space<semaphore_mem>>)
      %dma_wait3A_175 = arith.constant 0 : i32
      %dma_wait3A_176 = tpu.memref_slice %arg13[%add3A_57, %dma_wait3A_175] : memref<10240x16xf32, #tpu.memory_space<vmem_shared>> -> memref<64x16xf32, #tpu.memory_space<vmem_shared>>
      %dma_wait3A_177 = arith.constant 0 : i32
      %dma_wait3A_178 = tpu.memref_slice %arg13[%add3A_57, %dma_wait3A_177] : memref<10240x16xf32, #tpu.memory_space<vmem_shared>> -> memref<64x16xf32, #tpu.memory_space<vmem_shared>>
      tpu.wait_dma2 semaphore(%run_scoped3A : memref<!tpu.dma_semaphore, #tpu.memory_space<semaphore_mem>>) src(%arg11 : memref<64x16xf32, #tpu.memory_space<vmem>>) dst(%dma_wait3A_178 : memref<64x16xf32, #tpu.memory_space<vmem_shared>>)
      tpu.yield
    }) : () -> ()
    %add3A_58 = arith.constant 576 : i32
    %add3A_59 = arith.addi %mul3A_22, %add3A_58 : i32
    "tpu.region"() ({
      %run_scoped3A = tpu.sem_alloc : memref<!tpu.dma_semaphore, #tpu.memory_space<semaphore_mem>>
      %dma_start3A_171 = arith.constant 0 : i32
      %dma_start3A_172 = arith.constant 0 : i32
      %dma_start3A_173 = tpu.memref_slice %arg9[%dma_start3A_171, %dma_start3A_172] : memref<1024x64xbf16, #tpu.memory_space<vmem>> -> memref<64x64xbf16, #tpu.memory_space<vmem>>
      %dma_start3A_174 = arith.constant 0 : i32
      %dma_start3A_175 = tpu.memref_slice %arg12[%add3A_59, %dma_start3A_174] : memref<10240x64xbf16, #tpu.memory_space<vmem_shared>> -> memref<64x64xbf16, #tpu.memory_space<vmem_shared>>
      %dma_start3A_176 = arith.constant 0 : i32
      %dma_start3A_177 = tpu.memref_slice %arg12[%add3A_59, %dma_start3A_176] : memref<10240x64xbf16, #tpu.memory_space<vmem_shared>> -> memref<64x64xbf16, #tpu.memory_space<vmem_shared>>
      %dma_start3A_178 = arith.constant 0 : i32
      %dma_start3A_179 = arith.constant 0 : i32
      %dma_start3A_180 = tpu.memref_slice %arg9[%dma_start3A_178, %dma_start3A_179] : memref<1024x64xbf16, #tpu.memory_space<vmem>> -> memref<64x64xbf16, #tpu.memory_space<vmem>>
      tpu.enqueue_dma source(%dma_start3A_180 : memref<64x64xbf16, #tpu.memory_space<vmem>>) target(%dma_start3A_177 : memref<64x64xbf16, #tpu.memory_space<vmem_shared>>) target_semaphore(%run_scoped3A : memref<!tpu.dma_semaphore, #tpu.memory_space<semaphore_mem>>)
      %dma_wait3A_181 = arith.constant 0 : i32
      %dma_wait3A_182 = arith.constant 0 : i32
      %dma_wait3A_183 = tpu.memref_slice %arg9[%dma_wait3A_181, %dma_wait3A_182] : memref<1024x64xbf16, #tpu.memory_space<vmem>> -> memref<64x64xbf16, #tpu.memory_space<vmem>>
      %dma_wait3A_184 = arith.constant 0 : i32
      %dma_wait3A_185 = tpu.memref_slice %arg12[%add3A_59, %dma_wait3A_184] : memref<10240x64xbf16, #tpu.memory_space<vmem_shared>> -> memref<64x64xbf16, #tpu.memory_space<vmem_shared>>
      %dma_wait3A_186 = arith.constant 0 : i32
      %dma_wait3A_187 = tpu.memref_slice %arg12[%add3A_59, %dma_wait3A_186] : memref<10240x64xbf16, #tpu.memory_space<vmem_shared>> -> memref<64x64xbf16, #tpu.memory_space<vmem_shared>>
      %dma_wait3A_188 = arith.constant 0 : i32
      %dma_wait3A_189 = arith.constant 0 : i32
      %dma_wait3A_190 = tpu.memref_slice %arg9[%dma_wait3A_188, %dma_wait3A_189] : memref<1024x64xbf16, #tpu.memory_space<vmem>> -> memref<64x64xbf16, #tpu.memory_space<vmem>>
      tpu.wait_dma2 semaphore(%run_scoped3A : memref<!tpu.dma_semaphore, #tpu.memory_space<semaphore_mem>>) src(%dma_wait3A_190 : memref<64x64xbf16, #tpu.memory_space<vmem>>) dst(%dma_wait3A_187 : memref<64x64xbf16, #tpu.memory_space<vmem_shared>>)
      tpu.yield
    }) : () -> ()
    %add3A_60 = arith.constant 576 : i32
    %add3A_61 = arith.addi %mul3A_22, %add3A_60 : i32
    "tpu.region"() ({
      %run_scoped3A = tpu.sem_alloc : memref<!tpu.dma_semaphore, #tpu.memory_space<semaphore_mem>>
      %dma_start3A_171 = arith.constant 0 : i32
      %dma_start3A_172 = tpu.memref_slice %arg13[%add3A_61, %dma_start3A_171] : memref<10240x16xf32, #tpu.memory_space<vmem_shared>> -> memref<64x16xf32, #tpu.memory_space<vmem_shared>>
      %dma_start3A_173 = arith.constant 0 : i32
      %dma_start3A_174 = tpu.memref_slice %arg13[%add3A_61, %dma_start3A_173] : memref<10240x16xf32, #tpu.memory_space<vmem_shared>> -> memref<64x16xf32, #tpu.memory_space<vmem_shared>>
      tpu.enqueue_dma source(%arg11 : memref<64x16xf32, #tpu.memory_space<vmem>>) target(%dma_start3A_174 : memref<64x16xf32, #tpu.memory_space<vmem_shared>>) target_semaphore(%run_scoped3A : memref<!tpu.dma_semaphore, #tpu.memory_space<semaphore_mem>>)
      %dma_wait3A_175 = arith.constant 0 : i32
      %dma_wait3A_176 = tpu.memref_slice %arg13[%add3A_61, %dma_wait3A_175] : memref<10240x16xf32, #tpu.memory_space<vmem_shared>> -> memref<64x16xf32, #tpu.memory_space<vmem_shared>>
      %dma_wait3A_177 = arith.constant 0 : i32
      %dma_wait3A_178 = tpu.memref_slice %arg13[%add3A_61, %dma_wait3A_177] : memref<10240x16xf32, #tpu.memory_space<vmem_shared>> -> memref<64x16xf32, #tpu.memory_space<vmem_shared>>
      tpu.wait_dma2 semaphore(%run_scoped3A : memref<!tpu.dma_semaphore, #tpu.memory_space<semaphore_mem>>) src(%arg11 : memref<64x16xf32, #tpu.memory_space<vmem>>) dst(%dma_wait3A_178 : memref<64x16xf32, #tpu.memory_space<vmem_shared>>)
      tpu.yield
    }) : () -> ()
    %barrier3A = arith.constant 0 : index
    tpu.barrier barrier_id(%barrier3A)
    %mul3A_62 = arith.constant 160 : i32
    %mul3A_63 = arith.muli %arg1, %mul3A_62 : i32
    "tpu.region"() ({
      %run_scoped3A = tpu.sem_alloc : memref<!tpu.dma_semaphore, #tpu.memory_space<semaphore_mem>>
      %dma_start3A_171 = arith.constant 0 : i32
      %dma_start3A_172 = tpu.memref_slice %arg3[%mul3A_63, %dma_start3A_171] : memref<2560x128xi32, #tpu.memory_space<hbm>> -> memref<160x128xi32, #tpu.memory_space<hbm>>
      %dma_start3A_173 = arith.constant 0 : i32
      %dma_start3A_174 = tpu.memref_slice %arg3[%mul3A_63, %dma_start3A_173] : memref<2560x128xi32, #tpu.memory_space<hbm>> -> memref<160x128xi32, #tpu.memory_space<hbm>>
      tpu.enqueue_dma source(%dma_start3A_174 : memref<160x128xi32, #tpu.memory_space<hbm>>) target(%arg7 : memref<160x128xi32, #tpu.memory_space<vmem>>) target_semaphore(%run_scoped3A : memref<!tpu.dma_semaphore, #tpu.memory_space<semaphore_mem>>)
      %dma_wait3A_175 = arith.constant 0 : i32
      %dma_wait3A_176 = tpu.memref_slice %arg3[%mul3A_63, %dma_wait3A_175] : memref<2560x128xi32, #tpu.memory_space<hbm>> -> memref<160x128xi32, #tpu.memory_space<hbm>>
      %dma_wait3A_177 = arith.constant 0 : i32
      %dma_wait3A_178 = tpu.memref_slice %arg3[%mul3A_63, %dma_wait3A_177] : memref<2560x128xi32, #tpu.memory_space<hbm>> -> memref<160x128xi32, #tpu.memory_space<hbm>>
      tpu.wait_dma2 semaphore(%run_scoped3A : memref<!tpu.dma_semaphore, #tpu.memory_space<semaphore_mem>>) src(%dma_wait3A_178 : memref<160x128xi32, #tpu.memory_space<hbm>>) dst(%arg7 : memref<160x128xi32, #tpu.memory_space<vmem>>)
      tpu.yield
    }) : () -> ()
    %mul3A_64 = arith.constant 160 : i32
    %mul3A_65 = arith.muli %arg1, %mul3A_64 : i32
    "tpu.region"() ({
      %run_scoped3A = tpu.sem_alloc : memref<!tpu.dma_semaphore, #tpu.memory_space<semaphore_mem>>
      %dma_start3A_171 = arith.constant 0 : i32
      %dma_start3A_172 = tpu.memref_slice %arg4[%mul3A_65, %dma_start3A_171] : memref<2560x128xi32, #tpu.memory_space<hbm>> -> memref<160x128xi32, #tpu.memory_space<hbm>>
      %dma_start3A_173 = arith.constant 0 : i32
      %dma_start3A_174 = tpu.memref_slice %arg4[%mul3A_65, %dma_start3A_173] : memref<2560x128xi32, #tpu.memory_space<hbm>> -> memref<160x128xi32, #tpu.memory_space<hbm>>
      tpu.enqueue_dma source(%dma_start3A_174 : memref<160x128xi32, #tpu.memory_space<hbm>>) target(%arg8 : memref<160x128xi32, #tpu.memory_space<vmem>>) target_semaphore(%run_scoped3A : memref<!tpu.dma_semaphore, #tpu.memory_space<semaphore_mem>>)
      %dma_wait3A_175 = arith.constant 0 : i32
      %dma_wait3A_176 = tpu.memref_slice %arg4[%mul3A_65, %dma_wait3A_175] : memref<2560x128xi32, #tpu.memory_space<hbm>> -> memref<160x128xi32, #tpu.memory_space<hbm>>
      %dma_wait3A_177 = arith.constant 0 : i32
      %dma_wait3A_178 = tpu.memref_slice %arg4[%mul3A_65, %dma_wait3A_177] : memref<2560x128xi32, #tpu.memory_space<hbm>> -> memref<160x128xi32, #tpu.memory_space<hbm>>
      tpu.wait_dma2 semaphore(%run_scoped3A : memref<!tpu.dma_semaphore, #tpu.memory_space<semaphore_mem>>) src(%dma_wait3A_178 : memref<160x128xi32, #tpu.memory_space<hbm>>) dst(%arg8 : memref<160x128xi32, #tpu.memory_space<vmem>>)
      tpu.yield
    }) : () -> ()
    %dma_start3A = arith.constant 0 : i32
    %dma_start3A_66 = arith.constant 0 : i32
    %dma_start3A_67 = arith.constant 0 : i32
    %dma_start3A_68 = tpu.memref_slice %arg9[%dma_start3A_66, %dma_start3A_67] : memref<1024x64xbf16, #tpu.memory_space<vmem>> -> memref<128x64xbf16, #tpu.memory_space<vmem>>
    %dma_start3A_69 = arith.constant 0 : i32
    %dma_start3A_70 = tpu.memref_slice %arg7[%dma_start3A, %dma_start3A_69] : memref<160x128xi32, #tpu.memory_space<vmem>> -> memref<1x128xi32, #tpu.memory_space<vmem>>
    %dma_start3A_71 = tpu.memref_squeeze %dma_start3A_70 : memref<1x128xi32, #tpu.memory_space<vmem>> -> memref<128xi32, #tpu.memory_space<vmem>>
    %dma_start3A_72 = arith.constant 0 : i32
    %dma_start3A_73 = arith.constant 0 : i32
    %dma_start3A_74 = tpu.memref_slice %arg2[%arg0, %dma_start3A_72, %dma_start3A_73] : memref<2x10000x64xbf16, #tpu.memory_space<hbm>> -> memref<1x10000x64xbf16, #tpu.memory_space<hbm>>
    %dma_start3A_75 = tpu.memref_squeeze %dma_start3A_74 : memref<1x10000x64xbf16, #tpu.memory_space<hbm>> -> memref<10000x64xbf16, #tpu.memory_space<hbm>>
    %dma_start3A_76 = arith.constant 0 : i32
    %dma_start3A_77 = arith.constant 0 : i32
    %dma_start3A_78 = tpu.memref_slice %dma_start3A_75[%dma_start3A_76, %dma_start3A_77] : memref<10000x64xbf16, #tpu.memory_space<hbm>> -> memref<10000x64xbf16, #tpu.memory_space<hbm>>
    tpu.enqueue_indirect_dma source(%dma_start3A_78 : memref<10000x64xbf16, #tpu.memory_space<hbm>>) target(%dma_start3A_68 : memref<128x64xbf16, #tpu.memory_space<vmem>>) offsets(%dma_start3A_71 : memref<128xi32, #tpu.memory_space<vmem>>) semaphore(%arg14 : memref<!tpu.dma_semaphore, #tpu.memory_space<semaphore_mem>>)
    %dma_start3A_79 = arith.constant 1 : i32
    %dma_start3A_80 = arith.constant 128 : i32
    %dma_start3A_81 = arith.constant 0 : i32
    %dma_start3A_82 = tpu.memref_slice %arg9[%dma_start3A_80, %dma_start3A_81] : memref<1024x64xbf16, #tpu.memory_space<vmem>> -> memref<128x64xbf16, #tpu.memory_space<vmem>>
    %dma_start3A_83 = arith.constant 0 : i32
    %dma_start3A_84 = tpu.memref_slice %arg7[%dma_start3A_79, %dma_start3A_83] : memref<160x128xi32, #tpu.memory_space<vmem>> -> memref<1x128xi32, #tpu.memory_space<vmem>>
    %dma_start3A_85 = tpu.memref_squeeze %dma_start3A_84 : memref<1x128xi32, #tpu.memory_space<vmem>> -> memref<128xi32, #tpu.memory_space<vmem>>
    %dma_start3A_86 = arith.constant 0 : i32
    %dma_start3A_87 = arith.constant 0 : i32
    %dma_start3A_88 = tpu.memref_slice %arg2[%arg0, %dma_start3A_86, %dma_start3A_87] : memref<2x10000x64xbf16, #tpu.memory_space<hbm>> -> memref<1x10000x64xbf16, #tpu.memory_space<hbm>>
    %dma_start3A_89 = tpu.memref_squeeze %dma_start3A_88 : memref<1x10000x64xbf16, #tpu.memory_space<hbm>> -> memref<10000x64xbf16, #tpu.memory_space<hbm>>
    %dma_start3A_90 = arith.constant 0 : i32
    %dma_start3A_91 = arith.constant 0 : i32
    %dma_start3A_92 = tpu.memref_slice %dma_start3A_89[%dma_start3A_90, %dma_start3A_91] : memref<10000x64xbf16, #tpu.memory_space<hbm>> -> memref<10000x64xbf16, #tpu.memory_space<hbm>>
    tpu.enqueue_indirect_dma source(%dma_start3A_92 : memref<10000x64xbf16, #tpu.memory_space<hbm>>) target(%dma_start3A_82 : memref<128x64xbf16, #tpu.memory_space<vmem>>) offsets(%dma_start3A_85 : memref<128xi32, #tpu.memory_space<vmem>>) semaphore(%arg14 : memref<!tpu.dma_semaphore, #tpu.memory_space<semaphore_mem>>)
    %dma_start3A_93 = arith.constant 2 : i32
    %dma_start3A_94 = arith.constant 256 : i32
    %dma_start3A_95 = arith.constant 0 : i32
    %dma_start3A_96 = tpu.memref_slice %arg9[%dma_start3A_94, %dma_start3A_95] : memref<1024x64xbf16, #tpu.memory_space<vmem>> -> memref<128x64xbf16, #tpu.memory_space<vmem>>
    %dma_start3A_97 = arith.constant 0 : i32
    %dma_start3A_98 = tpu.memref_slice %arg7[%dma_start3A_93, %dma_start3A_97] : memref<160x128xi32, #tpu.memory_space<vmem>> -> memref<1x128xi32, #tpu.memory_space<vmem>>
    %dma_start3A_99 = tpu.memref_squeeze %dma_start3A_98 : memref<1x128xi32, #tpu.memory_space<vmem>> -> memref<128xi32, #tpu.memory_space<vmem>>
    %dma_start3A_100 = arith.constant 0 : i32
    %dma_start3A_101 = arith.constant 0 : i32
    %dma_start3A_102 = tpu.memref_slice %arg2[%arg0, %dma_start3A_100, %dma_start3A_101] : memref<2x10000x64xbf16, #tpu.memory_space<hbm>> -> memref<1x10000x64xbf16, #tpu.memory_space<hbm>>
    %dma_start3A_103 = tpu.memref_squeeze %dma_start3A_102 : memref<1x10000x64xbf16, #tpu.memory_space<hbm>> -> memref<10000x64xbf16, #tpu.memory_space<hbm>>
    %dma_start3A_104 = arith.constant 0 : i32
    %dma_start3A_105 = arith.constant 0 : i32
    %dma_start3A_106 = tpu.memref_slice %dma_start3A_103[%dma_start3A_104, %dma_start3A_105] : memref<10000x64xbf16, #tpu.memory_space<hbm>> -> memref<10000x64xbf16, #tpu.memory_space<hbm>>
    tpu.enqueue_indirect_dma source(%dma_start3A_106 : memref<10000x64xbf16, #tpu.memory_space<hbm>>) target(%dma_start3A_96 : memref<128x64xbf16, #tpu.memory_space<vmem>>) offsets(%dma_start3A_99 : memref<128xi32, #tpu.memory_space<vmem>>) semaphore(%arg14 : memref<!tpu.dma_semaphore, #tpu.memory_space<semaphore_mem>>)
    %dma_start3A_107 = arith.constant 3 : i32
    %dma_start3A_108 = arith.constant 384 : i32
    %dma_start3A_109 = arith.constant 0 : i32
    %dma_start3A_110 = tpu.memref_slice %arg9[%dma_start3A_108, %dma_start3A_109] : memref<1024x64xbf16, #tpu.memory_space<vmem>> -> memref<128x64xbf16, #tpu.memory_space<vmem>>
    %dma_start3A_111 = arith.constant 0 : i32
    %dma_start3A_112 = tpu.memref_slice %arg7[%dma_start3A_107, %dma_start3A_111] : memref<160x128xi32, #tpu.memory_space<vmem>> -> memref<1x128xi32, #tpu.memory_space<vmem>>
    %dma_start3A_113 = tpu.memref_squeeze %dma_start3A_112 : memref<1x128xi32, #tpu.memory_space<vmem>> -> memref<128xi32, #tpu.memory_space<vmem>>
    %dma_start3A_114 = arith.constant 0 : i32
    %dma_start3A_115 = arith.constant 0 : i32
    %dma_start3A_116 = tpu.memref_slice %arg2[%arg0, %dma_start3A_114, %dma_start3A_115] : memref<2x10000x64xbf16, #tpu.memory_space<hbm>> -> memref<1x10000x64xbf16, #tpu.memory_space<hbm>>
    %dma_start3A_117 = tpu.memref_squeeze %dma_start3A_116 : memref<1x10000x64xbf16, #tpu.memory_space<hbm>> -> memref<10000x64xbf16, #tpu.memory_space<hbm>>
    %dma_start3A_118 = arith.constant 0 : i32
    %dma_start3A_119 = arith.constant 0 : i32
    %dma_start3A_120 = tpu.memref_slice %dma_start3A_117[%dma_start3A_118, %dma_start3A_119] : memref<10000x64xbf16, #tpu.memory_space<hbm>> -> memref<10000x64xbf16, #tpu.memory_space<hbm>>
    tpu.enqueue_indirect_dma source(%dma_start3A_120 : memref<10000x64xbf16, #tpu.memory_space<hbm>>) target(%dma_start3A_110 : memref<128x64xbf16, #tpu.memory_space<vmem>>) offsets(%dma_start3A_113 : memref<128xi32, #tpu.memory_space<vmem>>) semaphore(%arg14 : memref<!tpu.dma_semaphore, #tpu.memory_space<semaphore_mem>>)
    %scan3A_121 = arith.constant 0 : i32
    %scan3A_122 = arith.constant 0 : i32
    %scan3A_123 = arith.constant 20 : i32
    %scan3A_124 = arith.addi %scan3A_122, %scan3A_123 : i32
    %scan3A_125 = arith.constant 1 : i32
    scf.for %scan3A_171 = %scan3A_122 to %scan3A_124 step %scan3A_125  : i32 {
      %mul3A_172 = arith.constant 2 : i32
      %mul3A_173 = arith.muli %scan3A_171, %mul3A_172 : i32
      %add3A_174 = arith.constant 0 : i32
      %add3A_175 = arith.addi %mul3A_173, %add3A_174 : i32
      %dma_wait3A_176 = arith.constant 0 : i32
      %dma_wait3A_177 = arith.constant 0 : i32
      %dma_wait3A_178 = arith.constant 0 : i32
      %dma_wait3A_179 = tpu.memref_slice %arg9[%dma_wait3A_177, %dma_wait3A_178] : memref<1024x64xbf16, #tpu.memory_space<vmem>> -> memref<128x64xbf16, #tpu.memory_space<vmem>>
      %dma_wait3A_180 = arith.constant 0 : i32
      %dma_wait3A_181 = tpu.memref_slice %arg7[%dma_wait3A_176, %dma_wait3A_180] : memref<160x128xi32, #tpu.memory_space<vmem>> -> memref<1x128xi32, #tpu.memory_space<vmem>>
      %dma_wait3A_182 = tpu.memref_squeeze %dma_wait3A_181 : memref<1x128xi32, #tpu.memory_space<vmem>> -> memref<128xi32, #tpu.memory_space<vmem>>
      %dma_wait3A_183 = arith.constant 0 : i32
      %dma_wait3A_184 = arith.constant 0 : i32
      %dma_wait3A_185 = tpu.memref_slice %arg2[%arg0, %dma_wait3A_183, %dma_wait3A_184] : memref<2x10000x64xbf16, #tpu.memory_space<hbm>> -> memref<1x10000x64xbf16, #tpu.memory_space<hbm>>
      %dma_wait3A_186 = tpu.memref_squeeze %dma_wait3A_185 : memref<1x10000x64xbf16, #tpu.memory_space<hbm>> -> memref<10000x64xbf16, #tpu.memory_space<hbm>>
      %dma_wait3A_187 = arith.constant 0 : i32
      %dma_wait3A_188 = arith.constant 0 : i32
      %dma_wait3A_189 = tpu.memref_slice %dma_wait3A_186[%dma_wait3A_187, %dma_wait3A_188] : memref<10000x64xbf16, #tpu.memory_space<hbm>> -> memref<10000x64xbf16, #tpu.memory_space<hbm>>
      tpu.wait_indirect_dma semaphore(%arg14 : memref<!tpu.dma_semaphore, #tpu.memory_space<semaphore_mem>>) src(%dma_wait3A_189 : memref<10000x64xbf16, #tpu.memory_space<hbm>>) dst(%dma_wait3A_179 : memref<128x64xbf16, #tpu.memory_space<vmem>>)
      %dma_wait3A_190 = arith.constant 0 : i32
      %dma_wait3A_191 = arith.constant 128 : i32
      %dma_wait3A_192 = arith.constant 0 : i32
      %dma_wait3A_193 = tpu.memref_slice %arg9[%dma_wait3A_191, %dma_wait3A_192] : memref<1024x64xbf16, #tpu.memory_space<vmem>> -> memref<128x64xbf16, #tpu.memory_space<vmem>>
      %dma_wait3A_194 = arith.constant 0 : i32
      %dma_wait3A_195 = tpu.memref_slice %arg7[%dma_wait3A_190, %dma_wait3A_194] : memref<160x128xi32, #tpu.memory_space<vmem>> -> memref<1x128xi32, #tpu.memory_space<vmem>>
      %dma_wait3A_196 = tpu.memref_squeeze %dma_wait3A_195 : memref<1x128xi32, #tpu.memory_space<vmem>> -> memref<128xi32, #tpu.memory_space<vmem>>
      %dma_wait3A_197 = arith.constant 0 : i32
      %dma_wait3A_198 = arith.constant 0 : i32
      %dma_wait3A_199 = tpu.memref_slice %arg2[%arg0, %dma_wait3A_197, %dma_wait3A_198] : memref<2x10000x64xbf16, #tpu.memory_space<hbm>> -> memref<1x10000x64xbf16, #tpu.memory_space<hbm>>
      %dma_wait3A_200 = tpu.memref_squeeze %dma_wait3A_199 : memref<1x10000x64xbf16, #tpu.memory_space<hbm>> -> memref<10000x64xbf16, #tpu.memory_space<hbm>>
      %dma_wait3A_201 = arith.constant 0 : i32
      %dma_wait3A_202 = arith.constant 0 : i32
      %dma_wait3A_203 = tpu.memref_slice %dma_wait3A_200[%dma_wait3A_201, %dma_wait3A_202] : memref<10000x64xbf16, #tpu.memory_space<hbm>> -> memref<10000x64xbf16, #tpu.memory_space<hbm>>
      tpu.wait_indirect_dma semaphore(%arg14 : memref<!tpu.dma_semaphore, #tpu.memory_space<semaphore_mem>>) src(%dma_wait3A_203 : memref<10000x64xbf16, #tpu.memory_space<hbm>>) dst(%dma_wait3A_193 : memref<128x64xbf16, #tpu.memory_space<vmem>>)
      %dma_wait3A_204 = arith.constant 0 : i32
      %dma_wait3A_205 = arith.constant 256 : i32
      %dma_wait3A_206 = arith.constant 0 : i32
      %dma_wait3A_207 = tpu.memref_slice %arg9[%dma_wait3A_205, %dma_wait3A_206] : memref<1024x64xbf16, #tpu.memory_space<vmem>> -> memref<128x64xbf16, #tpu.memory_space<vmem>>
      %dma_wait3A_208 = arith.constant 0 : i32
      %dma_wait3A_209 = tpu.memref_slice %arg7[%dma_wait3A_204, %dma_wait3A_208] : memref<160x128xi32, #tpu.memory_space<vmem>> -> memref<1x128xi32, #tpu.memory_space<vmem>>
      %dma_wait3A_210 = tpu.memref_squeeze %dma_wait3A_209 : memref<1x128xi32, #tpu.memory_space<vmem>> -> memref<128xi32, #tpu.memory_space<vmem>>
      %dma_wait3A_211 = arith.constant 0 : i32
      %dma_wait3A_212 = arith.constant 0 : i32
      %dma_wait3A_213 = tpu.memref_slice %arg2[%arg0, %dma_wait3A_211, %dma_wait3A_212] : memref<2x10000x64xbf16, #tpu.memory_space<hbm>> -> memref<1x10000x64xbf16, #tpu.memory_space<hbm>>
      %dma_wait3A_214 = tpu.memref_squeeze %dma_wait3A_213 : memref<1x10000x64xbf16, #tpu.memory_space<hbm>> -> memref<10000x64xbf16, #tpu.memory_space<hbm>>
      %dma_wait3A_215 = arith.constant 0 : i32
      %dma_wait3A_216 = arith.constant 0 : i32
      %dma_wait3A_217 = tpu.memref_slice %dma_wait3A_214[%dma_wait3A_215, %dma_wait3A_216] : memref<10000x64xbf16, #tpu.memory_space<hbm>> -> memref<10000x64xbf16, #tpu.memory_space<hbm>>
      tpu.wait_indirect_dma semaphore(%arg14 : memref<!tpu.dma_semaphore, #tpu.memory_space<semaphore_mem>>) src(%dma_wait3A_217 : memref<10000x64xbf16, #tpu.memory_space<hbm>>) dst(%dma_wait3A_207 : memref<128x64xbf16, #tpu.memory_space<vmem>>)
      %dma_wait3A_218 = arith.constant 0 : i32
      %dma_wait3A_219 = arith.constant 384 : i32
      %dma_wait3A_220 = arith.constant 0 : i32
      %dma_wait3A_221 = tpu.memref_slice %arg9[%dma_wait3A_219, %dma_wait3A_220] : memref<1024x64xbf16, #tpu.memory_space<vmem>> -> memref<128x64xbf16, #tpu.memory_space<vmem>>
      %dma_wait3A_222 = arith.constant 0 : i32
      %dma_wait3A_223 = tpu.memref_slice %arg7[%dma_wait3A_218, %dma_wait3A_222] : memref<160x128xi32, #tpu.memory_space<vmem>> -> memref<1x128xi32, #tpu.memory_space<vmem>>
      %dma_wait3A_224 = tpu.memref_squeeze %dma_wait3A_223 : memref<1x128xi32, #tpu.memory_space<vmem>> -> memref<128xi32, #tpu.memory_space<vmem>>
      %dma_wait3A_225 = arith.constant 0 : i32
      %dma_wait3A_226 = arith.constant 0 : i32
      %dma_wait3A_227 = tpu.memref_slice %arg2[%arg0, %dma_wait3A_225, %dma_wait3A_226] : memref<2x10000x64xbf16, #tpu.memory_space<hbm>> -> memref<1x10000x64xbf16, #tpu.memory_space<hbm>>
      %dma_wait3A_228 = tpu.memref_squeeze %dma_wait3A_227 : memref<1x10000x64xbf16, #tpu.memory_space<hbm>> -> memref<10000x64xbf16, #tpu.memory_space<hbm>>
      %dma_wait3A_229 = arith.constant 0 : i32
      %dma_wait3A_230 = arith.constant 0 : i32
      %dma_wait3A_231 = tpu.memref_slice %dma_wait3A_228[%dma_wait3A_229, %dma_wait3A_230] : memref<10000x64xbf16, #tpu.memory_space<hbm>> -> memref<10000x64xbf16, #tpu.memory_space<hbm>>
      tpu.wait_indirect_dma semaphore(%arg14 : memref<!tpu.dma_semaphore, #tpu.memory_space<semaphore_mem>>) src(%dma_wait3A_231 : memref<10000x64xbf16, #tpu.memory_space<hbm>>) dst(%dma_wait3A_221 : memref<128x64xbf16, #tpu.memory_space<vmem>>)
      %ge3A = arith.constant 1 : i32
      %ge3A_232 = arith.cmpi sge, %add3A_175, %ge3A : i32
      %convert_element_type3A_233 = arith.extui %ge3A_232 : i1 to i32
      %cond3A_234 = arith.constant 0 : i32
      %cond3A_235 = arith.cmpi ne, %convert_element_type3A_233, %cond3A_234 : i32
      scf.if %cond3A_235 {
        %dma_wait3A_450 = arith.constant 0 : i32
        %dma_wait3A_451 = arith.constant 512 : i32
        %dma_wait3A_452 = arith.constant 0 : i32
        %dma_wait3A_453 = tpu.memref_slice %arg9[%dma_wait3A_451, %dma_wait3A_452] : memref<1024x64xbf16, #tpu.memory_space<vmem>> -> memref<128x64xbf16, #tpu.memory_space<vmem>>
        %dma_wait3A_454 = arith.constant 0 : i32
        %dma_wait3A_455 = tpu.memref_slice %arg8[%dma_wait3A_450, %dma_wait3A_454] : memref<160x128xi32, #tpu.memory_space<vmem>> -> memref<1x128xi32, #tpu.memory_space<vmem>>
        %dma_wait3A_456 = tpu.memref_squeeze %dma_wait3A_455 : memref<1x128xi32, #tpu.memory_space<vmem>> -> memref<128xi32, #tpu.memory_space<vmem>>
        %dma_wait3A_457 = arith.constant 0 : i32
        %dma_wait3A_458 = arith.constant 0 : i32
        %dma_wait3A_459 = tpu.memref_slice %arg12[%dma_wait3A_457, %dma_wait3A_458] : memref<10240x64xbf16, #tpu.memory_space<vmem_shared>> -> memref<10240x64xbf16, #tpu.memory_space<vmem_shared>>
        tpu.wait_indirect_dma semaphore(%arg16 : memref<!tpu.dma_semaphore, #tpu.memory_space<semaphore_mem>>) src(%dma_wait3A_453 : memref<128x64xbf16, #tpu.memory_space<vmem>>) dst(%dma_wait3A_459 : memref<10240x64xbf16, #tpu.memory_space<vmem_shared>>)
        %dma_wait3A_460 = arith.constant 0 : i32
        %dma_wait3A_461 = arith.constant 640 : i32
        %dma_wait3A_462 = arith.constant 0 : i32
        %dma_wait3A_463 = tpu.memref_slice %arg9[%dma_wait3A_461, %dma_wait3A_462] : memref<1024x64xbf16, #tpu.memory_space<vmem>> -> memref<128x64xbf16, #tpu.memory_space<vmem>>
        %dma_wait3A_464 = arith.constant 0 : i32
        %dma_wait3A_465 = tpu.memref_slice %arg8[%dma_wait3A_460, %dma_wait3A_464] : memref<160x128xi32, #tpu.memory_space<vmem>> -> memref<1x128xi32, #tpu.memory_space<vmem>>
        %dma_wait3A_466 = tpu.memref_squeeze %dma_wait3A_465 : memref<1x128xi32, #tpu.memory_space<vmem>> -> memref<128xi32, #tpu.memory_space<vmem>>
        %dma_wait3A_467 = arith.constant 0 : i32
        %dma_wait3A_468 = arith.constant 0 : i32
        %dma_wait3A_469 = tpu.memref_slice %arg12[%dma_wait3A_467, %dma_wait3A_468] : memref<10240x64xbf16, #tpu.memory_space<vmem_shared>> -> memref<10240x64xbf16, #tpu.memory_space<vmem_shared>>
        tpu.wait_indirect_dma semaphore(%arg16 : memref<!tpu.dma_semaphore, #tpu.memory_space<semaphore_mem>>) src(%dma_wait3A_463 : memref<128x64xbf16, #tpu.memory_space<vmem>>) dst(%dma_wait3A_469 : memref<10240x64xbf16, #tpu.memory_space<vmem_shared>>)
        %dma_wait3A_470 = arith.constant 0 : i32
        %dma_wait3A_471 = arith.constant 768 : i32
        %dma_wait3A_472 = arith.constant 0 : i32
        %dma_wait3A_473 = tpu.memref_slice %arg9[%dma_wait3A_471, %dma_wait3A_472] : memref<1024x64xbf16, #tpu.memory_space<vmem>> -> memref<128x64xbf16, #tpu.memory_space<vmem>>
        %dma_wait3A_474 = arith.constant 0 : i32
        %dma_wait3A_475 = tpu.memref_slice %arg8[%dma_wait3A_470, %dma_wait3A_474] : memref<160x128xi32, #tpu.memory_space<vmem>> -> memref<1x128xi32, #tpu.memory_space<vmem>>
        %dma_wait3A_476 = tpu.memref_squeeze %dma_wait3A_475 : memref<1x128xi32, #tpu.memory_space<vmem>> -> memref<128xi32, #tpu.memory_space<vmem>>
        %dma_wait3A_477 = arith.constant 0 : i32
        %dma_wait3A_478 = arith.constant 0 : i32
        %dma_wait3A_479 = tpu.memref_slice %arg12[%dma_wait3A_477, %dma_wait3A_478] : memref<10240x64xbf16, #tpu.memory_space<vmem_shared>> -> memref<10240x64xbf16, #tpu.memory_space<vmem_shared>>
        tpu.wait_indirect_dma semaphore(%arg16 : memref<!tpu.dma_semaphore, #tpu.memory_space<semaphore_mem>>) src(%dma_wait3A_473 : memref<128x64xbf16, #tpu.memory_space<vmem>>) dst(%dma_wait3A_479 : memref<10240x64xbf16, #tpu.memory_space<vmem_shared>>)
        %dma_wait3A_480 = arith.constant 0 : i32
        %dma_wait3A_481 = arith.constant 896 : i32
        %dma_wait3A_482 = arith.constant 0 : i32
        %dma_wait3A_483 = tpu.memref_slice %arg9[%dma_wait3A_481, %dma_wait3A_482] : memref<1024x64xbf16, #tpu.memory_space<vmem>> -> memref<128x64xbf16, #tpu.memory_space<vmem>>
        %dma_wait3A_484 = arith.constant 0 : i32
        %dma_wait3A_485 = tpu.memref_slice %arg8[%dma_wait3A_480, %dma_wait3A_484] : memref<160x128xi32, #tpu.memory_space<vmem>> -> memref<1x128xi32, #tpu.memory_space<vmem>>
        %dma_wait3A_486 = tpu.memref_squeeze %dma_wait3A_485 : memref<1x128xi32, #tpu.memory_space<vmem>> -> memref<128xi32, #tpu.memory_space<vmem>>
        %dma_wait3A_487 = arith.constant 0 : i32
        %dma_wait3A_488 = arith.constant 0 : i32
        %dma_wait3A_489 = tpu.memref_slice %arg12[%dma_wait3A_487, %dma_wait3A_488] : memref<10240x64xbf16, #tpu.memory_space<vmem_shared>> -> memref<10240x64xbf16, #tpu.memory_space<vmem_shared>>
        tpu.wait_indirect_dma semaphore(%arg16 : memref<!tpu.dma_semaphore, #tpu.memory_space<semaphore_mem>>) src(%dma_wait3A_483 : memref<128x64xbf16, #tpu.memory_space<vmem>>) dst(%dma_wait3A_489 : memref<10240x64xbf16, #tpu.memory_space<vmem_shared>>)
      } else {
      }
      %ge3A_236 = arith.constant 1 : i32
      %ge3A_237 = arith.cmpi sge, %add3A_175, %ge3A_236 : i32
      %sub3A = arith.constant 1 : i32
      %sub3A_238 = arith.subi %add3A_175, %sub3A : i32
      %and3A = arith.constant 1 : i32
      %and3A_239 = arith.andi %sub3A_238, %and3A : i32
      %eq3A_240 = arith.cmpi eq, %and3A_239, %arg0 : i32
      %and3A_241 = arith.andi %ge3A_237, %eq3A_240 : i1
      %convert_element_type3A_242 = arith.extui %and3A_241 : i1 to i32
      %cond3A_243 = arith.constant 0 : i32
      %cond3A_244 = arith.cmpi ne, %convert_element_type3A_242, %cond3A_243 : i32
      scf.if %cond3A_244 {
        %dma_wait3A_450 = arith.constant 0 : i32
        %dma_wait3A_451 = arith.constant 0 : i32
        %dma_wait3A_452 = tpu.memref_slice %arg8[%dma_wait3A_450, %dma_wait3A_451] : memref<160x128xi32, #tpu.memory_space<vmem>> -> memref<1x128xi32, #tpu.memory_space<vmem>>
        %dma_wait3A_453 = tpu.memref_squeeze %dma_wait3A_452 : memref<1x128xi32, #tpu.memory_space<vmem>> -> memref<128xi32, #tpu.memory_space<vmem>>
        %dma_wait3A_454 = arith.constant 0 : i32
        %dma_wait3A_455 = arith.constant 0 : i32
        %dma_wait3A_456 = tpu.memref_slice %arg13[%dma_wait3A_454, %dma_wait3A_455] : memref<10240x16xf32, #tpu.memory_space<vmem_shared>> -> memref<10240x16xf32, #tpu.memory_space<vmem_shared>>
        tpu.wait_indirect_dma semaphore(%arg17 : memref<!tpu.dma_semaphore, #tpu.memory_space<semaphore_mem>>) src(%arg10 : memref<128x16xf32, #tpu.memory_space<vmem>>) dst(%dma_wait3A_456 : memref<10240x16xf32, #tpu.memory_space<vmem_shared>>)
        %dma_wait3A_457 = arith.constant 0 : i32
        %dma_wait3A_458 = arith.constant 0 : i32
        %dma_wait3A_459 = tpu.memref_slice %arg8[%dma_wait3A_457, %dma_wait3A_458] : memref<160x128xi32, #tpu.memory_space<vmem>> -> memref<1x128xi32, #tpu.memory_space<vmem>>
        %dma_wait3A_460 = tpu.memref_squeeze %dma_wait3A_459 : memref<1x128xi32, #tpu.memory_space<vmem>> -> memref<128xi32, #tpu.memory_space<vmem>>
        %dma_wait3A_461 = arith.constant 0 : i32
        %dma_wait3A_462 = arith.constant 0 : i32
        %dma_wait3A_463 = tpu.memref_slice %arg13[%dma_wait3A_461, %dma_wait3A_462] : memref<10240x16xf32, #tpu.memory_space<vmem_shared>> -> memref<10240x16xf32, #tpu.memory_space<vmem_shared>>
        tpu.wait_indirect_dma semaphore(%arg17 : memref<!tpu.dma_semaphore, #tpu.memory_space<semaphore_mem>>) src(%arg10 : memref<128x16xf32, #tpu.memory_space<vmem>>) dst(%dma_wait3A_463 : memref<10240x16xf32, #tpu.memory_space<vmem_shared>>)
        %dma_wait3A_464 = arith.constant 0 : i32
        %dma_wait3A_465 = arith.constant 0 : i32
        %dma_wait3A_466 = tpu.memref_slice %arg8[%dma_wait3A_464, %dma_wait3A_465] : memref<160x128xi32, #tpu.memory_space<vmem>> -> memref<1x128xi32, #tpu.memory_space<vmem>>
        %dma_wait3A_467 = tpu.memref_squeeze %dma_wait3A_466 : memref<1x128xi32, #tpu.memory_space<vmem>> -> memref<128xi32, #tpu.memory_space<vmem>>
        %dma_wait3A_468 = arith.constant 0 : i32
        %dma_wait3A_469 = arith.constant 0 : i32
        %dma_wait3A_470 = tpu.memref_slice %arg13[%dma_wait3A_468, %dma_wait3A_469] : memref<10240x16xf32, #tpu.memory_space<vmem_shared>> -> memref<10240x16xf32, #tpu.memory_space<vmem_shared>>
        tpu.wait_indirect_dma semaphore(%arg17 : memref<!tpu.dma_semaphore, #tpu.memory_space<semaphore_mem>>) src(%arg10 : memref<128x16xf32, #tpu.memory_space<vmem>>) dst(%dma_wait3A_470 : memref<10240x16xf32, #tpu.memory_space<vmem_shared>>)
        %dma_wait3A_471 = arith.constant 0 : i32
        %dma_wait3A_472 = arith.constant 0 : i32
        %dma_wait3A_473 = tpu.memref_slice %arg8[%dma_wait3A_471, %dma_wait3A_472] : memref<160x128xi32, #tpu.memory_space<vmem>> -> memref<1x128xi32, #tpu.memory_space<vmem>>
        %dma_wait3A_474 = tpu.memref_squeeze %dma_wait3A_473 : memref<1x128xi32, #tpu.memory_space<vmem>> -> memref<128xi32, #tpu.memory_space<vmem>>
        %dma_wait3A_475 = arith.constant 0 : i32
        %dma_wait3A_476 = arith.constant 0 : i32
        %dma_wait3A_477 = tpu.memref_slice %arg13[%dma_wait3A_475, %dma_wait3A_476] : memref<10240x16xf32, #tpu.memory_space<vmem_shared>> -> memref<10240x16xf32, #tpu.memory_space<vmem_shared>>
        tpu.wait_indirect_dma semaphore(%arg17 : memref<!tpu.dma_semaphore, #tpu.memory_space<semaphore_mem>>) src(%arg10 : memref<128x16xf32, #tpu.memory_space<vmem>>) dst(%dma_wait3A_477 : memref<10240x16xf32, #tpu.memory_space<vmem_shared>>)
      } else {
      }
      %add3A_245 = arith.constant 1 : i32
      %add3A_246 = arith.addi %add3A_175, %add3A_245 : i32
      %lt3A = arith.constant 40 : i32
      %lt3A_247 = arith.cmpi slt, %add3A_246, %lt3A : i32
      %convert_element_type3A_248 = arith.extui %lt3A_247 : i1 to i32
      %cond3A_249 = arith.constant 0 : i32
      %cond3A_250 = arith.cmpi ne, %convert_element_type3A_248, %cond3A_249 : i32
      scf.if %cond3A_250 {
        %add3A_450 = arith.constant 1 : i32
        %add3A_451 = arith.addi %add3A_175, %add3A_450 : i32
        %mul3A_452 = arith.constant 4 : i32
        %mul3A_453 = arith.muli %add3A_451, %mul3A_452 : i32
        %add3A_454 = arith.constant 0 : i32
        %add3A_455 = arith.addi %mul3A_453, %add3A_454 : i32
        %dma_start3A_456 = arith.constant 512 : i32
        %dma_start3A_457 = arith.constant 0 : i32
        %dma_start3A_458 = tpu.memref_slice %arg9[%dma_start3A_456, %dma_start3A_457] : memref<1024x64xbf16, #tpu.memory_space<vmem>> -> memref<128x64xbf16, #tpu.memory_space<vmem>>
        %dma_start3A_459 = arith.constant 0 : i32
        %dma_start3A_460 = tpu.memref_slice %arg7[%add3A_455, %dma_start3A_459] : memref<160x128xi32, #tpu.memory_space<vmem>> -> memref<1x128xi32, #tpu.memory_space<vmem>>
        %dma_start3A_461 = tpu.memref_squeeze %dma_start3A_460 : memref<1x128xi32, #tpu.memory_space<vmem>> -> memref<128xi32, #tpu.memory_space<vmem>>
        %dma_start3A_462 = arith.constant 0 : i32
        %dma_start3A_463 = arith.constant 0 : i32
        %dma_start3A_464 = tpu.memref_slice %arg2[%arg0, %dma_start3A_462, %dma_start3A_463] : memref<2x10000x64xbf16, #tpu.memory_space<hbm>> -> memref<1x10000x64xbf16, #tpu.memory_space<hbm>>
        %dma_start3A_465 = tpu.memref_squeeze %dma_start3A_464 : memref<1x10000x64xbf16, #tpu.memory_space<hbm>> -> memref<10000x64xbf16, #tpu.memory_space<hbm>>
        %dma_start3A_466 = arith.constant 0 : i32
        %dma_start3A_467 = arith.constant 0 : i32
        %dma_start3A_468 = tpu.memref_slice %dma_start3A_465[%dma_start3A_466, %dma_start3A_467] : memref<10000x64xbf16, #tpu.memory_space<hbm>> -> memref<10000x64xbf16, #tpu.memory_space<hbm>>
        tpu.enqueue_indirect_dma source(%dma_start3A_468 : memref<10000x64xbf16, #tpu.memory_space<hbm>>) target(%dma_start3A_458 : memref<128x64xbf16, #tpu.memory_space<vmem>>) offsets(%dma_start3A_461 : memref<128xi32, #tpu.memory_space<vmem>>) semaphore(%arg14 : memref<!tpu.dma_semaphore, #tpu.memory_space<semaphore_mem>>)
        %mul3A_469 = arith.constant 4 : i32
        %mul3A_470 = arith.muli %add3A_451, %mul3A_469 : i32
        %add3A_471 = arith.constant 1 : i32
        %add3A_472 = arith.addi %mul3A_470, %add3A_471 : i32
        %dma_start3A_473 = arith.constant 640 : i32
        %dma_start3A_474 = arith.constant 0 : i32
        %dma_start3A_475 = tpu.memref_slice %arg9[%dma_start3A_473, %dma_start3A_474] : memref<1024x64xbf16, #tpu.memory_space<vmem>> -> memref<128x64xbf16, #tpu.memory_space<vmem>>
        %dma_start3A_476 = arith.constant 0 : i32
        %dma_start3A_477 = tpu.memref_slice %arg7[%add3A_472, %dma_start3A_476] : memref<160x128xi32, #tpu.memory_space<vmem>> -> memref<1x128xi32, #tpu.memory_space<vmem>>
        %dma_start3A_478 = tpu.memref_squeeze %dma_start3A_477 : memref<1x128xi32, #tpu.memory_space<vmem>> -> memref<128xi32, #tpu.memory_space<vmem>>
        %dma_start3A_479 = arith.constant 0 : i32
        %dma_start3A_480 = arith.constant 0 : i32
        %dma_start3A_481 = tpu.memref_slice %arg2[%arg0, %dma_start3A_479, %dma_start3A_480] : memref<2x10000x64xbf16, #tpu.memory_space<hbm>> -> memref<1x10000x64xbf16, #tpu.memory_space<hbm>>
        %dma_start3A_482 = tpu.memref_squeeze %dma_start3A_481 : memref<1x10000x64xbf16, #tpu.memory_space<hbm>> -> memref<10000x64xbf16, #tpu.memory_space<hbm>>
        %dma_start3A_483 = arith.constant 0 : i32
        %dma_start3A_484 = arith.constant 0 : i32
        %dma_start3A_485 = tpu.memref_slice %dma_start3A_482[%dma_start3A_483, %dma_start3A_484] : memref<10000x64xbf16, #tpu.memory_space<hbm>> -> memref<10000x64xbf16, #tpu.memory_space<hbm>>
        tpu.enqueue_indirect_dma source(%dma_start3A_485 : memref<10000x64xbf16, #tpu.memory_space<hbm>>) target(%dma_start3A_475 : memref<128x64xbf16, #tpu.memory_space<vmem>>) offsets(%dma_start3A_478 : memref<128xi32, #tpu.memory_space<vmem>>) semaphore(%arg14 : memref<!tpu.dma_semaphore, #tpu.memory_space<semaphore_mem>>)
        %mul3A_486 = arith.constant 4 : i32
        %mul3A_487 = arith.muli %add3A_451, %mul3A_486 : i32
        %add3A_488 = arith.constant 2 : i32
        %add3A_489 = arith.addi %mul3A_487, %add3A_488 : i32
        %dma_start3A_490 = arith.constant 768 : i32
        %dma_start3A_491 = arith.constant 0 : i32
        %dma_start3A_492 = tpu.memref_slice %arg9[%dma_start3A_490, %dma_start3A_491] : memref<1024x64xbf16, #tpu.memory_space<vmem>> -> memref<128x64xbf16, #tpu.memory_space<vmem>>
        %dma_start3A_493 = arith.constant 0 : i32
        %dma_start3A_494 = tpu.memref_slice %arg7[%add3A_489, %dma_start3A_493] : memref<160x128xi32, #tpu.memory_space<vmem>> -> memref<1x128xi32, #tpu.memory_space<vmem>>
        %dma_start3A_495 = tpu.memref_squeeze %dma_start3A_494 : memref<1x128xi32, #tpu.memory_space<vmem>> -> memref<128xi32, #tpu.memory_space<vmem>>
        %dma_start3A_496 = arith.constant 0 : i32
        %dma_start3A_497 = arith.constant 0 : i32
        %dma_start3A_498 = tpu.memref_slice %arg2[%arg0, %dma_start3A_496, %dma_start3A_497] : memref<2x10000x64xbf16, #tpu.memory_space<hbm>> -> memref<1x10000x64xbf16, #tpu.memory_space<hbm>>
        %dma_start3A_499 = tpu.memref_squeeze %dma_start3A_498 : memref<1x10000x64xbf16, #tpu.memory_space<hbm>> -> memref<10000x64xbf16, #tpu.memory_space<hbm>>
        %dma_start3A_500 = arith.constant 0 : i32
        %dma_start3A_501 = arith.constant 0 : i32
        %dma_start3A_502 = tpu.memref_slice %dma_start3A_499[%dma_start3A_500, %dma_start3A_501] : memref<10000x64xbf16, #tpu.memory_space<hbm>> -> memref<10000x64xbf16, #tpu.memory_space<hbm>>
        tpu.enqueue_indirect_dma source(%dma_start3A_502 : memref<10000x64xbf16, #tpu.memory_space<hbm>>) target(%dma_start3A_492 : memref<128x64xbf16, #tpu.memory_space<vmem>>) offsets(%dma_start3A_495 : memref<128xi32, #tpu.memory_space<vmem>>) semaphore(%arg14 : memref<!tpu.dma_semaphore, #tpu.memory_space<semaphore_mem>>)
        %mul3A_503 = arith.constant 4 : i32
        %mul3A_504 = arith.muli %add3A_451, %mul3A_503 : i32
        %add3A_505 = arith.constant 3 : i32
        %add3A_506 = arith.addi %mul3A_504, %add3A_505 : i32
        %dma_start3A_507 = arith.constant 896 : i32
        %dma_start3A_508 = arith.constant 0 : i32
        %dma_start3A_509 = tpu.memref_slice %arg9[%dma_start3A_507, %dma_start3A_508] : memref<1024x64xbf16, #tpu.memory_space<vmem>> -> memref<128x64xbf16, #tpu.memory_space<vmem>>
        %dma_start3A_510 = arith.constant 0 : i32
        %dma_start3A_511 = tpu.memref_slice %arg7[%add3A_506, %dma_start3A_510] : memref<160x128xi32, #tpu.memory_space<vmem>> -> memref<1x128xi32, #tpu.memory_space<vmem>>
        %dma_start3A_512 = tpu.memref_squeeze %dma_start3A_511 : memref<1x128xi32, #tpu.memory_space<vmem>> -> memref<128xi32, #tpu.memory_space<vmem>>
        %dma_start3A_513 = arith.constant 0 : i32
        %dma_start3A_514 = arith.constant 0 : i32
        %dma_start3A_515 = tpu.memref_slice %arg2[%arg0, %dma_start3A_513, %dma_start3A_514] : memref<2x10000x64xbf16, #tpu.memory_space<hbm>> -> memref<1x10000x64xbf16, #tpu.memory_space<hbm>>
        %dma_start3A_516 = tpu.memref_squeeze %dma_start3A_515 : memref<1x10000x64xbf16, #tpu.memory_space<hbm>> -> memref<10000x64xbf16, #tpu.memory_space<hbm>>
        %dma_start3A_517 = arith.constant 0 : i32
        %dma_start3A_518 = arith.constant 0 : i32
        %dma_start3A_519 = tpu.memref_slice %dma_start3A_516[%dma_start3A_517, %dma_start3A_518] : memref<10000x64xbf16, #tpu.memory_space<hbm>> -> memref<10000x64xbf16, #tpu.memory_space<hbm>>
        tpu.enqueue_indirect_dma source(%dma_start3A_519 : memref<10000x64xbf16, #tpu.memory_space<hbm>>) target(%dma_start3A_509 : memref<128x64xbf16, #tpu.memory_space<vmem>>) offsets(%dma_start3A_512 : memref<128xi32, #tpu.memory_space<vmem>>) semaphore(%arg14 : memref<!tpu.dma_semaphore, #tpu.memory_space<semaphore_mem>>)
      } else {
      }
      %mul3A_251 = arith.constant 4 : i32
      %mul3A_252 = arith.muli %add3A_175, %mul3A_251 : i32
      %add3A_253 = arith.constant 0 : i32
      %add3A_254 = arith.addi %mul3A_252, %add3A_253 : i32
      %dma_start3A_255 = arith.constant 0 : i32
      %dma_start3A_256 = arith.constant 0 : i32
      %dma_start3A_257 = tpu.memref_slice %arg9[%dma_start3A_255, %dma_start3A_256] : memref<1024x64xbf16, #tpu.memory_space<vmem>> -> memref<128x64xbf16, #tpu.memory_space<vmem>>
      %dma_start3A_258 = arith.constant 0 : i32
      %dma_start3A_259 = tpu.memref_slice %arg8[%add3A_254, %dma_start3A_258] : memref<160x128xi32, #tpu.memory_space<vmem>> -> memref<1x128xi32, #tpu.memory_space<vmem>>
      %dma_start3A_260 = tpu.memref_squeeze %dma_start3A_259 : memref<1x128xi32, #tpu.memory_space<vmem>> -> memref<128xi32, #tpu.memory_space<vmem>>
      %dma_start3A_261 = arith.constant 0 : i32
      %dma_start3A_262 = arith.constant 0 : i32
      %dma_start3A_263 = tpu.memref_slice %arg12[%dma_start3A_261, %dma_start3A_262] : memref<10240x64xbf16, #tpu.memory_space<vmem_shared>> -> memref<10240x64xbf16, #tpu.memory_space<vmem_shared>>
      tpu.enqueue_indirect_dma source(%dma_start3A_257 : memref<128x64xbf16, #tpu.memory_space<vmem>>) target(%dma_start3A_263 : memref<10240x64xbf16, #tpu.memory_space<vmem_shared>>) offsets(%dma_start3A_260 : memref<128xi32, #tpu.memory_space<vmem>>) semaphore(%arg15 : memref<!tpu.dma_semaphore, #tpu.memory_space<semaphore_mem>>) {add = true}
      %mul3A_264 = arith.constant 4 : i32
      %mul3A_265 = arith.muli %add3A_175, %mul3A_264 : i32
      %add3A_266 = arith.constant 1 : i32
      %add3A_267 = arith.addi %mul3A_265, %add3A_266 : i32
      %dma_start3A_268 = arith.constant 128 : i32
      %dma_start3A_269 = arith.constant 0 : i32
      %dma_start3A_270 = tpu.memref_slice %arg9[%dma_start3A_268, %dma_start3A_269] : memref<1024x64xbf16, #tpu.memory_space<vmem>> -> memref<128x64xbf16, #tpu.memory_space<vmem>>
      %dma_start3A_271 = arith.constant 0 : i32
      %dma_start3A_272 = tpu.memref_slice %arg8[%add3A_267, %dma_start3A_271] : memref<160x128xi32, #tpu.memory_space<vmem>> -> memref<1x128xi32, #tpu.memory_space<vmem>>
      %dma_start3A_273 = tpu.memref_squeeze %dma_start3A_272 : memref<1x128xi32, #tpu.memory_space<vmem>> -> memref<128xi32, #tpu.memory_space<vmem>>
      %dma_start3A_274 = arith.constant 0 : i32
      %dma_start3A_275 = arith.constant 0 : i32
      %dma_start3A_276 = tpu.memref_slice %arg12[%dma_start3A_274, %dma_start3A_275] : memref<10240x64xbf16, #tpu.memory_space<vmem_shared>> -> memref<10240x64xbf16, #tpu.memory_space<vmem_shared>>
      tpu.enqueue_indirect_dma source(%dma_start3A_270 : memref<128x64xbf16, #tpu.memory_space<vmem>>) target(%dma_start3A_276 : memref<10240x64xbf16, #tpu.memory_space<vmem_shared>>) offsets(%dma_start3A_273 : memref<128xi32, #tpu.memory_space<vmem>>) semaphore(%arg15 : memref<!tpu.dma_semaphore, #tpu.memory_space<semaphore_mem>>) {add = true}
      %mul3A_277 = arith.constant 4 : i32
      %mul3A_278 = arith.muli %add3A_175, %mul3A_277 : i32
      %add3A_279 = arith.constant 2 : i32
      %add3A_280 = arith.addi %mul3A_278, %add3A_279 : i32
      %dma_start3A_281 = arith.constant 256 : i32
      %dma_start3A_282 = arith.constant 0 : i32
      %dma_start3A_283 = tpu.memref_slice %arg9[%dma_start3A_281, %dma_start3A_282] : memref<1024x64xbf16, #tpu.memory_space<vmem>> -> memref<128x64xbf16, #tpu.memory_space<vmem>>
      %dma_start3A_284 = arith.constant 0 : i32
      %dma_start3A_285 = tpu.memref_slice %arg8[%add3A_280, %dma_start3A_284] : memref<160x128xi32, #tpu.memory_space<vmem>> -> memref<1x128xi32, #tpu.memory_space<vmem>>
      %dma_start3A_286 = tpu.memref_squeeze %dma_start3A_285 : memref<1x128xi32, #tpu.memory_space<vmem>> -> memref<128xi32, #tpu.memory_space<vmem>>
      %dma_start3A_287 = arith.constant 0 : i32
      %dma_start3A_288 = arith.constant 0 : i32
      %dma_start3A_289 = tpu.memref_slice %arg12[%dma_start3A_287, %dma_start3A_288] : memref<10240x64xbf16, #tpu.memory_space<vmem_shared>> -> memref<10240x64xbf16, #tpu.memory_space<vmem_shared>>
      tpu.enqueue_indirect_dma source(%dma_start3A_283 : memref<128x64xbf16, #tpu.memory_space<vmem>>) target(%dma_start3A_289 : memref<10240x64xbf16, #tpu.memory_space<vmem_shared>>) offsets(%dma_start3A_286 : memref<128xi32, #tpu.memory_space<vmem>>) semaphore(%arg15 : memref<!tpu.dma_semaphore, #tpu.memory_space<semaphore_mem>>) {add = true}
      %mul3A_290 = arith.constant 4 : i32
      %mul3A_291 = arith.muli %add3A_175, %mul3A_290 : i32
      %add3A_292 = arith.constant 3 : i32
      %add3A_293 = arith.addi %mul3A_291, %add3A_292 : i32
      %dma_start3A_294 = arith.constant 384 : i32
      %dma_start3A_295 = arith.constant 0 : i32
      %dma_start3A_296 = tpu.memref_slice %arg9[%dma_start3A_294, %dma_start3A_295] : memref<1024x64xbf16, #tpu.memory_space<vmem>> -> memref<128x64xbf16, #tpu.memory_space<vmem>>
      %dma_start3A_297 = arith.constant 0 : i32
      %dma_start3A_298 = tpu.memref_slice %arg8[%add3A_293, %dma_start3A_297] : memref<160x128xi32, #tpu.memory_space<vmem>> -> memref<1x128xi32, #tpu.memory_space<vmem>>
      %dma_start3A_299 = tpu.memref_squeeze %dma_start3A_298 : memref<1x128xi32, #tpu.memory_space<vmem>> -> memref<128xi32, #tpu.memory_space<vmem>>
      %dma_start3A_300 = arith.constant 0 : i32
      %dma_start3A_301 = arith.constant 0 : i32
      %dma_start3A_302 = tpu.memref_slice %arg12[%dma_start3A_300, %dma_start3A_301] : memref<10240x64xbf16, #tpu.memory_space<vmem_shared>> -> memref<10240x64xbf16, #tpu.memory_space<vmem_shared>>
      tpu.enqueue_indirect_dma source(%dma_start3A_296 : memref<128x64xbf16, #tpu.memory_space<vmem>>) target(%dma_start3A_302 : memref<10240x64xbf16, #tpu.memory_space<vmem_shared>>) offsets(%dma_start3A_299 : memref<128xi32, #tpu.memory_space<vmem>>) semaphore(%arg15 : memref<!tpu.dma_semaphore, #tpu.memory_space<semaphore_mem>>) {add = true}
      %and3A_303 = arith.constant 1 : i32
      %and3A_304 = arith.andi %add3A_175, %and3A_303 : i32
      %eq3A_305 = arith.cmpi eq, %and3A_304, %arg0 : i32
      %convert_element_type3A_306 = arith.extui %eq3A_305 : i1 to i32
      %cond3A_307 = arith.constant 0 : i32
      %cond3A_308 = arith.cmpi ne, %convert_element_type3A_306, %cond3A_307 : i32
      scf.if %cond3A_308 {
        %mul3A_450 = arith.constant 4 : i32
        %mul3A_451 = arith.muli %add3A_175, %mul3A_450 : i32
        %add3A_452 = arith.constant 0 : i32
        %add3A_453 = arith.addi %mul3A_451, %add3A_452 : i32
        %dma_start3A_454 = arith.constant 0 : i32
        %dma_start3A_455 = tpu.memref_slice %arg8[%add3A_453, %dma_start3A_454] : memref<160x128xi32, #tpu.memory_space<vmem>> -> memref<1x128xi32, #tpu.memory_space<vmem>>
        %dma_start3A_456 = tpu.memref_squeeze %dma_start3A_455 : memref<1x128xi32, #tpu.memory_space<vmem>> -> memref<128xi32, #tpu.memory_space<vmem>>
        %dma_start3A_457 = arith.constant 0 : i32
        %dma_start3A_458 = arith.constant 0 : i32
        %dma_start3A_459 = tpu.memref_slice %arg13[%dma_start3A_457, %dma_start3A_458] : memref<10240x16xf32, #tpu.memory_space<vmem_shared>> -> memref<10240x16xf32, #tpu.memory_space<vmem_shared>>
        tpu.enqueue_indirect_dma source(%arg10 : memref<128x16xf32, #tpu.memory_space<vmem>>) target(%dma_start3A_459 : memref<10240x16xf32, #tpu.memory_space<vmem_shared>>) offsets(%dma_start3A_456 : memref<128xi32, #tpu.memory_space<vmem>>) semaphore(%arg17 : memref<!tpu.dma_semaphore, #tpu.memory_space<semaphore_mem>>) {add = true}
        %mul3A_460 = arith.constant 4 : i32
        %mul3A_461 = arith.muli %add3A_175, %mul3A_460 : i32
        %add3A_462 = arith.constant 1 : i32
        %add3A_463 = arith.addi %mul3A_461, %add3A_462 : i32
        %dma_start3A_464 = arith.constant 0 : i32
        %dma_start3A_465 = tpu.memref_slice %arg8[%add3A_463, %dma_start3A_464] : memref<160x128xi32, #tpu.memory_space<vmem>> -> memref<1x128xi32, #tpu.memory_space<vmem>>
        %dma_start3A_466 = tpu.memref_squeeze %dma_start3A_465 : memref<1x128xi32, #tpu.memory_space<vmem>> -> memref<128xi32, #tpu.memory_space<vmem>>
        %dma_start3A_467 = arith.constant 0 : i32
        %dma_start3A_468 = arith.constant 0 : i32
        %dma_start3A_469 = tpu.memref_slice %arg13[%dma_start3A_467, %dma_start3A_468] : memref<10240x16xf32, #tpu.memory_space<vmem_shared>> -> memref<10240x16xf32, #tpu.memory_space<vmem_shared>>
        tpu.enqueue_indirect_dma source(%arg10 : memref<128x16xf32, #tpu.memory_space<vmem>>) target(%dma_start3A_469 : memref<10240x16xf32, #tpu.memory_space<vmem_shared>>) offsets(%dma_start3A_466 : memref<128xi32, #tpu.memory_space<vmem>>) semaphore(%arg17 : memref<!tpu.dma_semaphore, #tpu.memory_space<semaphore_mem>>) {add = true}
        %mul3A_470 = arith.constant 4 : i32
        %mul3A_471 = arith.muli %add3A_175, %mul3A_470 : i32
        %add3A_472 = arith.constant 2 : i32
        %add3A_473 = arith.addi %mul3A_471, %add3A_472 : i32
        %dma_start3A_474 = arith.constant 0 : i32
        %dma_start3A_475 = tpu.memref_slice %arg8[%add3A_473, %dma_start3A_474] : memref<160x128xi32, #tpu.memory_space<vmem>> -> memref<1x128xi32, #tpu.memory_space<vmem>>
        %dma_start3A_476 = tpu.memref_squeeze %dma_start3A_475 : memref<1x128xi32, #tpu.memory_space<vmem>> -> memref<128xi32, #tpu.memory_space<vmem>>
        %dma_start3A_477 = arith.constant 0 : i32
        %dma_start3A_478 = arith.constant 0 : i32
        %dma_start3A_479 = tpu.memref_slice %arg13[%dma_start3A_477, %dma_start3A_478] : memref<10240x16xf32, #tpu.memory_space<vmem_shared>> -> memref<10240x16xf32, #tpu.memory_space<vmem_shared>>
        tpu.enqueue_indirect_dma source(%arg10 : memref<128x16xf32, #tpu.memory_space<vmem>>) target(%dma_start3A_479 : memref<10240x16xf32, #tpu.memory_space<vmem_shared>>) offsets(%dma_start3A_476 : memref<128xi32, #tpu.memory_space<vmem>>) semaphore(%arg17 : memref<!tpu.dma_semaphore, #tpu.memory_space<semaphore_mem>>) {add = true}
        %mul3A_480 = arith.constant 4 : i32
        %mul3A_481 = arith.muli %add3A_175, %mul3A_480 : i32
        %add3A_482 = arith.constant 3 : i32
        %add3A_483 = arith.addi %mul3A_481, %add3A_482 : i32
        %dma_start3A_484 = arith.constant 0 : i32
        %dma_start3A_485 = tpu.memref_slice %arg8[%add3A_483, %dma_start3A_484] : memref<160x128xi32, #tpu.memory_space<vmem>> -> memref<1x128xi32, #tpu.memory_space<vmem>>
        %dma_start3A_486 = tpu.memref_squeeze %dma_start3A_485 : memref<1x128xi32, #tpu.memory_space<vmem>> -> memref<128xi32, #tpu.memory_space<vmem>>
        %dma_start3A_487 = arith.constant 0 : i32
        %dma_start3A_488 = arith.constant 0 : i32
        %dma_start3A_489 = tpu.memref_slice %arg13[%dma_start3A_487, %dma_start3A_488] : memref<10240x16xf32, #tpu.memory_space<vmem_shared>> -> memref<10240x16xf32, #tpu.memory_space<vmem_shared>>
        tpu.enqueue_indirect_dma source(%arg10 : memref<128x16xf32, #tpu.memory_space<vmem>>) target(%dma_start3A_489 : memref<10240x16xf32, #tpu.memory_space<vmem_shared>>) offsets(%dma_start3A_486 : memref<128xi32, #tpu.memory_space<vmem>>) semaphore(%arg17 : memref<!tpu.dma_semaphore, #tpu.memory_space<semaphore_mem>>) {add = true}
      } else {
      }
      %mul3A_309 = arith.constant 2 : i32
      %mul3A_310 = arith.muli %scan3A_171, %mul3A_309 : i32
      %add3A_311 = arith.constant 1 : i32
      %add3A_312 = arith.addi %mul3A_310, %add3A_311 : i32
      %dma_wait3A_313 = arith.constant 0 : i32
      %dma_wait3A_314 = arith.constant 512 : i32
      %dma_wait3A_315 = arith.constant 0 : i32
      %dma_wait3A_316 = tpu.memref_slice %arg9[%dma_wait3A_314, %dma_wait3A_315] : memref<1024x64xbf16, #tpu.memory_space<vmem>> -> memref<128x64xbf16, #tpu.memory_space<vmem>>
      %dma_wait3A_317 = arith.constant 0 : i32
      %dma_wait3A_318 = tpu.memref_slice %arg7[%dma_wait3A_313, %dma_wait3A_317] : memref<160x128xi32, #tpu.memory_space<vmem>> -> memref<1x128xi32, #tpu.memory_space<vmem>>
      %dma_wait3A_319 = tpu.memref_squeeze %dma_wait3A_318 : memref<1x128xi32, #tpu.memory_space<vmem>> -> memref<128xi32, #tpu.memory_space<vmem>>
      %dma_wait3A_320 = arith.constant 0 : i32
      %dma_wait3A_321 = arith.constant 0 : i32
      %dma_wait3A_322 = tpu.memref_slice %arg2[%arg0, %dma_wait3A_320, %dma_wait3A_321] : memref<2x10000x64xbf16, #tpu.memory_space<hbm>> -> memref<1x10000x64xbf16, #tpu.memory_space<hbm>>
      %dma_wait3A_323 = tpu.memref_squeeze %dma_wait3A_322 : memref<1x10000x64xbf16, #tpu.memory_space<hbm>> -> memref<10000x64xbf16, #tpu.memory_space<hbm>>
      %dma_wait3A_324 = arith.constant 0 : i32
      %dma_wait3A_325 = arith.constant 0 : i32
      %dma_wait3A_326 = tpu.memref_slice %dma_wait3A_323[%dma_wait3A_324, %dma_wait3A_325] : memref<10000x64xbf16, #tpu.memory_space<hbm>> -> memref<10000x64xbf16, #tpu.memory_space<hbm>>
      tpu.wait_indirect_dma semaphore(%arg14 : memref<!tpu.dma_semaphore, #tpu.memory_space<semaphore_mem>>) src(%dma_wait3A_326 : memref<10000x64xbf16, #tpu.memory_space<hbm>>) dst(%dma_wait3A_316 : memref<128x64xbf16, #tpu.memory_space<vmem>>)
      %dma_wait3A_327 = arith.constant 0 : i32
      %dma_wait3A_328 = arith.constant 640 : i32
      %dma_wait3A_329 = arith.constant 0 : i32
      %dma_wait3A_330 = tpu.memref_slice %arg9[%dma_wait3A_328, %dma_wait3A_329] : memref<1024x64xbf16, #tpu.memory_space<vmem>> -> memref<128x64xbf16, #tpu.memory_space<vmem>>
      %dma_wait3A_331 = arith.constant 0 : i32
      %dma_wait3A_332 = tpu.memref_slice %arg7[%dma_wait3A_327, %dma_wait3A_331] : memref<160x128xi32, #tpu.memory_space<vmem>> -> memref<1x128xi32, #tpu.memory_space<vmem>>
      %dma_wait3A_333 = tpu.memref_squeeze %dma_wait3A_332 : memref<1x128xi32, #tpu.memory_space<vmem>> -> memref<128xi32, #tpu.memory_space<vmem>>
      %dma_wait3A_334 = arith.constant 0 : i32
      %dma_wait3A_335 = arith.constant 0 : i32
      %dma_wait3A_336 = tpu.memref_slice %arg2[%arg0, %dma_wait3A_334, %dma_wait3A_335] : memref<2x10000x64xbf16, #tpu.memory_space<hbm>> -> memref<1x10000x64xbf16, #tpu.memory_space<hbm>>
      %dma_wait3A_337 = tpu.memref_squeeze %dma_wait3A_336 : memref<1x10000x64xbf16, #tpu.memory_space<hbm>> -> memref<10000x64xbf16, #tpu.memory_space<hbm>>
      %dma_wait3A_338 = arith.constant 0 : i32
      %dma_wait3A_339 = arith.constant 0 : i32
      %dma_wait3A_340 = tpu.memref_slice %dma_wait3A_337[%dma_wait3A_338, %dma_wait3A_339] : memref<10000x64xbf16, #tpu.memory_space<hbm>> -> memref<10000x64xbf16, #tpu.memory_space<hbm>>
      tpu.wait_indirect_dma semaphore(%arg14 : memref<!tpu.dma_semaphore, #tpu.memory_space<semaphore_mem>>) src(%dma_wait3A_340 : memref<10000x64xbf16, #tpu.memory_space<hbm>>) dst(%dma_wait3A_330 : memref<128x64xbf16, #tpu.memory_space<vmem>>)
      %dma_wait3A_341 = arith.constant 0 : i32
      %dma_wait3A_342 = arith.constant 768 : i32
      %dma_wait3A_343 = arith.constant 0 : i32
      %dma_wait3A_344 = tpu.memref_slice %arg9[%dma_wait3A_342, %dma_wait3A_343] : memref<1024x64xbf16, #tpu.memory_space<vmem>> -> memref<128x64xbf16, #tpu.memory_space<vmem>>
      %dma_wait3A_345 = arith.constant 0 : i32
      %dma_wait3A_346 = tpu.memref_slice %arg7[%dma_wait3A_341, %dma_wait3A_345] : memref<160x128xi32, #tpu.memory_space<vmem>> -> memref<1x128xi32, #tpu.memory_space<vmem>>
      %dma_wait3A_347 = tpu.memref_squeeze %dma_wait3A_346 : memref<1x128xi32, #tpu.memory_space<vmem>> -> memref<128xi32, #tpu.memory_space<vmem>>
      %dma_wait3A_348 = arith.constant 0 : i32
      %dma_wait3A_349 = arith.constant 0 : i32
      %dma_wait3A_350 = tpu.memref_slice %arg2[%arg0, %dma_wait3A_348, %dma_wait3A_349] : memref<2x10000x64xbf16, #tpu.memory_space<hbm>> -> memref<1x10000x64xbf16, #tpu.memory_space<hbm>>
      %dma_wait3A_351 = tpu.memref_squeeze %dma_wait3A_350 : memref<1x10000x64xbf16, #tpu.memory_space<hbm>> -> memref<10000x64xbf16, #tpu.memory_space<hbm>>
      %dma_wait3A_352 = arith.constant 0 : i32
      %dma_wait3A_353 = arith.constant 0 : i32
      %dma_wait3A_354 = tpu.memref_slice %dma_wait3A_351[%dma_wait3A_352, %dma_wait3A_353] : memref<10000x64xbf16, #tpu.memory_space<hbm>> -> memref<10000x64xbf16, #tpu.memory_space<hbm>>
      tpu.wait_indirect_dma semaphore(%arg14 : memref<!tpu.dma_semaphore, #tpu.memory_space<semaphore_mem>>) src(%dma_wait3A_354 : memref<10000x64xbf16, #tpu.memory_space<hbm>>) dst(%dma_wait3A_344 : memref<128x64xbf16, #tpu.memory_space<vmem>>)
      %dma_wait3A_355 = arith.constant 0 : i32
      %dma_wait3A_356 = arith.constant 896 : i32
      %dma_wait3A_357 = arith.constant 0 : i32
      %dma_wait3A_358 = tpu.memref_slice %arg9[%dma_wait3A_356, %dma_wait3A_357] : memref<1024x64xbf16, #tpu.memory_space<vmem>> -> memref<128x64xbf16, #tpu.memory_space<vmem>>
      %dma_wait3A_359 = arith.constant 0 : i32
      %dma_wait3A_360 = tpu.memref_slice %arg7[%dma_wait3A_355, %dma_wait3A_359] : memref<160x128xi32, #tpu.memory_space<vmem>> -> memref<1x128xi32, #tpu.memory_space<vmem>>
      %dma_wait3A_361 = tpu.memref_squeeze %dma_wait3A_360 : memref<1x128xi32, #tpu.memory_space<vmem>> -> memref<128xi32, #tpu.memory_space<vmem>>
      %dma_wait3A_362 = arith.constant 0 : i32
      %dma_wait3A_363 = arith.constant 0 : i32
      %dma_wait3A_364 = tpu.memref_slice %arg2[%arg0, %dma_wait3A_362, %dma_wait3A_363] : memref<2x10000x64xbf16, #tpu.memory_space<hbm>> -> memref<1x10000x64xbf16, #tpu.memory_space<hbm>>
      %dma_wait3A_365 = tpu.memref_squeeze %dma_wait3A_364 : memref<1x10000x64xbf16, #tpu.memory_space<hbm>> -> memref<10000x64xbf16, #tpu.memory_space<hbm>>
      %dma_wait3A_366 = arith.constant 0 : i32
      %dma_wait3A_367 = arith.constant 0 : i32
      %dma_wait3A_368 = tpu.memref_slice %dma_wait3A_365[%dma_wait3A_366, %dma_wait3A_367] : memref<10000x64xbf16, #tpu.memory_space<hbm>> -> memref<10000x64xbf16, #tpu.memory_space<hbm>>
      tpu.wait_indirect_dma semaphore(%arg14 : memref<!tpu.dma_semaphore, #tpu.memory_space<semaphore_mem>>) src(%dma_wait3A_368 : memref<10000x64xbf16, #tpu.memory_space<hbm>>) dst(%dma_wait3A_358 : memref<128x64xbf16, #tpu.memory_space<vmem>>)
      %ge3A_369 = arith.constant 1 : i32
      %ge3A_370 = arith.cmpi sge, %add3A_312, %ge3A_369 : i32
      %convert_element_type3A_371 = arith.extui %ge3A_370 : i1 to i32
      %cond3A_372 = arith.constant 0 : i32
      %cond3A_373 = arith.cmpi ne, %convert_element_type3A_371, %cond3A_372 : i32
      scf.if %cond3A_373 {
        %dma_wait3A_450 = arith.constant 0 : i32
        %dma_wait3A_451 = arith.constant 0 : i32
        %dma_wait3A_452 = arith.constant 0 : i32
        %dma_wait3A_453 = tpu.memref_slice %arg9[%dma_wait3A_451, %dma_wait3A_452] : memref<1024x64xbf16, #tpu.memory_space<vmem>> -> memref<128x64xbf16, #tpu.memory_space<vmem>>
        %dma_wait3A_454 = arith.constant 0 : i32
        %dma_wait3A_455 = tpu.memref_slice %arg8[%dma_wait3A_450, %dma_wait3A_454] : memref<160x128xi32, #tpu.memory_space<vmem>> -> memref<1x128xi32, #tpu.memory_space<vmem>>
        %dma_wait3A_456 = tpu.memref_squeeze %dma_wait3A_455 : memref<1x128xi32, #tpu.memory_space<vmem>> -> memref<128xi32, #tpu.memory_space<vmem>>
        %dma_wait3A_457 = arith.constant 0 : i32
        %dma_wait3A_458 = arith.constant 0 : i32
        %dma_wait3A_459 = tpu.memref_slice %arg12[%dma_wait3A_457, %dma_wait3A_458] : memref<10240x64xbf16, #tpu.memory_space<vmem_shared>> -> memref<10240x64xbf16, #tpu.memory_space<vmem_shared>>
        tpu.wait_indirect_dma semaphore(%arg15 : memref<!tpu.dma_semaphore, #tpu.memory_space<semaphore_mem>>) src(%dma_wait3A_453 : memref<128x64xbf16, #tpu.memory_space<vmem>>) dst(%dma_wait3A_459 : memref<10240x64xbf16, #tpu.memory_space<vmem_shared>>)
        %dma_wait3A_460 = arith.constant 0 : i32
        %dma_wait3A_461 = arith.constant 128 : i32
        %dma_wait3A_462 = arith.constant 0 : i32
        %dma_wait3A_463 = tpu.memref_slice %arg9[%dma_wait3A_461, %dma_wait3A_462] : memref<1024x64xbf16, #tpu.memory_space<vmem>> -> memref<128x64xbf16, #tpu.memory_space<vmem>>
        %dma_wait3A_464 = arith.constant 0 : i32
        %dma_wait3A_465 = tpu.memref_slice %arg8[%dma_wait3A_460, %dma_wait3A_464] : memref<160x128xi32, #tpu.memory_space<vmem>> -> memref<1x128xi32, #tpu.memory_space<vmem>>
        %dma_wait3A_466 = tpu.memref_squeeze %dma_wait3A_465 : memref<1x128xi32, #tpu.memory_space<vmem>> -> memref<128xi32, #tpu.memory_space<vmem>>
        %dma_wait3A_467 = arith.constant 0 : i32
        %dma_wait3A_468 = arith.constant 0 : i32
        %dma_wait3A_469 = tpu.memref_slice %arg12[%dma_wait3A_467, %dma_wait3A_468] : memref<10240x64xbf16, #tpu.memory_space<vmem_shared>> -> memref<10240x64xbf16, #tpu.memory_space<vmem_shared>>
        tpu.wait_indirect_dma semaphore(%arg15 : memref<!tpu.dma_semaphore, #tpu.memory_space<semaphore_mem>>) src(%dma_wait3A_463 : memref<128x64xbf16, #tpu.memory_space<vmem>>) dst(%dma_wait3A_469 : memref<10240x64xbf16, #tpu.memory_space<vmem_shared>>)
        %dma_wait3A_470 = arith.constant 0 : i32
        %dma_wait3A_471 = arith.constant 256 : i32
        %dma_wait3A_472 = arith.constant 0 : i32
        %dma_wait3A_473 = tpu.memref_slice %arg9[%dma_wait3A_471, %dma_wait3A_472] : memref<1024x64xbf16, #tpu.memory_space<vmem>> -> memref<128x64xbf16, #tpu.memory_space<vmem>>
        %dma_wait3A_474 = arith.constant 0 : i32
        %dma_wait3A_475 = tpu.memref_slice %arg8[%dma_wait3A_470, %dma_wait3A_474] : memref<160x128xi32, #tpu.memory_space<vmem>> -> memref<1x128xi32, #tpu.memory_space<vmem>>
        %dma_wait3A_476 = tpu.memref_squeeze %dma_wait3A_475 : memref<1x128xi32, #tpu.memory_space<vmem>> -> memref<128xi32, #tpu.memory_space<vmem>>
        %dma_wait3A_477 = arith.constant 0 : i32
        %dma_wait3A_478 = arith.constant 0 : i32
        %dma_wait3A_479 = tpu.memref_slice %arg12[%dma_wait3A_477, %dma_wait3A_478] : memref<10240x64xbf16, #tpu.memory_space<vmem_shared>> -> memref<10240x64xbf16, #tpu.memory_space<vmem_shared>>
        tpu.wait_indirect_dma semaphore(%arg15 : memref<!tpu.dma_semaphore, #tpu.memory_space<semaphore_mem>>) src(%dma_wait3A_473 : memref<128x64xbf16, #tpu.memory_space<vmem>>) dst(%dma_wait3A_479 : memref<10240x64xbf16, #tpu.memory_space<vmem_shared>>)
        %dma_wait3A_480 = arith.constant 0 : i32
        %dma_wait3A_481 = arith.constant 384 : i32
        %dma_wait3A_482 = arith.constant 0 : i32
        %dma_wait3A_483 = tpu.memref_slice %arg9[%dma_wait3A_481, %dma_wait3A_482] : memref<1024x64xbf16, #tpu.memory_space<vmem>> -> memref<128x64xbf16, #tpu.memory_space<vmem>>
        %dma_wait3A_484 = arith.constant 0 : i32
        %dma_wait3A_485 = tpu.memref_slice %arg8[%dma_wait3A_480, %dma_wait3A_484] : memref<160x128xi32, #tpu.memory_space<vmem>> -> memref<1x128xi32, #tpu.memory_space<vmem>>
        %dma_wait3A_486 = tpu.memref_squeeze %dma_wait3A_485 : memref<1x128xi32, #tpu.memory_space<vmem>> -> memref<128xi32, #tpu.memory_space<vmem>>
        %dma_wait3A_487 = arith.constant 0 : i32
        %dma_wait3A_488 = arith.constant 0 : i32
        %dma_wait3A_489 = tpu.memref_slice %arg12[%dma_wait3A_487, %dma_wait3A_488] : memref<10240x64xbf16, #tpu.memory_space<vmem_shared>> -> memref<10240x64xbf16, #tpu.memory_space<vmem_shared>>
        tpu.wait_indirect_dma semaphore(%arg15 : memref<!tpu.dma_semaphore, #tpu.memory_space<semaphore_mem>>) src(%dma_wait3A_483 : memref<128x64xbf16, #tpu.memory_space<vmem>>) dst(%dma_wait3A_489 : memref<10240x64xbf16, #tpu.memory_space<vmem_shared>>)
      } else {
      }
      %ge3A_374 = arith.constant 1 : i32
      %ge3A_375 = arith.cmpi sge, %add3A_312, %ge3A_374 : i32
      %sub3A_376 = arith.constant 1 : i32
      %sub3A_377 = arith.subi %add3A_312, %sub3A_376 : i32
      %and3A_378 = arith.constant 1 : i32
      %and3A_379 = arith.andi %sub3A_377, %and3A_378 : i32
      %eq3A_380 = arith.cmpi eq, %and3A_379, %arg0 : i32
      %and3A_381 = arith.andi %ge3A_375, %eq3A_380 : i1
      %convert_element_type3A_382 = arith.extui %and3A_381 : i1 to i32
      %cond3A_383 = arith.constant 0 : i32
      %cond3A_384 = arith.cmpi ne, %convert_element_type3A_382, %cond3A_383 : i32
      scf.if %cond3A_384 {
        %dma_wait3A_450 = arith.constant 0 : i32
        %dma_wait3A_451 = arith.constant 0 : i32
        %dma_wait3A_452 = tpu.memref_slice %arg8[%dma_wait3A_450, %dma_wait3A_451] : memref<160x128xi32, #tpu.memory_space<vmem>> -> memref<1x128xi32, #tpu.memory_space<vmem>>
        %dma_wait3A_453 = tpu.memref_squeeze %dma_wait3A_452 : memref<1x128xi32, #tpu.memory_space<vmem>> -> memref<128xi32, #tpu.memory_space<vmem>>
        %dma_wait3A_454 = arith.constant 0 : i32
        %dma_wait3A_455 = arith.constant 0 : i32
        %dma_wait3A_456 = tpu.memref_slice %arg13[%dma_wait3A_454, %dma_wait3A_455] : memref<10240x16xf32, #tpu.memory_space<vmem_shared>> -> memref<10240x16xf32, #tpu.memory_space<vmem_shared>>
        tpu.wait_indirect_dma semaphore(%arg17 : memref<!tpu.dma_semaphore, #tpu.memory_space<semaphore_mem>>) src(%arg10 : memref<128x16xf32, #tpu.memory_space<vmem>>) dst(%dma_wait3A_456 : memref<10240x16xf32, #tpu.memory_space<vmem_shared>>)
        %dma_wait3A_457 = arith.constant 0 : i32
        %dma_wait3A_458 = arith.constant 0 : i32
        %dma_wait3A_459 = tpu.memref_slice %arg8[%dma_wait3A_457, %dma_wait3A_458] : memref<160x128xi32, #tpu.memory_space<vmem>> -> memref<1x128xi32, #tpu.memory_space<vmem>>
        %dma_wait3A_460 = tpu.memref_squeeze %dma_wait3A_459 : memref<1x128xi32, #tpu.memory_space<vmem>> -> memref<128xi32, #tpu.memory_space<vmem>>
        %dma_wait3A_461 = arith.constant 0 : i32
        %dma_wait3A_462 = arith.constant 0 : i32
        %dma_wait3A_463 = tpu.memref_slice %arg13[%dma_wait3A_461, %dma_wait3A_462] : memref<10240x16xf32, #tpu.memory_space<vmem_shared>> -> memref<10240x16xf32, #tpu.memory_space<vmem_shared>>
        tpu.wait_indirect_dma semaphore(%arg17 : memref<!tpu.dma_semaphore, #tpu.memory_space<semaphore_mem>>) src(%arg10 : memref<128x16xf32, #tpu.memory_space<vmem>>) dst(%dma_wait3A_463 : memref<10240x16xf32, #tpu.memory_space<vmem_shared>>)
        %dma_wait3A_464 = arith.constant 0 : i32
        %dma_wait3A_465 = arith.constant 0 : i32
        %dma_wait3A_466 = tpu.memref_slice %arg8[%dma_wait3A_464, %dma_wait3A_465] : memref<160x128xi32, #tpu.memory_space<vmem>> -> memref<1x128xi32, #tpu.memory_space<vmem>>
        %dma_wait3A_467 = tpu.memref_squeeze %dma_wait3A_466 : memref<1x128xi32, #tpu.memory_space<vmem>> -> memref<128xi32, #tpu.memory_space<vmem>>
        %dma_wait3A_468 = arith.constant 0 : i32
        %dma_wait3A_469 = arith.constant 0 : i32
        %dma_wait3A_470 = tpu.memref_slice %arg13[%dma_wait3A_468, %dma_wait3A_469] : memref<10240x16xf32, #tpu.memory_space<vmem_shared>> -> memref<10240x16xf32, #tpu.memory_space<vmem_shared>>
        tpu.wait_indirect_dma semaphore(%arg17 : memref<!tpu.dma_semaphore, #tpu.memory_space<semaphore_mem>>) src(%arg10 : memref<128x16xf32, #tpu.memory_space<vmem>>) dst(%dma_wait3A_470 : memref<10240x16xf32, #tpu.memory_space<vmem_shared>>)
        %dma_wait3A_471 = arith.constant 0 : i32
        %dma_wait3A_472 = arith.constant 0 : i32
        %dma_wait3A_473 = tpu.memref_slice %arg8[%dma_wait3A_471, %dma_wait3A_472] : memref<160x128xi32, #tpu.memory_space<vmem>> -> memref<1x128xi32, #tpu.memory_space<vmem>>
        %dma_wait3A_474 = tpu.memref_squeeze %dma_wait3A_473 : memref<1x128xi32, #tpu.memory_space<vmem>> -> memref<128xi32, #tpu.memory_space<vmem>>
        %dma_wait3A_475 = arith.constant 0 : i32
        %dma_wait3A_476 = arith.constant 0 : i32
        %dma_wait3A_477 = tpu.memref_slice %arg13[%dma_wait3A_475, %dma_wait3A_476] : memref<10240x16xf32, #tpu.memory_space<vmem_shared>> -> memref<10240x16xf32, #tpu.memory_space<vmem_shared>>
        tpu.wait_indirect_dma semaphore(%arg17 : memref<!tpu.dma_semaphore, #tpu.memory_space<semaphore_mem>>) src(%arg10 : memref<128x16xf32, #tpu.memory_space<vmem>>) dst(%dma_wait3A_477 : memref<10240x16xf32, #tpu.memory_space<vmem_shared>>)
      } else {
      }
      %add3A_385 = arith.constant 1 : i32
      %add3A_386 = arith.addi %add3A_312, %add3A_385 : i32
      %lt3A_387 = arith.constant 40 : i32
      %lt3A_388 = arith.cmpi slt, %add3A_386, %lt3A_387 : i32
      %convert_element_type3A_389 = arith.extui %lt3A_388 : i1 to i32
      %cond3A_390 = arith.constant 0 : i32
      %cond3A_391 = arith.cmpi ne, %convert_element_type3A_389, %cond3A_390 : i32
      scf.if %cond3A_391 {
        %add3A_450 = arith.constant 1 : i32
        %add3A_451 = arith.addi %add3A_312, %add3A_450 : i32
        %mul3A_452 = arith.constant 4 : i32
        %mul3A_453 = arith.muli %add3A_451, %mul3A_452 : i32
        %add3A_454 = arith.constant 0 : i32
        %add3A_455 = arith.addi %mul3A_453, %add3A_454 : i32
        %dma_start3A_456 = arith.constant 0 : i32
        %dma_start3A_457 = arith.constant 0 : i32
        %dma_start3A_458 = tpu.memref_slice %arg9[%dma_start3A_456, %dma_start3A_457] : memref<1024x64xbf16, #tpu.memory_space<vmem>> -> memref<128x64xbf16, #tpu.memory_space<vmem>>
        %dma_start3A_459 = arith.constant 0 : i32
        %dma_start3A_460 = tpu.memref_slice %arg7[%add3A_455, %dma_start3A_459] : memref<160x128xi32, #tpu.memory_space<vmem>> -> memref<1x128xi32, #tpu.memory_space<vmem>>
        %dma_start3A_461 = tpu.memref_squeeze %dma_start3A_460 : memref<1x128xi32, #tpu.memory_space<vmem>> -> memref<128xi32, #tpu.memory_space<vmem>>
        %dma_start3A_462 = arith.constant 0 : i32
        %dma_start3A_463 = arith.constant 0 : i32
        %dma_start3A_464 = tpu.memref_slice %arg2[%arg0, %dma_start3A_462, %dma_start3A_463] : memref<2x10000x64xbf16, #tpu.memory_space<hbm>> -> memref<1x10000x64xbf16, #tpu.memory_space<hbm>>
        %dma_start3A_465 = tpu.memref_squeeze %dma_start3A_464 : memref<1x10000x64xbf16, #tpu.memory_space<hbm>> -> memref<10000x64xbf16, #tpu.memory_space<hbm>>
        %dma_start3A_466 = arith.constant 0 : i32
        %dma_start3A_467 = arith.constant 0 : i32
        %dma_start3A_468 = tpu.memref_slice %dma_start3A_465[%dma_start3A_466, %dma_start3A_467] : memref<10000x64xbf16, #tpu.memory_space<hbm>> -> memref<10000x64xbf16, #tpu.memory_space<hbm>>
        tpu.enqueue_indirect_dma source(%dma_start3A_468 : memref<10000x64xbf16, #tpu.memory_space<hbm>>) target(%dma_start3A_458 : memref<128x64xbf16, #tpu.memory_space<vmem>>) offsets(%dma_start3A_461 : memref<128xi32, #tpu.memory_space<vmem>>) semaphore(%arg14 : memref<!tpu.dma_semaphore, #tpu.memory_space<semaphore_mem>>)
        %mul3A_469 = arith.constant 4 : i32
        %mul3A_470 = arith.muli %add3A_451, %mul3A_469 : i32
        %add3A_471 = arith.constant 1 : i32
        %add3A_472 = arith.addi %mul3A_470, %add3A_471 : i32
        %dma_start3A_473 = arith.constant 128 : i32
        %dma_start3A_474 = arith.constant 0 : i32
        %dma_start3A_475 = tpu.memref_slice %arg9[%dma_start3A_473, %dma_start3A_474] : memref<1024x64xbf16, #tpu.memory_space<vmem>> -> memref<128x64xbf16, #tpu.memory_space<vmem>>
        %dma_start3A_476 = arith.constant 0 : i32
        %dma_start3A_477 = tpu.memref_slice %arg7[%add3A_472, %dma_start3A_476] : memref<160x128xi32, #tpu.memory_space<vmem>> -> memref<1x128xi32, #tpu.memory_space<vmem>>
        %dma_start3A_478 = tpu.memref_squeeze %dma_start3A_477 : memref<1x128xi32, #tpu.memory_space<vmem>> -> memref<128xi32, #tpu.memory_space<vmem>>
        %dma_start3A_479 = arith.constant 0 : i32
        %dma_start3A_480 = arith.constant 0 : i32
        %dma_start3A_481 = tpu.memref_slice %arg2[%arg0, %dma_start3A_479, %dma_start3A_480] : memref<2x10000x64xbf16, #tpu.memory_space<hbm>> -> memref<1x10000x64xbf16, #tpu.memory_space<hbm>>
        %dma_start3A_482 = tpu.memref_squeeze %dma_start3A_481 : memref<1x10000x64xbf16, #tpu.memory_space<hbm>> -> memref<10000x64xbf16, #tpu.memory_space<hbm>>
        %dma_start3A_483 = arith.constant 0 : i32
        %dma_start3A_484 = arith.constant 0 : i32
        %dma_start3A_485 = tpu.memref_slice %dma_start3A_482[%dma_start3A_483, %dma_start3A_484] : memref<10000x64xbf16, #tpu.memory_space<hbm>> -> memref<10000x64xbf16, #tpu.memory_space<hbm>>
        tpu.enqueue_indirect_dma source(%dma_start3A_485 : memref<10000x64xbf16, #tpu.memory_space<hbm>>) target(%dma_start3A_475 : memref<128x64xbf16, #tpu.memory_space<vmem>>) offsets(%dma_start3A_478 : memref<128xi32, #tpu.memory_space<vmem>>) semaphore(%arg14 : memref<!tpu.dma_semaphore, #tpu.memory_space<semaphore_mem>>)
        %mul3A_486 = arith.constant 4 : i32
        %mul3A_487 = arith.muli %add3A_451, %mul3A_486 : i32
        %add3A_488 = arith.constant 2 : i32
        %add3A_489 = arith.addi %mul3A_487, %add3A_488 : i32
        %dma_start3A_490 = arith.constant 256 : i32
        %dma_start3A_491 = arith.constant 0 : i32
        %dma_start3A_492 = tpu.memref_slice %arg9[%dma_start3A_490, %dma_start3A_491] : memref<1024x64xbf16, #tpu.memory_space<vmem>> -> memref<128x64xbf16, #tpu.memory_space<vmem>>
        %dma_start3A_493 = arith.constant 0 : i32
        %dma_start3A_494 = tpu.memref_slice %arg7[%add3A_489, %dma_start3A_493] : memref<160x128xi32, #tpu.memory_space<vmem>> -> memref<1x128xi32, #tpu.memory_space<vmem>>
        %dma_start3A_495 = tpu.memref_squeeze %dma_start3A_494 : memref<1x128xi32, #tpu.memory_space<vmem>> -> memref<128xi32, #tpu.memory_space<vmem>>
        %dma_start3A_496 = arith.constant 0 : i32
        %dma_start3A_497 = arith.constant 0 : i32
        %dma_start3A_498 = tpu.memref_slice %arg2[%arg0, %dma_start3A_496, %dma_start3A_497] : memref<2x10000x64xbf16, #tpu.memory_space<hbm>> -> memref<1x10000x64xbf16, #tpu.memory_space<hbm>>
        %dma_start3A_499 = tpu.memref_squeeze %dma_start3A_498 : memref<1x10000x64xbf16, #tpu.memory_space<hbm>> -> memref<10000x64xbf16, #tpu.memory_space<hbm>>
        %dma_start3A_500 = arith.constant 0 : i32
        %dma_start3A_501 = arith.constant 0 : i32
        %dma_start3A_502 = tpu.memref_slice %dma_start3A_499[%dma_start3A_500, %dma_start3A_501] : memref<10000x64xbf16, #tpu.memory_space<hbm>> -> memref<10000x64xbf16, #tpu.memory_space<hbm>>
        tpu.enqueue_indirect_dma source(%dma_start3A_502 : memref<10000x64xbf16, #tpu.memory_space<hbm>>) target(%dma_start3A_492 : memref<128x64xbf16, #tpu.memory_space<vmem>>) offsets(%dma_start3A_495 : memref<128xi32, #tpu.memory_space<vmem>>) semaphore(%arg14 : memref<!tpu.dma_semaphore, #tpu.memory_space<semaphore_mem>>)
        %mul3A_503 = arith.constant 4 : i32
        %mul3A_504 = arith.muli %add3A_451, %mul3A_503 : i32
        %add3A_505 = arith.constant 3 : i32
        %add3A_506 = arith.addi %mul3A_504, %add3A_505 : i32
        %dma_start3A_507 = arith.constant 384 : i32
        %dma_start3A_508 = arith.constant 0 : i32
        %dma_start3A_509 = tpu.memref_slice %arg9[%dma_start3A_507, %dma_start3A_508] : memref<1024x64xbf16, #tpu.memory_space<vmem>> -> memref<128x64xbf16, #tpu.memory_space<vmem>>
        %dma_start3A_510 = arith.constant 0 : i32
        %dma_start3A_511 = tpu.memref_slice %arg7[%add3A_506, %dma_start3A_510] : memref<160x128xi32, #tpu.memory_space<vmem>> -> memref<1x128xi32, #tpu.memory_space<vmem>>
        %dma_start3A_512 = tpu.memref_squeeze %dma_start3A_511 : memref<1x128xi32, #tpu.memory_space<vmem>> -> memref<128xi32, #tpu.memory_space<vmem>>
        %dma_start3A_513 = arith.constant 0 : i32
        %dma_start3A_514 = arith.constant 0 : i32
        %dma_start3A_515 = tpu.memref_slice %arg2[%arg0, %dma_start3A_513, %dma_start3A_514] : memref<2x10000x64xbf16, #tpu.memory_space<hbm>> -> memref<1x10000x64xbf16, #tpu.memory_space<hbm>>
        %dma_start3A_516 = tpu.memref_squeeze %dma_start3A_515 : memref<1x10000x64xbf16, #tpu.memory_space<hbm>> -> memref<10000x64xbf16, #tpu.memory_space<hbm>>
        %dma_start3A_517 = arith.constant 0 : i32
        %dma_start3A_518 = arith.constant 0 : i32
        %dma_start3A_519 = tpu.memref_slice %dma_start3A_516[%dma_start3A_517, %dma_start3A_518] : memref<10000x64xbf16, #tpu.memory_space<hbm>> -> memref<10000x64xbf16, #tpu.memory_space<hbm>>
        tpu.enqueue_indirect_dma source(%dma_start3A_519 : memref<10000x64xbf16, #tpu.memory_space<hbm>>) target(%dma_start3A_509 : memref<128x64xbf16, #tpu.memory_space<vmem>>) offsets(%dma_start3A_512 : memref<128xi32, #tpu.memory_space<vmem>>) semaphore(%arg14 : memref<!tpu.dma_semaphore, #tpu.memory_space<semaphore_mem>>)
      } else {
      }
      %mul3A_392 = arith.constant 4 : i32
      %mul3A_393 = arith.muli %add3A_312, %mul3A_392 : i32
      %add3A_394 = arith.constant 0 : i32
      %add3A_395 = arith.addi %mul3A_393, %add3A_394 : i32
      %dma_start3A_396 = arith.constant 512 : i32
      %dma_start3A_397 = arith.constant 0 : i32
      %dma_start3A_398 = tpu.memref_slice %arg9[%dma_start3A_396, %dma_start3A_397] : memref<1024x64xbf16, #tpu.memory_space<vmem>> -> memref<128x64xbf16, #tpu.memory_space<vmem>>
      %dma_start3A_399 = arith.constant 0 : i32
      %dma_start3A_400 = tpu.memref_slice %arg8[%add3A_395, %dma_start3A_399] : memref<160x128xi32, #tpu.memory_space<vmem>> -> memref<1x128xi32, #tpu.memory_space<vmem>>
      %dma_start3A_401 = tpu.memref_squeeze %dma_start3A_400 : memref<1x128xi32, #tpu.memory_space<vmem>> -> memref<128xi32, #tpu.memory_space<vmem>>
      %dma_start3A_402 = arith.constant 0 : i32
      %dma_start3A_403 = arith.constant 0 : i32
      %dma_start3A_404 = tpu.memref_slice %arg12[%dma_start3A_402, %dma_start3A_403] : memref<10240x64xbf16, #tpu.memory_space<vmem_shared>> -> memref<10240x64xbf16, #tpu.memory_space<vmem_shared>>
      tpu.enqueue_indirect_dma source(%dma_start3A_398 : memref<128x64xbf16, #tpu.memory_space<vmem>>) target(%dma_start3A_404 : memref<10240x64xbf16, #tpu.memory_space<vmem_shared>>) offsets(%dma_start3A_401 : memref<128xi32, #tpu.memory_space<vmem>>) semaphore(%arg16 : memref<!tpu.dma_semaphore, #tpu.memory_space<semaphore_mem>>) {add = true}
      %mul3A_405 = arith.constant 4 : i32
      %mul3A_406 = arith.muli %add3A_312, %mul3A_405 : i32
      %add3A_407 = arith.constant 1 : i32
      %add3A_408 = arith.addi %mul3A_406, %add3A_407 : i32
      %dma_start3A_409 = arith.constant 640 : i32
      %dma_start3A_410 = arith.constant 0 : i32
      %dma_start3A_411 = tpu.memref_slice %arg9[%dma_start3A_409, %dma_start3A_410] : memref<1024x64xbf16, #tpu.memory_space<vmem>> -> memref<128x64xbf16, #tpu.memory_space<vmem>>
      %dma_start3A_412 = arith.constant 0 : i32
      %dma_start3A_413 = tpu.memref_slice %arg8[%add3A_408, %dma_start3A_412] : memref<160x128xi32, #tpu.memory_space<vmem>> -> memref<1x128xi32, #tpu.memory_space<vmem>>
      %dma_start3A_414 = tpu.memref_squeeze %dma_start3A_413 : memref<1x128xi32, #tpu.memory_space<vmem>> -> memref<128xi32, #tpu.memory_space<vmem>>
      %dma_start3A_415 = arith.constant 0 : i32
      %dma_start3A_416 = arith.constant 0 : i32
      %dma_start3A_417 = tpu.memref_slice %arg12[%dma_start3A_415, %dma_start3A_416] : memref<10240x64xbf16, #tpu.memory_space<vmem_shared>> -> memref<10240x64xbf16, #tpu.memory_space<vmem_shared>>
      tpu.enqueue_indirect_dma source(%dma_start3A_411 : memref<128x64xbf16, #tpu.memory_space<vmem>>) target(%dma_start3A_417 : memref<10240x64xbf16, #tpu.memory_space<vmem_shared>>) offsets(%dma_start3A_414 : memref<128xi32, #tpu.memory_space<vmem>>) semaphore(%arg16 : memref<!tpu.dma_semaphore, #tpu.memory_space<semaphore_mem>>) {add = true}
      %mul3A_418 = arith.constant 4 : i32
      %mul3A_419 = arith.muli %add3A_312, %mul3A_418 : i32
      %add3A_420 = arith.constant 2 : i32
      %add3A_421 = arith.addi %mul3A_419, %add3A_420 : i32
      %dma_start3A_422 = arith.constant 768 : i32
      %dma_start3A_423 = arith.constant 0 : i32
      %dma_start3A_424 = tpu.memref_slice %arg9[%dma_start3A_422, %dma_start3A_423] : memref<1024x64xbf16, #tpu.memory_space<vmem>> -> memref<128x64xbf16, #tpu.memory_space<vmem>>
      %dma_start3A_425 = arith.constant 0 : i32
      %dma_start3A_426 = tpu.memref_slice %arg8[%add3A_421, %dma_start3A_425] : memref<160x128xi32, #tpu.memory_space<vmem>> -> memref<1x128xi32, #tpu.memory_space<vmem>>
      %dma_start3A_427 = tpu.memref_squeeze %dma_start3A_426 : memref<1x128xi32, #tpu.memory_space<vmem>> -> memref<128xi32, #tpu.memory_space<vmem>>
      %dma_start3A_428 = arith.constant 0 : i32
      %dma_start3A_429 = arith.constant 0 : i32
      %dma_start3A_430 = tpu.memref_slice %arg12[%dma_start3A_428, %dma_start3A_429] : memref<10240x64xbf16, #tpu.memory_space<vmem_shared>> -> memref<10240x64xbf16, #tpu.memory_space<vmem_shared>>
      tpu.enqueue_indirect_dma source(%dma_start3A_424 : memref<128x64xbf16, #tpu.memory_space<vmem>>) target(%dma_start3A_430 : memref<10240x64xbf16, #tpu.memory_space<vmem_shared>>) offsets(%dma_start3A_427 : memref<128xi32, #tpu.memory_space<vmem>>) semaphore(%arg16 : memref<!tpu.dma_semaphore, #tpu.memory_space<semaphore_mem>>) {add = true}
      %mul3A_431 = arith.constant 4 : i32
      %mul3A_432 = arith.muli %add3A_312, %mul3A_431 : i32
      %add3A_433 = arith.constant 3 : i32
      %add3A_434 = arith.addi %mul3A_432, %add3A_433 : i32
      %dma_start3A_435 = arith.constant 896 : i32
      %dma_start3A_436 = arith.constant 0 : i32
      %dma_start3A_437 = tpu.memref_slice %arg9[%dma_start3A_435, %dma_start3A_436] : memref<1024x64xbf16, #tpu.memory_space<vmem>> -> memref<128x64xbf16, #tpu.memory_space<vmem>>
      %dma_start3A_438 = arith.constant 0 : i32
      %dma_start3A_439 = tpu.memref_slice %arg8[%add3A_434, %dma_start3A_438] : memref<160x128xi32, #tpu.memory_space<vmem>> -> memref<1x128xi32, #tpu.memory_space<vmem>>
      %dma_start3A_440 = tpu.memref_squeeze %dma_start3A_439 : memref<1x128xi32, #tpu.memory_space<vmem>> -> memref<128xi32, #tpu.memory_space<vmem>>
      %dma_start3A_441 = arith.constant 0 : i32
      %dma_start3A_442 = arith.constant 0 : i32
      %dma_start3A_443 = tpu.memref_slice %arg12[%dma_start3A_441, %dma_start3A_442] : memref<10240x64xbf16, #tpu.memory_space<vmem_shared>> -> memref<10240x64xbf16, #tpu.memory_space<vmem_shared>>
      tpu.enqueue_indirect_dma source(%dma_start3A_437 : memref<128x64xbf16, #tpu.memory_space<vmem>>) target(%dma_start3A_443 : memref<10240x64xbf16, #tpu.memory_space<vmem_shared>>) offsets(%dma_start3A_440 : memref<128xi32, #tpu.memory_space<vmem>>) semaphore(%arg16 : memref<!tpu.dma_semaphore, #tpu.memory_space<semaphore_mem>>) {add = true}
      %and3A_444 = arith.constant 1 : i32
      %and3A_445 = arith.andi %add3A_312, %and3A_444 : i32
      %eq3A_446 = arith.cmpi eq, %and3A_445, %arg0 : i32
      %convert_element_type3A_447 = arith.extui %eq3A_446 : i1 to i32
      %cond3A_448 = arith.constant 0 : i32
      %cond3A_449 = arith.cmpi ne, %convert_element_type3A_447, %cond3A_448 : i32
      scf.if %cond3A_449 {
        %mul3A_450 = arith.constant 4 : i32
        %mul3A_451 = arith.muli %add3A_312, %mul3A_450 : i32
        %add3A_452 = arith.constant 0 : i32
        %add3A_453 = arith.addi %mul3A_451, %add3A_452 : i32
        %dma_start3A_454 = arith.constant 0 : i32
        %dma_start3A_455 = tpu.memref_slice %arg8[%add3A_453, %dma_start3A_454] : memref<160x128xi32, #tpu.memory_space<vmem>> -> memref<1x128xi32, #tpu.memory_space<vmem>>
        %dma_start3A_456 = tpu.memref_squeeze %dma_start3A_455 : memref<1x128xi32, #tpu.memory_space<vmem>> -> memref<128xi32, #tpu.memory_space<vmem>>
        %dma_start3A_457 = arith.constant 0 : i32
        %dma_start3A_458 = arith.constant 0 : i32
        %dma_start3A_459 = tpu.memref_slice %arg13[%dma_start3A_457, %dma_start3A_458] : memref<10240x16xf32, #tpu.memory_space<vmem_shared>> -> memref<10240x16xf32, #tpu.memory_space<vmem_shared>>
        tpu.enqueue_indirect_dma source(%arg10 : memref<128x16xf32, #tpu.memory_space<vmem>>) target(%dma_start3A_459 : memref<10240x16xf32, #tpu.memory_space<vmem_shared>>) offsets(%dma_start3A_456 : memref<128xi32, #tpu.memory_space<vmem>>) semaphore(%arg17 : memref<!tpu.dma_semaphore, #tpu.memory_space<semaphore_mem>>) {add = true}
        %mul3A_460 = arith.constant 4 : i32
        %mul3A_461 = arith.muli %add3A_312, %mul3A_460 : i32
        %add3A_462 = arith.constant 1 : i32
        %add3A_463 = arith.addi %mul3A_461, %add3A_462 : i32
        %dma_start3A_464 = arith.constant 0 : i32
        %dma_start3A_465 = tpu.memref_slice %arg8[%add3A_463, %dma_start3A_464] : memref<160x128xi32, #tpu.memory_space<vmem>> -> memref<1x128xi32, #tpu.memory_space<vmem>>
        %dma_start3A_466 = tpu.memref_squeeze %dma_start3A_465 : memref<1x128xi32, #tpu.memory_space<vmem>> -> memref<128xi32, #tpu.memory_space<vmem>>
        %dma_start3A_467 = arith.constant 0 : i32
        %dma_start3A_468 = arith.constant 0 : i32
        %dma_start3A_469 = tpu.memref_slice %arg13[%dma_start3A_467, %dma_start3A_468] : memref<10240x16xf32, #tpu.memory_space<vmem_shared>> -> memref<10240x16xf32, #tpu.memory_space<vmem_shared>>
        tpu.enqueue_indirect_dma source(%arg10 : memref<128x16xf32, #tpu.memory_space<vmem>>) target(%dma_start3A_469 : memref<10240x16xf32, #tpu.memory_space<vmem_shared>>) offsets(%dma_start3A_466 : memref<128xi32, #tpu.memory_space<vmem>>) semaphore(%arg17 : memref<!tpu.dma_semaphore, #tpu.memory_space<semaphore_mem>>) {add = true}
        %mul3A_470 = arith.constant 4 : i32
        %mul3A_471 = arith.muli %add3A_312, %mul3A_470 : i32
        %add3A_472 = arith.constant 2 : i32
        %add3A_473 = arith.addi %mul3A_471, %add3A_472 : i32
        %dma_start3A_474 = arith.constant 0 : i32
        %dma_start3A_475 = tpu.memref_slice %arg8[%add3A_473, %dma_start3A_474] : memref<160x128xi32, #tpu.memory_space<vmem>> -> memref<1x128xi32, #tpu.memory_space<vmem>>
        %dma_start3A_476 = tpu.memref_squeeze %dma_start3A_475 : memref<1x128xi32, #tpu.memory_space<vmem>> -> memref<128xi32, #tpu.memory_space<vmem>>
        %dma_start3A_477 = arith.constant 0 : i32
        %dma_start3A_478 = arith.constant 0 : i32
        %dma_start3A_479 = tpu.memref_slice %arg13[%dma_start3A_477, %dma_start3A_478] : memref<10240x16xf32, #tpu.memory_space<vmem_shared>> -> memref<10240x16xf32, #tpu.memory_space<vmem_shared>>
        tpu.enqueue_indirect_dma source(%arg10 : memref<128x16xf32, #tpu.memory_space<vmem>>) target(%dma_start3A_479 : memref<10240x16xf32, #tpu.memory_space<vmem_shared>>) offsets(%dma_start3A_476 : memref<128xi32, #tpu.memory_space<vmem>>) semaphore(%arg17 : memref<!tpu.dma_semaphore, #tpu.memory_space<semaphore_mem>>) {add = true}
        %mul3A_480 = arith.constant 4 : i32
        %mul3A_481 = arith.muli %add3A_312, %mul3A_480 : i32
        %add3A_482 = arith.constant 3 : i32
        %add3A_483 = arith.addi %mul3A_481, %add3A_482 : i32
        %dma_start3A_484 = arith.constant 0 : i32
        %dma_start3A_485 = tpu.memref_slice %arg8[%add3A_483, %dma_start3A_484] : memref<160x128xi32, #tpu.memory_space<vmem>> -> memref<1x128xi32, #tpu.memory_space<vmem>>
        %dma_start3A_486 = tpu.memref_squeeze %dma_start3A_485 : memref<1x128xi32, #tpu.memory_space<vmem>> -> memref<128xi32, #tpu.memory_space<vmem>>
        %dma_start3A_487 = arith.constant 0 : i32
        %dma_start3A_488 = arith.constant 0 : i32
        %dma_start3A_489 = tpu.memref_slice %arg13[%dma_start3A_487, %dma_start3A_488] : memref<10240x16xf32, #tpu.memory_space<vmem_shared>> -> memref<10240x16xf32, #tpu.memory_space<vmem_shared>>
        tpu.enqueue_indirect_dma source(%arg10 : memref<128x16xf32, #tpu.memory_space<vmem>>) target(%dma_start3A_489 : memref<10240x16xf32, #tpu.memory_space<vmem_shared>>) offsets(%dma_start3A_486 : memref<128xi32, #tpu.memory_space<vmem>>) semaphore(%arg17 : memref<!tpu.dma_semaphore, #tpu.memory_space<semaphore_mem>>) {add = true}
      } else {
      }
    }
    %scan3A_126 = arith.constant 20 : i32
    %dma_wait3A = arith.constant 0 : i32
    %dma_wait3A_127 = arith.constant 512 : i32
    %dma_wait3A_128 = arith.constant 0 : i32
    %dma_wait3A_129 = tpu.memref_slice %arg9[%dma_wait3A_127, %dma_wait3A_128] : memref<1024x64xbf16, #tpu.memory_space<vmem>> -> memref<128x64xbf16, #tpu.memory_space<vmem>>
    %dma_wait3A_130 = arith.constant 0 : i32
    %dma_wait3A_131 = tpu.memref_slice %arg8[%dma_wait3A, %dma_wait3A_130] : memref<160x128xi32, #tpu.memory_space<vmem>> -> memref<1x128xi32, #tpu.memory_space<vmem>>
    %dma_wait3A_132 = tpu.memref_squeeze %dma_wait3A_131 : memref<1x128xi32, #tpu.memory_space<vmem>> -> memref<128xi32, #tpu.memory_space<vmem>>
    %dma_wait3A_133 = arith.constant 0 : i32
    %dma_wait3A_134 = arith.constant 0 : i32
    %dma_wait3A_135 = tpu.memref_slice %arg12[%dma_wait3A_133, %dma_wait3A_134] : memref<10240x64xbf16, #tpu.memory_space<vmem_shared>> -> memref<10240x64xbf16, #tpu.memory_space<vmem_shared>>
    tpu.wait_indirect_dma semaphore(%arg16 : memref<!tpu.dma_semaphore, #tpu.memory_space<semaphore_mem>>) src(%dma_wait3A_129 : memref<128x64xbf16, #tpu.memory_space<vmem>>) dst(%dma_wait3A_135 : memref<10240x64xbf16, #tpu.memory_space<vmem_shared>>)
    %dma_wait3A_136 = arith.constant 0 : i32
    %dma_wait3A_137 = arith.constant 640 : i32
    %dma_wait3A_138 = arith.constant 0 : i32
    %dma_wait3A_139 = tpu.memref_slice %arg9[%dma_wait3A_137, %dma_wait3A_138] : memref<1024x64xbf16, #tpu.memory_space<vmem>> -> memref<128x64xbf16, #tpu.memory_space<vmem>>
    %dma_wait3A_140 = arith.constant 0 : i32
    %dma_wait3A_141 = tpu.memref_slice %arg8[%dma_wait3A_136, %dma_wait3A_140] : memref<160x128xi32, #tpu.memory_space<vmem>> -> memref<1x128xi32, #tpu.memory_space<vmem>>
    %dma_wait3A_142 = tpu.memref_squeeze %dma_wait3A_141 : memref<1x128xi32, #tpu.memory_space<vmem>> -> memref<128xi32, #tpu.memory_space<vmem>>
    %dma_wait3A_143 = arith.constant 0 : i32
    %dma_wait3A_144 = arith.constant 0 : i32
    %dma_wait3A_145 = tpu.memref_slice %arg12[%dma_wait3A_143, %dma_wait3A_144] : memref<10240x64xbf16, #tpu.memory_space<vmem_shared>> -> memref<10240x64xbf16, #tpu.memory_space<vmem_shared>>
    tpu.wait_indirect_dma semaphore(%arg16 : memref<!tpu.dma_semaphore, #tpu.memory_space<semaphore_mem>>) src(%dma_wait3A_139 : memref<128x64xbf16, #tpu.memory_space<vmem>>) dst(%dma_wait3A_145 : memref<10240x64xbf16, #tpu.memory_space<vmem_shared>>)
    %dma_wait3A_146 = arith.constant 0 : i32
    %dma_wait3A_147 = arith.constant 768 : i32
    %dma_wait3A_148 = arith.constant 0 : i32
    %dma_wait3A_149 = tpu.memref_slice %arg9[%dma_wait3A_147, %dma_wait3A_148] : memref<1024x64xbf16, #tpu.memory_space<vmem>> -> memref<128x64xbf16, #tpu.memory_space<vmem>>
    %dma_wait3A_150 = arith.constant 0 : i32
    %dma_wait3A_151 = tpu.memref_slice %arg8[%dma_wait3A_146, %dma_wait3A_150] : memref<160x128xi32, #tpu.memory_space<vmem>> -> memref<1x128xi32, #tpu.memory_space<vmem>>
    %dma_wait3A_152 = tpu.memref_squeeze %dma_wait3A_151 : memref<1x128xi32, #tpu.memory_space<vmem>> -> memref<128xi32, #tpu.memory_space<vmem>>
    %dma_wait3A_153 = arith.constant 0 : i32
    %dma_wait3A_154 = arith.constant 0 : i32
    %dma_wait3A_155 = tpu.memref_slice %arg12[%dma_wait3A_153, %dma_wait3A_154] : memref<10240x64xbf16, #tpu.memory_space<vmem_shared>> -> memref<10240x64xbf16, #tpu.memory_space<vmem_shared>>
    tpu.wait_indirect_dma semaphore(%arg16 : memref<!tpu.dma_semaphore, #tpu.memory_space<semaphore_mem>>) src(%dma_wait3A_149 : memref<128x64xbf16, #tpu.memory_space<vmem>>) dst(%dma_wait3A_155 : memref<10240x64xbf16, #tpu.memory_space<vmem_shared>>)
    %dma_wait3A_156 = arith.constant 0 : i32
    %dma_wait3A_157 = arith.constant 896 : i32
    %dma_wait3A_158 = arith.constant 0 : i32
    %dma_wait3A_159 = tpu.memref_slice %arg9[%dma_wait3A_157, %dma_wait3A_158] : memref<1024x64xbf16, #tpu.memory_space<vmem>> -> memref<128x64xbf16, #tpu.memory_space<vmem>>
    %dma_wait3A_160 = arith.constant 0 : i32
    %dma_wait3A_161 = tpu.memref_slice %arg8[%dma_wait3A_156, %dma_wait3A_160] : memref<160x128xi32, #tpu.memory_space<vmem>> -> memref<1x128xi32, #tpu.memory_space<vmem>>
    %dma_wait3A_162 = tpu.memref_squeeze %dma_wait3A_161 : memref<1x128xi32, #tpu.memory_space<vmem>> -> memref<128xi32, #tpu.memory_space<vmem>>
    %dma_wait3A_163 = arith.constant 0 : i32
    %dma_wait3A_164 = arith.constant 0 : i32
    %dma_wait3A_165 = tpu.memref_slice %arg12[%dma_wait3A_163, %dma_wait3A_164] : memref<10240x64xbf16, #tpu.memory_space<vmem_shared>> -> memref<10240x64xbf16, #tpu.memory_space<vmem_shared>>
    tpu.wait_indirect_dma semaphore(%arg16 : memref<!tpu.dma_semaphore, #tpu.memory_space<semaphore_mem>>) src(%dma_wait3A_159 : memref<128x64xbf16, #tpu.memory_space<vmem>>) dst(%dma_wait3A_165 : memref<10240x64xbf16, #tpu.memory_space<vmem_shared>>)
    %eq3A = arith.constant 1 : i32
    %eq3A_166 = arith.cmpi eq, %arg0, %eq3A : i32
    %convert_element_type3A = arith.extui %eq3A_166 : i1 to i32
    %cond3A = arith.constant 0 : i32
    %cond3A_167 = arith.cmpi ne, %convert_element_type3A, %cond3A : i32
    scf.if %cond3A_167 {
      %dma_wait3A_171 = arith.constant 0 : i32
      %dma_wait3A_172 = arith.constant 0 : i32
      %dma_wait3A_173 = tpu.memref_slice %arg8[%dma_wait3A_171, %dma_wait3A_172] : memref<160x128xi32, #tpu.memory_space<vmem>> -> memref<1x128xi32, #tpu.memory_space<vmem>>
      %dma_wait3A_174 = tpu.memref_squeeze %dma_wait3A_173 : memref<1x128xi32, #tpu.memory_space<vmem>> -> memref<128xi32, #tpu.memory_space<vmem>>
      %dma_wait3A_175 = arith.constant 0 : i32
      %dma_wait3A_176 = arith.constant 0 : i32
      %dma_wait3A_177 = tpu.memref_slice %arg13[%dma_wait3A_175, %dma_wait3A_176] : memref<10240x16xf32, #tpu.memory_space<vmem_shared>> -> memref<10240x16xf32, #tpu.memory_space<vmem_shared>>
      tpu.wait_indirect_dma semaphore(%arg17 : memref<!tpu.dma_semaphore, #tpu.memory_space<semaphore_mem>>) src(%arg10 : memref<128x16xf32, #tpu.memory_space<vmem>>) dst(%dma_wait3A_177 : memref<10240x16xf32, #tpu.memory_space<vmem_shared>>)
      %dma_wait3A_178 = arith.constant 0 : i32
      %dma_wait3A_179 = arith.constant 0 : i32
      %dma_wait3A_180 = tpu.memref_slice %arg8[%dma_wait3A_178, %dma_wait3A_179] : memref<160x128xi32, #tpu.memory_space<vmem>> -> memref<1x128xi32, #tpu.memory_space<vmem>>
      %dma_wait3A_181 = tpu.memref_squeeze %dma_wait3A_180 : memref<1x128xi32, #tpu.memory_space<vmem>> -> memref<128xi32, #tpu.memory_space<vmem>>
      %dma_wait3A_182 = arith.constant 0 : i32
      %dma_wait3A_183 = arith.constant 0 : i32
      %dma_wait3A_184 = tpu.memref_slice %arg13[%dma_wait3A_182, %dma_wait3A_183] : memref<10240x16xf32, #tpu.memory_space<vmem_shared>> -> memref<10240x16xf32, #tpu.memory_space<vmem_shared>>
      tpu.wait_indirect_dma semaphore(%arg17 : memref<!tpu.dma_semaphore, #tpu.memory_space<semaphore_mem>>) src(%arg10 : memref<128x16xf32, #tpu.memory_space<vmem>>) dst(%dma_wait3A_184 : memref<10240x16xf32, #tpu.memory_space<vmem_shared>>)
      %dma_wait3A_185 = arith.constant 0 : i32
      %dma_wait3A_186 = arith.constant 0 : i32
      %dma_wait3A_187 = tpu.memref_slice %arg8[%dma_wait3A_185, %dma_wait3A_186] : memref<160x128xi32, #tpu.memory_space<vmem>> -> memref<1x128xi32, #tpu.memory_space<vmem>>
      %dma_wait3A_188 = tpu.memref_squeeze %dma_wait3A_187 : memref<1x128xi32, #tpu.memory_space<vmem>> -> memref<128xi32, #tpu.memory_space<vmem>>
      %dma_wait3A_189 = arith.constant 0 : i32
      %dma_wait3A_190 = arith.constant 0 : i32
      %dma_wait3A_191 = tpu.memref_slice %arg13[%dma_wait3A_189, %dma_wait3A_190] : memref<10240x16xf32, #tpu.memory_space<vmem_shared>> -> memref<10240x16xf32, #tpu.memory_space<vmem_shared>>
      tpu.wait_indirect_dma semaphore(%arg17 : memref<!tpu.dma_semaphore, #tpu.memory_space<semaphore_mem>>) src(%arg10 : memref<128x16xf32, #tpu.memory_space<vmem>>) dst(%dma_wait3A_191 : memref<10240x16xf32, #tpu.memory_space<vmem_shared>>)
      %dma_wait3A_192 = arith.constant 0 : i32
      %dma_wait3A_193 = arith.constant 0 : i32
      %dma_wait3A_194 = tpu.memref_slice %arg8[%dma_wait3A_192, %dma_wait3A_193] : memref<160x128xi32, #tpu.memory_space<vmem>> -> memref<1x128xi32, #tpu.memory_space<vmem>>
      %dma_wait3A_195 = tpu.memref_squeeze %dma_wait3A_194 : memref<1x128xi32, #tpu.memory_space<vmem>> -> memref<128xi32, #tpu.memory_space<vmem>>
      %dma_wait3A_196 = arith.constant 0 : i32
      %dma_wait3A_197 = arith.constant 0 : i32
      %dma_wait3A_198 = tpu.memref_slice %arg13[%dma_wait3A_196, %dma_wait3A_197] : memref<10240x16xf32, #tpu.memory_space<vmem_shared>> -> memref<10240x16xf32, #tpu.memory_space<vmem_shared>>
      tpu.wait_indirect_dma semaphore(%arg17 : memref<!tpu.dma_semaphore, #tpu.memory_space<semaphore_mem>>) src(%arg10 : memref<128x16xf32, #tpu.memory_space<vmem>>) dst(%dma_wait3A_198 : memref<10240x16xf32, #tpu.memory_space<vmem_shared>>)
    } else {
    }
    %barrier3A_168 = arith.constant 0 : index
    tpu.barrier barrier_id(%barrier3A_168)
    %mul3A_169 = arith.constant 640 : i32
    %mul3A_170 = arith.muli %arg1, %mul3A_169 : i32
    "tpu.region"() ({
      %run_scoped3A = tpu.sem_alloc : memref<!tpu.dma_semaphore, #tpu.memory_space<semaphore_mem>>
      %dma_start3A_171 = arith.constant 0 : i32
      %dma_start3A_172 = tpu.memref_slice %arg5[%arg0, %mul3A_170, %dma_start3A_171] : memref<2x10240x64xbf16, #tpu.memory_space<hbm>> -> memref<1x640x64xbf16, #tpu.memory_space<hbm>>
      %dma_start3A_173 = tpu.memref_squeeze %dma_start3A_172 : memref<1x640x64xbf16, #tpu.memory_space<hbm>> -> memref<640x64xbf16, #tpu.memory_space<hbm>>
      %dma_start3A_174 = arith.constant 0 : i32
      %dma_start3A_175 = tpu.memref_slice %arg12[%mul3A_170, %dma_start3A_174] : memref<10240x64xbf16, #tpu.memory_space<vmem_shared>> -> memref<640x64xbf16, #tpu.memory_space<vmem_shared>>
      tpu.enqueue_dma source(%dma_start3A_175 : memref<640x64xbf16, #tpu.memory_space<vmem_shared>>) target(%dma_start3A_173 : memref<640x64xbf16, #tpu.memory_space<hbm>>) target_semaphore(%run_scoped3A : memref<!tpu.dma_semaphore, #tpu.memory_space<semaphore_mem>>)
      %dma_wait3A_176 = arith.constant 0 : i32
      %dma_wait3A_177 = tpu.memref_slice %arg5[%arg0, %mul3A_170, %dma_wait3A_176] : memref<2x10240x64xbf16, #tpu.memory_space<hbm>> -> memref<1x640x64xbf16, #tpu.memory_space<hbm>>
      %dma_wait3A_178 = tpu.memref_squeeze %dma_wait3A_177 : memref<1x640x64xbf16, #tpu.memory_space<hbm>> -> memref<640x64xbf16, #tpu.memory_space<hbm>>
      %dma_wait3A_179 = arith.constant 0 : i32
      %dma_wait3A_180 = tpu.memref_slice %arg12[%mul3A_170, %dma_wait3A_179] : memref<10240x64xbf16, #tpu.memory_space<vmem_shared>> -> memref<640x64xbf16, #tpu.memory_space<vmem_shared>>
      tpu.wait_dma2 semaphore(%run_scoped3A : memref<!tpu.dma_semaphore, #tpu.memory_space<semaphore_mem>>) src(%dma_wait3A_180 : memref<640x64xbf16, #tpu.memory_space<vmem_shared>>) dst(%dma_wait3A_178 : memref<640x64xbf16, #tpu.memory_space<hbm>>)
      tpu.yield
    }) : () -> ()
    "tpu.region"() ({
      %run_scoped3A = tpu.sem_alloc : memref<!tpu.dma_semaphore, #tpu.memory_space<semaphore_mem>>
      %dma_start3A_171 = arith.constant 0 : i32
      %dma_start3A_172 = tpu.memref_slice %arg6[%arg0, %mul3A_170, %dma_start3A_171] : memref<2x10240x16xf32, #tpu.memory_space<hbm>> -> memref<1x640x16xf32, #tpu.memory_space<hbm>>
      %dma_start3A_173 = tpu.memref_squeeze %dma_start3A_172 : memref<1x640x16xf32, #tpu.memory_space<hbm>> -> memref<640x16xf32, #tpu.memory_space<hbm>>
      %dma_start3A_174 = arith.constant 0 : i32
      %dma_start3A_175 = tpu.memref_slice %arg13[%mul3A_170, %dma_start3A_174] : memref<10240x16xf32, #tpu.memory_space<vmem_shared>> -> memref<640x16xf32, #tpu.memory_space<vmem_shared>>
      tpu.enqueue_dma source(%dma_start3A_175 : memref<640x16xf32, #tpu.memory_space<vmem_shared>>) target(%dma_start3A_173 : memref<640x16xf32, #tpu.memory_space<hbm>>) target_semaphore(%run_scoped3A : memref<!tpu.dma_semaphore, #tpu.memory_space<semaphore_mem>>)
      %dma_wait3A_176 = arith.constant 0 : i32
      %dma_wait3A_177 = tpu.memref_slice %arg6[%arg0, %mul3A_170, %dma_wait3A_176] : memref<2x10240x16xf32, #tpu.memory_space<hbm>> -> memref<1x640x16xf32, #tpu.memory_space<hbm>>
      %dma_wait3A_178 = tpu.memref_squeeze %dma_wait3A_177 : memref<1x640x16xf32, #tpu.memory_space<hbm>> -> memref<640x16xf32, #tpu.memory_space<hbm>>
      %dma_wait3A_179 = arith.constant 0 : i32
      %dma_wait3A_180 = tpu.memref_slice %arg13[%mul3A_170, %dma_wait3A_179] : memref<10240x16xf32, #tpu.memory_space<vmem_shared>> -> memref<640x16xf32, #tpu.memory_space<vmem_shared>>
      tpu.wait_dma2 semaphore(%run_scoped3A : memref<!tpu.dma_semaphore, #tpu.memory_space<semaphore_mem>>) src(%dma_wait3A_180 : memref<640x16xf32, #tpu.memory_space<vmem_shared>>) dst(%dma_wait3A_178 : memref<640x16xf32, #tpu.memory_space<hbm>>)
      tpu.yield
    }) : () -> ()
    return
  }
}

#map = affine_map<(d0, d1) -> (0, 0, 0)>
#map1 = affine_map<(d0, d1) -> (0, 0)>
module attributes {stable_mosaic.version = 14 : i64} {
  func.func @_agg_body(%arg0: i32, %arg1: i32, %arg2: memref<2x10000x64xbf16, #tpu.memory_space<hbm>>, %arg3: memref<2560x128xi32, #tpu.memory_space<hbm>>, %arg4: memref<2560x128xi32, #tpu.memory_space<hbm>>, %arg5: memref<2x10240x64xbf16, #tpu.memory_space<hbm>>, %arg6: memref<160x128xi32, #tpu.memory_space<vmem>>, %arg7: memref<160x128xi32, #tpu.memory_space<vmem>>, %arg8: memref<1024x64xbf16, #tpu.memory_space<vmem>>, %arg9: memref<10240x64xbf16, #tpu.memory_space<vmem_shared>>, %arg10: memref<!tpu.dma_semaphore, #tpu.memory_space<semaphore_mem>>, %arg11: memref<!tpu.dma_semaphore, #tpu.memory_space<semaphore_mem>>, %arg12: memref<!tpu.dma_semaphore, #tpu.memory_space<semaphore_mem>>) attributes {dimension_semantics = [#tpu.dimension_semantics<core_parallel>, #tpu.dimension_semantics<subcore_parallel>], iteration_bounds = array<i64: 2, 16>, scalar_prefetch = 0 : i64, scratch_operands = 7 : i64, tpu.core_type = #tpu.core_type<sc_vector_subcore>, window_params = [{transform_indices = #map}, {transform_indices = #map1}, {transform_indices = #map1}, {transform_indices = #map}]} {
    %broadcast_in_dim3A = arith.constant 0.000000e+00 : bf16
    %broadcast_in_dim3A_0 = vector.broadcast %broadcast_in_dim3A : bf16 to vector<32xbf16>
    %scan3A = arith.constant 0 : i32
    %scan3A_1 = arith.constant 0 : i32
    %scan3A_2 = arith.constant 64 : i32
    %scan3A_3 = arith.addi %scan3A_1, %scan3A_2 : i32
    %scan3A_4 = arith.constant 1 : i32
    scf.for %scan3A_133 = %scan3A_1 to %scan3A_3 step %scan3A_4  : i32 {
      %swap3A = arith.index_cast %scan3A_133 : i32 to index
      %swap3A_134 = arith.constant 0 : index
      %swap3A_135 = tpu.vector_load %arg8[%swap3A, %swap3A_134] {strides = array<i32>} : memref<1024x64xbf16, #tpu.memory_space<vmem>>, vector<32xbf16>,
      tpu.vector_store %arg8[%swap3A, %swap3A_134], %broadcast_in_dim3A_0 {strides = array<i32>} : memref<1024x64xbf16, #tpu.memory_space<vmem>>, vector<32xbf16>,
      %swap3A_136 = arith.index_cast %scan3A_133 : i32 to index
      %swap3A_137 = arith.constant 32 : index
      %swap3A_138 = tpu.vector_load %arg8[%swap3A_136, %swap3A_137] {strides = array<i32>} : memref<1024x64xbf16, #tpu.memory_space<vmem>>, vector<32xbf16>,
      tpu.vector_store %arg8[%swap3A_136, %swap3A_137], %broadcast_in_dim3A_0 {strides = array<i32>} : memref<1024x64xbf16, #tpu.memory_space<vmem>>, vector<32xbf16>,
    }
    %scan3A_5 = arith.constant 64 : i32
    %mul3A = arith.constant 640 : i32
    %mul3A_6 = arith.muli %arg1, %mul3A : i32
    %add3A = arith.constant 0 : i32
    %add3A_7 = arith.addi %mul3A_6, %add3A : i32
    "tpu.region"() ({
      %run_scoped3A = tpu.sem_alloc : memref<!tpu.dma_semaphore, #tpu.memory_space<semaphore_mem>>
      %dma_start3A_133 = arith.constant 0 : i32
      %dma_start3A_134 = arith.constant 0 : i32
      %dma_start3A_135 = tpu.memref_slice %arg8[%dma_start3A_133, %dma_start3A_134] : memref<1024x64xbf16, #tpu.memory_space<vmem>> -> memref<64x64xbf16, #tpu.memory_space<vmem>>
      %dma_start3A_136 = arith.constant 0 : i32
      %dma_start3A_137 = tpu.memref_slice %arg9[%add3A_7, %dma_start3A_136] : memref<10240x64xbf16, #tpu.memory_space<vmem_shared>> -> memref<64x64xbf16, #tpu.memory_space<vmem_shared>>
      %dma_start3A_138 = arith.constant 0 : i32
      %dma_start3A_139 = tpu.memref_slice %arg9[%add3A_7, %dma_start3A_138] : memref<10240x64xbf16, #tpu.memory_space<vmem_shared>> -> memref<64x64xbf16, #tpu.memory_space<vmem_shared>>
      %dma_start3A_140 = arith.constant 0 : i32
      %dma_start3A_141 = arith.constant 0 : i32
      %dma_start3A_142 = tpu.memref_slice %arg8[%dma_start3A_140, %dma_start3A_141] : memref<1024x64xbf16, #tpu.memory_space<vmem>> -> memref<64x64xbf16, #tpu.memory_space<vmem>>
      tpu.enqueue_dma source(%dma_start3A_142 : memref<64x64xbf16, #tpu.memory_space<vmem>>) target(%dma_start3A_139 : memref<64x64xbf16, #tpu.memory_space<vmem_shared>>) target_semaphore(%run_scoped3A : memref<!tpu.dma_semaphore, #tpu.memory_space<semaphore_mem>>)
      %dma_wait3A_143 = arith.constant 0 : i32
      %dma_wait3A_144 = arith.constant 0 : i32
      %dma_wait3A_145 = tpu.memref_slice %arg8[%dma_wait3A_143, %dma_wait3A_144] : memref<1024x64xbf16, #tpu.memory_space<vmem>> -> memref<64x64xbf16, #tpu.memory_space<vmem>>
      %dma_wait3A_146 = arith.constant 0 : i32
      %dma_wait3A_147 = tpu.memref_slice %arg9[%add3A_7, %dma_wait3A_146] : memref<10240x64xbf16, #tpu.memory_space<vmem_shared>> -> memref<64x64xbf16, #tpu.memory_space<vmem_shared>>
      %dma_wait3A_148 = arith.constant 0 : i32
      %dma_wait3A_149 = tpu.memref_slice %arg9[%add3A_7, %dma_wait3A_148] : memref<10240x64xbf16, #tpu.memory_space<vmem_shared>> -> memref<64x64xbf16, #tpu.memory_space<vmem_shared>>
      %dma_wait3A_150 = arith.constant 0 : i32
      %dma_wait3A_151 = arith.constant 0 : i32
      %dma_wait3A_152 = tpu.memref_slice %arg8[%dma_wait3A_150, %dma_wait3A_151] : memref<1024x64xbf16, #tpu.memory_space<vmem>> -> memref<64x64xbf16, #tpu.memory_space<vmem>>
      tpu.wait_dma2 semaphore(%run_scoped3A : memref<!tpu.dma_semaphore, #tpu.memory_space<semaphore_mem>>) src(%dma_wait3A_152 : memref<64x64xbf16, #tpu.memory_space<vmem>>) dst(%dma_wait3A_149 : memref<64x64xbf16, #tpu.memory_space<vmem_shared>>)
      tpu.yield
    }) : () -> ()
    %add3A_8 = arith.constant 64 : i32
    %add3A_9 = arith.addi %mul3A_6, %add3A_8 : i32
    "tpu.region"() ({
      %run_scoped3A = tpu.sem_alloc : memref<!tpu.dma_semaphore, #tpu.memory_space<semaphore_mem>>
      %dma_start3A_133 = arith.constant 0 : i32
      %dma_start3A_134 = arith.constant 0 : i32
      %dma_start3A_135 = tpu.memref_slice %arg8[%dma_start3A_133, %dma_start3A_134] : memref<1024x64xbf16, #tpu.memory_space<vmem>> -> memref<64x64xbf16, #tpu.memory_space<vmem>>
      %dma_start3A_136 = arith.constant 0 : i32
      %dma_start3A_137 = tpu.memref_slice %arg9[%add3A_9, %dma_start3A_136] : memref<10240x64xbf16, #tpu.memory_space<vmem_shared>> -> memref<64x64xbf16, #tpu.memory_space<vmem_shared>>
      %dma_start3A_138 = arith.constant 0 : i32
      %dma_start3A_139 = tpu.memref_slice %arg9[%add3A_9, %dma_start3A_138] : memref<10240x64xbf16, #tpu.memory_space<vmem_shared>> -> memref<64x64xbf16, #tpu.memory_space<vmem_shared>>
      %dma_start3A_140 = arith.constant 0 : i32
      %dma_start3A_141 = arith.constant 0 : i32
      %dma_start3A_142 = tpu.memref_slice %arg8[%dma_start3A_140, %dma_start3A_141] : memref<1024x64xbf16, #tpu.memory_space<vmem>> -> memref<64x64xbf16, #tpu.memory_space<vmem>>
      tpu.enqueue_dma source(%dma_start3A_142 : memref<64x64xbf16, #tpu.memory_space<vmem>>) target(%dma_start3A_139 : memref<64x64xbf16, #tpu.memory_space<vmem_shared>>) target_semaphore(%run_scoped3A : memref<!tpu.dma_semaphore, #tpu.memory_space<semaphore_mem>>)
      %dma_wait3A_143 = arith.constant 0 : i32
      %dma_wait3A_144 = arith.constant 0 : i32
      %dma_wait3A_145 = tpu.memref_slice %arg8[%dma_wait3A_143, %dma_wait3A_144] : memref<1024x64xbf16, #tpu.memory_space<vmem>> -> memref<64x64xbf16, #tpu.memory_space<vmem>>
      %dma_wait3A_146 = arith.constant 0 : i32
      %dma_wait3A_147 = tpu.memref_slice %arg9[%add3A_9, %dma_wait3A_146] : memref<10240x64xbf16, #tpu.memory_space<vmem_shared>> -> memref<64x64xbf16, #tpu.memory_space<vmem_shared>>
      %dma_wait3A_148 = arith.constant 0 : i32
      %dma_wait3A_149 = tpu.memref_slice %arg9[%add3A_9, %dma_wait3A_148] : memref<10240x64xbf16, #tpu.memory_space<vmem_shared>> -> memref<64x64xbf16, #tpu.memory_space<vmem_shared>>
      %dma_wait3A_150 = arith.constant 0 : i32
      %dma_wait3A_151 = arith.constant 0 : i32
      %dma_wait3A_152 = tpu.memref_slice %arg8[%dma_wait3A_150, %dma_wait3A_151] : memref<1024x64xbf16, #tpu.memory_space<vmem>> -> memref<64x64xbf16, #tpu.memory_space<vmem>>
      tpu.wait_dma2 semaphore(%run_scoped3A : memref<!tpu.dma_semaphore, #tpu.memory_space<semaphore_mem>>) src(%dma_wait3A_152 : memref<64x64xbf16, #tpu.memory_space<vmem>>) dst(%dma_wait3A_149 : memref<64x64xbf16, #tpu.memory_space<vmem_shared>>)
      tpu.yield
    }) : () -> ()
    %add3A_10 = arith.constant 128 : i32
    %add3A_11 = arith.addi %mul3A_6, %add3A_10 : i32
    "tpu.region"() ({
      %run_scoped3A = tpu.sem_alloc : memref<!tpu.dma_semaphore, #tpu.memory_space<semaphore_mem>>
      %dma_start3A_133 = arith.constant 0 : i32
      %dma_start3A_134 = arith.constant 0 : i32
      %dma_start3A_135 = tpu.memref_slice %arg8[%dma_start3A_133, %dma_start3A_134] : memref<1024x64xbf16, #tpu.memory_space<vmem>> -> memref<64x64xbf16, #tpu.memory_space<vmem>>
      %dma_start3A_136 = arith.constant 0 : i32
      %dma_start3A_137 = tpu.memref_slice %arg9[%add3A_11, %dma_start3A_136] : memref<10240x64xbf16, #tpu.memory_space<vmem_shared>> -> memref<64x64xbf16, #tpu.memory_space<vmem_shared>>
      %dma_start3A_138 = arith.constant 0 : i32
      %dma_start3A_139 = tpu.memref_slice %arg9[%add3A_11, %dma_start3A_138] : memref<10240x64xbf16, #tpu.memory_space<vmem_shared>> -> memref<64x64xbf16, #tpu.memory_space<vmem_shared>>
      %dma_start3A_140 = arith.constant 0 : i32
      %dma_start3A_141 = arith.constant 0 : i32
      %dma_start3A_142 = tpu.memref_slice %arg8[%dma_start3A_140, %dma_start3A_141] : memref<1024x64xbf16, #tpu.memory_space<vmem>> -> memref<64x64xbf16, #tpu.memory_space<vmem>>
      tpu.enqueue_dma source(%dma_start3A_142 : memref<64x64xbf16, #tpu.memory_space<vmem>>) target(%dma_start3A_139 : memref<64x64xbf16, #tpu.memory_space<vmem_shared>>) target_semaphore(%run_scoped3A : memref<!tpu.dma_semaphore, #tpu.memory_space<semaphore_mem>>)
      %dma_wait3A_143 = arith.constant 0 : i32
      %dma_wait3A_144 = arith.constant 0 : i32
      %dma_wait3A_145 = tpu.memref_slice %arg8[%dma_wait3A_143, %dma_wait3A_144] : memref<1024x64xbf16, #tpu.memory_space<vmem>> -> memref<64x64xbf16, #tpu.memory_space<vmem>>
      %dma_wait3A_146 = arith.constant 0 : i32
      %dma_wait3A_147 = tpu.memref_slice %arg9[%add3A_11, %dma_wait3A_146] : memref<10240x64xbf16, #tpu.memory_space<vmem_shared>> -> memref<64x64xbf16, #tpu.memory_space<vmem_shared>>
      %dma_wait3A_148 = arith.constant 0 : i32
      %dma_wait3A_149 = tpu.memref_slice %arg9[%add3A_11, %dma_wait3A_148] : memref<10240x64xbf16, #tpu.memory_space<vmem_shared>> -> memref<64x64xbf16, #tpu.memory_space<vmem_shared>>
      %dma_wait3A_150 = arith.constant 0 : i32
      %dma_wait3A_151 = arith.constant 0 : i32
      %dma_wait3A_152 = tpu.memref_slice %arg8[%dma_wait3A_150, %dma_wait3A_151] : memref<1024x64xbf16, #tpu.memory_space<vmem>> -> memref<64x64xbf16, #tpu.memory_space<vmem>>
      tpu.wait_dma2 semaphore(%run_scoped3A : memref<!tpu.dma_semaphore, #tpu.memory_space<semaphore_mem>>) src(%dma_wait3A_152 : memref<64x64xbf16, #tpu.memory_space<vmem>>) dst(%dma_wait3A_149 : memref<64x64xbf16, #tpu.memory_space<vmem_shared>>)
      tpu.yield
    }) : () -> ()
    %add3A_12 = arith.constant 192 : i32
    %add3A_13 = arith.addi %mul3A_6, %add3A_12 : i32
    "tpu.region"() ({
      %run_scoped3A = tpu.sem_alloc : memref<!tpu.dma_semaphore, #tpu.memory_space<semaphore_mem>>
      %dma_start3A_133 = arith.constant 0 : i32
      %dma_start3A_134 = arith.constant 0 : i32
      %dma_start3A_135 = tpu.memref_slice %arg8[%dma_start3A_133, %dma_start3A_134] : memref<1024x64xbf16, #tpu.memory_space<vmem>> -> memref<64x64xbf16, #tpu.memory_space<vmem>>
      %dma_start3A_136 = arith.constant 0 : i32
      %dma_start3A_137 = tpu.memref_slice %arg9[%add3A_13, %dma_start3A_136] : memref<10240x64xbf16, #tpu.memory_space<vmem_shared>> -> memref<64x64xbf16, #tpu.memory_space<vmem_shared>>
      %dma_start3A_138 = arith.constant 0 : i32
      %dma_start3A_139 = tpu.memref_slice %arg9[%add3A_13, %dma_start3A_138] : memref<10240x64xbf16, #tpu.memory_space<vmem_shared>> -> memref<64x64xbf16, #tpu.memory_space<vmem_shared>>
      %dma_start3A_140 = arith.constant 0 : i32
      %dma_start3A_141 = arith.constant 0 : i32
      %dma_start3A_142 = tpu.memref_slice %arg8[%dma_start3A_140, %dma_start3A_141] : memref<1024x64xbf16, #tpu.memory_space<vmem>> -> memref<64x64xbf16, #tpu.memory_space<vmem>>
      tpu.enqueue_dma source(%dma_start3A_142 : memref<64x64xbf16, #tpu.memory_space<vmem>>) target(%dma_start3A_139 : memref<64x64xbf16, #tpu.memory_space<vmem_shared>>) target_semaphore(%run_scoped3A : memref<!tpu.dma_semaphore, #tpu.memory_space<semaphore_mem>>)
      %dma_wait3A_143 = arith.constant 0 : i32
      %dma_wait3A_144 = arith.constant 0 : i32
      %dma_wait3A_145 = tpu.memref_slice %arg8[%dma_wait3A_143, %dma_wait3A_144] : memref<1024x64xbf16, #tpu.memory_space<vmem>> -> memref<64x64xbf16, #tpu.memory_space<vmem>>
      %dma_wait3A_146 = arith.constant 0 : i32
      %dma_wait3A_147 = tpu.memref_slice %arg9[%add3A_13, %dma_wait3A_146] : memref<10240x64xbf16, #tpu.memory_space<vmem_shared>> -> memref<64x64xbf16, #tpu.memory_space<vmem_shared>>
      %dma_wait3A_148 = arith.constant 0 : i32
      %dma_wait3A_149 = tpu.memref_slice %arg9[%add3A_13, %dma_wait3A_148] : memref<10240x64xbf16, #tpu.memory_space<vmem_shared>> -> memref<64x64xbf16, #tpu.memory_space<vmem_shared>>
      %dma_wait3A_150 = arith.constant 0 : i32
      %dma_wait3A_151 = arith.constant 0 : i32
      %dma_wait3A_152 = tpu.memref_slice %arg8[%dma_wait3A_150, %dma_wait3A_151] : memref<1024x64xbf16, #tpu.memory_space<vmem>> -> memref<64x64xbf16, #tpu.memory_space<vmem>>
      tpu.wait_dma2 semaphore(%run_scoped3A : memref<!tpu.dma_semaphore, #tpu.memory_space<semaphore_mem>>) src(%dma_wait3A_152 : memref<64x64xbf16, #tpu.memory_space<vmem>>) dst(%dma_wait3A_149 : memref<64x64xbf16, #tpu.memory_space<vmem_shared>>)
      tpu.yield
    }) : () -> ()
    %add3A_14 = arith.constant 256 : i32
    %add3A_15 = arith.addi %mul3A_6, %add3A_14 : i32
    "tpu.region"() ({
      %run_scoped3A = tpu.sem_alloc : memref<!tpu.dma_semaphore, #tpu.memory_space<semaphore_mem>>
      %dma_start3A_133 = arith.constant 0 : i32
      %dma_start3A_134 = arith.constant 0 : i32
      %dma_start3A_135 = tpu.memref_slice %arg8[%dma_start3A_133, %dma_start3A_134] : memref<1024x64xbf16, #tpu.memory_space<vmem>> -> memref<64x64xbf16, #tpu.memory_space<vmem>>
      %dma_start3A_136 = arith.constant 0 : i32
      %dma_start3A_137 = tpu.memref_slice %arg9[%add3A_15, %dma_start3A_136] : memref<10240x64xbf16, #tpu.memory_space<vmem_shared>> -> memref<64x64xbf16, #tpu.memory_space<vmem_shared>>
      %dma_start3A_138 = arith.constant 0 : i32
      %dma_start3A_139 = tpu.memref_slice %arg9[%add3A_15, %dma_start3A_138] : memref<10240x64xbf16, #tpu.memory_space<vmem_shared>> -> memref<64x64xbf16, #tpu.memory_space<vmem_shared>>
      %dma_start3A_140 = arith.constant 0 : i32
      %dma_start3A_141 = arith.constant 0 : i32
      %dma_start3A_142 = tpu.memref_slice %arg8[%dma_start3A_140, %dma_start3A_141] : memref<1024x64xbf16, #tpu.memory_space<vmem>> -> memref<64x64xbf16, #tpu.memory_space<vmem>>
      tpu.enqueue_dma source(%dma_start3A_142 : memref<64x64xbf16, #tpu.memory_space<vmem>>) target(%dma_start3A_139 : memref<64x64xbf16, #tpu.memory_space<vmem_shared>>) target_semaphore(%run_scoped3A : memref<!tpu.dma_semaphore, #tpu.memory_space<semaphore_mem>>)
      %dma_wait3A_143 = arith.constant 0 : i32
      %dma_wait3A_144 = arith.constant 0 : i32
      %dma_wait3A_145 = tpu.memref_slice %arg8[%dma_wait3A_143, %dma_wait3A_144] : memref<1024x64xbf16, #tpu.memory_space<vmem>> -> memref<64x64xbf16, #tpu.memory_space<vmem>>
      %dma_wait3A_146 = arith.constant 0 : i32
      %dma_wait3A_147 = tpu.memref_slice %arg9[%add3A_15, %dma_wait3A_146] : memref<10240x64xbf16, #tpu.memory_space<vmem_shared>> -> memref<64x64xbf16, #tpu.memory_space<vmem_shared>>
      %dma_wait3A_148 = arith.constant 0 : i32
      %dma_wait3A_149 = tpu.memref_slice %arg9[%add3A_15, %dma_wait3A_148] : memref<10240x64xbf16, #tpu.memory_space<vmem_shared>> -> memref<64x64xbf16, #tpu.memory_space<vmem_shared>>
      %dma_wait3A_150 = arith.constant 0 : i32
      %dma_wait3A_151 = arith.constant 0 : i32
      %dma_wait3A_152 = tpu.memref_slice %arg8[%dma_wait3A_150, %dma_wait3A_151] : memref<1024x64xbf16, #tpu.memory_space<vmem>> -> memref<64x64xbf16, #tpu.memory_space<vmem>>
      tpu.wait_dma2 semaphore(%run_scoped3A : memref<!tpu.dma_semaphore, #tpu.memory_space<semaphore_mem>>) src(%dma_wait3A_152 : memref<64x64xbf16, #tpu.memory_space<vmem>>) dst(%dma_wait3A_149 : memref<64x64xbf16, #tpu.memory_space<vmem_shared>>)
      tpu.yield
    }) : () -> ()
    %add3A_16 = arith.constant 320 : i32
    %add3A_17 = arith.addi %mul3A_6, %add3A_16 : i32
    "tpu.region"() ({
      %run_scoped3A = tpu.sem_alloc : memref<!tpu.dma_semaphore, #tpu.memory_space<semaphore_mem>>
      %dma_start3A_133 = arith.constant 0 : i32
      %dma_start3A_134 = arith.constant 0 : i32
      %dma_start3A_135 = tpu.memref_slice %arg8[%dma_start3A_133, %dma_start3A_134] : memref<1024x64xbf16, #tpu.memory_space<vmem>> -> memref<64x64xbf16, #tpu.memory_space<vmem>>
      %dma_start3A_136 = arith.constant 0 : i32
      %dma_start3A_137 = tpu.memref_slice %arg9[%add3A_17, %dma_start3A_136] : memref<10240x64xbf16, #tpu.memory_space<vmem_shared>> -> memref<64x64xbf16, #tpu.memory_space<vmem_shared>>
      %dma_start3A_138 = arith.constant 0 : i32
      %dma_start3A_139 = tpu.memref_slice %arg9[%add3A_17, %dma_start3A_138] : memref<10240x64xbf16, #tpu.memory_space<vmem_shared>> -> memref<64x64xbf16, #tpu.memory_space<vmem_shared>>
      %dma_start3A_140 = arith.constant 0 : i32
      %dma_start3A_141 = arith.constant 0 : i32
      %dma_start3A_142 = tpu.memref_slice %arg8[%dma_start3A_140, %dma_start3A_141] : memref<1024x64xbf16, #tpu.memory_space<vmem>> -> memref<64x64xbf16, #tpu.memory_space<vmem>>
      tpu.enqueue_dma source(%dma_start3A_142 : memref<64x64xbf16, #tpu.memory_space<vmem>>) target(%dma_start3A_139 : memref<64x64xbf16, #tpu.memory_space<vmem_shared>>) target_semaphore(%run_scoped3A : memref<!tpu.dma_semaphore, #tpu.memory_space<semaphore_mem>>)
      %dma_wait3A_143 = arith.constant 0 : i32
      %dma_wait3A_144 = arith.constant 0 : i32
      %dma_wait3A_145 = tpu.memref_slice %arg8[%dma_wait3A_143, %dma_wait3A_144] : memref<1024x64xbf16, #tpu.memory_space<vmem>> -> memref<64x64xbf16, #tpu.memory_space<vmem>>
      %dma_wait3A_146 = arith.constant 0 : i32
      %dma_wait3A_147 = tpu.memref_slice %arg9[%add3A_17, %dma_wait3A_146] : memref<10240x64xbf16, #tpu.memory_space<vmem_shared>> -> memref<64x64xbf16, #tpu.memory_space<vmem_shared>>
      %dma_wait3A_148 = arith.constant 0 : i32
      %dma_wait3A_149 = tpu.memref_slice %arg9[%add3A_17, %dma_wait3A_148] : memref<10240x64xbf16, #tpu.memory_space<vmem_shared>> -> memref<64x64xbf16, #tpu.memory_space<vmem_shared>>
      %dma_wait3A_150 = arith.constant 0 : i32
      %dma_wait3A_151 = arith.constant 0 : i32
      %dma_wait3A_152 = tpu.memref_slice %arg8[%dma_wait3A_150, %dma_wait3A_151] : memref<1024x64xbf16, #tpu.memory_space<vmem>> -> memref<64x64xbf16, #tpu.memory_space<vmem>>
      tpu.wait_dma2 semaphore(%run_scoped3A : memref<!tpu.dma_semaphore, #tpu.memory_space<semaphore_mem>>) src(%dma_wait3A_152 : memref<64x64xbf16, #tpu.memory_space<vmem>>) dst(%dma_wait3A_149 : memref<64x64xbf16, #tpu.memory_space<vmem_shared>>)
      tpu.yield
    }) : () -> ()
    %add3A_18 = arith.constant 384 : i32
    %add3A_19 = arith.addi %mul3A_6, %add3A_18 : i32
    "tpu.region"() ({
      %run_scoped3A = tpu.sem_alloc : memref<!tpu.dma_semaphore, #tpu.memory_space<semaphore_mem>>
      %dma_start3A_133 = arith.constant 0 : i32
      %dma_start3A_134 = arith.constant 0 : i32
      %dma_start3A_135 = tpu.memref_slice %arg8[%dma_start3A_133, %dma_start3A_134] : memref<1024x64xbf16, #tpu.memory_space<vmem>> -> memref<64x64xbf16, #tpu.memory_space<vmem>>
      %dma_start3A_136 = arith.constant 0 : i32
      %dma_start3A_137 = tpu.memref_slice %arg9[%add3A_19, %dma_start3A_136] : memref<10240x64xbf16, #tpu.memory_space<vmem_shared>> -> memref<64x64xbf16, #tpu.memory_space<vmem_shared>>
      %dma_start3A_138 = arith.constant 0 : i32
      %dma_start3A_139 = tpu.memref_slice %arg9[%add3A_19, %dma_start3A_138] : memref<10240x64xbf16, #tpu.memory_space<vmem_shared>> -> memref<64x64xbf16, #tpu.memory_space<vmem_shared>>
      %dma_start3A_140 = arith.constant 0 : i32
      %dma_start3A_141 = arith.constant 0 : i32
      %dma_start3A_142 = tpu.memref_slice %arg8[%dma_start3A_140, %dma_start3A_141] : memref<1024x64xbf16, #tpu.memory_space<vmem>> -> memref<64x64xbf16, #tpu.memory_space<vmem>>
      tpu.enqueue_dma source(%dma_start3A_142 : memref<64x64xbf16, #tpu.memory_space<vmem>>) target(%dma_start3A_139 : memref<64x64xbf16, #tpu.memory_space<vmem_shared>>) target_semaphore(%run_scoped3A : memref<!tpu.dma_semaphore, #tpu.memory_space<semaphore_mem>>)
      %dma_wait3A_143 = arith.constant 0 : i32
      %dma_wait3A_144 = arith.constant 0 : i32
      %dma_wait3A_145 = tpu.memref_slice %arg8[%dma_wait3A_143, %dma_wait3A_144] : memref<1024x64xbf16, #tpu.memory_space<vmem>> -> memref<64x64xbf16, #tpu.memory_space<vmem>>
      %dma_wait3A_146 = arith.constant 0 : i32
      %dma_wait3A_147 = tpu.memref_slice %arg9[%add3A_19, %dma_wait3A_146] : memref<10240x64xbf16, #tpu.memory_space<vmem_shared>> -> memref<64x64xbf16, #tpu.memory_space<vmem_shared>>
      %dma_wait3A_148 = arith.constant 0 : i32
      %dma_wait3A_149 = tpu.memref_slice %arg9[%add3A_19, %dma_wait3A_148] : memref<10240x64xbf16, #tpu.memory_space<vmem_shared>> -> memref<64x64xbf16, #tpu.memory_space<vmem_shared>>
      %dma_wait3A_150 = arith.constant 0 : i32
      %dma_wait3A_151 = arith.constant 0 : i32
      %dma_wait3A_152 = tpu.memref_slice %arg8[%dma_wait3A_150, %dma_wait3A_151] : memref<1024x64xbf16, #tpu.memory_space<vmem>> -> memref<64x64xbf16, #tpu.memory_space<vmem>>
      tpu.wait_dma2 semaphore(%run_scoped3A : memref<!tpu.dma_semaphore, #tpu.memory_space<semaphore_mem>>) src(%dma_wait3A_152 : memref<64x64xbf16, #tpu.memory_space<vmem>>) dst(%dma_wait3A_149 : memref<64x64xbf16, #tpu.memory_space<vmem_shared>>)
      tpu.yield
    }) : () -> ()
    %add3A_20 = arith.constant 448 : i32
    %add3A_21 = arith.addi %mul3A_6, %add3A_20 : i32
    "tpu.region"() ({
      %run_scoped3A = tpu.sem_alloc : memref<!tpu.dma_semaphore, #tpu.memory_space<semaphore_mem>>
      %dma_start3A_133 = arith.constant 0 : i32
      %dma_start3A_134 = arith.constant 0 : i32
      %dma_start3A_135 = tpu.memref_slice %arg8[%dma_start3A_133, %dma_start3A_134] : memref<1024x64xbf16, #tpu.memory_space<vmem>> -> memref<64x64xbf16, #tpu.memory_space<vmem>>
      %dma_start3A_136 = arith.constant 0 : i32
      %dma_start3A_137 = tpu.memref_slice %arg9[%add3A_21, %dma_start3A_136] : memref<10240x64xbf16, #tpu.memory_space<vmem_shared>> -> memref<64x64xbf16, #tpu.memory_space<vmem_shared>>
      %dma_start3A_138 = arith.constant 0 : i32
      %dma_start3A_139 = tpu.memref_slice %arg9[%add3A_21, %dma_start3A_138] : memref<10240x64xbf16, #tpu.memory_space<vmem_shared>> -> memref<64x64xbf16, #tpu.memory_space<vmem_shared>>
      %dma_start3A_140 = arith.constant 0 : i32
      %dma_start3A_141 = arith.constant 0 : i32
      %dma_start3A_142 = tpu.memref_slice %arg8[%dma_start3A_140, %dma_start3A_141] : memref<1024x64xbf16, #tpu.memory_space<vmem>> -> memref<64x64xbf16, #tpu.memory_space<vmem>>
      tpu.enqueue_dma source(%dma_start3A_142 : memref<64x64xbf16, #tpu.memory_space<vmem>>) target(%dma_start3A_139 : memref<64x64xbf16, #tpu.memory_space<vmem_shared>>) target_semaphore(%run_scoped3A : memref<!tpu.dma_semaphore, #tpu.memory_space<semaphore_mem>>)
      %dma_wait3A_143 = arith.constant 0 : i32
      %dma_wait3A_144 = arith.constant 0 : i32
      %dma_wait3A_145 = tpu.memref_slice %arg8[%dma_wait3A_143, %dma_wait3A_144] : memref<1024x64xbf16, #tpu.memory_space<vmem>> -> memref<64x64xbf16, #tpu.memory_space<vmem>>
      %dma_wait3A_146 = arith.constant 0 : i32
      %dma_wait3A_147 = tpu.memref_slice %arg9[%add3A_21, %dma_wait3A_146] : memref<10240x64xbf16, #tpu.memory_space<vmem_shared>> -> memref<64x64xbf16, #tpu.memory_space<vmem_shared>>
      %dma_wait3A_148 = arith.constant 0 : i32
      %dma_wait3A_149 = tpu.memref_slice %arg9[%add3A_21, %dma_wait3A_148] : memref<10240x64xbf16, #tpu.memory_space<vmem_shared>> -> memref<64x64xbf16, #tpu.memory_space<vmem_shared>>
      %dma_wait3A_150 = arith.constant 0 : i32
      %dma_wait3A_151 = arith.constant 0 : i32
      %dma_wait3A_152 = tpu.memref_slice %arg8[%dma_wait3A_150, %dma_wait3A_151] : memref<1024x64xbf16, #tpu.memory_space<vmem>> -> memref<64x64xbf16, #tpu.memory_space<vmem>>
      tpu.wait_dma2 semaphore(%run_scoped3A : memref<!tpu.dma_semaphore, #tpu.memory_space<semaphore_mem>>) src(%dma_wait3A_152 : memref<64x64xbf16, #tpu.memory_space<vmem>>) dst(%dma_wait3A_149 : memref<64x64xbf16, #tpu.memory_space<vmem_shared>>)
      tpu.yield
    }) : () -> ()
    %add3A_22 = arith.constant 512 : i32
    %add3A_23 = arith.addi %mul3A_6, %add3A_22 : i32
    "tpu.region"() ({
      %run_scoped3A = tpu.sem_alloc : memref<!tpu.dma_semaphore, #tpu.memory_space<semaphore_mem>>
      %dma_start3A_133 = arith.constant 0 : i32
      %dma_start3A_134 = arith.constant 0 : i32
      %dma_start3A_135 = tpu.memref_slice %arg8[%dma_start3A_133, %dma_start3A_134] : memref<1024x64xbf16, #tpu.memory_space<vmem>> -> memref<64x64xbf16, #tpu.memory_space<vmem>>
      %dma_start3A_136 = arith.constant 0 : i32
      %dma_start3A_137 = tpu.memref_slice %arg9[%add3A_23, %dma_start3A_136] : memref<10240x64xbf16, #tpu.memory_space<vmem_shared>> -> memref<64x64xbf16, #tpu.memory_space<vmem_shared>>
      %dma_start3A_138 = arith.constant 0 : i32
      %dma_start3A_139 = tpu.memref_slice %arg9[%add3A_23, %dma_start3A_138] : memref<10240x64xbf16, #tpu.memory_space<vmem_shared>> -> memref<64x64xbf16, #tpu.memory_space<vmem_shared>>
      %dma_start3A_140 = arith.constant 0 : i32
      %dma_start3A_141 = arith.constant 0 : i32
      %dma_start3A_142 = tpu.memref_slice %arg8[%dma_start3A_140, %dma_start3A_141] : memref<1024x64xbf16, #tpu.memory_space<vmem>> -> memref<64x64xbf16, #tpu.memory_space<vmem>>
      tpu.enqueue_dma source(%dma_start3A_142 : memref<64x64xbf16, #tpu.memory_space<vmem>>) target(%dma_start3A_139 : memref<64x64xbf16, #tpu.memory_space<vmem_shared>>) target_semaphore(%run_scoped3A : memref<!tpu.dma_semaphore, #tpu.memory_space<semaphore_mem>>)
      %dma_wait3A_143 = arith.constant 0 : i32
      %dma_wait3A_144 = arith.constant 0 : i32
      %dma_wait3A_145 = tpu.memref_slice %arg8[%dma_wait3A_143, %dma_wait3A_144] : memref<1024x64xbf16, #tpu.memory_space<vmem>> -> memref<64x64xbf16, #tpu.memory_space<vmem>>
      %dma_wait3A_146 = arith.constant 0 : i32
      %dma_wait3A_147 = tpu.memref_slice %arg9[%add3A_23, %dma_wait3A_146] : memref<10240x64xbf16, #tpu.memory_space<vmem_shared>> -> memref<64x64xbf16, #tpu.memory_space<vmem_shared>>
      %dma_wait3A_148 = arith.constant 0 : i32
      %dma_wait3A_149 = tpu.memref_slice %arg9[%add3A_23, %dma_wait3A_148] : memref<10240x64xbf16, #tpu.memory_space<vmem_shared>> -> memref<64x64xbf16, #tpu.memory_space<vmem_shared>>
      %dma_wait3A_150 = arith.constant 0 : i32
      %dma_wait3A_151 = arith.constant 0 : i32
      %dma_wait3A_152 = tpu.memref_slice %arg8[%dma_wait3A_150, %dma_wait3A_151] : memref<1024x64xbf16, #tpu.memory_space<vmem>> -> memref<64x64xbf16, #tpu.memory_space<vmem>>
      tpu.wait_dma2 semaphore(%run_scoped3A : memref<!tpu.dma_semaphore, #tpu.memory_space<semaphore_mem>>) src(%dma_wait3A_152 : memref<64x64xbf16, #tpu.memory_space<vmem>>) dst(%dma_wait3A_149 : memref<64x64xbf16, #tpu.memory_space<vmem_shared>>)
      tpu.yield
    }) : () -> ()
    %add3A_24 = arith.constant 576 : i32
    %add3A_25 = arith.addi %mul3A_6, %add3A_24 : i32
    "tpu.region"() ({
      %run_scoped3A = tpu.sem_alloc : memref<!tpu.dma_semaphore, #tpu.memory_space<semaphore_mem>>
      %dma_start3A_133 = arith.constant 0 : i32
      %dma_start3A_134 = arith.constant 0 : i32
      %dma_start3A_135 = tpu.memref_slice %arg8[%dma_start3A_133, %dma_start3A_134] : memref<1024x64xbf16, #tpu.memory_space<vmem>> -> memref<64x64xbf16, #tpu.memory_space<vmem>>
      %dma_start3A_136 = arith.constant 0 : i32
      %dma_start3A_137 = tpu.memref_slice %arg9[%add3A_25, %dma_start3A_136] : memref<10240x64xbf16, #tpu.memory_space<vmem_shared>> -> memref<64x64xbf16, #tpu.memory_space<vmem_shared>>
      %dma_start3A_138 = arith.constant 0 : i32
      %dma_start3A_139 = tpu.memref_slice %arg9[%add3A_25, %dma_start3A_138] : memref<10240x64xbf16, #tpu.memory_space<vmem_shared>> -> memref<64x64xbf16, #tpu.memory_space<vmem_shared>>
      %dma_start3A_140 = arith.constant 0 : i32
      %dma_start3A_141 = arith.constant 0 : i32
      %dma_start3A_142 = tpu.memref_slice %arg8[%dma_start3A_140, %dma_start3A_141] : memref<1024x64xbf16, #tpu.memory_space<vmem>> -> memref<64x64xbf16, #tpu.memory_space<vmem>>
      tpu.enqueue_dma source(%dma_start3A_142 : memref<64x64xbf16, #tpu.memory_space<vmem>>) target(%dma_start3A_139 : memref<64x64xbf16, #tpu.memory_space<vmem_shared>>) target_semaphore(%run_scoped3A : memref<!tpu.dma_semaphore, #tpu.memory_space<semaphore_mem>>)
      %dma_wait3A_143 = arith.constant 0 : i32
      %dma_wait3A_144 = arith.constant 0 : i32
      %dma_wait3A_145 = tpu.memref_slice %arg8[%dma_wait3A_143, %dma_wait3A_144] : memref<1024x64xbf16, #tpu.memory_space<vmem>> -> memref<64x64xbf16, #tpu.memory_space<vmem>>
      %dma_wait3A_146 = arith.constant 0 : i32
      %dma_wait3A_147 = tpu.memref_slice %arg9[%add3A_25, %dma_wait3A_146] : memref<10240x64xbf16, #tpu.memory_space<vmem_shared>> -> memref<64x64xbf16, #tpu.memory_space<vmem_shared>>
      %dma_wait3A_148 = arith.constant 0 : i32
      %dma_wait3A_149 = tpu.memref_slice %arg9[%add3A_25, %dma_wait3A_148] : memref<10240x64xbf16, #tpu.memory_space<vmem_shared>> -> memref<64x64xbf16, #tpu.memory_space<vmem_shared>>
      %dma_wait3A_150 = arith.constant 0 : i32
      %dma_wait3A_151 = arith.constant 0 : i32
      %dma_wait3A_152 = tpu.memref_slice %arg8[%dma_wait3A_150, %dma_wait3A_151] : memref<1024x64xbf16, #tpu.memory_space<vmem>> -> memref<64x64xbf16, #tpu.memory_space<vmem>>
      tpu.wait_dma2 semaphore(%run_scoped3A : memref<!tpu.dma_semaphore, #tpu.memory_space<semaphore_mem>>) src(%dma_wait3A_152 : memref<64x64xbf16, #tpu.memory_space<vmem>>) dst(%dma_wait3A_149 : memref<64x64xbf16, #tpu.memory_space<vmem_shared>>)
      tpu.yield
    }) : () -> ()
    %barrier3A = arith.constant 0 : index
    tpu.barrier barrier_id(%barrier3A)
    %mul3A_26 = arith.constant 160 : i32
    %mul3A_27 = arith.muli %arg1, %mul3A_26 : i32
    "tpu.region"() ({
      %run_scoped3A = tpu.sem_alloc : memref<!tpu.dma_semaphore, #tpu.memory_space<semaphore_mem>>
      %dma_start3A_133 = arith.constant 0 : i32
      %dma_start3A_134 = tpu.memref_slice %arg3[%mul3A_27, %dma_start3A_133] : memref<2560x128xi32, #tpu.memory_space<hbm>> -> memref<160x128xi32, #tpu.memory_space<hbm>>
      %dma_start3A_135 = arith.constant 0 : i32
      %dma_start3A_136 = tpu.memref_slice %arg3[%mul3A_27, %dma_start3A_135] : memref<2560x128xi32, #tpu.memory_space<hbm>> -> memref<160x128xi32, #tpu.memory_space<hbm>>
      tpu.enqueue_dma source(%dma_start3A_136 : memref<160x128xi32, #tpu.memory_space<hbm>>) target(%arg6 : memref<160x128xi32, #tpu.memory_space<vmem>>) target_semaphore(%run_scoped3A : memref<!tpu.dma_semaphore, #tpu.memory_space<semaphore_mem>>)
      %dma_wait3A_137 = arith.constant 0 : i32
      %dma_wait3A_138 = tpu.memref_slice %arg3[%mul3A_27, %dma_wait3A_137] : memref<2560x128xi32, #tpu.memory_space<hbm>> -> memref<160x128xi32, #tpu.memory_space<hbm>>
      %dma_wait3A_139 = arith.constant 0 : i32
      %dma_wait3A_140 = tpu.memref_slice %arg3[%mul3A_27, %dma_wait3A_139] : memref<2560x128xi32, #tpu.memory_space<hbm>> -> memref<160x128xi32, #tpu.memory_space<hbm>>
      tpu.wait_dma2 semaphore(%run_scoped3A : memref<!tpu.dma_semaphore, #tpu.memory_space<semaphore_mem>>) src(%dma_wait3A_140 : memref<160x128xi32, #tpu.memory_space<hbm>>) dst(%arg6 : memref<160x128xi32, #tpu.memory_space<vmem>>)
      tpu.yield
    }) : () -> ()
    %mul3A_28 = arith.constant 160 : i32
    %mul3A_29 = arith.muli %arg1, %mul3A_28 : i32
    "tpu.region"() ({
      %run_scoped3A = tpu.sem_alloc : memref<!tpu.dma_semaphore, #tpu.memory_space<semaphore_mem>>
      %dma_start3A_133 = arith.constant 0 : i32
      %dma_start3A_134 = tpu.memref_slice %arg4[%mul3A_29, %dma_start3A_133] : memref<2560x128xi32, #tpu.memory_space<hbm>> -> memref<160x128xi32, #tpu.memory_space<hbm>>
      %dma_start3A_135 = arith.constant 0 : i32
      %dma_start3A_136 = tpu.memref_slice %arg4[%mul3A_29, %dma_start3A_135] : memref<2560x128xi32, #tpu.memory_space<hbm>> -> memref<160x128xi32, #tpu.memory_space<hbm>>
      tpu.enqueue_dma source(%dma_start3A_136 : memref<160x128xi32, #tpu.memory_space<hbm>>) target(%arg7 : memref<160x128xi32, #tpu.memory_space<vmem>>) target_semaphore(%run_scoped3A : memref<!tpu.dma_semaphore, #tpu.memory_space<semaphore_mem>>)
      %dma_wait3A_137 = arith.constant 0 : i32
      %dma_wait3A_138 = tpu.memref_slice %arg4[%mul3A_29, %dma_wait3A_137] : memref<2560x128xi32, #tpu.memory_space<hbm>> -> memref<160x128xi32, #tpu.memory_space<hbm>>
      %dma_wait3A_139 = arith.constant 0 : i32
      %dma_wait3A_140 = tpu.memref_slice %arg4[%mul3A_29, %dma_wait3A_139] : memref<2560x128xi32, #tpu.memory_space<hbm>> -> memref<160x128xi32, #tpu.memory_space<hbm>>
      tpu.wait_dma2 semaphore(%run_scoped3A : memref<!tpu.dma_semaphore, #tpu.memory_space<semaphore_mem>>) src(%dma_wait3A_140 : memref<160x128xi32, #tpu.memory_space<hbm>>) dst(%arg7 : memref<160x128xi32, #tpu.memory_space<vmem>>)
      tpu.yield
    }) : () -> ()
    %dma_start3A = arith.constant 0 : i32
    %dma_start3A_30 = arith.constant 0 : i32
    %dma_start3A_31 = arith.constant 0 : i32
    %dma_start3A_32 = tpu.memref_slice %arg8[%dma_start3A_30, %dma_start3A_31] : memref<1024x64xbf16, #tpu.memory_space<vmem>> -> memref<128x64xbf16, #tpu.memory_space<vmem>>
    %dma_start3A_33 = arith.constant 0 : i32
    %dma_start3A_34 = tpu.memref_slice %arg6[%dma_start3A, %dma_start3A_33] : memref<160x128xi32, #tpu.memory_space<vmem>> -> memref<1x128xi32, #tpu.memory_space<vmem>>
    %dma_start3A_35 = tpu.memref_squeeze %dma_start3A_34 : memref<1x128xi32, #tpu.memory_space<vmem>> -> memref<128xi32, #tpu.memory_space<vmem>>
    %dma_start3A_36 = arith.constant 0 : i32
    %dma_start3A_37 = arith.constant 0 : i32
    %dma_start3A_38 = tpu.memref_slice %arg2[%arg0, %dma_start3A_36, %dma_start3A_37] : memref<2x10000x64xbf16, #tpu.memory_space<hbm>> -> memref<1x10000x64xbf16, #tpu.memory_space<hbm>>
    %dma_start3A_39 = tpu.memref_squeeze %dma_start3A_38 : memref<1x10000x64xbf16, #tpu.memory_space<hbm>> -> memref<10000x64xbf16, #tpu.memory_space<hbm>>
    %dma_start3A_40 = arith.constant 0 : i32
    %dma_start3A_41 = arith.constant 0 : i32
    %dma_start3A_42 = tpu.memref_slice %dma_start3A_39[%dma_start3A_40, %dma_start3A_41] : memref<10000x64xbf16, #tpu.memory_space<hbm>> -> memref<10000x64xbf16, #tpu.memory_space<hbm>>
    tpu.enqueue_indirect_dma source(%dma_start3A_42 : memref<10000x64xbf16, #tpu.memory_space<hbm>>) target(%dma_start3A_32 : memref<128x64xbf16, #tpu.memory_space<vmem>>) offsets(%dma_start3A_35 : memref<128xi32, #tpu.memory_space<vmem>>) semaphore(%arg10 : memref<!tpu.dma_semaphore, #tpu.memory_space<semaphore_mem>>)
    %dma_start3A_43 = arith.constant 1 : i32
    %dma_start3A_44 = arith.constant 128 : i32
    %dma_start3A_45 = arith.constant 0 : i32
    %dma_start3A_46 = tpu.memref_slice %arg8[%dma_start3A_44, %dma_start3A_45] : memref<1024x64xbf16, #tpu.memory_space<vmem>> -> memref<128x64xbf16, #tpu.memory_space<vmem>>
    %dma_start3A_47 = arith.constant 0 : i32
    %dma_start3A_48 = tpu.memref_slice %arg6[%dma_start3A_43, %dma_start3A_47] : memref<160x128xi32, #tpu.memory_space<vmem>> -> memref<1x128xi32, #tpu.memory_space<vmem>>
    %dma_start3A_49 = tpu.memref_squeeze %dma_start3A_48 : memref<1x128xi32, #tpu.memory_space<vmem>> -> memref<128xi32, #tpu.memory_space<vmem>>
    %dma_start3A_50 = arith.constant 0 : i32
    %dma_start3A_51 = arith.constant 0 : i32
    %dma_start3A_52 = tpu.memref_slice %arg2[%arg0, %dma_start3A_50, %dma_start3A_51] : memref<2x10000x64xbf16, #tpu.memory_space<hbm>> -> memref<1x10000x64xbf16, #tpu.memory_space<hbm>>
    %dma_start3A_53 = tpu.memref_squeeze %dma_start3A_52 : memref<1x10000x64xbf16, #tpu.memory_space<hbm>> -> memref<10000x64xbf16, #tpu.memory_space<hbm>>
    %dma_start3A_54 = arith.constant 0 : i32
    %dma_start3A_55 = arith.constant 0 : i32
    %dma_start3A_56 = tpu.memref_slice %dma_start3A_53[%dma_start3A_54, %dma_start3A_55] : memref<10000x64xbf16, #tpu.memory_space<hbm>> -> memref<10000x64xbf16, #tpu.memory_space<hbm>>
    tpu.enqueue_indirect_dma source(%dma_start3A_56 : memref<10000x64xbf16, #tpu.memory_space<hbm>>) target(%dma_start3A_46 : memref<128x64xbf16, #tpu.memory_space<vmem>>) offsets(%dma_start3A_49 : memref<128xi32, #tpu.memory_space<vmem>>) semaphore(%arg10 : memref<!tpu.dma_semaphore, #tpu.memory_space<semaphore_mem>>)
    %dma_start3A_57 = arith.constant 2 : i32
    %dma_start3A_58 = arith.constant 256 : i32
    %dma_start3A_59 = arith.constant 0 : i32
    %dma_start3A_60 = tpu.memref_slice %arg8[%dma_start3A_58, %dma_start3A_59] : memref<1024x64xbf16, #tpu.memory_space<vmem>> -> memref<128x64xbf16, #tpu.memory_space<vmem>>
    %dma_start3A_61 = arith.constant 0 : i32
    %dma_start3A_62 = tpu.memref_slice %arg6[%dma_start3A_57, %dma_start3A_61] : memref<160x128xi32, #tpu.memory_space<vmem>> -> memref<1x128xi32, #tpu.memory_space<vmem>>
    %dma_start3A_63 = tpu.memref_squeeze %dma_start3A_62 : memref<1x128xi32, #tpu.memory_space<vmem>> -> memref<128xi32, #tpu.memory_space<vmem>>
    %dma_start3A_64 = arith.constant 0 : i32
    %dma_start3A_65 = arith.constant 0 : i32
    %dma_start3A_66 = tpu.memref_slice %arg2[%arg0, %dma_start3A_64, %dma_start3A_65] : memref<2x10000x64xbf16, #tpu.memory_space<hbm>> -> memref<1x10000x64xbf16, #tpu.memory_space<hbm>>
    %dma_start3A_67 = tpu.memref_squeeze %dma_start3A_66 : memref<1x10000x64xbf16, #tpu.memory_space<hbm>> -> memref<10000x64xbf16, #tpu.memory_space<hbm>>
    %dma_start3A_68 = arith.constant 0 : i32
    %dma_start3A_69 = arith.constant 0 : i32
    %dma_start3A_70 = tpu.memref_slice %dma_start3A_67[%dma_start3A_68, %dma_start3A_69] : memref<10000x64xbf16, #tpu.memory_space<hbm>> -> memref<10000x64xbf16, #tpu.memory_space<hbm>>
    tpu.enqueue_indirect_dma source(%dma_start3A_70 : memref<10000x64xbf16, #tpu.memory_space<hbm>>) target(%dma_start3A_60 : memref<128x64xbf16, #tpu.memory_space<vmem>>) offsets(%dma_start3A_63 : memref<128xi32, #tpu.memory_space<vmem>>) semaphore(%arg10 : memref<!tpu.dma_semaphore, #tpu.memory_space<semaphore_mem>>)
    %dma_start3A_71 = arith.constant 3 : i32
    %dma_start3A_72 = arith.constant 384 : i32
    %dma_start3A_73 = arith.constant 0 : i32
    %dma_start3A_74 = tpu.memref_slice %arg8[%dma_start3A_72, %dma_start3A_73] : memref<1024x64xbf16, #tpu.memory_space<vmem>> -> memref<128x64xbf16, #tpu.memory_space<vmem>>
    %dma_start3A_75 = arith.constant 0 : i32
    %dma_start3A_76 = tpu.memref_slice %arg6[%dma_start3A_71, %dma_start3A_75] : memref<160x128xi32, #tpu.memory_space<vmem>> -> memref<1x128xi32, #tpu.memory_space<vmem>>
    %dma_start3A_77 = tpu.memref_squeeze %dma_start3A_76 : memref<1x128xi32, #tpu.memory_space<vmem>> -> memref<128xi32, #tpu.memory_space<vmem>>
    %dma_start3A_78 = arith.constant 0 : i32
    %dma_start3A_79 = arith.constant 0 : i32
    %dma_start3A_80 = tpu.memref_slice %arg2[%arg0, %dma_start3A_78, %dma_start3A_79] : memref<2x10000x64xbf16, #tpu.memory_space<hbm>> -> memref<1x10000x64xbf16, #tpu.memory_space<hbm>>
    %dma_start3A_81 = tpu.memref_squeeze %dma_start3A_80 : memref<1x10000x64xbf16, #tpu.memory_space<hbm>> -> memref<10000x64xbf16, #tpu.memory_space<hbm>>
    %dma_start3A_82 = arith.constant 0 : i32
    %dma_start3A_83 = arith.constant 0 : i32
    %dma_start3A_84 = tpu.memref_slice %dma_start3A_81[%dma_start3A_82, %dma_start3A_83] : memref<10000x64xbf16, #tpu.memory_space<hbm>> -> memref<10000x64xbf16, #tpu.memory_space<hbm>>
    tpu.enqueue_indirect_dma source(%dma_start3A_84 : memref<10000x64xbf16, #tpu.memory_space<hbm>>) target(%dma_start3A_74 : memref<128x64xbf16, #tpu.memory_space<vmem>>) offsets(%dma_start3A_77 : memref<128xi32, #tpu.memory_space<vmem>>) semaphore(%arg10 : memref<!tpu.dma_semaphore, #tpu.memory_space<semaphore_mem>>)
    %scan3A_85 = arith.constant 0 : i32
    %scan3A_86 = arith.constant 0 : i32
    %scan3A_87 = arith.constant 20 : i32
    %scan3A_88 = arith.addi %scan3A_86, %scan3A_87 : i32
    %scan3A_89 = arith.constant 1 : i32
    scf.for %scan3A_133 = %scan3A_86 to %scan3A_88 step %scan3A_89  : i32 {
      %mul3A_134 = arith.constant 2 : i32
      %mul3A_135 = arith.muli %scan3A_133, %mul3A_134 : i32
      %add3A_136 = arith.constant 0 : i32
      %add3A_137 = arith.addi %mul3A_135, %add3A_136 : i32
      %dma_wait3A_138 = arith.constant 0 : i32
      %dma_wait3A_139 = arith.constant 0 : i32
      %dma_wait3A_140 = arith.constant 0 : i32
      %dma_wait3A_141 = tpu.memref_slice %arg8[%dma_wait3A_139, %dma_wait3A_140] : memref<1024x64xbf16, #tpu.memory_space<vmem>> -> memref<128x64xbf16, #tpu.memory_space<vmem>>
      %dma_wait3A_142 = arith.constant 0 : i32
      %dma_wait3A_143 = tpu.memref_slice %arg6[%dma_wait3A_138, %dma_wait3A_142] : memref<160x128xi32, #tpu.memory_space<vmem>> -> memref<1x128xi32, #tpu.memory_space<vmem>>
      %dma_wait3A_144 = tpu.memref_squeeze %dma_wait3A_143 : memref<1x128xi32, #tpu.memory_space<vmem>> -> memref<128xi32, #tpu.memory_space<vmem>>
      %dma_wait3A_145 = arith.constant 0 : i32
      %dma_wait3A_146 = arith.constant 0 : i32
      %dma_wait3A_147 = tpu.memref_slice %arg2[%arg0, %dma_wait3A_145, %dma_wait3A_146] : memref<2x10000x64xbf16, #tpu.memory_space<hbm>> -> memref<1x10000x64xbf16, #tpu.memory_space<hbm>>
      %dma_wait3A_148 = tpu.memref_squeeze %dma_wait3A_147 : memref<1x10000x64xbf16, #tpu.memory_space<hbm>> -> memref<10000x64xbf16, #tpu.memory_space<hbm>>
      %dma_wait3A_149 = arith.constant 0 : i32
      %dma_wait3A_150 = arith.constant 0 : i32
      %dma_wait3A_151 = tpu.memref_slice %dma_wait3A_148[%dma_wait3A_149, %dma_wait3A_150] : memref<10000x64xbf16, #tpu.memory_space<hbm>> -> memref<10000x64xbf16, #tpu.memory_space<hbm>>
      tpu.wait_indirect_dma semaphore(%arg10 : memref<!tpu.dma_semaphore, #tpu.memory_space<semaphore_mem>>) src(%dma_wait3A_151 : memref<10000x64xbf16, #tpu.memory_space<hbm>>) dst(%dma_wait3A_141 : memref<128x64xbf16, #tpu.memory_space<vmem>>)
      %dma_wait3A_152 = arith.constant 0 : i32
      %dma_wait3A_153 = arith.constant 128 : i32
      %dma_wait3A_154 = arith.constant 0 : i32
      %dma_wait3A_155 = tpu.memref_slice %arg8[%dma_wait3A_153, %dma_wait3A_154] : memref<1024x64xbf16, #tpu.memory_space<vmem>> -> memref<128x64xbf16, #tpu.memory_space<vmem>>
      %dma_wait3A_156 = arith.constant 0 : i32
      %dma_wait3A_157 = tpu.memref_slice %arg6[%dma_wait3A_152, %dma_wait3A_156] : memref<160x128xi32, #tpu.memory_space<vmem>> -> memref<1x128xi32, #tpu.memory_space<vmem>>
      %dma_wait3A_158 = tpu.memref_squeeze %dma_wait3A_157 : memref<1x128xi32, #tpu.memory_space<vmem>> -> memref<128xi32, #tpu.memory_space<vmem>>
      %dma_wait3A_159 = arith.constant 0 : i32
      %dma_wait3A_160 = arith.constant 0 : i32
      %dma_wait3A_161 = tpu.memref_slice %arg2[%arg0, %dma_wait3A_159, %dma_wait3A_160] : memref<2x10000x64xbf16, #tpu.memory_space<hbm>> -> memref<1x10000x64xbf16, #tpu.memory_space<hbm>>
      %dma_wait3A_162 = tpu.memref_squeeze %dma_wait3A_161 : memref<1x10000x64xbf16, #tpu.memory_space<hbm>> -> memref<10000x64xbf16, #tpu.memory_space<hbm>>
      %dma_wait3A_163 = arith.constant 0 : i32
      %dma_wait3A_164 = arith.constant 0 : i32
      %dma_wait3A_165 = tpu.memref_slice %dma_wait3A_162[%dma_wait3A_163, %dma_wait3A_164] : memref<10000x64xbf16, #tpu.memory_space<hbm>> -> memref<10000x64xbf16, #tpu.memory_space<hbm>>
      tpu.wait_indirect_dma semaphore(%arg10 : memref<!tpu.dma_semaphore, #tpu.memory_space<semaphore_mem>>) src(%dma_wait3A_165 : memref<10000x64xbf16, #tpu.memory_space<hbm>>) dst(%dma_wait3A_155 : memref<128x64xbf16, #tpu.memory_space<vmem>>)
      %dma_wait3A_166 = arith.constant 0 : i32
      %dma_wait3A_167 = arith.constant 256 : i32
      %dma_wait3A_168 = arith.constant 0 : i32
      %dma_wait3A_169 = tpu.memref_slice %arg8[%dma_wait3A_167, %dma_wait3A_168] : memref<1024x64xbf16, #tpu.memory_space<vmem>> -> memref<128x64xbf16, #tpu.memory_space<vmem>>
      %dma_wait3A_170 = arith.constant 0 : i32
      %dma_wait3A_171 = tpu.memref_slice %arg6[%dma_wait3A_166, %dma_wait3A_170] : memref<160x128xi32, #tpu.memory_space<vmem>> -> memref<1x128xi32, #tpu.memory_space<vmem>>
      %dma_wait3A_172 = tpu.memref_squeeze %dma_wait3A_171 : memref<1x128xi32, #tpu.memory_space<vmem>> -> memref<128xi32, #tpu.memory_space<vmem>>
      %dma_wait3A_173 = arith.constant 0 : i32
      %dma_wait3A_174 = arith.constant 0 : i32
      %dma_wait3A_175 = tpu.memref_slice %arg2[%arg0, %dma_wait3A_173, %dma_wait3A_174] : memref<2x10000x64xbf16, #tpu.memory_space<hbm>> -> memref<1x10000x64xbf16, #tpu.memory_space<hbm>>
      %dma_wait3A_176 = tpu.memref_squeeze %dma_wait3A_175 : memref<1x10000x64xbf16, #tpu.memory_space<hbm>> -> memref<10000x64xbf16, #tpu.memory_space<hbm>>
      %dma_wait3A_177 = arith.constant 0 : i32
      %dma_wait3A_178 = arith.constant 0 : i32
      %dma_wait3A_179 = tpu.memref_slice %dma_wait3A_176[%dma_wait3A_177, %dma_wait3A_178] : memref<10000x64xbf16, #tpu.memory_space<hbm>> -> memref<10000x64xbf16, #tpu.memory_space<hbm>>
      tpu.wait_indirect_dma semaphore(%arg10 : memref<!tpu.dma_semaphore, #tpu.memory_space<semaphore_mem>>) src(%dma_wait3A_179 : memref<10000x64xbf16, #tpu.memory_space<hbm>>) dst(%dma_wait3A_169 : memref<128x64xbf16, #tpu.memory_space<vmem>>)
      %dma_wait3A_180 = arith.constant 0 : i32
      %dma_wait3A_181 = arith.constant 384 : i32
      %dma_wait3A_182 = arith.constant 0 : i32
      %dma_wait3A_183 = tpu.memref_slice %arg8[%dma_wait3A_181, %dma_wait3A_182] : memref<1024x64xbf16, #tpu.memory_space<vmem>> -> memref<128x64xbf16, #tpu.memory_space<vmem>>
      %dma_wait3A_184 = arith.constant 0 : i32
      %dma_wait3A_185 = tpu.memref_slice %arg6[%dma_wait3A_180, %dma_wait3A_184] : memref<160x128xi32, #tpu.memory_space<vmem>> -> memref<1x128xi32, #tpu.memory_space<vmem>>
      %dma_wait3A_186 = tpu.memref_squeeze %dma_wait3A_185 : memref<1x128xi32, #tpu.memory_space<vmem>> -> memref<128xi32, #tpu.memory_space<vmem>>
      %dma_wait3A_187 = arith.constant 0 : i32
      %dma_wait3A_188 = arith.constant 0 : i32
      %dma_wait3A_189 = tpu.memref_slice %arg2[%arg0, %dma_wait3A_187, %dma_wait3A_188] : memref<2x10000x64xbf16, #tpu.memory_space<hbm>> -> memref<1x10000x64xbf16, #tpu.memory_space<hbm>>
      %dma_wait3A_190 = tpu.memref_squeeze %dma_wait3A_189 : memref<1x10000x64xbf16, #tpu.memory_space<hbm>> -> memref<10000x64xbf16, #tpu.memory_space<hbm>>
      %dma_wait3A_191 = arith.constant 0 : i32
      %dma_wait3A_192 = arith.constant 0 : i32
      %dma_wait3A_193 = tpu.memref_slice %dma_wait3A_190[%dma_wait3A_191, %dma_wait3A_192] : memref<10000x64xbf16, #tpu.memory_space<hbm>> -> memref<10000x64xbf16, #tpu.memory_space<hbm>>
      tpu.wait_indirect_dma semaphore(%arg10 : memref<!tpu.dma_semaphore, #tpu.memory_space<semaphore_mem>>) src(%dma_wait3A_193 : memref<10000x64xbf16, #tpu.memory_space<hbm>>) dst(%dma_wait3A_183 : memref<128x64xbf16, #tpu.memory_space<vmem>>)
      %ge3A = arith.constant 1 : i32
      %ge3A_194 = arith.cmpi sge, %add3A_137, %ge3A : i32
      %convert_element_type3A = arith.extui %ge3A_194 : i1 to i32
      %cond3A = arith.constant 0 : i32
      %cond3A_195 = arith.cmpi ne, %convert_element_type3A, %cond3A : i32
      scf.if %cond3A_195 {
        %dma_wait3A_378 = arith.constant 0 : i32
        %dma_wait3A_379 = arith.constant 512 : i32
        %dma_wait3A_380 = arith.constant 0 : i32
        %dma_wait3A_381 = tpu.memref_slice %arg8[%dma_wait3A_379, %dma_wait3A_380] : memref<1024x64xbf16, #tpu.memory_space<vmem>> -> memref<128x64xbf16, #tpu.memory_space<vmem>>
        %dma_wait3A_382 = arith.constant 0 : i32
        %dma_wait3A_383 = tpu.memref_slice %arg7[%dma_wait3A_378, %dma_wait3A_382] : memref<160x128xi32, #tpu.memory_space<vmem>> -> memref<1x128xi32, #tpu.memory_space<vmem>>
        %dma_wait3A_384 = tpu.memref_squeeze %dma_wait3A_383 : memref<1x128xi32, #tpu.memory_space<vmem>> -> memref<128xi32, #tpu.memory_space<vmem>>
        %dma_wait3A_385 = arith.constant 0 : i32
        %dma_wait3A_386 = arith.constant 0 : i32
        %dma_wait3A_387 = tpu.memref_slice %arg9[%dma_wait3A_385, %dma_wait3A_386] : memref<10240x64xbf16, #tpu.memory_space<vmem_shared>> -> memref<10240x64xbf16, #tpu.memory_space<vmem_shared>>
        tpu.wait_indirect_dma semaphore(%arg12 : memref<!tpu.dma_semaphore, #tpu.memory_space<semaphore_mem>>) src(%dma_wait3A_381 : memref<128x64xbf16, #tpu.memory_space<vmem>>) dst(%dma_wait3A_387 : memref<10240x64xbf16, #tpu.memory_space<vmem_shared>>)
        %dma_wait3A_388 = arith.constant 0 : i32
        %dma_wait3A_389 = arith.constant 640 : i32
        %dma_wait3A_390 = arith.constant 0 : i32
        %dma_wait3A_391 = tpu.memref_slice %arg8[%dma_wait3A_389, %dma_wait3A_390] : memref<1024x64xbf16, #tpu.memory_space<vmem>> -> memref<128x64xbf16, #tpu.memory_space<vmem>>
        %dma_wait3A_392 = arith.constant 0 : i32
        %dma_wait3A_393 = tpu.memref_slice %arg7[%dma_wait3A_388, %dma_wait3A_392] : memref<160x128xi32, #tpu.memory_space<vmem>> -> memref<1x128xi32, #tpu.memory_space<vmem>>
        %dma_wait3A_394 = tpu.memref_squeeze %dma_wait3A_393 : memref<1x128xi32, #tpu.memory_space<vmem>> -> memref<128xi32, #tpu.memory_space<vmem>>
        %dma_wait3A_395 = arith.constant 0 : i32
        %dma_wait3A_396 = arith.constant 0 : i32
        %dma_wait3A_397 = tpu.memref_slice %arg9[%dma_wait3A_395, %dma_wait3A_396] : memref<10240x64xbf16, #tpu.memory_space<vmem_shared>> -> memref<10240x64xbf16, #tpu.memory_space<vmem_shared>>
        tpu.wait_indirect_dma semaphore(%arg12 : memref<!tpu.dma_semaphore, #tpu.memory_space<semaphore_mem>>) src(%dma_wait3A_391 : memref<128x64xbf16, #tpu.memory_space<vmem>>) dst(%dma_wait3A_397 : memref<10240x64xbf16, #tpu.memory_space<vmem_shared>>)
        %dma_wait3A_398 = arith.constant 0 : i32
        %dma_wait3A_399 = arith.constant 768 : i32
        %dma_wait3A_400 = arith.constant 0 : i32
        %dma_wait3A_401 = tpu.memref_slice %arg8[%dma_wait3A_399, %dma_wait3A_400] : memref<1024x64xbf16, #tpu.memory_space<vmem>> -> memref<128x64xbf16, #tpu.memory_space<vmem>>
        %dma_wait3A_402 = arith.constant 0 : i32
        %dma_wait3A_403 = tpu.memref_slice %arg7[%dma_wait3A_398, %dma_wait3A_402] : memref<160x128xi32, #tpu.memory_space<vmem>> -> memref<1x128xi32, #tpu.memory_space<vmem>>
        %dma_wait3A_404 = tpu.memref_squeeze %dma_wait3A_403 : memref<1x128xi32, #tpu.memory_space<vmem>> -> memref<128xi32, #tpu.memory_space<vmem>>
        %dma_wait3A_405 = arith.constant 0 : i32
        %dma_wait3A_406 = arith.constant 0 : i32
        %dma_wait3A_407 = tpu.memref_slice %arg9[%dma_wait3A_405, %dma_wait3A_406] : memref<10240x64xbf16, #tpu.memory_space<vmem_shared>> -> memref<10240x64xbf16, #tpu.memory_space<vmem_shared>>
        tpu.wait_indirect_dma semaphore(%arg12 : memref<!tpu.dma_semaphore, #tpu.memory_space<semaphore_mem>>) src(%dma_wait3A_401 : memref<128x64xbf16, #tpu.memory_space<vmem>>) dst(%dma_wait3A_407 : memref<10240x64xbf16, #tpu.memory_space<vmem_shared>>)
        %dma_wait3A_408 = arith.constant 0 : i32
        %dma_wait3A_409 = arith.constant 896 : i32
        %dma_wait3A_410 = arith.constant 0 : i32
        %dma_wait3A_411 = tpu.memref_slice %arg8[%dma_wait3A_409, %dma_wait3A_410] : memref<1024x64xbf16, #tpu.memory_space<vmem>> -> memref<128x64xbf16, #tpu.memory_space<vmem>>
        %dma_wait3A_412 = arith.constant 0 : i32
        %dma_wait3A_413 = tpu.memref_slice %arg7[%dma_wait3A_408, %dma_wait3A_412] : memref<160x128xi32, #tpu.memory_space<vmem>> -> memref<1x128xi32, #tpu.memory_space<vmem>>
        %dma_wait3A_414 = tpu.memref_squeeze %dma_wait3A_413 : memref<1x128xi32, #tpu.memory_space<vmem>> -> memref<128xi32, #tpu.memory_space<vmem>>
        %dma_wait3A_415 = arith.constant 0 : i32
        %dma_wait3A_416 = arith.constant 0 : i32
        %dma_wait3A_417 = tpu.memref_slice %arg9[%dma_wait3A_415, %dma_wait3A_416] : memref<10240x64xbf16, #tpu.memory_space<vmem_shared>> -> memref<10240x64xbf16, #tpu.memory_space<vmem_shared>>
        tpu.wait_indirect_dma semaphore(%arg12 : memref<!tpu.dma_semaphore, #tpu.memory_space<semaphore_mem>>) src(%dma_wait3A_411 : memref<128x64xbf16, #tpu.memory_space<vmem>>) dst(%dma_wait3A_417 : memref<10240x64xbf16, #tpu.memory_space<vmem_shared>>)
      } else {
      }
      %add3A_196 = arith.constant 1 : i32
      %add3A_197 = arith.addi %add3A_137, %add3A_196 : i32
      %lt3A = arith.constant 40 : i32
      %lt3A_198 = arith.cmpi slt, %add3A_197, %lt3A : i32
      %convert_element_type3A_199 = arith.extui %lt3A_198 : i1 to i32
      %cond3A_200 = arith.constant 0 : i32
      %cond3A_201 = arith.cmpi ne, %convert_element_type3A_199, %cond3A_200 : i32
      scf.if %cond3A_201 {
        %add3A_378 = arith.constant 1 : i32
        %add3A_379 = arith.addi %add3A_137, %add3A_378 : i32
        %mul3A_380 = arith.constant 4 : i32
        %mul3A_381 = arith.muli %add3A_379, %mul3A_380 : i32
        %add3A_382 = arith.constant 0 : i32
        %add3A_383 = arith.addi %mul3A_381, %add3A_382 : i32
        %dma_start3A_384 = arith.constant 512 : i32
        %dma_start3A_385 = arith.constant 0 : i32
        %dma_start3A_386 = tpu.memref_slice %arg8[%dma_start3A_384, %dma_start3A_385] : memref<1024x64xbf16, #tpu.memory_space<vmem>> -> memref<128x64xbf16, #tpu.memory_space<vmem>>
        %dma_start3A_387 = arith.constant 0 : i32
        %dma_start3A_388 = tpu.memref_slice %arg6[%add3A_383, %dma_start3A_387] : memref<160x128xi32, #tpu.memory_space<vmem>> -> memref<1x128xi32, #tpu.memory_space<vmem>>
        %dma_start3A_389 = tpu.memref_squeeze %dma_start3A_388 : memref<1x128xi32, #tpu.memory_space<vmem>> -> memref<128xi32, #tpu.memory_space<vmem>>
        %dma_start3A_390 = arith.constant 0 : i32
        %dma_start3A_391 = arith.constant 0 : i32
        %dma_start3A_392 = tpu.memref_slice %arg2[%arg0, %dma_start3A_390, %dma_start3A_391] : memref<2x10000x64xbf16, #tpu.memory_space<hbm>> -> memref<1x10000x64xbf16, #tpu.memory_space<hbm>>
        %dma_start3A_393 = tpu.memref_squeeze %dma_start3A_392 : memref<1x10000x64xbf16, #tpu.memory_space<hbm>> -> memref<10000x64xbf16, #tpu.memory_space<hbm>>
        %dma_start3A_394 = arith.constant 0 : i32
        %dma_start3A_395 = arith.constant 0 : i32
        %dma_start3A_396 = tpu.memref_slice %dma_start3A_393[%dma_start3A_394, %dma_start3A_395] : memref<10000x64xbf16, #tpu.memory_space<hbm>> -> memref<10000x64xbf16, #tpu.memory_space<hbm>>
        tpu.enqueue_indirect_dma source(%dma_start3A_396 : memref<10000x64xbf16, #tpu.memory_space<hbm>>) target(%dma_start3A_386 : memref<128x64xbf16, #tpu.memory_space<vmem>>) offsets(%dma_start3A_389 : memref<128xi32, #tpu.memory_space<vmem>>) semaphore(%arg10 : memref<!tpu.dma_semaphore, #tpu.memory_space<semaphore_mem>>)
        %mul3A_397 = arith.constant 4 : i32
        %mul3A_398 = arith.muli %add3A_379, %mul3A_397 : i32
        %add3A_399 = arith.constant 1 : i32
        %add3A_400 = arith.addi %mul3A_398, %add3A_399 : i32
        %dma_start3A_401 = arith.constant 640 : i32
        %dma_start3A_402 = arith.constant 0 : i32
        %dma_start3A_403 = tpu.memref_slice %arg8[%dma_start3A_401, %dma_start3A_402] : memref<1024x64xbf16, #tpu.memory_space<vmem>> -> memref<128x64xbf16, #tpu.memory_space<vmem>>
        %dma_start3A_404 = arith.constant 0 : i32
        %dma_start3A_405 = tpu.memref_slice %arg6[%add3A_400, %dma_start3A_404] : memref<160x128xi32, #tpu.memory_space<vmem>> -> memref<1x128xi32, #tpu.memory_space<vmem>>
        %dma_start3A_406 = tpu.memref_squeeze %dma_start3A_405 : memref<1x128xi32, #tpu.memory_space<vmem>> -> memref<128xi32, #tpu.memory_space<vmem>>
        %dma_start3A_407 = arith.constant 0 : i32
        %dma_start3A_408 = arith.constant 0 : i32
        %dma_start3A_409 = tpu.memref_slice %arg2[%arg0, %dma_start3A_407, %dma_start3A_408] : memref<2x10000x64xbf16, #tpu.memory_space<hbm>> -> memref<1x10000x64xbf16, #tpu.memory_space<hbm>>
        %dma_start3A_410 = tpu.memref_squeeze %dma_start3A_409 : memref<1x10000x64xbf16, #tpu.memory_space<hbm>> -> memref<10000x64xbf16, #tpu.memory_space<hbm>>
        %dma_start3A_411 = arith.constant 0 : i32
        %dma_start3A_412 = arith.constant 0 : i32
        %dma_start3A_413 = tpu.memref_slice %dma_start3A_410[%dma_start3A_411, %dma_start3A_412] : memref<10000x64xbf16, #tpu.memory_space<hbm>> -> memref<10000x64xbf16, #tpu.memory_space<hbm>>
        tpu.enqueue_indirect_dma source(%dma_start3A_413 : memref<10000x64xbf16, #tpu.memory_space<hbm>>) target(%dma_start3A_403 : memref<128x64xbf16, #tpu.memory_space<vmem>>) offsets(%dma_start3A_406 : memref<128xi32, #tpu.memory_space<vmem>>) semaphore(%arg10 : memref<!tpu.dma_semaphore, #tpu.memory_space<semaphore_mem>>)
        %mul3A_414 = arith.constant 4 : i32
        %mul3A_415 = arith.muli %add3A_379, %mul3A_414 : i32
        %add3A_416 = arith.constant 2 : i32
        %add3A_417 = arith.addi %mul3A_415, %add3A_416 : i32
        %dma_start3A_418 = arith.constant 768 : i32
        %dma_start3A_419 = arith.constant 0 : i32
        %dma_start3A_420 = tpu.memref_slice %arg8[%dma_start3A_418, %dma_start3A_419] : memref<1024x64xbf16, #tpu.memory_space<vmem>> -> memref<128x64xbf16, #tpu.memory_space<vmem>>
        %dma_start3A_421 = arith.constant 0 : i32
        %dma_start3A_422 = tpu.memref_slice %arg6[%add3A_417, %dma_start3A_421] : memref<160x128xi32, #tpu.memory_space<vmem>> -> memref<1x128xi32, #tpu.memory_space<vmem>>
        %dma_start3A_423 = tpu.memref_squeeze %dma_start3A_422 : memref<1x128xi32, #tpu.memory_space<vmem>> -> memref<128xi32, #tpu.memory_space<vmem>>
        %dma_start3A_424 = arith.constant 0 : i32
        %dma_start3A_425 = arith.constant 0 : i32
        %dma_start3A_426 = tpu.memref_slice %arg2[%arg0, %dma_start3A_424, %dma_start3A_425] : memref<2x10000x64xbf16, #tpu.memory_space<hbm>> -> memref<1x10000x64xbf16, #tpu.memory_space<hbm>>
        %dma_start3A_427 = tpu.memref_squeeze %dma_start3A_426 : memref<1x10000x64xbf16, #tpu.memory_space<hbm>> -> memref<10000x64xbf16, #tpu.memory_space<hbm>>
        %dma_start3A_428 = arith.constant 0 : i32
        %dma_start3A_429 = arith.constant 0 : i32
        %dma_start3A_430 = tpu.memref_slice %dma_start3A_427[%dma_start3A_428, %dma_start3A_429] : memref<10000x64xbf16, #tpu.memory_space<hbm>> -> memref<10000x64xbf16, #tpu.memory_space<hbm>>
        tpu.enqueue_indirect_dma source(%dma_start3A_430 : memref<10000x64xbf16, #tpu.memory_space<hbm>>) target(%dma_start3A_420 : memref<128x64xbf16, #tpu.memory_space<vmem>>) offsets(%dma_start3A_423 : memref<128xi32, #tpu.memory_space<vmem>>) semaphore(%arg10 : memref<!tpu.dma_semaphore, #tpu.memory_space<semaphore_mem>>)
        %mul3A_431 = arith.constant 4 : i32
        %mul3A_432 = arith.muli %add3A_379, %mul3A_431 : i32
        %add3A_433 = arith.constant 3 : i32
        %add3A_434 = arith.addi %mul3A_432, %add3A_433 : i32
        %dma_start3A_435 = arith.constant 896 : i32
        %dma_start3A_436 = arith.constant 0 : i32
        %dma_start3A_437 = tpu.memref_slice %arg8[%dma_start3A_435, %dma_start3A_436] : memref<1024x64xbf16, #tpu.memory_space<vmem>> -> memref<128x64xbf16, #tpu.memory_space<vmem>>
        %dma_start3A_438 = arith.constant 0 : i32
        %dma_start3A_439 = tpu.memref_slice %arg6[%add3A_434, %dma_start3A_438] : memref<160x128xi32, #tpu.memory_space<vmem>> -> memref<1x128xi32, #tpu.memory_space<vmem>>
        %dma_start3A_440 = tpu.memref_squeeze %dma_start3A_439 : memref<1x128xi32, #tpu.memory_space<vmem>> -> memref<128xi32, #tpu.memory_space<vmem>>
        %dma_start3A_441 = arith.constant 0 : i32
        %dma_start3A_442 = arith.constant 0 : i32
        %dma_start3A_443 = tpu.memref_slice %arg2[%arg0, %dma_start3A_441, %dma_start3A_442] : memref<2x10000x64xbf16, #tpu.memory_space<hbm>> -> memref<1x10000x64xbf16, #tpu.memory_space<hbm>>
        %dma_start3A_444 = tpu.memref_squeeze %dma_start3A_443 : memref<1x10000x64xbf16, #tpu.memory_space<hbm>> -> memref<10000x64xbf16, #tpu.memory_space<hbm>>
        %dma_start3A_445 = arith.constant 0 : i32
        %dma_start3A_446 = arith.constant 0 : i32
        %dma_start3A_447 = tpu.memref_slice %dma_start3A_444[%dma_start3A_445, %dma_start3A_446] : memref<10000x64xbf16, #tpu.memory_space<hbm>> -> memref<10000x64xbf16, #tpu.memory_space<hbm>>
        tpu.enqueue_indirect_dma source(%dma_start3A_447 : memref<10000x64xbf16, #tpu.memory_space<hbm>>) target(%dma_start3A_437 : memref<128x64xbf16, #tpu.memory_space<vmem>>) offsets(%dma_start3A_440 : memref<128xi32, #tpu.memory_space<vmem>>) semaphore(%arg10 : memref<!tpu.dma_semaphore, #tpu.memory_space<semaphore_mem>>)
      } else {
      }
      %mul3A_202 = arith.constant 4 : i32
      %mul3A_203 = arith.muli %add3A_137, %mul3A_202 : i32
      %add3A_204 = arith.constant 0 : i32
      %add3A_205 = arith.addi %mul3A_203, %add3A_204 : i32
      %dma_start3A_206 = arith.constant 0 : i32
      %dma_start3A_207 = arith.constant 0 : i32
      %dma_start3A_208 = tpu.memref_slice %arg8[%dma_start3A_206, %dma_start3A_207] : memref<1024x64xbf16, #tpu.memory_space<vmem>> -> memref<128x64xbf16, #tpu.memory_space<vmem>>
      %dma_start3A_209 = arith.constant 0 : i32
      %dma_start3A_210 = tpu.memref_slice %arg7[%add3A_205, %dma_start3A_209] : memref<160x128xi32, #tpu.memory_space<vmem>> -> memref<1x128xi32, #tpu.memory_space<vmem>>
      %dma_start3A_211 = tpu.memref_squeeze %dma_start3A_210 : memref<1x128xi32, #tpu.memory_space<vmem>> -> memref<128xi32, #tpu.memory_space<vmem>>
      %dma_start3A_212 = arith.constant 0 : i32
      %dma_start3A_213 = arith.constant 0 : i32
      %dma_start3A_214 = tpu.memref_slice %arg9[%dma_start3A_212, %dma_start3A_213] : memref<10240x64xbf16, #tpu.memory_space<vmem_shared>> -> memref<10240x64xbf16, #tpu.memory_space<vmem_shared>>
      tpu.enqueue_indirect_dma source(%dma_start3A_208 : memref<128x64xbf16, #tpu.memory_space<vmem>>) target(%dma_start3A_214 : memref<10240x64xbf16, #tpu.memory_space<vmem_shared>>) offsets(%dma_start3A_211 : memref<128xi32, #tpu.memory_space<vmem>>) semaphore(%arg11 : memref<!tpu.dma_semaphore, #tpu.memory_space<semaphore_mem>>) {add = true}
      %mul3A_215 = arith.constant 4 : i32
      %mul3A_216 = arith.muli %add3A_137, %mul3A_215 : i32
      %add3A_217 = arith.constant 1 : i32
      %add3A_218 = arith.addi %mul3A_216, %add3A_217 : i32
      %dma_start3A_219 = arith.constant 128 : i32
      %dma_start3A_220 = arith.constant 0 : i32
      %dma_start3A_221 = tpu.memref_slice %arg8[%dma_start3A_219, %dma_start3A_220] : memref<1024x64xbf16, #tpu.memory_space<vmem>> -> memref<128x64xbf16, #tpu.memory_space<vmem>>
      %dma_start3A_222 = arith.constant 0 : i32
      %dma_start3A_223 = tpu.memref_slice %arg7[%add3A_218, %dma_start3A_222] : memref<160x128xi32, #tpu.memory_space<vmem>> -> memref<1x128xi32, #tpu.memory_space<vmem>>
      %dma_start3A_224 = tpu.memref_squeeze %dma_start3A_223 : memref<1x128xi32, #tpu.memory_space<vmem>> -> memref<128xi32, #tpu.memory_space<vmem>>
      %dma_start3A_225 = arith.constant 0 : i32
      %dma_start3A_226 = arith.constant 0 : i32
      %dma_start3A_227 = tpu.memref_slice %arg9[%dma_start3A_225, %dma_start3A_226] : memref<10240x64xbf16, #tpu.memory_space<vmem_shared>> -> memref<10240x64xbf16, #tpu.memory_space<vmem_shared>>
      tpu.enqueue_indirect_dma source(%dma_start3A_221 : memref<128x64xbf16, #tpu.memory_space<vmem>>) target(%dma_start3A_227 : memref<10240x64xbf16, #tpu.memory_space<vmem_shared>>) offsets(%dma_start3A_224 : memref<128xi32, #tpu.memory_space<vmem>>) semaphore(%arg11 : memref<!tpu.dma_semaphore, #tpu.memory_space<semaphore_mem>>) {add = true}
      %mul3A_228 = arith.constant 4 : i32
      %mul3A_229 = arith.muli %add3A_137, %mul3A_228 : i32
      %add3A_230 = arith.constant 2 : i32
      %add3A_231 = arith.addi %mul3A_229, %add3A_230 : i32
      %dma_start3A_232 = arith.constant 256 : i32
      %dma_start3A_233 = arith.constant 0 : i32
      %dma_start3A_234 = tpu.memref_slice %arg8[%dma_start3A_232, %dma_start3A_233] : memref<1024x64xbf16, #tpu.memory_space<vmem>> -> memref<128x64xbf16, #tpu.memory_space<vmem>>
      %dma_start3A_235 = arith.constant 0 : i32
      %dma_start3A_236 = tpu.memref_slice %arg7[%add3A_231, %dma_start3A_235] : memref<160x128xi32, #tpu.memory_space<vmem>> -> memref<1x128xi32, #tpu.memory_space<vmem>>
      %dma_start3A_237 = tpu.memref_squeeze %dma_start3A_236 : memref<1x128xi32, #tpu.memory_space<vmem>> -> memref<128xi32, #tpu.memory_space<vmem>>
      %dma_start3A_238 = arith.constant 0 : i32
      %dma_start3A_239 = arith.constant 0 : i32
      %dma_start3A_240 = tpu.memref_slice %arg9[%dma_start3A_238, %dma_start3A_239] : memref<10240x64xbf16, #tpu.memory_space<vmem_shared>> -> memref<10240x64xbf16, #tpu.memory_space<vmem_shared>>
      tpu.enqueue_indirect_dma source(%dma_start3A_234 : memref<128x64xbf16, #tpu.memory_space<vmem>>) target(%dma_start3A_240 : memref<10240x64xbf16, #tpu.memory_space<vmem_shared>>) offsets(%dma_start3A_237 : memref<128xi32, #tpu.memory_space<vmem>>) semaphore(%arg11 : memref<!tpu.dma_semaphore, #tpu.memory_space<semaphore_mem>>) {add = true}
      %mul3A_241 = arith.constant 4 : i32
      %mul3A_242 = arith.muli %add3A_137, %mul3A_241 : i32
      %add3A_243 = arith.constant 3 : i32
      %add3A_244 = arith.addi %mul3A_242, %add3A_243 : i32
      %dma_start3A_245 = arith.constant 384 : i32
      %dma_start3A_246 = arith.constant 0 : i32
      %dma_start3A_247 = tpu.memref_slice %arg8[%dma_start3A_245, %dma_start3A_246] : memref<1024x64xbf16, #tpu.memory_space<vmem>> -> memref<128x64xbf16, #tpu.memory_space<vmem>>
      %dma_start3A_248 = arith.constant 0 : i32
      %dma_start3A_249 = tpu.memref_slice %arg7[%add3A_244, %dma_start3A_248] : memref<160x128xi32, #tpu.memory_space<vmem>> -> memref<1x128xi32, #tpu.memory_space<vmem>>
      %dma_start3A_250 = tpu.memref_squeeze %dma_start3A_249 : memref<1x128xi32, #tpu.memory_space<vmem>> -> memref<128xi32, #tpu.memory_space<vmem>>
      %dma_start3A_251 = arith.constant 0 : i32
      %dma_start3A_252 = arith.constant 0 : i32
      %dma_start3A_253 = tpu.memref_slice %arg9[%dma_start3A_251, %dma_start3A_252] : memref<10240x64xbf16, #tpu.memory_space<vmem_shared>> -> memref<10240x64xbf16, #tpu.memory_space<vmem_shared>>
      tpu.enqueue_indirect_dma source(%dma_start3A_247 : memref<128x64xbf16, #tpu.memory_space<vmem>>) target(%dma_start3A_253 : memref<10240x64xbf16, #tpu.memory_space<vmem_shared>>) offsets(%dma_start3A_250 : memref<128xi32, #tpu.memory_space<vmem>>) semaphore(%arg11 : memref<!tpu.dma_semaphore, #tpu.memory_space<semaphore_mem>>) {add = true}
      %mul3A_254 = arith.constant 2 : i32
      %mul3A_255 = arith.muli %scan3A_133, %mul3A_254 : i32
      %add3A_256 = arith.constant 1 : i32
      %add3A_257 = arith.addi %mul3A_255, %add3A_256 : i32
      %dma_wait3A_258 = arith.constant 0 : i32
      %dma_wait3A_259 = arith.constant 512 : i32
      %dma_wait3A_260 = arith.constant 0 : i32
      %dma_wait3A_261 = tpu.memref_slice %arg8[%dma_wait3A_259, %dma_wait3A_260] : memref<1024x64xbf16, #tpu.memory_space<vmem>> -> memref<128x64xbf16, #tpu.memory_space<vmem>>
      %dma_wait3A_262 = arith.constant 0 : i32
      %dma_wait3A_263 = tpu.memref_slice %arg6[%dma_wait3A_258, %dma_wait3A_262] : memref<160x128xi32, #tpu.memory_space<vmem>> -> memref<1x128xi32, #tpu.memory_space<vmem>>
      %dma_wait3A_264 = tpu.memref_squeeze %dma_wait3A_263 : memref<1x128xi32, #tpu.memory_space<vmem>> -> memref<128xi32, #tpu.memory_space<vmem>>
      %dma_wait3A_265 = arith.constant 0 : i32
      %dma_wait3A_266 = arith.constant 0 : i32
      %dma_wait3A_267 = tpu.memref_slice %arg2[%arg0, %dma_wait3A_265, %dma_wait3A_266] : memref<2x10000x64xbf16, #tpu.memory_space<hbm>> -> memref<1x10000x64xbf16, #tpu.memory_space<hbm>>
      %dma_wait3A_268 = tpu.memref_squeeze %dma_wait3A_267 : memref<1x10000x64xbf16, #tpu.memory_space<hbm>> -> memref<10000x64xbf16, #tpu.memory_space<hbm>>
      %dma_wait3A_269 = arith.constant 0 : i32
      %dma_wait3A_270 = arith.constant 0 : i32
      %dma_wait3A_271 = tpu.memref_slice %dma_wait3A_268[%dma_wait3A_269, %dma_wait3A_270] : memref<10000x64xbf16, #tpu.memory_space<hbm>> -> memref<10000x64xbf16, #tpu.memory_space<hbm>>
      tpu.wait_indirect_dma semaphore(%arg10 : memref<!tpu.dma_semaphore, #tpu.memory_space<semaphore_mem>>) src(%dma_wait3A_271 : memref<10000x64xbf16, #tpu.memory_space<hbm>>) dst(%dma_wait3A_261 : memref<128x64xbf16, #tpu.memory_space<vmem>>)
      %dma_wait3A_272 = arith.constant 0 : i32
      %dma_wait3A_273 = arith.constant 640 : i32
      %dma_wait3A_274 = arith.constant 0 : i32
      %dma_wait3A_275 = tpu.memref_slice %arg8[%dma_wait3A_273, %dma_wait3A_274] : memref<1024x64xbf16, #tpu.memory_space<vmem>> -> memref<128x64xbf16, #tpu.memory_space<vmem>>
      %dma_wait3A_276 = arith.constant 0 : i32
      %dma_wait3A_277 = tpu.memref_slice %arg6[%dma_wait3A_272, %dma_wait3A_276] : memref<160x128xi32, #tpu.memory_space<vmem>> -> memref<1x128xi32, #tpu.memory_space<vmem>>
      %dma_wait3A_278 = tpu.memref_squeeze %dma_wait3A_277 : memref<1x128xi32, #tpu.memory_space<vmem>> -> memref<128xi32, #tpu.memory_space<vmem>>
      %dma_wait3A_279 = arith.constant 0 : i32
      %dma_wait3A_280 = arith.constant 0 : i32
      %dma_wait3A_281 = tpu.memref_slice %arg2[%arg0, %dma_wait3A_279, %dma_wait3A_280] : memref<2x10000x64xbf16, #tpu.memory_space<hbm>> -> memref<1x10000x64xbf16, #tpu.memory_space<hbm>>
      %dma_wait3A_282 = tpu.memref_squeeze %dma_wait3A_281 : memref<1x10000x64xbf16, #tpu.memory_space<hbm>> -> memref<10000x64xbf16, #tpu.memory_space<hbm>>
      %dma_wait3A_283 = arith.constant 0 : i32
      %dma_wait3A_284 = arith.constant 0 : i32
      %dma_wait3A_285 = tpu.memref_slice %dma_wait3A_282[%dma_wait3A_283, %dma_wait3A_284] : memref<10000x64xbf16, #tpu.memory_space<hbm>> -> memref<10000x64xbf16, #tpu.memory_space<hbm>>
      tpu.wait_indirect_dma semaphore(%arg10 : memref<!tpu.dma_semaphore, #tpu.memory_space<semaphore_mem>>) src(%dma_wait3A_285 : memref<10000x64xbf16, #tpu.memory_space<hbm>>) dst(%dma_wait3A_275 : memref<128x64xbf16, #tpu.memory_space<vmem>>)
      %dma_wait3A_286 = arith.constant 0 : i32
      %dma_wait3A_287 = arith.constant 768 : i32
      %dma_wait3A_288 = arith.constant 0 : i32
      %dma_wait3A_289 = tpu.memref_slice %arg8[%dma_wait3A_287, %dma_wait3A_288] : memref<1024x64xbf16, #tpu.memory_space<vmem>> -> memref<128x64xbf16, #tpu.memory_space<vmem>>
      %dma_wait3A_290 = arith.constant 0 : i32
      %dma_wait3A_291 = tpu.memref_slice %arg6[%dma_wait3A_286, %dma_wait3A_290] : memref<160x128xi32, #tpu.memory_space<vmem>> -> memref<1x128xi32, #tpu.memory_space<vmem>>
      %dma_wait3A_292 = tpu.memref_squeeze %dma_wait3A_291 : memref<1x128xi32, #tpu.memory_space<vmem>> -> memref<128xi32, #tpu.memory_space<vmem>>
      %dma_wait3A_293 = arith.constant 0 : i32
      %dma_wait3A_294 = arith.constant 0 : i32
      %dma_wait3A_295 = tpu.memref_slice %arg2[%arg0, %dma_wait3A_293, %dma_wait3A_294] : memref<2x10000x64xbf16, #tpu.memory_space<hbm>> -> memref<1x10000x64xbf16, #tpu.memory_space<hbm>>
      %dma_wait3A_296 = tpu.memref_squeeze %dma_wait3A_295 : memref<1x10000x64xbf16, #tpu.memory_space<hbm>> -> memref<10000x64xbf16, #tpu.memory_space<hbm>>
      %dma_wait3A_297 = arith.constant 0 : i32
      %dma_wait3A_298 = arith.constant 0 : i32
      %dma_wait3A_299 = tpu.memref_slice %dma_wait3A_296[%dma_wait3A_297, %dma_wait3A_298] : memref<10000x64xbf16, #tpu.memory_space<hbm>> -> memref<10000x64xbf16, #tpu.memory_space<hbm>>
      tpu.wait_indirect_dma semaphore(%arg10 : memref<!tpu.dma_semaphore, #tpu.memory_space<semaphore_mem>>) src(%dma_wait3A_299 : memref<10000x64xbf16, #tpu.memory_space<hbm>>) dst(%dma_wait3A_289 : memref<128x64xbf16, #tpu.memory_space<vmem>>)
      %dma_wait3A_300 = arith.constant 0 : i32
      %dma_wait3A_301 = arith.constant 896 : i32
      %dma_wait3A_302 = arith.constant 0 : i32
      %dma_wait3A_303 = tpu.memref_slice %arg8[%dma_wait3A_301, %dma_wait3A_302] : memref<1024x64xbf16, #tpu.memory_space<vmem>> -> memref<128x64xbf16, #tpu.memory_space<vmem>>
      %dma_wait3A_304 = arith.constant 0 : i32
      %dma_wait3A_305 = tpu.memref_slice %arg6[%dma_wait3A_300, %dma_wait3A_304] : memref<160x128xi32, #tpu.memory_space<vmem>> -> memref<1x128xi32, #tpu.memory_space<vmem>>
      %dma_wait3A_306 = tpu.memref_squeeze %dma_wait3A_305 : memref<1x128xi32, #tpu.memory_space<vmem>> -> memref<128xi32, #tpu.memory_space<vmem>>
      %dma_wait3A_307 = arith.constant 0 : i32
      %dma_wait3A_308 = arith.constant 0 : i32
      %dma_wait3A_309 = tpu.memref_slice %arg2[%arg0, %dma_wait3A_307, %dma_wait3A_308] : memref<2x10000x64xbf16, #tpu.memory_space<hbm>> -> memref<1x10000x64xbf16, #tpu.memory_space<hbm>>
      %dma_wait3A_310 = tpu.memref_squeeze %dma_wait3A_309 : memref<1x10000x64xbf16, #tpu.memory_space<hbm>> -> memref<10000x64xbf16, #tpu.memory_space<hbm>>
      %dma_wait3A_311 = arith.constant 0 : i32
      %dma_wait3A_312 = arith.constant 0 : i32
      %dma_wait3A_313 = tpu.memref_slice %dma_wait3A_310[%dma_wait3A_311, %dma_wait3A_312] : memref<10000x64xbf16, #tpu.memory_space<hbm>> -> memref<10000x64xbf16, #tpu.memory_space<hbm>>
      tpu.wait_indirect_dma semaphore(%arg10 : memref<!tpu.dma_semaphore, #tpu.memory_space<semaphore_mem>>) src(%dma_wait3A_313 : memref<10000x64xbf16, #tpu.memory_space<hbm>>) dst(%dma_wait3A_303 : memref<128x64xbf16, #tpu.memory_space<vmem>>)
      %ge3A_314 = arith.constant 1 : i32
      %ge3A_315 = arith.cmpi sge, %add3A_257, %ge3A_314 : i32
      %convert_element_type3A_316 = arith.extui %ge3A_315 : i1 to i32
      %cond3A_317 = arith.constant 0 : i32
      %cond3A_318 = arith.cmpi ne, %convert_element_type3A_316, %cond3A_317 : i32
      scf.if %cond3A_318 {
        %dma_wait3A_378 = arith.constant 0 : i32
        %dma_wait3A_379 = arith.constant 0 : i32
        %dma_wait3A_380 = arith.constant 0 : i32
        %dma_wait3A_381 = tpu.memref_slice %arg8[%dma_wait3A_379, %dma_wait3A_380] : memref<1024x64xbf16, #tpu.memory_space<vmem>> -> memref<128x64xbf16, #tpu.memory_space<vmem>>
        %dma_wait3A_382 = arith.constant 0 : i32
        %dma_wait3A_383 = tpu.memref_slice %arg7[%dma_wait3A_378, %dma_wait3A_382] : memref<160x128xi32, #tpu.memory_space<vmem>> -> memref<1x128xi32, #tpu.memory_space<vmem>>
        %dma_wait3A_384 = tpu.memref_squeeze %dma_wait3A_383 : memref<1x128xi32, #tpu.memory_space<vmem>> -> memref<128xi32, #tpu.memory_space<vmem>>
        %dma_wait3A_385 = arith.constant 0 : i32
        %dma_wait3A_386 = arith.constant 0 : i32
        %dma_wait3A_387 = tpu.memref_slice %arg9[%dma_wait3A_385, %dma_wait3A_386] : memref<10240x64xbf16, #tpu.memory_space<vmem_shared>> -> memref<10240x64xbf16, #tpu.memory_space<vmem_shared>>
        tpu.wait_indirect_dma semaphore(%arg11 : memref<!tpu.dma_semaphore, #tpu.memory_space<semaphore_mem>>) src(%dma_wait3A_381 : memref<128x64xbf16, #tpu.memory_space<vmem>>) dst(%dma_wait3A_387 : memref<10240x64xbf16, #tpu.memory_space<vmem_shared>>)
        %dma_wait3A_388 = arith.constant 0 : i32
        %dma_wait3A_389 = arith.constant 128 : i32
        %dma_wait3A_390 = arith.constant 0 : i32
        %dma_wait3A_391 = tpu.memref_slice %arg8[%dma_wait3A_389, %dma_wait3A_390] : memref<1024x64xbf16, #tpu.memory_space<vmem>> -> memref<128x64xbf16, #tpu.memory_space<vmem>>
        %dma_wait3A_392 = arith.constant 0 : i32
        %dma_wait3A_393 = tpu.memref_slice %arg7[%dma_wait3A_388, %dma_wait3A_392] : memref<160x128xi32, #tpu.memory_space<vmem>> -> memref<1x128xi32, #tpu.memory_space<vmem>>
        %dma_wait3A_394 = tpu.memref_squeeze %dma_wait3A_393 : memref<1x128xi32, #tpu.memory_space<vmem>> -> memref<128xi32, #tpu.memory_space<vmem>>
        %dma_wait3A_395 = arith.constant 0 : i32
        %dma_wait3A_396 = arith.constant 0 : i32
        %dma_wait3A_397 = tpu.memref_slice %arg9[%dma_wait3A_395, %dma_wait3A_396] : memref<10240x64xbf16, #tpu.memory_space<vmem_shared>> -> memref<10240x64xbf16, #tpu.memory_space<vmem_shared>>
        tpu.wait_indirect_dma semaphore(%arg11 : memref<!tpu.dma_semaphore, #tpu.memory_space<semaphore_mem>>) src(%dma_wait3A_391 : memref<128x64xbf16, #tpu.memory_space<vmem>>) dst(%dma_wait3A_397 : memref<10240x64xbf16, #tpu.memory_space<vmem_shared>>)
        %dma_wait3A_398 = arith.constant 0 : i32
        %dma_wait3A_399 = arith.constant 256 : i32
        %dma_wait3A_400 = arith.constant 0 : i32
        %dma_wait3A_401 = tpu.memref_slice %arg8[%dma_wait3A_399, %dma_wait3A_400] : memref<1024x64xbf16, #tpu.memory_space<vmem>> -> memref<128x64xbf16, #tpu.memory_space<vmem>>
        %dma_wait3A_402 = arith.constant 0 : i32
        %dma_wait3A_403 = tpu.memref_slice %arg7[%dma_wait3A_398, %dma_wait3A_402] : memref<160x128xi32, #tpu.memory_space<vmem>> -> memref<1x128xi32, #tpu.memory_space<vmem>>
        %dma_wait3A_404 = tpu.memref_squeeze %dma_wait3A_403 : memref<1x128xi32, #tpu.memory_space<vmem>> -> memref<128xi32, #tpu.memory_space<vmem>>
        %dma_wait3A_405 = arith.constant 0 : i32
        %dma_wait3A_406 = arith.constant 0 : i32
        %dma_wait3A_407 = tpu.memref_slice %arg9[%dma_wait3A_405, %dma_wait3A_406] : memref<10240x64xbf16, #tpu.memory_space<vmem_shared>> -> memref<10240x64xbf16, #tpu.memory_space<vmem_shared>>
        tpu.wait_indirect_dma semaphore(%arg11 : memref<!tpu.dma_semaphore, #tpu.memory_space<semaphore_mem>>) src(%dma_wait3A_401 : memref<128x64xbf16, #tpu.memory_space<vmem>>) dst(%dma_wait3A_407 : memref<10240x64xbf16, #tpu.memory_space<vmem_shared>>)
        %dma_wait3A_408 = arith.constant 0 : i32
        %dma_wait3A_409 = arith.constant 384 : i32
        %dma_wait3A_410 = arith.constant 0 : i32
        %dma_wait3A_411 = tpu.memref_slice %arg8[%dma_wait3A_409, %dma_wait3A_410] : memref<1024x64xbf16, #tpu.memory_space<vmem>> -> memref<128x64xbf16, #tpu.memory_space<vmem>>
        %dma_wait3A_412 = arith.constant 0 : i32
        %dma_wait3A_413 = tpu.memref_slice %arg7[%dma_wait3A_408, %dma_wait3A_412] : memref<160x128xi32, #tpu.memory_space<vmem>> -> memref<1x128xi32, #tpu.memory_space<vmem>>
        %dma_wait3A_414 = tpu.memref_squeeze %dma_wait3A_413 : memref<1x128xi32, #tpu.memory_space<vmem>> -> memref<128xi32, #tpu.memory_space<vmem>>
        %dma_wait3A_415 = arith.constant 0 : i32
        %dma_wait3A_416 = arith.constant 0 : i32
        %dma_wait3A_417 = tpu.memref_slice %arg9[%dma_wait3A_415, %dma_wait3A_416] : memref<10240x64xbf16, #tpu.memory_space<vmem_shared>> -> memref<10240x64xbf16, #tpu.memory_space<vmem_shared>>
        tpu.wait_indirect_dma semaphore(%arg11 : memref<!tpu.dma_semaphore, #tpu.memory_space<semaphore_mem>>) src(%dma_wait3A_411 : memref<128x64xbf16, #tpu.memory_space<vmem>>) dst(%dma_wait3A_417 : memref<10240x64xbf16, #tpu.memory_space<vmem_shared>>)
      } else {
      }
      %add3A_319 = arith.constant 1 : i32
      %add3A_320 = arith.addi %add3A_257, %add3A_319 : i32
      %lt3A_321 = arith.constant 40 : i32
      %lt3A_322 = arith.cmpi slt, %add3A_320, %lt3A_321 : i32
      %convert_element_type3A_323 = arith.extui %lt3A_322 : i1 to i32
      %cond3A_324 = arith.constant 0 : i32
      %cond3A_325 = arith.cmpi ne, %convert_element_type3A_323, %cond3A_324 : i32
      scf.if %cond3A_325 {
        %add3A_378 = arith.constant 1 : i32
        %add3A_379 = arith.addi %add3A_257, %add3A_378 : i32
        %mul3A_380 = arith.constant 4 : i32
        %mul3A_381 = arith.muli %add3A_379, %mul3A_380 : i32
        %add3A_382 = arith.constant 0 : i32
        %add3A_383 = arith.addi %mul3A_381, %add3A_382 : i32
        %dma_start3A_384 = arith.constant 0 : i32
        %dma_start3A_385 = arith.constant 0 : i32
        %dma_start3A_386 = tpu.memref_slice %arg8[%dma_start3A_384, %dma_start3A_385] : memref<1024x64xbf16, #tpu.memory_space<vmem>> -> memref<128x64xbf16, #tpu.memory_space<vmem>>
        %dma_start3A_387 = arith.constant 0 : i32
        %dma_start3A_388 = tpu.memref_slice %arg6[%add3A_383, %dma_start3A_387] : memref<160x128xi32, #tpu.memory_space<vmem>> -> memref<1x128xi32, #tpu.memory_space<vmem>>
        %dma_start3A_389 = tpu.memref_squeeze %dma_start3A_388 : memref<1x128xi32, #tpu.memory_space<vmem>> -> memref<128xi32, #tpu.memory_space<vmem>>
        %dma_start3A_390 = arith.constant 0 : i32
        %dma_start3A_391 = arith.constant 0 : i32
        %dma_start3A_392 = tpu.memref_slice %arg2[%arg0, %dma_start3A_390, %dma_start3A_391] : memref<2x10000x64xbf16, #tpu.memory_space<hbm>> -> memref<1x10000x64xbf16, #tpu.memory_space<hbm>>
        %dma_start3A_393 = tpu.memref_squeeze %dma_start3A_392 : memref<1x10000x64xbf16, #tpu.memory_space<hbm>> -> memref<10000x64xbf16, #tpu.memory_space<hbm>>
        %dma_start3A_394 = arith.constant 0 : i32
        %dma_start3A_395 = arith.constant 0 : i32
        %dma_start3A_396 = tpu.memref_slice %dma_start3A_393[%dma_start3A_394, %dma_start3A_395] : memref<10000x64xbf16, #tpu.memory_space<hbm>> -> memref<10000x64xbf16, #tpu.memory_space<hbm>>
        tpu.enqueue_indirect_dma source(%dma_start3A_396 : memref<10000x64xbf16, #tpu.memory_space<hbm>>) target(%dma_start3A_386 : memref<128x64xbf16, #tpu.memory_space<vmem>>) offsets(%dma_start3A_389 : memref<128xi32, #tpu.memory_space<vmem>>) semaphore(%arg10 : memref<!tpu.dma_semaphore, #tpu.memory_space<semaphore_mem>>)
        %mul3A_397 = arith.constant 4 : i32
        %mul3A_398 = arith.muli %add3A_379, %mul3A_397 : i32
        %add3A_399 = arith.constant 1 : i32
        %add3A_400 = arith.addi %mul3A_398, %add3A_399 : i32
        %dma_start3A_401 = arith.constant 128 : i32
        %dma_start3A_402 = arith.constant 0 : i32
        %dma_start3A_403 = tpu.memref_slice %arg8[%dma_start3A_401, %dma_start3A_402] : memref<1024x64xbf16, #tpu.memory_space<vmem>> -> memref<128x64xbf16, #tpu.memory_space<vmem>>
        %dma_start3A_404 = arith.constant 0 : i32
        %dma_start3A_405 = tpu.memref_slice %arg6[%add3A_400, %dma_start3A_404] : memref<160x128xi32, #tpu.memory_space<vmem>> -> memref<1x128xi32, #tpu.memory_space<vmem>>
        %dma_start3A_406 = tpu.memref_squeeze %dma_start3A_405 : memref<1x128xi32, #tpu.memory_space<vmem>> -> memref<128xi32, #tpu.memory_space<vmem>>
        %dma_start3A_407 = arith.constant 0 : i32
        %dma_start3A_408 = arith.constant 0 : i32
        %dma_start3A_409 = tpu.memref_slice %arg2[%arg0, %dma_start3A_407, %dma_start3A_408] : memref<2x10000x64xbf16, #tpu.memory_space<hbm>> -> memref<1x10000x64xbf16, #tpu.memory_space<hbm>>
        %dma_start3A_410 = tpu.memref_squeeze %dma_start3A_409 : memref<1x10000x64xbf16, #tpu.memory_space<hbm>> -> memref<10000x64xbf16, #tpu.memory_space<hbm>>
        %dma_start3A_411 = arith.constant 0 : i32
        %dma_start3A_412 = arith.constant 0 : i32
        %dma_start3A_413 = tpu.memref_slice %dma_start3A_410[%dma_start3A_411, %dma_start3A_412] : memref<10000x64xbf16, #tpu.memory_space<hbm>> -> memref<10000x64xbf16, #tpu.memory_space<hbm>>
        tpu.enqueue_indirect_dma source(%dma_start3A_413 : memref<10000x64xbf16, #tpu.memory_space<hbm>>) target(%dma_start3A_403 : memref<128x64xbf16, #tpu.memory_space<vmem>>) offsets(%dma_start3A_406 : memref<128xi32, #tpu.memory_space<vmem>>) semaphore(%arg10 : memref<!tpu.dma_semaphore, #tpu.memory_space<semaphore_mem>>)
        %mul3A_414 = arith.constant 4 : i32
        %mul3A_415 = arith.muli %add3A_379, %mul3A_414 : i32
        %add3A_416 = arith.constant 2 : i32
        %add3A_417 = arith.addi %mul3A_415, %add3A_416 : i32
        %dma_start3A_418 = arith.constant 256 : i32
        %dma_start3A_419 = arith.constant 0 : i32
        %dma_start3A_420 = tpu.memref_slice %arg8[%dma_start3A_418, %dma_start3A_419] : memref<1024x64xbf16, #tpu.memory_space<vmem>> -> memref<128x64xbf16, #tpu.memory_space<vmem>>
        %dma_start3A_421 = arith.constant 0 : i32
        %dma_start3A_422 = tpu.memref_slice %arg6[%add3A_417, %dma_start3A_421] : memref<160x128xi32, #tpu.memory_space<vmem>> -> memref<1x128xi32, #tpu.memory_space<vmem>>
        %dma_start3A_423 = tpu.memref_squeeze %dma_start3A_422 : memref<1x128xi32, #tpu.memory_space<vmem>> -> memref<128xi32, #tpu.memory_space<vmem>>
        %dma_start3A_424 = arith.constant 0 : i32
        %dma_start3A_425 = arith.constant 0 : i32
        %dma_start3A_426 = tpu.memref_slice %arg2[%arg0, %dma_start3A_424, %dma_start3A_425] : memref<2x10000x64xbf16, #tpu.memory_space<hbm>> -> memref<1x10000x64xbf16, #tpu.memory_space<hbm>>
        %dma_start3A_427 = tpu.memref_squeeze %dma_start3A_426 : memref<1x10000x64xbf16, #tpu.memory_space<hbm>> -> memref<10000x64xbf16, #tpu.memory_space<hbm>>
        %dma_start3A_428 = arith.constant 0 : i32
        %dma_start3A_429 = arith.constant 0 : i32
        %dma_start3A_430 = tpu.memref_slice %dma_start3A_427[%dma_start3A_428, %dma_start3A_429] : memref<10000x64xbf16, #tpu.memory_space<hbm>> -> memref<10000x64xbf16, #tpu.memory_space<hbm>>
        tpu.enqueue_indirect_dma source(%dma_start3A_430 : memref<10000x64xbf16, #tpu.memory_space<hbm>>) target(%dma_start3A_420 : memref<128x64xbf16, #tpu.memory_space<vmem>>) offsets(%dma_start3A_423 : memref<128xi32, #tpu.memory_space<vmem>>) semaphore(%arg10 : memref<!tpu.dma_semaphore, #tpu.memory_space<semaphore_mem>>)
        %mul3A_431 = arith.constant 4 : i32
        %mul3A_432 = arith.muli %add3A_379, %mul3A_431 : i32
        %add3A_433 = arith.constant 3 : i32
        %add3A_434 = arith.addi %mul3A_432, %add3A_433 : i32
        %dma_start3A_435 = arith.constant 384 : i32
        %dma_start3A_436 = arith.constant 0 : i32
        %dma_start3A_437 = tpu.memref_slice %arg8[%dma_start3A_435, %dma_start3A_436] : memref<1024x64xbf16, #tpu.memory_space<vmem>> -> memref<128x64xbf16, #tpu.memory_space<vmem>>
        %dma_start3A_438 = arith.constant 0 : i32
        %dma_start3A_439 = tpu.memref_slice %arg6[%add3A_434, %dma_start3A_438] : memref<160x128xi32, #tpu.memory_space<vmem>> -> memref<1x128xi32, #tpu.memory_space<vmem>>
        %dma_start3A_440 = tpu.memref_squeeze %dma_start3A_439 : memref<1x128xi32, #tpu.memory_space<vmem>> -> memref<128xi32, #tpu.memory_space<vmem>>
        %dma_start3A_441 = arith.constant 0 : i32
        %dma_start3A_442 = arith.constant 0 : i32
        %dma_start3A_443 = tpu.memref_slice %arg2[%arg0, %dma_start3A_441, %dma_start3A_442] : memref<2x10000x64xbf16, #tpu.memory_space<hbm>> -> memref<1x10000x64xbf16, #tpu.memory_space<hbm>>
        %dma_start3A_444 = tpu.memref_squeeze %dma_start3A_443 : memref<1x10000x64xbf16, #tpu.memory_space<hbm>> -> memref<10000x64xbf16, #tpu.memory_space<hbm>>
        %dma_start3A_445 = arith.constant 0 : i32
        %dma_start3A_446 = arith.constant 0 : i32
        %dma_start3A_447 = tpu.memref_slice %dma_start3A_444[%dma_start3A_445, %dma_start3A_446] : memref<10000x64xbf16, #tpu.memory_space<hbm>> -> memref<10000x64xbf16, #tpu.memory_space<hbm>>
        tpu.enqueue_indirect_dma source(%dma_start3A_447 : memref<10000x64xbf16, #tpu.memory_space<hbm>>) target(%dma_start3A_437 : memref<128x64xbf16, #tpu.memory_space<vmem>>) offsets(%dma_start3A_440 : memref<128xi32, #tpu.memory_space<vmem>>) semaphore(%arg10 : memref<!tpu.dma_semaphore, #tpu.memory_space<semaphore_mem>>)
      } else {
      }
      %mul3A_326 = arith.constant 4 : i32
      %mul3A_327 = arith.muli %add3A_257, %mul3A_326 : i32
      %add3A_328 = arith.constant 0 : i32
      %add3A_329 = arith.addi %mul3A_327, %add3A_328 : i32
      %dma_start3A_330 = arith.constant 512 : i32
      %dma_start3A_331 = arith.constant 0 : i32
      %dma_start3A_332 = tpu.memref_slice %arg8[%dma_start3A_330, %dma_start3A_331] : memref<1024x64xbf16, #tpu.memory_space<vmem>> -> memref<128x64xbf16, #tpu.memory_space<vmem>>
      %dma_start3A_333 = arith.constant 0 : i32
      %dma_start3A_334 = tpu.memref_slice %arg7[%add3A_329, %dma_start3A_333] : memref<160x128xi32, #tpu.memory_space<vmem>> -> memref<1x128xi32, #tpu.memory_space<vmem>>
      %dma_start3A_335 = tpu.memref_squeeze %dma_start3A_334 : memref<1x128xi32, #tpu.memory_space<vmem>> -> memref<128xi32, #tpu.memory_space<vmem>>
      %dma_start3A_336 = arith.constant 0 : i32
      %dma_start3A_337 = arith.constant 0 : i32
      %dma_start3A_338 = tpu.memref_slice %arg9[%dma_start3A_336, %dma_start3A_337] : memref<10240x64xbf16, #tpu.memory_space<vmem_shared>> -> memref<10240x64xbf16, #tpu.memory_space<vmem_shared>>
      tpu.enqueue_indirect_dma source(%dma_start3A_332 : memref<128x64xbf16, #tpu.memory_space<vmem>>) target(%dma_start3A_338 : memref<10240x64xbf16, #tpu.memory_space<vmem_shared>>) offsets(%dma_start3A_335 : memref<128xi32, #tpu.memory_space<vmem>>) semaphore(%arg12 : memref<!tpu.dma_semaphore, #tpu.memory_space<semaphore_mem>>) {add = true}
      %mul3A_339 = arith.constant 4 : i32
      %mul3A_340 = arith.muli %add3A_257, %mul3A_339 : i32
      %add3A_341 = arith.constant 1 : i32
      %add3A_342 = arith.addi %mul3A_340, %add3A_341 : i32
      %dma_start3A_343 = arith.constant 640 : i32
      %dma_start3A_344 = arith.constant 0 : i32
      %dma_start3A_345 = tpu.memref_slice %arg8[%dma_start3A_343, %dma_start3A_344] : memref<1024x64xbf16, #tpu.memory_space<vmem>> -> memref<128x64xbf16, #tpu.memory_space<vmem>>
      %dma_start3A_346 = arith.constant 0 : i32
      %dma_start3A_347 = tpu.memref_slice %arg7[%add3A_342, %dma_start3A_346] : memref<160x128xi32, #tpu.memory_space<vmem>> -> memref<1x128xi32, #tpu.memory_space<vmem>>
      %dma_start3A_348 = tpu.memref_squeeze %dma_start3A_347 : memref<1x128xi32, #tpu.memory_space<vmem>> -> memref<128xi32, #tpu.memory_space<vmem>>
      %dma_start3A_349 = arith.constant 0 : i32
      %dma_start3A_350 = arith.constant 0 : i32
      %dma_start3A_351 = tpu.memref_slice %arg9[%dma_start3A_349, %dma_start3A_350] : memref<10240x64xbf16, #tpu.memory_space<vmem_shared>> -> memref<10240x64xbf16, #tpu.memory_space<vmem_shared>>
      tpu.enqueue_indirect_dma source(%dma_start3A_345 : memref<128x64xbf16, #tpu.memory_space<vmem>>) target(%dma_start3A_351 : memref<10240x64xbf16, #tpu.memory_space<vmem_shared>>) offsets(%dma_start3A_348 : memref<128xi32, #tpu.memory_space<vmem>>) semaphore(%arg12 : memref<!tpu.dma_semaphore, #tpu.memory_space<semaphore_mem>>) {add = true}
      %mul3A_352 = arith.constant 4 : i32
      %mul3A_353 = arith.muli %add3A_257, %mul3A_352 : i32
      %add3A_354 = arith.constant 2 : i32
      %add3A_355 = arith.addi %mul3A_353, %add3A_354 : i32
      %dma_start3A_356 = arith.constant 768 : i32
      %dma_start3A_357 = arith.constant 0 : i32
      %dma_start3A_358 = tpu.memref_slice %arg8[%dma_start3A_356, %dma_start3A_357] : memref<1024x64xbf16, #tpu.memory_space<vmem>> -> memref<128x64xbf16, #tpu.memory_space<vmem>>
      %dma_start3A_359 = arith.constant 0 : i32
      %dma_start3A_360 = tpu.memref_slice %arg7[%add3A_355, %dma_start3A_359] : memref<160x128xi32, #tpu.memory_space<vmem>> -> memref<1x128xi32, #tpu.memory_space<vmem>>
      %dma_start3A_361 = tpu.memref_squeeze %dma_start3A_360 : memref<1x128xi32, #tpu.memory_space<vmem>> -> memref<128xi32, #tpu.memory_space<vmem>>
      %dma_start3A_362 = arith.constant 0 : i32
      %dma_start3A_363 = arith.constant 0 : i32
      %dma_start3A_364 = tpu.memref_slice %arg9[%dma_start3A_362, %dma_start3A_363] : memref<10240x64xbf16, #tpu.memory_space<vmem_shared>> -> memref<10240x64xbf16, #tpu.memory_space<vmem_shared>>
      tpu.enqueue_indirect_dma source(%dma_start3A_358 : memref<128x64xbf16, #tpu.memory_space<vmem>>) target(%dma_start3A_364 : memref<10240x64xbf16, #tpu.memory_space<vmem_shared>>) offsets(%dma_start3A_361 : memref<128xi32, #tpu.memory_space<vmem>>) semaphore(%arg12 : memref<!tpu.dma_semaphore, #tpu.memory_space<semaphore_mem>>) {add = true}
      %mul3A_365 = arith.constant 4 : i32
      %mul3A_366 = arith.muli %add3A_257, %mul3A_365 : i32
      %add3A_367 = arith.constant 3 : i32
      %add3A_368 = arith.addi %mul3A_366, %add3A_367 : i32
      %dma_start3A_369 = arith.constant 896 : i32
      %dma_start3A_370 = arith.constant 0 : i32
      %dma_start3A_371 = tpu.memref_slice %arg8[%dma_start3A_369, %dma_start3A_370] : memref<1024x64xbf16, #tpu.memory_space<vmem>> -> memref<128x64xbf16, #tpu.memory_space<vmem>>
      %dma_start3A_372 = arith.constant 0 : i32
      %dma_start3A_373 = tpu.memref_slice %arg7[%add3A_368, %dma_start3A_372] : memref<160x128xi32, #tpu.memory_space<vmem>> -> memref<1x128xi32, #tpu.memory_space<vmem>>
      %dma_start3A_374 = tpu.memref_squeeze %dma_start3A_373 : memref<1x128xi32, #tpu.memory_space<vmem>> -> memref<128xi32, #tpu.memory_space<vmem>>
      %dma_start3A_375 = arith.constant 0 : i32
      %dma_start3A_376 = arith.constant 0 : i32
      %dma_start3A_377 = tpu.memref_slice %arg9[%dma_start3A_375, %dma_start3A_376] : memref<10240x64xbf16, #tpu.memory_space<vmem_shared>> -> memref<10240x64xbf16, #tpu.memory_space<vmem_shared>>
      tpu.enqueue_indirect_dma source(%dma_start3A_371 : memref<128x64xbf16, #tpu.memory_space<vmem>>) target(%dma_start3A_377 : memref<10240x64xbf16, #tpu.memory_space<vmem_shared>>) offsets(%dma_start3A_374 : memref<128xi32, #tpu.memory_space<vmem>>) semaphore(%arg12 : memref<!tpu.dma_semaphore, #tpu.memory_space<semaphore_mem>>) {add = true}
    }
    %scan3A_90 = arith.constant 20 : i32
    %dma_wait3A = arith.constant 0 : i32
    %dma_wait3A_91 = arith.constant 512 : i32
    %dma_wait3A_92 = arith.constant 0 : i32
    %dma_wait3A_93 = tpu.memref_slice %arg8[%dma_wait3A_91, %dma_wait3A_92] : memref<1024x64xbf16, #tpu.memory_space<vmem>> -> memref<128x64xbf16, #tpu.memory_space<vmem>>
    %dma_wait3A_94 = arith.constant 0 : i32
    %dma_wait3A_95 = tpu.memref_slice %arg7[%dma_wait3A, %dma_wait3A_94] : memref<160x128xi32, #tpu.memory_space<vmem>> -> memref<1x128xi32, #tpu.memory_space<vmem>>
    %dma_wait3A_96 = tpu.memref_squeeze %dma_wait3A_95 : memref<1x128xi32, #tpu.memory_space<vmem>> -> memref<128xi32, #tpu.memory_space<vmem>>
    %dma_wait3A_97 = arith.constant 0 : i32
    %dma_wait3A_98 = arith.constant 0 : i32
    %dma_wait3A_99 = tpu.memref_slice %arg9[%dma_wait3A_97, %dma_wait3A_98] : memref<10240x64xbf16, #tpu.memory_space<vmem_shared>> -> memref<10240x64xbf16, #tpu.memory_space<vmem_shared>>
    tpu.wait_indirect_dma semaphore(%arg12 : memref<!tpu.dma_semaphore, #tpu.memory_space<semaphore_mem>>) src(%dma_wait3A_93 : memref<128x64xbf16, #tpu.memory_space<vmem>>) dst(%dma_wait3A_99 : memref<10240x64xbf16, #tpu.memory_space<vmem_shared>>)
    %dma_wait3A_100 = arith.constant 0 : i32
    %dma_wait3A_101 = arith.constant 640 : i32
    %dma_wait3A_102 = arith.constant 0 : i32
    %dma_wait3A_103 = tpu.memref_slice %arg8[%dma_wait3A_101, %dma_wait3A_102] : memref<1024x64xbf16, #tpu.memory_space<vmem>> -> memref<128x64xbf16, #tpu.memory_space<vmem>>
    %dma_wait3A_104 = arith.constant 0 : i32
    %dma_wait3A_105 = tpu.memref_slice %arg7[%dma_wait3A_100, %dma_wait3A_104] : memref<160x128xi32, #tpu.memory_space<vmem>> -> memref<1x128xi32, #tpu.memory_space<vmem>>
    %dma_wait3A_106 = tpu.memref_squeeze %dma_wait3A_105 : memref<1x128xi32, #tpu.memory_space<vmem>> -> memref<128xi32, #tpu.memory_space<vmem>>
    %dma_wait3A_107 = arith.constant 0 : i32
    %dma_wait3A_108 = arith.constant 0 : i32
    %dma_wait3A_109 = tpu.memref_slice %arg9[%dma_wait3A_107, %dma_wait3A_108] : memref<10240x64xbf16, #tpu.memory_space<vmem_shared>> -> memref<10240x64xbf16, #tpu.memory_space<vmem_shared>>
    tpu.wait_indirect_dma semaphore(%arg12 : memref<!tpu.dma_semaphore, #tpu.memory_space<semaphore_mem>>) src(%dma_wait3A_103 : memref<128x64xbf16, #tpu.memory_space<vmem>>) dst(%dma_wait3A_109 : memref<10240x64xbf16, #tpu.memory_space<vmem_shared>>)
    %dma_wait3A_110 = arith.constant 0 : i32
    %dma_wait3A_111 = arith.constant 768 : i32
    %dma_wait3A_112 = arith.constant 0 : i32
    %dma_wait3A_113 = tpu.memref_slice %arg8[%dma_wait3A_111, %dma_wait3A_112] : memref<1024x64xbf16, #tpu.memory_space<vmem>> -> memref<128x64xbf16, #tpu.memory_space<vmem>>
    %dma_wait3A_114 = arith.constant 0 : i32
    %dma_wait3A_115 = tpu.memref_slice %arg7[%dma_wait3A_110, %dma_wait3A_114] : memref<160x128xi32, #tpu.memory_space<vmem>> -> memref<1x128xi32, #tpu.memory_space<vmem>>
    %dma_wait3A_116 = tpu.memref_squeeze %dma_wait3A_115 : memref<1x128xi32, #tpu.memory_space<vmem>> -> memref<128xi32, #tpu.memory_space<vmem>>
    %dma_wait3A_117 = arith.constant 0 : i32
    %dma_wait3A_118 = arith.constant 0 : i32
    %dma_wait3A_119 = tpu.memref_slice %arg9[%dma_wait3A_117, %dma_wait3A_118] : memref<10240x64xbf16, #tpu.memory_space<vmem_shared>> -> memref<10240x64xbf16, #tpu.memory_space<vmem_shared>>
    tpu.wait_indirect_dma semaphore(%arg12 : memref<!tpu.dma_semaphore, #tpu.memory_space<semaphore_mem>>) src(%dma_wait3A_113 : memref<128x64xbf16, #tpu.memory_space<vmem>>) dst(%dma_wait3A_119 : memref<10240x64xbf16, #tpu.memory_space<vmem_shared>>)
    %dma_wait3A_120 = arith.constant 0 : i32
    %dma_wait3A_121 = arith.constant 896 : i32
    %dma_wait3A_122 = arith.constant 0 : i32
    %dma_wait3A_123 = tpu.memref_slice %arg8[%dma_wait3A_121, %dma_wait3A_122] : memref<1024x64xbf16, #tpu.memory_space<vmem>> -> memref<128x64xbf16, #tpu.memory_space<vmem>>
    %dma_wait3A_124 = arith.constant 0 : i32
    %dma_wait3A_125 = tpu.memref_slice %arg7[%dma_wait3A_120, %dma_wait3A_124] : memref<160x128xi32, #tpu.memory_space<vmem>> -> memref<1x128xi32, #tpu.memory_space<vmem>>
    %dma_wait3A_126 = tpu.memref_squeeze %dma_wait3A_125 : memref<1x128xi32, #tpu.memory_space<vmem>> -> memref<128xi32, #tpu.memory_space<vmem>>
    %dma_wait3A_127 = arith.constant 0 : i32
    %dma_wait3A_128 = arith.constant 0 : i32
    %dma_wait3A_129 = tpu.memref_slice %arg9[%dma_wait3A_127, %dma_wait3A_128] : memref<10240x64xbf16, #tpu.memory_space<vmem_shared>> -> memref<10240x64xbf16, #tpu.memory_space<vmem_shared>>
    tpu.wait_indirect_dma semaphore(%arg12 : memref<!tpu.dma_semaphore, #tpu.memory_space<semaphore_mem>>) src(%dma_wait3A_123 : memref<128x64xbf16, #tpu.memory_space<vmem>>) dst(%dma_wait3A_129 : memref<10240x64xbf16, #tpu.memory_space<vmem_shared>>)
    %barrier3A_130 = arith.constant 0 : index
    tpu.barrier barrier_id(%barrier3A_130)
    %mul3A_131 = arith.constant 640 : i32
    %mul3A_132 = arith.muli %arg1, %mul3A_131 : i32
    "tpu.region"() ({
      %run_scoped3A = tpu.sem_alloc : memref<!tpu.dma_semaphore, #tpu.memory_space<semaphore_mem>>
      %dma_start3A_133 = arith.constant 0 : i32
      %dma_start3A_134 = tpu.memref_slice %arg5[%arg0, %mul3A_132, %dma_start3A_133] : memref<2x10240x64xbf16, #tpu.memory_space<hbm>> -> memref<1x640x64xbf16, #tpu.memory_space<hbm>>
      %dma_start3A_135 = tpu.memref_squeeze %dma_start3A_134 : memref<1x640x64xbf16, #tpu.memory_space<hbm>> -> memref<640x64xbf16, #tpu.memory_space<hbm>>
      %dma_start3A_136 = arith.constant 0 : i32
      %dma_start3A_137 = tpu.memref_slice %arg9[%mul3A_132, %dma_start3A_136] : memref<10240x64xbf16, #tpu.memory_space<vmem_shared>> -> memref<640x64xbf16, #tpu.memory_space<vmem_shared>>
      tpu.enqueue_dma source(%dma_start3A_137 : memref<640x64xbf16, #tpu.memory_space<vmem_shared>>) target(%dma_start3A_135 : memref<640x64xbf16, #tpu.memory_space<hbm>>) target_semaphore(%run_scoped3A : memref<!tpu.dma_semaphore, #tpu.memory_space<semaphore_mem>>)
      %dma_wait3A_138 = arith.constant 0 : i32
      %dma_wait3A_139 = tpu.memref_slice %arg5[%arg0, %mul3A_132, %dma_wait3A_138] : memref<2x10240x64xbf16, #tpu.memory_space<hbm>> -> memref<1x640x64xbf16, #tpu.memory_space<hbm>>
      %dma_wait3A_140 = tpu.memref_squeeze %dma_wait3A_139 : memref<1x640x64xbf16, #tpu.memory_space<hbm>> -> memref<640x64xbf16, #tpu.memory_space<hbm>>
      %dma_wait3A_141 = arith.constant 0 : i32
      %dma_wait3A_142 = tpu.memref_slice %arg9[%mul3A_132, %dma_wait3A_141] : memref<10240x64xbf16, #tpu.memory_space<vmem_shared>> -> memref<640x64xbf16, #tpu.memory_space<vmem_shared>>
      tpu.wait_dma2 semaphore(%run_scoped3A : memref<!tpu.dma_semaphore, #tpu.memory_space<semaphore_mem>>) src(%dma_wait3A_142 : memref<640x64xbf16, #tpu.memory_space<vmem_shared>>) dst(%dma_wait3A_140 : memref<640x64xbf16, #tpu.memory_space<hbm>>)
      tpu.yield
    }) : () -> ()
    return
  }
}

module attributes {stable_mosaic.version = 14 : i64} {
  func.func @_proj_body(%arg0: i32, %arg1: memref<5000x128xf32, #tpu.memory_space<vmem>>, %arg2: memref<128x128xf32, #tpu.memory_space<vmem>>, %arg3: memref<128x128xf32, #tpu.memory_space<vmem>>, %arg4: memref<1x128xf32, #tpu.memory_space<vmem>>, %arg5: memref<5000x128xf32, #tpu.memory_space<vmem>>, %arg6: memref<2x5000x64xbf16, #tpu.memory_space<vmem>>) attributes {dimension_semantics = [#tpu.dimension_semantics<arbitrary>], iteration_bounds = array<i64: 2>, scalar_prefetch = 0 : i64, scratch_operands = 0 : i64, tpu.core_type = #tpu.core_type<tc>, window_params = [{transform_indices = @transform_0, window_bounds = array<i64: 5000, 128>}, {pipeline_mode = #tpu.pipeline_mode<synchronous>, transform_indices = @transform_1, window_bounds = array<i64: 128, 128>}, {pipeline_mode = #tpu.pipeline_mode<synchronous>, transform_indices = @transform_2, window_bounds = array<i64: 128, 128>}, {pipeline_mode = #tpu.pipeline_mode<synchronous>, transform_indices = @transform_3, window_bounds = array<i64: 1, 128>}, {transform_indices = @transform_4, window_bounds = array<i64: 5000, 128>}, {transform_indices = @transform_5, window_bounds = array<i64: 2, 5000, 64>}]} {
    %get3A = arith.constant 0 : index
    %get3A_0 = arith.constant 0 : index
    %get3A_1 = vector.load %arg1[%get3A, %get3A_0] : memref<5000x128xf32, #tpu.memory_space<vmem>>, vector<5000x128xf32>
    %get3A_2 = arith.constant 0 : index
    %get3A_3 = arith.constant 0 : index
    %get3A_4 = vector.load %arg2[%get3A_2, %get3A_3] : memref<128x128xf32, #tpu.memory_space<vmem>>, vector<128x128xf32>
    %dot_general3A = arith.constant dense<0.000000e+00> : vector<5000x128xf32>
    %dot_general3A_5 = tpu.matmul %get3A_1, %get3A_4, %dot_general3A {dimension_numbers = #tpu.dot_dimension_numbers<[1], [0], [0], [1], [0, 0, 1, 1], [], []>, transpose_lhs_hint = false} : vector<5000x128xf32>, vector<128x128xf32>, vector<5000x128xf32> -> vector<5000x128xf32>
    %get3A_6 = arith.constant 0 : index
    %get3A_7 = arith.constant 0 : index
    %get3A_8 = vector.load %arg4[%get3A_6, %get3A_7] : memref<1x128xf32, #tpu.memory_space<vmem>>, vector<1x128xf32>
    %add3A = vector.broadcast %get3A_8 : vector<1x128xf32> to vector<5000x128xf32>
    %add3A_9 = arith.addf %dot_general3A_5, %add3A : vector<5000x128xf32>
    %swap3A = arith.constant 0 : index
    %swap3A_10 = arith.constant 0 : index
    %swap3A_11 = vector.load %arg5[%swap3A, %swap3A_10] : memref<5000x128xf32, #tpu.memory_space<vmem>>, vector<5000x128xf32>
    tpu.vector_store %arg5[%swap3A, %swap3A_10], %add3A_9 {strides = array<i32>} : memref<5000x128xf32, #tpu.memory_space<vmem>>, vector<5000x128xf32>,
    %get3A_12 = arith.constant 0 : index
    %get3A_13 = arith.constant 0 : index
    %get3A_14 = vector.load %arg3[%get3A_12, %get3A_13] : memref<128x128xf32, #tpu.memory_space<vmem>>, vector<128x128xf32>
    %dot_general3A_15 = arith.constant dense<0.000000e+00> : vector<5000x128xf32>
    %dot_general3A_16 = tpu.matmul %get3A_1, %get3A_14, %dot_general3A_15 {dimension_numbers = #tpu.dot_dimension_numbers<[1], [0], [0], [1], [0, 0, 1, 1], [], []>, transpose_lhs_hint = false} : vector<5000x128xf32>, vector<128x128xf32>, vector<5000x128xf32> -> vector<5000x128xf32>
    %slice3A = vector.extract_strided_slice %dot_general3A_16 {offsets = [0, 0], sizes = [5000, 64], strides = [1, 1]} : vector<5000x128xf32> to vector<5000x64xf32>
    %convert_element_type3A = arith.truncf %slice3A : vector<5000x64xf32> to vector<5000x64xbf16>
    %swap3A_17 = arith.constant 0 : index
    %swap3A_18 = arith.constant 0 : index
    %swap3A_19 = arith.constant 0 : index
    %swap3A_20 = vector.load %arg6[%swap3A_17, %swap3A_18, %swap3A_19] : memref<2x5000x64xbf16, #tpu.memory_space<vmem>>, vector<1x5000x64xbf16>
    %swap3A_21 = vector.shape_cast %swap3A_20 : vector<1x5000x64xbf16> to vector<5000x64xbf16>
    %swap3A_22 = vector.shape_cast %convert_element_type3A : vector<5000x64xbf16> to vector<1x5000x64xbf16>
    tpu.vector_store %arg6[%swap3A_17, %swap3A_18, %swap3A_19], %swap3A_22 {strides = array<i32>} : memref<2x5000x64xbf16, #tpu.memory_space<vmem>>, vector<1x5000x64xbf16>,
    %slice3A_23 = vector.extract_strided_slice %dot_general3A_16 {offsets = [0, 64], sizes = [5000, 64], strides = [1, 1]} : vector<5000x128xf32> to vector<5000x64xf32>
    %convert_element_type3A_24 = arith.truncf %slice3A_23 : vector<5000x64xf32> to vector<5000x64xbf16>
    %swap3A_25 = arith.constant 1 : index
    %swap3A_26 = arith.constant 0 : index
    %swap3A_27 = arith.constant 0 : index
    %swap3A_28 = vector.load %arg6[%swap3A_25, %swap3A_26, %swap3A_27] : memref<2x5000x64xbf16, #tpu.memory_space<vmem>>, vector<1x5000x64xbf16>
    %swap3A_29 = vector.shape_cast %swap3A_28 : vector<1x5000x64xbf16> to vector<5000x64xbf16>
    %swap3A_30 = vector.shape_cast %convert_element_type3A_24 : vector<5000x64xbf16> to vector<1x5000x64xbf16>
    tpu.vector_store %arg6[%swap3A_25, %swap3A_26, %swap3A_27], %swap3A_30 {strides = array<i32>} : memref<2x5000x64xbf16, #tpu.memory_space<vmem>>, vector<1x5000x64xbf16>,
    return
  }
  func.func @transform_0(%arg0: i32) -> (i32, i32) {
    %c0_i32 = arith.constant 0 : i32
    %c0_i32_0 = arith.constant 0 : i32
    return %arg0, %c0_i32 : i32, i32
  }
  func.func @transform_1(%arg0: i32) -> (i32, i32) {
    %c0_i32 = arith.constant 0 : i32
    %c0_i32_0 = arith.constant 0 : i32
    %c0_i32_1 = arith.constant 0 : i32
    return %c0_i32, %c0_i32_0 : i32, i32
  }
  func.func @transform_2(%arg0: i32) -> (i32, i32) {
    %c0_i32 = arith.constant 0 : i32
    %c0_i32_0 = arith.constant 0 : i32
    %c0_i32_1 = arith.constant 0 : i32
    return %c0_i32, %c0_i32_0 : i32, i32
  }
  func.func @transform_3(%arg0: i32) -> (i32, i32) {
    %c0_i32 = arith.constant 0 : i32
    %c0_i32_0 = arith.constant 0 : i32
    %c0_i32_1 = arith.constant 0 : i32
    return %c0_i32, %c0_i32_0 : i32, i32
  }
  func.func @transform_4(%arg0: i32) -> (i32, i32) {
    %c0_i32 = arith.constant 0 : i32
    %c0_i32_0 = arith.constant 0 : i32
    return %arg0, %c0_i32 : i32, i32
  }
  func.func @transform_5(%arg0: i32) -> (i32, i32, i32) {
    %c0_i32 = arith.constant 0 : i32
    %c0_i32_0 = arith.constant 0 : i32
    %c0_i32_1 = arith.constant 0 : i32
    return %c0_i32, %arg0, %c0_i32_0 : i32, i32, i32
  }
}

module attributes {stable_mosaic.version = 14 : i64} {
  func.func @_mid_body(%arg0: i32, %arg1: memref<5000x128xf32, #tpu.memory_space<vmem>>, %arg2: memref<2x5000x64xbf16, #tpu.memory_space<vmem>>, %arg3: memref<2x5000x16xf32, #tpu.memory_space<vmem>>, %arg4: memref<128x128xf32, #tpu.memory_space<vmem>>, %arg5: memref<128x128xf32, #tpu.memory_space<vmem>>, %arg6: memref<1x128xf32, #tpu.memory_space<vmem>>, %arg7: memref<5000x128xf32, #tpu.memory_space<vmem>>, %arg8: memref<2x5000x64xbf16, #tpu.memory_space<vmem>>) attributes {dimension_semantics = [#tpu.dimension_semantics<arbitrary>], iteration_bounds = array<i64: 2>, scalar_prefetch = 0 : i64, scratch_operands = 0 : i64, tpu.core_type = #tpu.core_type<tc>, window_params = [{transform_indices = @transform_0, window_bounds = array<i64: 5000, 128>}, {transform_indices = @transform_1, window_bounds = array<i64: 2, 5000, 64>}, {transform_indices = @transform_2, window_bounds = array<i64: 2, 5000, 16>}, {pipeline_mode = #tpu.pipeline_mode<synchronous>, transform_indices = @transform_3, window_bounds = array<i64: 128, 128>}, {pipeline_mode = #tpu.pipeline_mode<synchronous>, transform_indices = @transform_4, window_bounds = array<i64: 128, 128>}, {pipeline_mode = #tpu.pipeline_mode<synchronous>, transform_indices = @transform_5, window_bounds = array<i64: 1, 128>}, {transform_indices = @transform_6, window_bounds = array<i64: 5000, 128>}, {transform_indices = @transform_7, window_bounds = array<i64: 2, 5000, 64>}]} {
    %get3A = arith.constant 0 : index
    %get3A_0 = arith.constant 0 : index
    %get3A_1 = arith.constant 0 : index
    %get3A_2 = vector.load %arg2[%get3A, %get3A_0, %get3A_1] : memref<2x5000x64xbf16, #tpu.memory_space<vmem>>, vector<1x5000x64xbf16>
    %get3A_3 = vector.shape_cast %get3A_2 : vector<1x5000x64xbf16> to vector<5000x64xbf16>
    %convert_element_type3A = arith.extf %get3A_3 : vector<5000x64xbf16> to vector<5000x64xf32>
    %get3A_4 = arith.constant 1 : index
    %get3A_5 = arith.constant 0 : index
    %get3A_6 = arith.constant 0 : index
    %get3A_7 = vector.load %arg2[%get3A_4, %get3A_5, %get3A_6] : memref<2x5000x64xbf16, #tpu.memory_space<vmem>>, vector<1x5000x64xbf16>
    %get3A_8 = vector.shape_cast %get3A_7 : vector<1x5000x64xbf16> to vector<5000x64xbf16>
    %convert_element_type3A_9 = arith.extf %get3A_8 : vector<5000x64xbf16> to vector<5000x64xf32>
    %concatenate3A = tpu.concatenate %convert_element_type3A, %convert_element_type3A_9 in 1 : vector<5000x64xf32>, vector<5000x64xf32> -> vector<5000x128xf32>
    %get3A_10 = arith.constant 0 : index
    %get3A_11 = arith.constant 0 : index
    %get3A_12 = arith.constant 0 : index
    %get3A_13 = vector.load %arg3[%get3A_10, %get3A_11, %get3A_12] : memref<2x5000x16xf32, #tpu.memory_space<vmem>>, vector<1x5000x1xf32>
    %get3A_14 = vector.shape_cast %get3A_13 : vector<1x5000x1xf32> to vector<5000x1xf32>
    %get3A_15 = arith.constant 1 : index
    %get3A_16 = arith.constant 0 : index
    %get3A_17 = arith.constant 0 : index
    %get3A_18 = vector.load %arg3[%get3A_15, %get3A_16, %get3A_17] : memref<2x5000x16xf32, #tpu.memory_space<vmem>>, vector<1x5000x1xf32>
    %get3A_19 = vector.shape_cast %get3A_18 : vector<1x5000x1xf32> to vector<5000x1xf32>
    %add3A = arith.addf %get3A_14, %get3A_19 : vector<5000x1xf32>
    %get3A_20 = arith.constant 0 : index
    %get3A_21 = arith.constant 0 : index
    %get3A_22 = vector.load %arg1[%get3A_20, %get3A_21] : memref<5000x128xf32, #tpu.memory_space<vmem>>, vector<5000x128xf32>
    %max3A = arith.constant 1.000000e+00 : f32
    %max3A_23 = vector.broadcast %max3A : f32 to vector<5000x1xf32>
    %max3A_24 = arith.maximumf %add3A, %max3A_23 : vector<5000x1xf32>
    %div3A = vector.broadcast %max3A_24 : vector<5000x1xf32> to vector<5000x128xf32>
    %div3A_25 = arith.divf %concatenate3A, %div3A : vector<5000x128xf32>
    %add3A_26 = arith.addf %get3A_22, %div3A_25 : vector<5000x128xf32>
    %max3A_27 = arith.constant 0.000000e+00 : f32
    %max3A_28 = vector.broadcast %max3A_27 : f32 to vector<5000x128xf32>
    %max3A_29 = arith.maximumf %add3A_26, %max3A_28 : vector<5000x128xf32>
    %get3A_30 = arith.constant 0 : index
    %get3A_31 = arith.constant 0 : index
    %get3A_32 = vector.load %arg4[%get3A_30, %get3A_31] : memref<128x128xf32, #tpu.memory_space<vmem>>, vector<128x128xf32>
    %dot_general3A = arith.constant dense<0.000000e+00> : vector<5000x128xf32>
    %dot_general3A_33 = tpu.matmul %max3A_29, %get3A_32, %dot_general3A {dimension_numbers = #tpu.dot_dimension_numbers<[1], [0], [0], [1], [0, 0, 1, 1], [], []>, transpose_lhs_hint = false} : vector<5000x128xf32>, vector<128x128xf32>, vector<5000x128xf32> -> vector<5000x128xf32>
    %get3A_34 = arith.constant 0 : index
    %get3A_35 = arith.constant 0 : index
    %get3A_36 = vector.load %arg6[%get3A_34, %get3A_35] : memref<1x128xf32, #tpu.memory_space<vmem>>, vector<1x128xf32>
    %add3A_37 = vector.broadcast %get3A_36 : vector<1x128xf32> to vector<5000x128xf32>
    %add3A_38 = arith.addf %dot_general3A_33, %add3A_37 : vector<5000x128xf32>
    %swap3A = arith.constant 0 : index
    %swap3A_39 = arith.constant 0 : index
    %swap3A_40 = vector.load %arg7[%swap3A, %swap3A_39] : memref<5000x128xf32, #tpu.memory_space<vmem>>, vector<5000x128xf32>
    tpu.vector_store %arg7[%swap3A, %swap3A_39], %add3A_38 {strides = array<i32>} : memref<5000x128xf32, #tpu.memory_space<vmem>>, vector<5000x128xf32>,
    %get3A_41 = arith.constant 0 : index
    %get3A_42 = arith.constant 0 : index
    %get3A_43 = vector.load %arg5[%get3A_41, %get3A_42] : memref<128x128xf32, #tpu.memory_space<vmem>>, vector<128x128xf32>
    %dot_general3A_44 = arith.constant dense<0.000000e+00> : vector<5000x128xf32>
    %dot_general3A_45 = tpu.matmul %max3A_29, %get3A_43, %dot_general3A_44 {dimension_numbers = #tpu.dot_dimension_numbers<[1], [0], [0], [1], [0, 0, 1, 1], [], []>, transpose_lhs_hint = false} : vector<5000x128xf32>, vector<128x128xf32>, vector<5000x128xf32> -> vector<5000x128xf32>
    %slice3A = vector.extract_strided_slice %dot_general3A_45 {offsets = [0, 0], sizes = [5000, 64], strides = [1, 1]} : vector<5000x128xf32> to vector<5000x64xf32>
    %convert_element_type3A_46 = arith.truncf %slice3A : vector<5000x64xf32> to vector<5000x64xbf16>
    %swap3A_47 = arith.constant 0 : index
    %swap3A_48 = arith.constant 0 : index
    %swap3A_49 = arith.constant 0 : index
    %swap3A_50 = vector.load %arg8[%swap3A_47, %swap3A_48, %swap3A_49] : memref<2x5000x64xbf16, #tpu.memory_space<vmem>>, vector<1x5000x64xbf16>
    %swap3A_51 = vector.shape_cast %swap3A_50 : vector<1x5000x64xbf16> to vector<5000x64xbf16>
    %swap3A_52 = vector.shape_cast %convert_element_type3A_46 : vector<5000x64xbf16> to vector<1x5000x64xbf16>
    tpu.vector_store %arg8[%swap3A_47, %swap3A_48, %swap3A_49], %swap3A_52 {strides = array<i32>} : memref<2x5000x64xbf16, #tpu.memory_space<vmem>>, vector<1x5000x64xbf16>,
    %slice3A_53 = vector.extract_strided_slice %dot_general3A_45 {offsets = [0, 64], sizes = [5000, 64], strides = [1, 1]} : vector<5000x128xf32> to vector<5000x64xf32>
    %convert_element_type3A_54 = arith.truncf %slice3A_53 : vector<5000x64xf32> to vector<5000x64xbf16>
    %swap3A_55 = arith.constant 1 : index
    %swap3A_56 = arith.constant 0 : index
    %swap3A_57 = arith.constant 0 : index
    %swap3A_58 = vector.load %arg8[%swap3A_55, %swap3A_56, %swap3A_57] : memref<2x5000x64xbf16, #tpu.memory_space<vmem>>, vector<1x5000x64xbf16>
    %swap3A_59 = vector.shape_cast %swap3A_58 : vector<1x5000x64xbf16> to vector<5000x64xbf16>
    %swap3A_60 = vector.shape_cast %convert_element_type3A_54 : vector<5000x64xbf16> to vector<1x5000x64xbf16>
    tpu.vector_store %arg8[%swap3A_55, %swap3A_56, %swap3A_57], %swap3A_60 {strides = array<i32>} : memref<2x5000x64xbf16, #tpu.memory_space<vmem>>, vector<1x5000x64xbf16>,
    return
  }
  func.func @transform_0(%arg0: i32) -> (i32, i32) {
    %c0_i32 = arith.constant 0 : i32
    %c0_i32_0 = arith.constant 0 : i32
    return %arg0, %c0_i32 : i32, i32
  }
  func.func @transform_1(%arg0: i32) -> (i32, i32, i32) {
    %c0_i32 = arith.constant 0 : i32
    %c0_i32_0 = arith.constant 0 : i32
    %c0_i32_1 = arith.constant 0 : i32
    return %c0_i32, %arg0, %c0_i32_0 : i32, i32, i32
  }
  func.func @transform_2(%arg0: i32) -> (i32, i32, i32) {
    %c0_i32 = arith.constant 0 : i32
    %c0_i32_0 = arith.constant 0 : i32
    %c0_i32_1 = arith.constant 0 : i32
    return %c0_i32, %arg0, %c0_i32_0 : i32, i32, i32
  }
  func.func @transform_3(%arg0: i32) -> (i32, i32) {
    %c0_i32 = arith.constant 0 : i32
    %c0_i32_0 = arith.constant 0 : i32
    %c0_i32_1 = arith.constant 0 : i32
    return %c0_i32, %c0_i32_0 : i32, i32
  }
  func.func @transform_4(%arg0: i32) -> (i32, i32) {
    %c0_i32 = arith.constant 0 : i32
    %c0_i32_0 = arith.constant 0 : i32
    %c0_i32_1 = arith.constant 0 : i32
    return %c0_i32, %c0_i32_0 : i32, i32
  }
  func.func @transform_5(%arg0: i32) -> (i32, i32) {
    %c0_i32 = arith.constant 0 : i32
    %c0_i32_0 = arith.constant 0 : i32
    %c0_i32_1 = arith.constant 0 : i32
    return %c0_i32, %c0_i32_0 : i32, i32
  }
  func.func @transform_6(%arg0: i32) -> (i32, i32) {
    %c0_i32 = arith.constant 0 : i32
    %c0_i32_0 = arith.constant 0 : i32
    return %arg0, %c0_i32 : i32, i32
  }
  func.func @transform_7(%arg0: i32) -> (i32, i32, i32) {
    %c0_i32 = arith.constant 0 : i32
    %c0_i32_0 = arith.constant 0 : i32
    %c0_i32_1 = arith.constant 0 : i32
    return %c0_i32, %arg0, %c0_i32_0 : i32, i32, i32
  }
}

module attributes {stable_mosaic.version = 14 : i64} {
  func.func @_final_body(%arg0: i32, %arg1: memref<5000x128xf32, #tpu.memory_space<vmem>>, %arg2: memref<2x5000x64xbf16, #tpu.memory_space<vmem>>, %arg3: memref<2x5000x16xf32, #tpu.memory_space<vmem>>, %arg4: memref<5000x128xf32, #tpu.memory_space<vmem>>) attributes {dimension_semantics = [#tpu.dimension_semantics<arbitrary>], iteration_bounds = array<i64: 2>, scalar_prefetch = 0 : i64, scratch_operands = 0 : i64, tpu.core_type = #tpu.core_type<tc>, window_params = [{transform_indices = @transform_0, window_bounds = array<i64: 5000, 128>}, {transform_indices = @transform_1, window_bounds = array<i64: 2, 5000, 64>}, {transform_indices = @transform_2, window_bounds = array<i64: 2, 5000, 16>}, {transform_indices = @transform_3, window_bounds = array<i64: 5000, 128>}]} {
    %get3A = arith.constant 0 : index
    %get3A_0 = arith.constant 0 : index
    %get3A_1 = arith.constant 0 : index
    %get3A_2 = vector.load %arg2[%get3A, %get3A_0, %get3A_1] : memref<2x5000x64xbf16, #tpu.memory_space<vmem>>, vector<1x5000x64xbf16>
    %get3A_3 = vector.shape_cast %get3A_2 : vector<1x5000x64xbf16> to vector<5000x64xbf16>
    %convert_element_type3A = arith.extf %get3A_3 : vector<5000x64xbf16> to vector<5000x64xf32>
    %get3A_4 = arith.constant 1 : index
    %get3A_5 = arith.constant 0 : index
    %get3A_6 = arith.constant 0 : index
    %get3A_7 = vector.load %arg2[%get3A_4, %get3A_5, %get3A_6] : memref<2x5000x64xbf16, #tpu.memory_space<vmem>>, vector<1x5000x64xbf16>
    %get3A_8 = vector.shape_cast %get3A_7 : vector<1x5000x64xbf16> to vector<5000x64xbf16>
    %convert_element_type3A_9 = arith.extf %get3A_8 : vector<5000x64xbf16> to vector<5000x64xf32>
    %concatenate3A = tpu.concatenate %convert_element_type3A, %convert_element_type3A_9 in 1 : vector<5000x64xf32>, vector<5000x64xf32> -> vector<5000x128xf32>
    %get3A_10 = arith.constant 0 : index
    %get3A_11 = arith.constant 0 : index
    %get3A_12 = arith.constant 0 : index
    %get3A_13 = vector.load %arg3[%get3A_10, %get3A_11, %get3A_12] : memref<2x5000x16xf32, #tpu.memory_space<vmem>>, vector<1x5000x1xf32>
    %get3A_14 = vector.shape_cast %get3A_13 : vector<1x5000x1xf32> to vector<5000x1xf32>
    %get3A_15 = arith.constant 1 : index
    %get3A_16 = arith.constant 0 : index
    %get3A_17 = arith.constant 0 : index
    %get3A_18 = vector.load %arg3[%get3A_15, %get3A_16, %get3A_17] : memref<2x5000x16xf32, #tpu.memory_space<vmem>>, vector<1x5000x1xf32>
    %get3A_19 = vector.shape_cast %get3A_18 : vector<1x5000x1xf32> to vector<5000x1xf32>
    %add3A = arith.addf %get3A_14, %get3A_19 : vector<5000x1xf32>
    %get3A_20 = arith.constant 0 : index
    %get3A_21 = arith.constant 0 : index
    %get3A_22 = vector.load %arg1[%get3A_20, %get3A_21] : memref<5000x128xf32, #tpu.memory_space<vmem>>, vector<5000x128xf32>
    %max3A = arith.constant 1.000000e+00 : f32
    %max3A_23 = vector.broadcast %max3A : f32 to vector<5000x1xf32>
    %max3A_24 = arith.maximumf %add3A, %max3A_23 : vector<5000x1xf32>
    %div3A = vector.broadcast %max3A_24 : vector<5000x1xf32> to vector<5000x128xf32>
    %div3A_25 = arith.divf %concatenate3A, %div3A : vector<5000x128xf32>
    %add3A_26 = arith.addf %get3A_22, %div3A_25 : vector<5000x128xf32>
    %max3A_27 = arith.constant 0.000000e+00 : f32
    %max3A_28 = vector.broadcast %max3A_27 : f32 to vector<5000x128xf32>
    %max3A_29 = arith.maximumf %add3A_26, %max3A_28 : vector<5000x128xf32>
    %swap3A = arith.constant 0 : index
    %swap3A_30 = arith.constant 0 : index
    %swap3A_31 = vector.load %arg4[%swap3A, %swap3A_30] : memref<5000x128xf32, #tpu.memory_space<vmem>>, vector<5000x128xf32>
    tpu.vector_store %arg4[%swap3A, %swap3A_30], %max3A_29 {strides = array<i32>} : memref<5000x128xf32, #tpu.memory_space<vmem>>, vector<5000x128xf32>,
    return
  }
  func.func @transform_0(%arg0: i32) -> (i32, i32) {
    %c0_i32 = arith.constant 0 : i32
    %c0_i32_0 = arith.constant 0 : i32
    return %arg0, %c0_i32 : i32, i32
  }
  func.func @transform_1(%arg0: i32) -> (i32, i32, i32) {
    %c0_i32 = arith.constant 0 : i32
    %c0_i32_0 = arith.constant 0 : i32
    %c0_i32_1 = arith.constant 0 : i32
    return %c0_i32, %arg0, %c0_i32_0 : i32, i32, i32
  }
  func.func @transform_2(%arg0: i32) -> (i32, i32, i32) {
    %c0_i32 = arith.constant 0 : i32
    %c0_i32_0 = arith.constant 0 : i32
    %c0_i32_1 = arith.constant 0 : i32
    return %c0_i32, %arg0, %c0_i32_0 : i32, i32, i32
  }
  func.func @transform_3(%arg0: i32) -> (i32, i32) {
    %c0_i32 = arith.constant 0 : i32
    %c0_i32_0 = arith.constant 0 : i32
    return %arg0, %c0_i32 : i32, i32
  }
}

</mosaic_0001>

<sc_bundles>
// kernel: kernel.10.cloned.1.call-start
scs
__scs_entry_jumppad:
0x0: {  	(pc) =	sbr.rel $0x88, $3  }
0x1: {  	(tag) =	ssettag $0x0;
	lr =	simm.s32 $0x1  }
0x2: {  	[smem:$0x3F99] =	sst lr;
	_ =	strace $0xD0000000  }
0x3: {  	_ = 	snop  }
0x4: {  	_ = 	snop  }
0x5: {  	_ = 	snop  }
0x6: {  	_ = 	snop  }
0x7: {  	_ = 	snop  }
__scs_overlays_trampoline_lowered:
0x8: {  	[smem:$0x3FA8] =	sst s0  }
0x9: {  	[smem:$0x3FA9] =	sst s1  }
0xa: {  	[smem:$0x3FAA] =	sst s2  }
0xb: {  	[smem:$0x3FAB] =	sst s3  }
0xc: {  	[smem:$0x3FAC] =	sst s4  }
0xd: {  	[smem:$0x3FAD] =	sst s5  }
0xe: {  	[smem:$0x3FAE] =	sst s6  }
0xf: {  	[smem:$0x3FAF] =	sst s7  }
0x10: {  	[smem:$0x3FB0] =	sst s8  }
0x11: {  	[smem:$0x3FB1] =	sst s9;
	s0 =	simm.s32 @!p0 $0x0  }
0x12: {  	s1 =	sld [smem:$0x3F97];
	s0 =	simm.s32 @p0 $0x1  }
0x13: {  	[smem:$0x3FB2] =	sst s0;
	s0 =	simm.s32 @!p1 $0x0  }
0x14: {  	s2 =	sld [smem:$0x3F96];
	s0 =	simm.s32 @p1 $0x1  }
0x15: {  	[smem:$0x3FB3] =	sst s0;
	s0 =	simm.s32 @!p2 $0x0  }
0x16: {  	s3 =	sld [smem:$0x3FDB];
	s0 =	simm.s32 @p2 $0x1  }
0x17: {  	s4 =	simm.s32 $0x1BF5;
	[smem:$0x3FB5] =	sst s0  }
0x18: {  	s0 =	sld [smem:$0x3F98];
	_ =	swait.ge [sflag:s4], $0x0  }
0x19: {  	s7 =	sld [smem:$0x3F99]  }
0x1a: {  	s8 =	sadd.s32 $0xFFFFE003, lr  }
0x1b: {  	s9 =	sadd.s32 $0xFFFFFEF7, lr;
	s5 =	simm.s32 $0xFFFFFFFF;
	p2 =	slt.u32 s8, $0xFFFFF086  }
0x1c: {  	p1 =	slt.u32 s9, $0xF7A;
	s5 =	simm.s32 @!p2 $0x0  }
0x1d: {  	s5 =	simm.s32 @p1 $0x1;
	p0 =	seq.s32 s7, s2  }
0x1e: {  	s7 =	smul.u32 @!p0 $0xF7A, s2;
	p2 =	seq.s32 @!p0 s5, $0x0  }
0x1f: {  	s9 =	smul.u32 $0xF7A, s1;
	s8 =	simm.s32 @!p0 $0x1BF5;
	p2 =	por !p2, p0  }
0x20: {  	[sflag:s8] =	ssyncset.s32 @!p0 $0xFFFFF086;
	s6 =	sadd.s32 @!p0 s3, s7;
	s7 =	simm.s32 @!p0 $0x108  }
0x21: {  	s3 =	sadd.s32 s3, s9;
	s6 =	sadd.s32 @!p0 $0x88, s6;
	s7 =	simm.s32 @p2 $0x1082  }
0x22: {  	[simem:s7], [sflag:s8] =	dma.local @!p0 [hbm:s6], $0xF7A  }
0x23: {  	s9 =	sor.u32 $0xD0000000, s2;
	s6 =	simm.s32 $0x108;
	_ =	swait.ge @!p0 [sflag:s8], $0x0  }
0x24: {  	s3 =	sadd.s32 $0x88, s3;
	s6 =	simm.s32 @!p1 $0x1082;
	[sflag:s4] =	ssyncset.s32 $0xFFFFF086  }
0x25: {  	[simem:s6], [sflag:s4] =	dma.local [hbm:s3], $0xF7A  }
0x26: {  	[smem:$0x3F99] =	sst s1;
	(tag) =	ssettag s2;
	_ =	strace s9  }
0x27: {  	s1 =	sld [smem:$0x3FA9]  }
0x28: {  	s2 =	sld [smem:$0x3FAA]  }
0x29: {  	s4 =	sld [smem:$0x3FAC]  }
0x2a: {  	p0 =	seq.s32 s5, $0x0;
	s5 =	sld [smem:$0x3FAD]  }
0x2b: {  	s6 =	sld [smem:$0x3FAE]  }
0x2c: {  	s7 =	sld [smem:$0x3FAF]  }
0x2d: {  	s3 =	simm.s32 $0x108;
	s8 =	sld [smem:$0x3FB0]  }
0x2e: {  	s3 =	simm.s32 @!p0 $0x1082;
	s9 =	sld [smem:$0x3FB1]  }
0x2f: {  	lr =	sadd.s32 s0, s3;
	s0 =	sld [smem:$0x3FA8]  }
0x30: {  	s3 =	sld [smem:$0x3FAB]  }
0x31: {  	[smem:$0x3FB4] =	sst s10  }
0x32: {  	s10 =	sld [smem:$0x3FB2];
	_ =	sdelay $0x3  }
0x33: {  	p0 =	seq.s32 s10, $0x1;
	s10 =	sld [smem:$0x3FB4];
	_ =	sdelay $0x3  }
0x34: {  	[smem:$0x3FB4] =	sst s10  }
0x35: {  	s10 =	sld [smem:$0x3FB3];
	_ =	sdelay $0x3  }
0x36: {  	p1 =	seq.s32 s10, $0x1;
	s10 =	sld [smem:$0x3FB4];
	_ =	sdelay $0x3  }
0x37: {  	[smem:$0x3FB4] =	sst s10  }
0x38: {  	s10 =	sld [smem:$0x3FB5]  }
0x39: {  	_ = 	snop;
	(pc) =	sbr.ind lr, $3  }
0x3a: {  	_ = 	snop  }
0x3b: {  	_ = 	snop  }
0x3c: {  	p2 =	seq.s32 s10, $0x1;
	s10 =	sld [smem:$0x3FB4]  }
0x3d: {  	_ =	shalt  }
0x3e: {  	_ =	shalt  }
0x3f: {  	_ =	shalt  }
0x40: {  	_ =	shalt  }
0x41: {  	_ =	shalt  }
0x42: {  	_ =	shalt  }
0x43: {  	_ =	shalt  }
0x44: {  	_ =	shalt  }
0x45: {  	_ =	shalt  }
0x46: {  	_ =	shalt  }
0x47: {  	_ =	shalt  }
0x48: {  	_ =	shalt  }
0x49: {  	_ =	shalt  }
0x4a: {  	_ =	shalt  }
0x4b: {  	_ =	shalt  }
0x4c: {  	_ =	shalt  }
0x4d: {  	_ =	shalt  }
0x4e: {  	_ =	shalt  }
0x4f: {  	_ =	shalt  }
0x50: {  	_ =	shalt  }
0x51: {  	_ =	shalt  }
0x52: {  	_ =	shalt  }
0x53: {  	_ =	shalt  }
0x54: {  	_ =	shalt  }
0x55: {  	_ =	shalt  }
0x56: {  	_ =	shalt  }
0x57: {  	_ =	shalt  }
0x58: {  	_ =	shalt  }
0x59: {  	_ =	shalt  }
0x5a: {  	_ =	shalt  }
0x5b: {  	_ =	shalt  }
0x5c: {  	_ =	shalt  }
0x5d: {  	_ =	shalt  }
0x5e: {  	_ =	shalt  }
0x5f: {  	_ =	shalt  }
0x60: {  	_ =	shalt  }
0x61: {  	_ =	shalt  }
0x62: {  	_ =	shalt  }
0x63: {  	_ =	shalt  }
0x64: {  	_ =	shalt  }
0x65: {  	_ =	shalt  }
0x66: {  	_ =	shalt  }
0x67: {  	_ =	shalt  }
0x68: {  	_ =	shalt  }
0x69: {  	_ =	shalt  }
0x6a: {  	_ =	shalt  }
0x6b: {  	_ =	shalt  }
0x6c: {  	_ =	shalt  }
0x6d: {  	_ =	shalt  }
0x6e: {  	_ =	shalt  }
0x6f: {  	_ =	shalt  }
0x70: {  	_ =	shalt  }
0x71: {  	_ =	shalt  }
0x72: {  	_ =	shalt  }
0x73: {  	_ =	shalt  }
0x74: {  	_ =	shalt  }
0x75: {  	_ =	shalt  }
0x76: {  	_ =	shalt  }
0x77: {  	_ =	shalt  }
0x78: {  	_ =	shalt  }
0x79: {  	_ =	shalt  }
0x7a: {  	_ =	shalt  }
0x7b: {  	_ =	shalt  }
0x7c: {  	_ =	shalt  }
0x7d: {  	_ =	shalt  }
0x7e: {  	_ =	shalt  }
0x7f: {  	_ =	shalt  }
0x80: {  	_ =	shalt  }
0x81: {  	_ =	shalt  }
0x82: {  	_ =	shalt  }
0x83: {  	_ =	shalt  }
0x84: {  	_ =	shalt  }
0x85: {  	_ =	shalt  }
0x86: {  	_ =	shalt  }
0x87: {  	_ =	shalt  }
.Lfunc_end0:
.L_simem_size_0:
called_computation.1_lowered:
.L_overlay_start_0:
0x88: {  	s2 =	sld [smem:$0x3FD9]  }
0x89: {  	s3 =	sld [smem:$0x3FFE];
	_ =	sdelay $0x1  }
0x8a: {  	s1 =	srdreg.scid  }
0x8b: {  	s0 =	sand.u32 $0x1, s1  }
0x8c: {  	s17 =	sshll.u32 s0, $0xA;
	s2 =	sadd.s32 s3, s2  }
0x8d: {  	s2 =	sadd.s32 s2, s17  }
0x8e: {  	[smem:$0x3FC0] =	sst s2  }
0x8f: {  	_ = 	snop  }
0x90: {  	s2 =	sld [smem:$0x3FD0];
	(tm) =	ssettm $0x1  }
0x91: {  	s18 =	sld [smem:$0x3FFB];
	_ =	sdelay $0x3  }
0x92: {  	_ =	strace s18  }
0x93: {  	s3 =	sld [smem:$0x3FFC];
	_ =	sdelay $0x3  }
0x94: {  	_ =	strace s3  }
0x95: {  	s3 =	sld [smem:$0x3FFD];
	_ =	sdelay $0x3  }
0x96: {  	_ =	strace s3  }
0x97: {  	_ =	strace $0x8FFFFFFF  }
0x98: {  	s19 =	sld [smem:$0x3FDB];
	_ =	sdelay $0x1  }
0x99: {  	s4 =	simm.s32 $_scs_section_size  }
0x9a: {  	s5 =	simm.s32 $_size__tile_overlayer_lowered;
	s6 =	simm.s32 $_tile_overlayer_lowered  }
0x9b: {  	s22 =	simm.s32 $0x1BFF;
	s21 =	sshll.u32 s6, $0x1;
	s3 =	sadd.s32 s4, s19  }
0x9c: {  	s7 =	simm.s32 $0x0;
	s20 =	sshll.u32 s5, $0x1;
	s5 =	sadd.s32 s21, s3  }
0x9d: {  	[timem:s7], [sflag:s22] =	dma.local [hbm:s5], s20  }
0x9e: {  	_ =	swait.ge [sflag:s22], s20  }
0x9f: {  	s4 =	ssub.s32 $0x0, s20;
	[sflag:s22] =	ssyncset.done $0x0  }
0xa0: {  	[sflag:s22] =	ssyncadd.s32 s4;
	_ =	sdelay $0x1  }
0xa1: {  	s23 =	simm.s32 $0x1B8B  }
0xa2: {  	_ =	swait.ge [sflag:s23], $0x1  }
0xa3: {  	[sflag:s23] =	ssyncset.done $0x0  }
0xa4: {  	s25 =	simm.s32 $0x1B8E;
	s24 =	sld [smem:$0x3FFE];
	[sflag:s23] =	ssyncadd.s32 $0xFFFFFFFF  }
0xa5: {  	s26 =	simm.s32 $execute0_lowered;
	[smem:$0x3FD2] =	sst s25  }
0xa6: {  	s5 =	sshll.u32 s26, $0x1;
	_ =	strace $0x80000049;
	[dreg:$0x1] =	wrdreg $0xFFFFFFFF  }
0xa7: {  	s28 =	simm.s32 $_size_execute0_lowered;
	s3 =	sadd.s32 s3, s5;
	[dreg:$0x0] =	wrdreg $0x0  }
0xa8: {  	s5 =	sshll.u32 s28, $0x1;
	[dreg:$0x2] =	wrdreg s3  }
0xa9: {  	[dreg:$0x3] =	wrdreg s5  }
0xaa: {  	[dreg:$0x4] =	wrdreg $0xC0  }
0xab: {  	_ =	task [dreg:s7], $0x5FFFF  }
0xac: {  	[dreg:$0x1] =	wrdreg $0xFFFFFFFF  }
0xad: {  	[dreg:$0x0] =	wrdreg $0x60  }
0xae: {  	[dreg:$0x2] =	wrdreg s24  }
0xaf: {  	[dreg:$0x3] =	wrdreg s2  }
0xb0: {  	[dreg:$0x4] =	wrdreg $0x120000  }
0xb1: {  	[dreg:$0x5] =	wrdreg $0x9  }
0xb2: {  	_ =	task.clear_ibuf [dreg:s7], $0x6FFFF;
	_ =	strace $0x90000049  }
0xb3: {  	s29 =	simm.s32 $0x9;
	_ =	strace $0x8000004B  }
0xb4: {  	_ =	swait.ge [sflag:s29], $0x1  }
0xb5: {  	[sflag:s29] =	ssyncadd.s32 $0xFFFFFFFF  }
0xb6: {  	_ =	strace $0x9000004B  }
0xb7: {  	_ =	sfence  }
0xb8: {  	s30 =	sld [smem:$0x0];
	_ =	sdelay $0x2  }
0xb9: {  	s31 =	sshll.u32 s1, $0xD;
	s1 =	sshrl.u32 s1, $0x2  }
0xba: {  	s3 =	sand.u32 $0x4000, s31;
	s1 =	sadd.s32 s1, s30  }
0xbb: {  	s0 =	sor.u32 s3, s0;
	s1 =	sshll.u32 s1, $0x11  }
0xbc: {  	s0 =	sor.u32 s1, s0  }
0xbd: {  	s0 =	sadd.s32 $0x8F2B, s0  }
0xbe: {  	[sflag:s0] =	ssyncadd.remote.s32 $0x1  }
0xbf: {  	_ =	sfence.sel $0xFFFF  }
0xc0: {  	[dreg:$0x0] =	wrdreg $0xFFFFFFFF;
	(pc) =	sbr.abs _section_cstart, $3  }
0xc1: {  	[dreg:$0x1] =	wrdreg $0xFFFFFFFF  }
0xc2: {  	_ =	task.clear_ibuf [dreg:s7], $0x2FFFF;
	_ =	strace $0x9FFFFFFF  }
0xc3: {  	(tm) =	ssettm $0x7FFFFFFF  }
tec
execute0_lowered:
.L_overlay_start_1:
0x0: {  	(tag) =	ssettag $0x1  }
0x1: {  	s0 =	rddreg [dreg:$0x0]  }
0x2: {  	s1 =	rddreg [dreg:$0x1]  }
0x3: {  	s3 =	srdreg.scid;
	s8 =	stileid.u32  }
0x4: {  	s2 =	rddreg [dreg:$0x2];
	s6 =	smul.u32 $0xA00, s8  }
0x5: {  	s28 =	simm.s32 $0xD000;
	s29 =	simm.s32 $0x1;
	s7 =	smul.u32 $0xA000, s8  }
0x6: {  	s31 =	simm.s32 $0xE000;
	s5 =	sand.u32 $0x1, s3;
	s8 =	smul.u32 $0x14000, s8  }
0x7: {  	s30 =	simm.s32 $0x10000;
	s3 =	simm.s32 $0x0;
	s4 =	smul.u32 $0x9C40, s5  }
0x8: {  	[smem:$0x7FF] =	sst s3;
	s18 =	ssub.s32 $0x2, s5;
	s5 =	smul.u32 $0xA0000, s5  }
0x9: {  	_ =	strace $0x8000004A;
	s19 =	sshrl.u32 s18, $0x1;
	s9 =	sshrl.u32 s7, $0x1  }
0xa: {  	s8 =	sshrl.u32 s8, $0x2;
	s16 =	sadd.s32 s4, s0;
	s0 =	sadd.s32 s6, s0  }
0xb: {  	s6 =	ssub.s32 s18, s19;
	s4 =	sadd.s32 s9, s2;
	s13 =	sadd.s32 s8, s2  }
0xc: {  	s5 =	sadd.s32 s7, s5;
	s19 =	simm.s32 $0xA000;
	s8 =	sadd.s32 $0x800, s13  }
0xd: {  	s20 =	sadd.s32 $0x1000, s13;
	s21 =	sadd.s32 $0x1800, s13;
	[dreg:$0x4] =	wrdreg s8  }
0xe: {  	s22 =	sadd.s32 $0x2000, s13;
	s23 =	sadd.s32 $0x2800, s13;
	[dreg:$0x5] =	wrdreg s20  }
0xf: {  	s24 =	sadd.s32 $0x3000, s13;
	s25 =	sadd.s32 $0x3800, s13;
	[dreg:$0x6] =	wrdreg s21  }
0x10: {  	s12 =	sadd.s32 $0x4000, s13;
	s13 =	sadd.s32 $0x4800, s13;
	[dreg:$0x7] =	wrdreg s22  }
0x11: {  	s14 =	sadd.s32 $0x1FE00, s0;
	s15 =	sadd.s32 $0x15E00, s0;
	[dreg:$0x8] =	wrdreg s23  }
0x12: {  	s16 =	sadd.s32 $0x2400, s16;
	s26 =	sshrl.u32 s5, $0x4;
	[dreg:$0x9] =	wrdreg s24  }
0x13: {  	s18 =	smax.u32 s6, $0x1;
	s0 =	simm.s32 $0x3;
	[dreg:$0xa] =	wrdreg s25  }
0x14: {  	s17 =	sadd.s32 s1, s26;
	s20 =	simm.s32 $0x4;
	s21 =	simm.s32 $0x5000  }
0x15: {  	s22 =	simm.s32 $0x80;
	s23 =	simm.s32 $0xB000;
	s25 =	simm.s32 $0xC000  }
0x16: {  	v0 =	vimm.bf16 $0.0e+00;
	s24 =	simm.s32 $0xF000;
	s26 =	simm.s32 $0x11000;
	s1 =	simm.s32 $0x2  }
.LBB2_1:
0x17: {  	s5 =	simm.s32 $0x80;
	s6 =	simm.s32 $0x0  }
.LBB2_2:
0x18: {  	p0 =	sne.s32 s5, $0x1F80;
	[tilespmem:s6+$0xA000] =	vst v0;
	s7 =	smov.u32 s5;
	s5 =	sadd.s32 $0x80, s5  }
.Ltmp0:
0x19: {  	[tilespmem:s6+$0xA010] =	vst v0;
	(pc) =	sbr.rel @p0 .LBB2_2-.Ltmp0, $2  }
0x1a: {  	_ =	sdelay $0x2  }
0x1b: {  	s6 =	sshra.s32 s7, $0x2  }
0x1c: {  	[tilespmem:s6+$0xA000] =	vst v0  }
0x1d: {  	[tilespmem:s6+$0xA010] =	vst v0  }
0x1e: {  	[spmem:s4] =	stream.linear.scatter [tilespmem:s19], [sflag:$0x4], $0x800, $0x38;
	[tilespmem:$0x17000] =	vst v63  }
0x1f: {  	_ =	swait.ge [sflag:s20], $0x800  }
0x20: {  	[sflag:s20] =	ssyncset.done $0x0  }
0x21: {  	s5 =	rddreg [dreg:$0x4];
	[sflag:s20] =	ssyncadd.s32 $0xFFFFF800  }
0x22: {  	[spmem:s5] =	stream.linear.scatter [tilespmem:s19], [sflag:$0x4], $0x800, $0x38;
	[tilespmem:$0x17000] =	vst v63  }
0x23: {  	_ =	swait.ge [sflag:s20], $0x800  }
0x24: {  	[sflag:s20] =	ssyncset.done $0x0  }
0x25: {  	s7 =	rddreg [dreg:$0x5];
	[sflag:s20] =	ssyncadd.s32 $0xFFFFF800  }
0x26: {  	[spmem:s7] =	stream.linear.scatter [tilespmem:s19], [sflag:$0x4], $0x800, $0x38;
	[tilespmem:$0x17000] =	vst v63  }
0x27: {  	_ =	swait.ge [sflag:s20], $0x800  }
0x28: {  	[sflag:s20] =	ssyncset.done $0x0  }
0x29: {  	s8 =	rddreg [dreg:$0x6];
	[sflag:s20] =	ssyncadd.s32 $0xFFFFF800  }
0x2a: {  	[spmem:s8] =	stream.linear.scatter [tilespmem:s19], [sflag:$0x4], $0x800, $0x38;
	[tilespmem:$0x17000] =	vst v63  }
0x2b: {  	_ =	swait.ge [sflag:s20], $0x800  }
0x2c: {  	[sflag:s20] =	ssyncset.done $0x0  }
0x2d: {  	s9 =	rddreg [dreg:$0x7];
	[sflag:s20] =	ssyncadd.s32 $0xFFFFF800  }
0x2e: {  	[spmem:s9] =	stream.linear.scatter [tilespmem:s19], [sflag:$0x4], $0x800, $0x38;
	[tilespmem:$0x17000] =	vst v63  }
0x2f: {  	_ =	swait.ge [sflag:s20], $0x800  }
0x30: {  	[sflag:s20] =	ssyncset.done $0x0  }
0x31: {  	s10 =	rddreg [dreg:$0x8];
	[sflag:s20] =	ssyncadd.s32 $0xFFFFF800  }
0x32: {  	[spmem:s10] =	stream.linear.scatter [tilespmem:s19], [sflag:$0x4], $0x800, $0x38;
	[tilespmem:$0x17000] =	vst v63  }
0x33: {  	_ =	swait.ge [sflag:s20], $0x800  }
0x34: {  	[sflag:s20] =	ssyncset.done $0x0  }
0x35: {  	s11 =	rddreg [dreg:$0x9];
	[sflag:s20] =	ssyncadd.s32 $0xFFFFF800  }
0x36: {  	[spmem:s11] =	stream.linear.scatter [tilespmem:s19], [sflag:$0x4], $0x800, $0x38;
	[tilespmem:$0x17000] =	vst v63  }
0x37: {  	_ =	swait.ge [sflag:s20], $0x800  }
0x38: {  	[sflag:s20] =	ssyncset.done $0x0  }
0x39: {  	s6 =	rddreg [dreg:$0xa];
	[sflag:s20] =	ssyncadd.s32 $0xFFFFF800  }
0x3a: {  	[spmem:s6] =	stream.linear.scatter [tilespmem:s19], [sflag:$0x4], $0x800, $0x38;
	[tilespmem:$0x17000] =	vst v63  }
0x3b: {  	_ =	swait.ge [sflag:s20], $0x800  }
0x3c: {  	[sflag:s20] =	ssyncset.done $0x0  }
0x3d: {  	[sflag:s20] =	ssyncadd.s32 $0xFFFFF800  }
0x3e: {  	[spmem:s12] =	stream.linear.scatter [tilespmem:s19], [sflag:$0x4], $0x800, $0x38;
	[tilespmem:$0x17000] =	vst v63  }
0x3f: {  	_ =	swait.ge [sflag:s20], $0x800  }
0x40: {  	[sflag:s20] =	ssyncset.done $0x0  }
0x41: {  	[sflag:s20] =	ssyncadd.s32 $0xFFFFF800  }
0x42: {  	[spmem:s13] =	stream.linear.scatter [tilespmem:s19], [sflag:$0x4], $0x800, $0x38;
	[tilespmem:$0x17000] =	vst v63  }
0x43: {  	_ =	swait.ge [sflag:s20], $0x800  }
0x44: {  	[sflag:s20] =	ssyncset.done $0x0  }
0x45: {  	[sflag:s20] =	ssyncadd.s32 $0xFFFFF800  }
0x46: {  	s7 =	simm.s32 $0x0;
	[bflag:$0x0] =	sbarrier.arrive $0xFFFF  }
0x47: {  	[tilespmem:s7], [sflag:$0x4] =	stream.linear.gather [hbm4b:s14+s7], $0x5000, $0x38;
	[tilespmem:$0x17000] =	vst v63  }
0x48: {  	_ =	swait.ge [sflag:s20], $0x5000  }
0x49: {  	[sflag:s20] =	ssyncset.done $0x0  }
0x4a: {  	[sflag:s20] =	ssyncadd.s32 $0xFFFFB000  }
0x4b: {  	[tilespmem:s21], [sflag:$0x4] =	stream.linear.gather [hbm4b:s15+s7], $0x5000, $0x38;
	[tilespmem:$0x17000] =	vst v63  }
0x4c: {  	_ =	swait.ge [sflag:s20], $0x5000  }
0x4d: {  	[sflag:s20] =	ssyncset.done $0x0  }
0x4e: {  	[sflag:s20] =	ssyncadd.s32 $0xFFFFB000  }
0x4f: {  	[tilespmem:s19], [sflag:$0x1] =	stream.indirect.gather [hbm4b:s16+s22], $0x20, s7, s22, $0xb8;
	[tilespmem:$0x17000] =	vst v63  }
0x50: {  	_ = 	snop  }
0x51: {  	[tilespmem:s23], [sflag:$0x1] =	stream.indirect.gather [hbm4b:s16+s22], $0x20, s22, s22, $0xb8;
	[tilespmem:$0x17000] =	vst v63  }
0x52: {  	s8 =	simm.s32 $0x100  }
0x53: {  	[tilespmem:s25], [sflag:$0x1] =	stream.indirect.gather [hbm4b:s16+s22], $0x20, s8, s22, $0xb8;
	[tilespmem:$0x17000] =	vst v63  }
0x54: {  	s9 =	simm.s32 $0x180  }
0x55: {  	[tilespmem:s28], [sflag:$0x1] =	stream.indirect.gather [hbm4b:s16+s22], $0x20, s9, s22, $0xb8;
	[tilespmem:$0x17000] =	vst v63  }
0x56: {  	_ =	swait.ge [sflag:s29], $0x1000  }
0x57: {  	[sflag:s29] =	ssyncset.done $0x0  }
0x58: {  	[sflag:s29] =	ssyncadd.s32 $0xFFFFF000  }
0x59: {  	_ =	swait.ge [sflag:s29], $0x1000  }
0x5a: {  	[sflag:s29] =	ssyncset.done $0x0  }
0x5b: {  	[sflag:s29] =	ssyncadd.s32 $0xFFFFF000  }
0x5c: {  	_ =	swait.ge [sflag:s29], $0x1000  }
0x5d: {  	[sflag:s29] =	ssyncset.done $0x0  }
0x5e: {  	[sflag:s29] =	ssyncadd.s32 $0xFFFFF000  }
0x5f: {  	_ =	swait.ge [sflag:s29], $0x1000  }
0x60: {  	[sflag:s29] =	ssyncset.done $0x0  }
0x61: {  	s10 =	simm.s32 $0x200;
	[sflag:s29] =	ssyncadd.s32 $0xFFFFF000  }
0x62: {  	[tilespmem:s31], [sflag:$0x1] =	stream.indirect.gather [hbm4b:s16+s22], $0x20, s10, s22, $0xb8;
	[tilespmem:$0x17000] =	vst v63  }
0x63: {  	s11 =	simm.s32 $0x280  }
0x64: {  	[tilespmem:s24], [sflag:$0x1] =	stream.indirect.gather [hbm4b:s16+s22], $0x20, s11, s22, $0xb8;
	[tilespmem:$0x17000] =	vst v63  }
0x65: {  	s6 =	simm.s32 $0x300  }
0x66: {  	[tilespmem:s30], [sflag:$0x1] =	stream.indirect.gather [hbm4b:s16+s22], $0x20, s6, s22, $0xb8;
	[tilespmem:$0x17000] =	vst v63  }
0x67: {  	s7 =	simm.s32 $0x380  }
0x68: {  	[tilespmem:s26], [sflag:$0x1] =	stream.indirect.gather [hbm4b:s16+s22], $0x20, s7, s22, $0xb8;
	[tilespmem:$0x17000] =	vst v63  }
0x69: {  	_ = 	snop  }
0x6a: {  	[spmem:s2] =	stream.indirect.scatter.add.bf16 [tilespmem:s19], [sflag:$0x2], $0x20, s21, s22, $0xb8;
	[tilespmem:$0x17000] =	vst v63  }
0x6b: {  	s8 =	simm.s32 $0x5080  }
0x6c: {  	[spmem:s2] =	stream.indirect.scatter.add.bf16 [tilespmem:s23], [sflag:$0x2], $0x20, s8, s22, $0xb8;
	[tilespmem:$0x17000] =	vst v63  }
0x6d: {  	s9 =	simm.s32 $0x5100  }
0x6e: {  	[spmem:s2] =	stream.indirect.scatter.add.bf16 [tilespmem:s25], [sflag:$0x2], $0x20, s9, s22, $0xb8;
	[tilespmem:$0x17000] =	vst v63  }
0x6f: {  	s10 =	simm.s32 $0x5180  }
0x70: {  	[spmem:s2] =	stream.indirect.scatter.add.bf16 [tilespmem:s28], [sflag:$0x2], $0x20, s10, s22, $0xb8;
	[tilespmem:$0x17000] =	vst v63  }
0x71: {  	_ =	swait.ge [sflag:s29], $0x1000  }
0x72: {  	[sflag:s29] =	ssyncset.done $0x0  }
0x73: {  	[sflag:s29] =	ssyncadd.s32 $0xFFFFF000  }
0x74: {  	_ =	swait.ge [sflag:s29], $0x1000  }
0x75: {  	[sflag:s29] =	ssyncset.done $0x0  }
0x76: {  	[sflag:s29] =	ssyncadd.s32 $0xFFFFF000  }
0x77: {  	_ =	swait.ge [sflag:s29], $0x1000  }
0x78: {  	[sflag:s29] =	ssyncset.done $0x0  }
0x79: {  	[sflag:s29] =	ssyncadd.s32 $0xFFFFF000  }
0x7a: {  	_ =	swait.ge [sflag:s29], $0x1000  }
0x7b: {  	[sflag:s29] =	ssyncset.done $0x0  }
0x7c: {  	[sflag:s29] =	ssyncadd.s32 $0xFFFFF000  }
0x7d: {  	_ =	swait.ge [sflag:s1], $0x1000  }
0x7e: {  	[sflag:s1] =	ssyncset.done $0x0  }
0x7f: {  	[sflag:s1] =	ssyncadd.s32 $0xFFFFF000  }
0x80: {  	_ =	swait.ge [sflag:s1], $0x1000  }
0x81: {  	[sflag:s1] =	ssyncset.done $0x0  }
0x82: {  	[sflag:s1] =	ssyncadd.s32 $0xFFFFF000  }
0x83: {  	_ =	swait.ge [sflag:s1], $0x1000  }
0x84: {  	[sflag:s1] =	ssyncset.done $0x0  }
0x85: {  	[sflag:s1] =	ssyncadd.s32 $0xFFFFF000  }
0x86: {  	_ =	swait.ge [sflag:s1], $0x1000  }
0x87: {  	[sflag:s1] =	ssyncset.done $0x0  }
0x88: {  	s11 =	simm.s32 $0x400;
	[sflag:s1] =	ssyncadd.s32 $0xFFFFF000  }
0x89: {  	[tilespmem:s19], [sflag:$0x1] =	stream.indirect.gather [hbm4b:s16+s22], $0x20, s11, s22, $0xb8;
	[tilespmem:$0x17000] =	vst v63  }
0x8a: {  	s6 =	simm.s32 $0x480  }
0x8b: {  	[tilespmem:s23], [sflag:$0x1] =	stream.indirect.gather [hbm4b:s16+s22], $0x20, s6, s22, $0xb8;
	[tilespmem:$0x17000] =	vst v63  }
0x8c: {  	s7 =	simm.s32 $0x500  }
0x8d: {  	[tilespmem:s25], [sflag:$0x1] =	stream.indirect.gather [hbm4b:s16+s22], $0x20, s7, s22, $0xb8;
	[tilespmem:$0x17000] =	vst v63  }
0x8e: {  	s8 =	simm.s32 $0x580  }
0x8f: {  	[tilespmem:s28], [sflag:$0x1] =	stream.indirect.gather [hbm4b:s16+s22], $0x20, s8, s22, $0xb8;
	[tilespmem:$0x17000] =	vst v63  }
0x90: {  	s9 =	simm.s32 $0x5200  }
0x91: {  	[spmem:s2] =	stream.indirect.scatter.add.bf16 [tilespmem:s31], [sflag:$0x3], $0x20, s9, s22, $0xb8;
	[tilespmem:$0x17000] =	vst v63  }
0x92: {  	s10 =	simm.s32 $0x5280  }
0x93: {  	[spmem:s2] =	stream.indirect.scatter.add.bf16 [tilespmem:s24], [sflag:$0x3], $0x20, s10, s22, $0xb8;
	[tilespmem:$0x17000] =	vst v63  }
0x94: {  	s11 =	simm.s32 $0x5300  }
0x95: {  	[spmem:s2] =	stream.indirect.scatter.add.bf16 [tilespmem:s30], [sflag:$0x3], $0x20, s11, s22, $0xb8;
	[tilespmem:$0x17000] =	vst v63  }
0x96: {  	s6 =	simm.s32 $0x5380  }
0x97: {  	[spmem:s2] =	stream.indirect.scatter.add.bf16 [tilespmem:s26], [sflag:$0x3], $0x20, s6, s22, $0xb8;
	[tilespmem:$0x17000] =	vst v63  }
0x98: {  	_ =	swait.ge [sflag:s29], $0x1000  }
0x99: {  	[sflag:s29] =	ssyncset.done $0x0  }
0x9a: {  	[sflag:s29] =	ssyncadd.s32 $0xFFFFF000  }
0x9b: {  	_ =	swait.ge [sflag:s29], $0x1000  }
0x9c: {  	[sflag:s29] =	ssyncset.done $0x0  }
0x9d: {  	[sflag:s29] =	ssyncadd.s32 $0xFFFFF000  }
0x9e: {  	_ =	swait.ge [sflag:s29], $0x1000  }
0x9f: {  	[sflag:s29] =	ssyncset.done $0x0  }
0xa0: {  	[sflag:s29] =	ssyncadd.s32 $0xFFFFF000  }
0xa1: {  	_ =	swait.ge [sflag:s29], $0x1000  }
0xa2: {  	[sflag:s29] =	ssyncset.done $0x0  }
0xa3: {  	[sflag:s29] =	ssyncadd.s32 $0xFFFFF000  }
0xa4: {  	_ =	swait.ge [sflag:s0], $0x1000  }
0xa5: {  	[sflag:s0] =	ssyncset.done $0x0  }
0xa6: {  	[sflag:s0] =	ssyncadd.s32 $0xFFFFF000  }
0xa7: {  	_ =	swait.ge [sflag:s0], $0x1000  }
0xa8: {  	[sflag:s0] =	ssyncset.done $0x0  }
0xa9: {  	[sflag:s0] =	ssyncadd.s32 $0xFFFFF000  }
0xaa: {  	_ =	swait.ge [sflag:s0], $0x1000  }
0xab: {  	[sflag:s0] =	ssyncset.done $0x0  }
0xac: {  	[sflag:s0] =	ssyncadd.s32 $0xFFFFF000  }
0xad: {  	_ =	swait.ge [sflag:s0], $0x1000  }
0xae: {  	[sflag:s0] =	ssyncset.done $0x0  }
0xaf: {  	s7 =	simm.s32 $0x600;
	[sflag:s0] =	ssyncadd.s32 $0xFFFFF000  }
0xb0: {  	[tilespmem:s31], [sflag:$0x1] =	stream.indirect.gather [hbm4b:s16+s22], $0x20, s7, s22, $0xb8;
	[tilespmem:$0x17000] =	vst v63  }
0xb1: {  	s8 =	simm.s32 $0x680  }
0xb2: {  	[tilespmem:s24], [sflag:$0x1] =	stream.indirect.gather [hbm4b:s16+s22], $0x20, s8, s22, $0xb8;
	[tilespmem:$0x17000] =	vst v63  }
0xb3: {  	s9 =	simm.s32 $0x700  }
0xb4: {  	[tilespmem:s30], [sflag:$0x1] =	stream.indirect.gather [hbm4b:s16+s22], $0x20, s9, s22, $0xb8;
	[tilespmem:$0x17000] =	vst v63  }
0xb5: {  	s10 =	simm.s32 $0x780  }
0xb6: {  	[tilespmem:s26], [sflag:$0x1] =	stream.indirect.gather [hbm4b:s16+s22], $0x20, s10, s22, $0xb8;
	[tilespmem:$0x17000] =	vst v63  }
0xb7: {  	s11 =	simm.s32 $0x5400  }
0xb8: {  	[spmem:s2] =	stream.indirect.scatter.add.bf16 [tilespmem:s19], [sflag:$0x2], $0x20, s11, s22, $0xb8;
	[tilespmem:$0x17000] =	vst v63  }
0xb9: {  	s6 =	simm.s32 $0x5480  }
0xba: {  	[spmem:s2] =	stream.indirect.scatter.add.bf16 [tilespmem:s23], [sflag:$0x2], $0x20, s6, s22, $0xb8;
	[tilespmem:$0x17000] =	vst v63  }
0xbb: {  	s7 =	simm.s32 $0x5500  }
0xbc: {  	[spmem:s2] =	stream.indirect.scatter.add.bf16 [tilespmem:s25], [sflag:$0x2], $0x20, s7, s22, $0xb8;
	[tilespmem:$0x17000] =	vst v63  }
0xbd: {  	s8 =	simm.s32 $0x5580  }
0xbe: {  	[spmem:s2] =	stream.indirect.scatter.add.bf16 [tilespmem:s28], [sflag:$0x2], $0x20, s8, s22, $0xb8;
	[tilespmem:$0x17000] =	vst v63  }
0xbf: {  	_ =	swait.ge [sflag:s29], $0x1000  }
0xc0: {  	[sflag:s29] =	ssyncset.done $0x0  }
0xc1: {  	[sflag:s29] =	ssyncadd.s32 $0xFFFFF000  }
0xc2: {  	_ =	swait.ge [sflag:s29], $0x1000  }
0xc3: {  	[sflag:s29] =	ssyncset.done $0x0  }
0xc4: {  	[sflag:s29] =	ssyncadd.s32 $0xFFFFF000  }
0xc5: {  	_ =	swait.ge [sflag:s29], $0x1000  }
0xc6: {  	[sflag:s29] =	ssyncset.done $0x0  }
0xc7: {  	[sflag:s29] =	ssyncadd.s32 $0xFFFFF000  }
0xc8: {  	_ =	swait.ge [sflag:s29], $0x1000  }
0xc9: {  	[sflag:s29] =	ssyncset.done $0x0  }
0xca: {  	[sflag:s29] =	ssyncadd.s32 $0xFFFFF000  }
0xcb: {  	_ =	swait.ge [sflag:s1], $0x1000  }
0xcc: {  	[sflag:s1] =	ssyncset.done $0x0  }
0xcd: {  	[sflag:s1] =	ssyncadd.s32 $0xFFFFF000  }
0xce: {  	_ =	swait.ge [sflag:s1], $0x1000  }
0xcf: {  	[sflag:s1] =	ssyncset.done $0x0  }
0xd0: {  	[sflag:s1] =	ssyncadd.s32 $0xFFFFF000  }
0xd1: {  	_ =	swait.ge [sflag:s1], $0x1000  }
0xd2: {  	[sflag:s1] =	ssyncset.done $0x0  }
0xd3: {  	[sflag:s1] =	ssyncadd.s32 $0xFFFFF000  }
0xd4: {  	p0 =	por $0x0, $0x0;
	_ =	swait.ge [sflag:s1], $0x1000  }
0xd5: {  	s5 =	simm.s32 @!p0 $0xA000;
	[sflag:s1] =	ssyncset.done $0x0  }
0xd6: {  	s6 =	simm.s32 @!p0 $0x800;
	s7 =	simm.s32 @!p0 $0x80;
	[sflag:s1] =	ssyncadd.s32 $0xFFFFF000  }
0xd7: {  	[tilespmem:s5], [sflag:$0x1] =	stream.indirect.gather @!p0 [hbm4b:s16+s7], $0x20, s6, s7, $0xb8;
	[tilespmem:$0x17000] =	vst v63  }
0xd8: {  	s5 =	simm.s32 @!p0 $0x880;
	s6 =	simm.s32 @!p0 $0xB000  }
0xd9: {  	[tilespmem:s6], [sflag:$0x1] =	stream.indirect.gather @!p0 [hbm4b:s16+s7], $0x20, s5, s7, $0xb8;
	[tilespmem:$0x17000] =	vst v63  }
0xda: {  	s5 =	simm.s32 @!p0 $0x900;
	s6 =	simm.s32 @!p0 $0xC000  }
0xdb: {  	[tilespmem:s6], [sflag:$0x1] =	stream.indirect.gather @!p0 [hbm4b:s16+s7], $0x20, s5, s7, $0xb8;
	[tilespmem:$0x17000] =	vst v63  }
0xdc: {  	s5 =	simm.s32 @!p0 $0x980;
	s6 =	simm.s32 @!p0 $0xD000  }
0xdd: {  	[tilespmem:s6], [sflag:$0x1] =	stream.indirect.gather @!p0 [hbm4b:s16+s7], $0x20, s5, s7, $0xb8;
	[tilespmem:$0x17000] =	vst v63  }
0xde: {  	s9 =	simm.s32 $0x5600  }
0xdf: {  	[spmem:s2] =	stream.indirect.scatter.add.bf16 [tilespmem:s31], [sflag:$0x3], $0x20, s9, s22, $0xb8;
	[tilespmem:$0x17000] =	vst v63  }
0xe0: {  	s10 =	simm.s32 $0x5680  }
0xe1: {  	[spmem:s2] =	stream.indirect.scatter.add.bf16 [tilespmem:s24], [sflag:$0x3], $0x20, s10, s22, $0xb8;
	[tilespmem:$0x17000] =	vst v63  }
0xe2: {  	s11 =	simm.s32 $0x5700;
	s5 =	simm.s32 $0x1000;
	s6 =	simm.s32 $0x5780  }
0xe3: {  	[spmem:s2] =	stream.indirect.scatter.add.bf16 [tilespmem:s30], [sflag:$0x3], $0x20, s11, s22, $0xb8;
	[tilespmem:$0x17000] =	vst v63  }
.LBB2_4:
0xe4: {  	[spmem:s2] =	stream.indirect.scatter.add.bf16 [tilespmem:s26], [sflag:$0x3], $0x20, s6, s22, $0xb8;
	[tilespmem:$0x17000] =	vst v63  }
0xe5: {  	s6 =	smov.u32 s5;
	s5 =	sadd.s32 $0x1000, s5;
	_ =	swait.ge [sflag:s29], $0x1000  }
0xe6: {  	p0 =	sne.s32 s5, $0x13000;
	[sflag:s29] =	ssyncset.done $0x0  }
0xe7: {  	[sflag:s29] =	ssyncadd.s32 $0xFFFFF000  }
0xe8: {  	_ =	swait.ge [sflag:s29], $0x1000  }
0xe9: {  	[sflag:s29] =	ssyncset.done $0x0  }
0xea: {  	[sflag:s29] =	ssyncadd.s32 $0xFFFFF000  }
0xeb: {  	_ =	swait.ge [sflag:s29], $0x1000  }
0xec: {  	[sflag:s29] =	ssyncset.done $0x0  }
0xed: {  	[sflag:s29] =	ssyncadd.s32 $0xFFFFF000  }
0xee: {  	_ =	swait.ge [sflag:s29], $0x1000  }
0xef: {  	[sflag:s29] =	ssyncset.done $0x0  }
0xf0: {  	[sflag:s29] =	ssyncadd.s32 $0xFFFFF000  }
0xf1: {  	_ =	swait.ge [sflag:s0], $0x1000  }
0xf2: {  	[sflag:s0] =	ssyncset.done $0x0  }
0xf3: {  	[sflag:s0] =	ssyncadd.s32 $0xFFFFF000  }
0xf4: {  	_ =	swait.ge [sflag:s0], $0x1000  }
0xf5: {  	[sflag:s0] =	ssyncset.done $0x0  }
0xf6: {  	[sflag:s0] =	ssyncadd.s32 $0xFFFFF000  }
0xf7: {  	_ =	swait.ge [sflag:s0], $0x1000  }
0xf8: {  	[sflag:s0] =	ssyncset.done $0x0  }
0xf9: {  	[sflag:s0] =	ssyncadd.s32 $0xFFFFF000  }
0xfa: {  	_ =	swait.ge [sflag:s0], $0x1000  }
0xfb: {  	s7 =	sshra.s32 s6, $0x2;
	[sflag:s0] =	ssyncset.done $0x0  }
0xfc: {  	s8 =	sadd.s32 $0x600, s7;
	[sflag:s0] =	ssyncadd.s32 $0xFFFFF000  }
0xfd: {  	[tilespmem:s31], [sflag:$0x1] =	stream.indirect.gather [hbm4b:s16+s22], $0x20, s8, s22, $0xb8;
	[tilespmem:$0x17000] =	vst v63  }
0xfe: {  	s8 =	sadd.s32 $0x680, s7  }
0xff: {  	[tilespmem:s24], [sflag:$0x1] =	stream.indirect.gather [hbm4b:s16+s22], $0x20, s8, s22, $0xb8;
	[tilespmem:$0x17000] =	vst v63  }
0x100: {  	s8 =	sadd.s32 $0x700, s7  }
0x101: {  	[tilespmem:s30], [sflag:$0x1] =	stream.indirect.gather [hbm4b:s16+s22], $0x20, s8, s22, $0xb8;
	[tilespmem:$0x17000] =	vst v63  }
0x102: {  	s8 =	sadd.s32 $0x780, s7  }
0x103: {  	[tilespmem:s26], [sflag:$0x1] =	stream.indirect.gather [hbm4b:s16+s22], $0x20, s8, s22, $0xb8;
	[tilespmem:$0x17000] =	vst v63  }
0x104: {  	s8 =	sadd.s32 $0x5400, s7  }
0x105: {  	[spmem:s2] =	stream.indirect.scatter.add.bf16 [tilespmem:s19], [sflag:$0x2], $0x20, s8, s22, $0xb8;
	[tilespmem:$0x17000] =	vst v63  }
0x106: {  	s8 =	sadd.s32 $0x5480, s7  }
0x107: {  	[spmem:s2] =	stream.indirect.scatter.add.bf16 [tilespmem:s23], [sflag:$0x2], $0x20, s8, s22, $0xb8;
	[tilespmem:$0x17000] =	vst v63  }
0x108: {  	s8 =	sadd.s32 $0x5500, s7  }
0x109: {  	[spmem:s2] =	stream.indirect.scatter.add.bf16 [tilespmem:s25], [sflag:$0x2], $0x20, s8, s22, $0xb8;
	[tilespmem:$0x17000] =	vst v63  }
0x10a: {  	s8 =	sadd.s32 $0x5580, s7  }
0x10b: {  	[spmem:s2] =	stream.indirect.scatter.add.bf16 [tilespmem:s28], [sflag:$0x2], $0x20, s8, s22, $0xb8;
	[tilespmem:$0x17000] =	vst v63  }
0x10c: {  	_ =	swait.ge [sflag:s29], $0x1000  }
0x10d: {  	[sflag:s29] =	ssyncset.done $0x0  }
0x10e: {  	[sflag:s29] =	ssyncadd.s32 $0xFFFFF000  }
0x10f: {  	_ =	swait.ge [sflag:s29], $0x1000  }
0x110: {  	[sflag:s29] =	ssyncset.done $0x0  }
0x111: {  	[sflag:s29] =	ssyncadd.s32 $0xFFFFF000  }
0x112: {  	_ =	swait.ge [sflag:s29], $0x1000  }
0x113: {  	[sflag:s29] =	ssyncset.done $0x0  }
0x114: {  	[sflag:s29] =	ssyncadd.s32 $0xFFFFF000  }
0x115: {  	_ =	swait.ge [sflag:s29], $0x1000  }
0x116: {  	[sflag:s29] =	ssyncset.done $0x0  }
0x117: {  	[sflag:s29] =	ssyncadd.s32 $0xFFFFF000  }
0x118: {  	_ =	swait.ge [sflag:s1], $0x1000  }
0x119: {  	[sflag:s1] =	ssyncset.done $0x0  }
0x11a: {  	[sflag:s1] =	ssyncadd.s32 $0xFFFFF000  }
0x11b: {  	_ =	swait.ge [sflag:s1], $0x1000  }
0x11c: {  	[sflag:s1] =	ssyncset.done $0x0  }
0x11d: {  	[sflag:s1] =	ssyncadd.s32 $0xFFFFF000  }
0x11e: {  	_ =	swait.ge [sflag:s1], $0x1000  }
0x11f: {  	[sflag:s1] =	ssyncset.done $0x0  }
0x120: {  	[sflag:s1] =	ssyncadd.s32 $0xFFFFF000  }
0x121: {  	p1 =	seq.s32 s6, $0x12000;
	_ =	swait.ge [sflag:s1], $0x1000  }
0x122: {  	s6 =	sshra.s32 @!p1 s6, $0x2;
	s8 =	simm.s32 @!p1 $0xA000;
	[sflag:s1] =	ssyncset.done $0x0  }
0x123: {  	s10 =	simm.s32 @!p1 $0x80;
	s9 =	sadd.s32 @!p1 $0x800, s6;
	[sflag:s1] =	ssyncadd.s32 $0xFFFFF000  }
0x124: {  	[tilespmem:s8], [sflag:$0x1] =	stream.indirect.gather @!p1 [hbm4b:s16+s10], $0x20, s9, s10, $0xb8;
	[tilespmem:$0x17000] =	vst v63  }
0x125: {  	s11 =	sadd.s32 @!p1 $0x900, s6;
	s8 =	sadd.s32 @!p1 $0x880, s6;
	s9 =	simm.s32 @!p1 $0xB000  }
0x126: {  	[tilespmem:s9], [sflag:$0x1] =	stream.indirect.gather @!p1 [hbm4b:s16+s10], $0x20, s8, s10, $0xb8;
	[tilespmem:$0x17000] =	vst v63  }
0x127: {  	s6 =	sadd.s32 @!p1 $0x980, s6;
	s8 =	simm.s32 @!p1 $0xC000  }
0x128: {  	[tilespmem:s8], [sflag:$0x1] =	stream.indirect.gather @!p1 [hbm4b:s16+s10], $0x20, s11, s10, $0xb8;
	[tilespmem:$0x17000] =	vst v63  }
0x129: {  	s8 =	simm.s32 @!p1 $0xD000  }
0x12a: {  	[tilespmem:s8], [sflag:$0x1] =	stream.indirect.gather @!p1 [hbm4b:s16+s10], $0x20, s6, s10, $0xb8;
	[tilespmem:$0x17000] =	vst v63  }
0x12b: {  	s6 =	sadd.s32 $0x5600, s7  }
0x12c: {  	[spmem:s2] =	stream.indirect.scatter.add.bf16 [tilespmem:s31], [sflag:$0x3], $0x20, s6, s22, $0xb8;
	[tilespmem:$0x17000] =	vst v63  }
.Ltmp1:
0x12d: {  	s6 =	sadd.s32 $0x5680, s7;
	(pc) =	sbr.rel @p0 .LBB2_4-.Ltmp1, $4  }
0x12e: {  	[spmem:s2] =	stream.indirect.scatter.add.bf16 [tilespmem:s24], [sflag:$0x3], $0x20, s6, s22, $0xb8;
	[tilespmem:$0x17000] =	vst v63  }
0x12f: {  	s6 =	sadd.s32 $0x5700, s7  }
0x130: {  	[spmem:s2] =	stream.indirect.scatter.add.bf16 [tilespmem:s30], [sflag:$0x3], $0x20, s6, s22, $0xb8;
	[tilespmem:$0x17000] =	vst v63  }
0x131: {  	s6 =	sadd.s32 $0x5780, s7  }
0x132: {  	[spmem:s2] =	stream.indirect.scatter.add.bf16 [tilespmem:s26], [sflag:$0x3], $0x20, s6, s22, $0xb8;
	[tilespmem:$0x17000] =	vst v63  }
0x133: {  	_ =	swait.ge [sflag:s0], $0x1000  }
0x134: {  	[sflag:s0] =	ssyncset.done $0x0  }
0x135: {  	[sflag:s0] =	ssyncadd.s32 $0xFFFFF000  }
0x136: {  	_ =	swait.ge [sflag:s0], $0x1000  }
0x137: {  	[sflag:s0] =	ssyncset.done $0x0  }
0x138: {  	[sflag:s0] =	ssyncadd.s32 $0xFFFFF000  }
0x139: {  	_ =	swait.ge [sflag:s0], $0x1000  }
0x13a: {  	[sflag:s0] =	ssyncset.done $0x0  }
0x13b: {  	[sflag:s0] =	ssyncadd.s32 $0xFFFFF000  }
0x13c: {  	s5 =	stileid.u32;
	_ =	swait.ge [sflag:s0], $0x1000  }
0x13d: {  	s11 =	sshrl.u32 s4, $0x3;
	s3 =	sadd.s32 $0x1, s3;
	[sflag:s0] =	ssyncset.done $0x0  }
0x13e: {  	s5 =	sshll.u32 s5, $0x6;
	p0 =	sne.s32 s3, s18;
	[sflag:s0] =	ssyncadd.s32 $0xFFFFF000  }
.Ltmp2:
0x13f: {  	s5 =	sor.u32 $0x1C04, s5;
	[bflag:$0x0] =	sbarrier.arrive $0xFFFF;
	(pc) =	sbr.rel @p0 .LBB2_1-.Ltmp2, $4  }
0x140: {  	[hbm:s17], [sflag:s5] =	dma.local [spmem:s11], $0xA00  }
0x141: {  	_ =	swait.ge [sflag:s20], $0xA00  }
0x142: {  	[sflag:s20] =	ssyncset.done $0x0  }
0x143: {  	[sflag:s20] =	ssyncadd.s32 $0xFFFFF600  }
0x144: {  	_ =	sfence.sel $0x180000  }
0x145: {  	[bflag:$0x0] =	sbarrier.arrive $0xFFFF  }
0x146: {  	_ =	strace $0x9000004A  }
0x147: {  	s0 =	stileid.u32;
	[bflag:$0x2] =	sbarrier.arrive $0xFFFF  }
0x148: {  	p0 =	sne.s32 s0, $0x0;
	s0 =	rddreg [dreg:$0x3]  }
0x149: {  	s0 =	sadd.s32 @!p0 $0x100000, s0  }
0x14a: {  	[sflag:s0] =	ssyncadd.tile.s32 @!p0 $0x1;
	_ =	shalt  }
.Lfunc_end2:
_tile_overlayer_lowered:
.L_overlay_start_2:
0x14b: {  	(tag) =	ssettag $0x2  }
0x14c: {  	s0 =	rddreg [dreg:$0x0];
	s2 =	stileid.u32  }
0x14d: {  	s1 =	rddreg [dreg:$0x1];
	p0 =	sne.s32 s2, $0x0  }
0x14e: {  	s3 =	rddreg [dreg:$0x2];
	[bflag:$0x3] =	sbarrier.arrive $0xFFFF;
	s2 =	simm.s32 @!p0 $0x1C04  }
0x14f: {  	[timem:s3], [sflag:s2] =	dma.local @!p0 [hbm:s0], s1  }
0x150: {  	s0 =	simm.s32 @!p0 $0x4  }
0x151: {  	_ =	swait.ge @!p0 [sflag:s0], s1  }
0x152: {  	s1 =	ssub.s32 @!p0 $0x0, s1;
	[sflag:s0] =	ssyncset.done @!p0 $0x0  }
0x153: {  	[sflag:s0] =	ssyncadd.s32 @!p0 s1  }
0x154: {  	[bflag:$0x3] =	sbarrier.arrive $0xFFFF  }
0x155: {  	_ =	shalt  }

// kernel: kernel.7.cloned.1.call-start
scs
__scs_entry_jumppad:
0x0: {  	(pc) =	sbr.rel $0x88, $3  }
0x1: {  	(tag) =	ssettag $0x0;
	lr =	simm.s32 $0x1  }
0x2: {  	[smem:$0x3F99] =	sst lr;
	_ =	strace $0xD0000000  }
0x3: {  	_ = 	snop  }
0x4: {  	_ = 	snop  }
0x5: {  	_ = 	snop  }
0x6: {  	_ = 	snop  }
0x7: {  	_ = 	snop  }
__scs_overlays_trampoline_lowered:
0x8: {  	[smem:$0x3FA8] =	sst s0  }
0x9: {  	[smem:$0x3FA9] =	sst s1  }
0xa: {  	[smem:$0x3FAA] =	sst s2  }
0xb: {  	[smem:$0x3FAB] =	sst s3  }
0xc: {  	[smem:$0x3FAC] =	sst s4  }
0xd: {  	[smem:$0x3FAD] =	sst s5  }
0xe: {  	[smem:$0x3FAE] =	sst s6  }
0xf: {  	[smem:$0x3FAF] =	sst s7  }
0x10: {  	[smem:$0x3FB0] =	sst s8  }
0x11: {  	[smem:$0x3FB1] =	sst s9;
	s0 =	simm.s32 @!p0 $0x0  }
0x12: {  	s1 =	sld [smem:$0x3F97];
	s0 =	simm.s32 @p0 $0x1  }
0x13: {  	[smem:$0x3FB2] =	sst s0;
	s0 =	simm.s32 @!p1 $0x0  }
0x14: {  	s2 =	sld [smem:$0x3F96];
	s0 =	simm.s32 @p1 $0x1  }
0x15: {  	[smem:$0x3FB3] =	sst s0;
	s0 =	simm.s32 @!p2 $0x0  }
0x16: {  	s3 =	sld [smem:$0x3FDB];
	s0 =	simm.s32 @p2 $0x1  }
0x17: {  	s4 =	simm.s32 $0x1BF5;
	[smem:$0x3FB5] =	sst s0  }
0x18: {  	s0 =	sld [smem:$0x3F98];
	_ =	swait.ge [sflag:s4], $0x0  }
0x19: {  	s7 =	sld [smem:$0x3F99]  }
0x1a: {  	s8 =	sadd.s32 $0xFFFFE003, lr  }
0x1b: {  	s9 =	sadd.s32 $0xFFFFFEF7, lr;
	s5 =	simm.s32 $0xFFFFFFFF;
	p2 =	slt.u32 s8, $0xFFFFF086  }
0x1c: {  	p1 =	slt.u32 s9, $0xF7A;
	s5 =	simm.s32 @!p2 $0x0  }
0x1d: {  	s5 =	simm.s32 @p1 $0x1;
	p0 =	seq.s32 s7, s2  }
0x1e: {  	s7 =	smul.u32 @!p0 $0xF7A, s2;
	p2 =	seq.s32 @!p0 s5, $0x0  }
0x1f: {  	s9 =	smul.u32 $0xF7A, s1;
	s8 =	simm.s32 @!p0 $0x1BF5;
	p2 =	por !p2, p0  }
0x20: {  	[sflag:s8] =	ssyncset.s32 @!p0 $0xFFFFF086;
	s6 =	sadd.s32 @!p0 s3, s7;
	s7 =	simm.s32 @!p0 $0x108  }
0x21: {  	s3 =	sadd.s32 s3, s9;
	s6 =	sadd.s32 @!p0 $0x88, s6;
	s7 =	simm.s32 @p2 $0x1082  }
0x22: {  	[simem:s7], [sflag:s8] =	dma.local @!p0 [hbm:s6], $0xF7A  }
0x23: {  	s9 =	sor.u32 $0xD0000000, s2;
	s6 =	simm.s32 $0x108;
	_ =	swait.ge @!p0 [sflag:s8], $0x0  }
0x24: {  	s3 =	sadd.s32 $0x88, s3;
	s6 =	simm.s32 @!p1 $0x1082;
	[sflag:s4] =	ssyncset.s32 $0xFFFFF086  }
0x25: {  	[simem:s6], [sflag:s4] =	dma.local [hbm:s3], $0xF7A  }
0x26: {  	[smem:$0x3F99] =	sst s1;
	(tag) =	ssettag s2;
	_ =	strace s9  }
0x27: {  	s1 =	sld [smem:$0x3FA9]  }
0x28: {  	s2 =	sld [smem:$0x3FAA]  }
0x29: {  	s4 =	sld [smem:$0x3FAC]  }
0x2a: {  	p0 =	seq.s32 s5, $0x0;
	s5 =	sld [smem:$0x3FAD]  }
0x2b: {  	s6 =	sld [smem:$0x3FAE]  }
0x2c: {  	s7 =	sld [smem:$0x3FAF]  }
0x2d: {  	s3 =	simm.s32 $0x108;
	s8 =	sld [smem:$0x3FB0]  }
0x2e: {  	s3 =	simm.s32 @!p0 $0x1082;
	s9 =	sld [smem:$0x3FB1]  }
0x2f: {  	lr =	sadd.s32 s0, s3;
	s0 =	sld [smem:$0x3FA8]  }
0x30: {  	s3 =	sld [smem:$0x3FAB]  }
0x31: {  	[smem:$0x3FB4] =	sst s10  }
0x32: {  	s10 =	sld [smem:$0x3FB2];
	_ =	sdelay $0x3  }
0x33: {  	p0 =	seq.s32 s10, $0x1;
	s10 =	sld [smem:$0x3FB4];
	_ =	sdelay $0x3  }
0x34: {  	[smem:$0x3FB4] =	sst s10  }
0x35: {  	s10 =	sld [smem:$0x3FB3];
	_ =	sdelay $0x3  }
0x36: {  	p1 =	seq.s32 s10, $0x1;
	s10 =	sld [smem:$0x3FB4];
	_ =	sdelay $0x3  }
0x37: {  	[smem:$0x3FB4] =	sst s10  }
0x38: {  	s10 =	sld [smem:$0x3FB5]  }
0x39: {  	_ = 	snop;
	(pc) =	sbr.ind lr, $3  }
0x3a: {  	_ = 	snop  }
0x3b: {  	_ = 	snop  }
0x3c: {  	p2 =	seq.s32 s10, $0x1;
	s10 =	sld [smem:$0x3FB4]  }
0x3d: {  	_ =	shalt  }
0x3e: {  	_ =	shalt  }
0x3f: {  	_ =	shalt  }
0x40: {  	_ =	shalt  }
0x41: {  	_ =	shalt  }
0x42: {  	_ =	shalt  }
0x43: {  	_ =	shalt  }
0x44: {  	_ =	shalt  }
0x45: {  	_ =	shalt  }
0x46: {  	_ =	shalt  }
0x47: {  	_ =	shalt  }
0x48: {  	_ =	shalt  }
0x49: {  	_ =	shalt  }
0x4a: {  	_ =	shalt  }
0x4b: {  	_ =	shalt  }
0x4c: {  	_ =	shalt  }
0x4d: {  	_ =	shalt  }
0x4e: {  	_ =	shalt  }
0x4f: {  	_ =	shalt  }
0x50: {  	_ =	shalt  }
0x51: {  	_ =	shalt  }
0x52: {  	_ =	shalt  }
0x53: {  	_ =	shalt  }
0x54: {  	_ =	shalt  }
0x55: {  	_ =	shalt  }
0x56: {  	_ =	shalt  }
0x57: {  	_ =	shalt  }
0x58: {  	_ =	shalt  }
0x59: {  	_ =	shalt  }
0x5a: {  	_ =	shalt  }
0x5b: {  	_ =	shalt  }
0x5c: {  	_ =	shalt  }
0x5d: {  	_ =	shalt  }
0x5e: {  	_ =	shalt  }
0x5f: {  	_ =	shalt  }
0x60: {  	_ =	shalt  }
0x61: {  	_ =	shalt  }
0x62: {  	_ =	shalt  }
0x63: {  	_ =	shalt  }
0x64: {  	_ =	shalt  }
0x65: {  	_ =	shalt  }
0x66: {  	_ =	shalt  }
0x67: {  	_ =	shalt  }
0x68: {  	_ =	shalt  }
0x69: {  	_ =	shalt  }
0x6a: {  	_ =	shalt  }
0x6b: {  	_ =	shalt  }
0x6c: {  	_ =	shalt  }
0x6d: {  	_ =	shalt  }
0x6e: {  	_ =	shalt  }
0x6f: {  	_ =	shalt  }
0x70: {  	_ =	shalt  }
0x71: {  	_ =	shalt  }
0x72: {  	_ =	shalt  }
0x73: {  	_ =	shalt  }
0x74: {  	_ =	shalt  }
0x75: {  	_ =	shalt  }
0x76: {  	_ =	shalt  }
0x77: {  	_ =	shalt  }
0x78: {  	_ =	shalt  }
0x79: {  	_ =	shalt  }
0x7a: {  	_ =	shalt  }
0x7b: {  	_ =	shalt  }
0x7c: {  	_ =	shalt  }
0x7d: {  	_ =	shalt  }
0x7e: {  	_ =	shalt  }
0x7f: {  	_ =	shalt  }
0x80: {  	_ =	shalt  }
0x81: {  	_ =	shalt  }
0x82: {  	_ =	shalt  }
0x83: {  	_ =	shalt  }
0x84: {  	_ =	shalt  }
0x85: {  	_ =	shalt  }
0x86: {  	_ =	shalt  }
0x87: {  	_ =	shalt  }
.Lfunc_end0:
.L_simem_size_0:
called_computation_lowered:
.L_overlay_start_0:
0x88: {  	s2 =	sld [smem:$0x3FD9]  }
0x89: {  	s3 =	sld [smem:$0x3FFE];
	_ =	sdelay $0x1  }
0x8a: {  	s1 =	srdreg.scid  }
0x8b: {  	s0 =	sand.u32 $0x1, s1  }
0x8c: {  	s17 =	sshll.u32 s0, $0xA;
	s2 =	sadd.s32 s3, s2  }
0x8d: {  	s2 =	sadd.s32 s2, s17  }
0x8e: {  	[smem:$0x3FC0] =	sst s2  }
0x8f: {  	_ = 	snop  }
0x90: {  	s2 =	sld [smem:$0x3FD0];
	(tm) =	ssettm $0x1  }
0x91: {  	s18 =	sld [smem:$0x3FFB];
	_ =	sdelay $0x3  }
0x92: {  	_ =	strace s18  }
0x93: {  	s3 =	sld [smem:$0x3FFC];
	_ =	sdelay $0x3  }
0x94: {  	_ =	strace s3  }
0x95: {  	s3 =	sld [smem:$0x3FFD];
	_ =	sdelay $0x3  }
0x96: {  	_ =	strace s3  }
0x97: {  	_ =	strace $0x8FFFFFFF  }
0x98: {  	s19 =	sld [smem:$0x3FDB];
	_ =	sdelay $0x1  }
0x99: {  	s4 =	simm.s32 $_scs_section_size  }
0x9a: {  	s5 =	simm.s32 $_size__tile_overlayer_lowered;
	s6 =	simm.s32 $_tile_overlayer_lowered  }
0x9b: {  	s22 =	simm.s32 $0x1BFF;
	s21 =	sshll.u32 s6, $0x1;
	s3 =	sadd.s32 s4, s19  }
0x9c: {  	s7 =	simm.s32 $0x0;
	s20 =	sshll.u32 s5, $0x1;
	s5 =	sadd.s32 s21, s3  }
0x9d: {  	[timem:s7], [sflag:s22] =	dma.local [hbm:s5], s20  }
0x9e: {  	_ =	swait.ge [sflag:s22], s20  }
0x9f: {  	s4 =	ssub.s32 $0x0, s20;
	[sflag:s22] =	ssyncset.done $0x0  }
0xa0: {  	[sflag:s22] =	ssyncadd.s32 s4;
	_ =	sdelay $0x1  }
0xa1: {  	s23 =	simm.s32 $0x1B8B  }
0xa2: {  	_ =	swait.ge [sflag:s23], $0x1  }
0xa3: {  	[sflag:s23] =	ssyncset.done $0x0  }
0xa4: {  	s25 =	simm.s32 $0x1B8E;
	s24 =	sld [smem:$0x3FFE];
	[sflag:s23] =	ssyncadd.s32 $0xFFFFFFFF  }
0xa5: {  	s26 =	simm.s32 $execute0_lowered;
	[smem:$0x3FD2] =	sst s25  }
0xa6: {  	s5 =	sshll.u32 s26, $0x1;
	_ =	strace $0x80000046;
	[dreg:$0x1] =	wrdreg $0xFFFFFFFF  }
0xa7: {  	s28 =	simm.s32 $_size_execute0_lowered;
	s3 =	sadd.s32 s3, s5;
	[dreg:$0x0] =	wrdreg $0x0  }
0xa8: {  	s5 =	sshll.u32 s28, $0x1;
	[dreg:$0x2] =	wrdreg s3  }
0xa9: {  	[dreg:$0x3] =	wrdreg s5  }
0xaa: {  	[dreg:$0x4] =	wrdreg $0xC0  }
0xab: {  	_ =	task [dreg:s7], $0x5FFFF  }
0xac: {  	[dreg:$0x1] =	wrdreg $0xFFFFFFFF  }
0xad: {  	[dreg:$0x0] =	wrdreg $0x60  }
0xae: {  	[dreg:$0x2] =	wrdreg s24  }
0xaf: {  	[dreg:$0x3] =	wrdreg s2  }
0xb0: {  	[dreg:$0x4] =	wrdreg $0x12C000  }
0xb1: {  	[dreg:$0x5] =	wrdreg $0x17C000  }
0xb2: {  	[dreg:$0x6] =	wrdreg $0x9  }
0xb3: {  	_ =	task.clear_ibuf [dreg:s7], $0x7FFFF;
	_ =	strace $0x90000046  }
0xb4: {  	s29 =	simm.s32 $0x9;
	_ =	strace $0x80000048  }
0xb5: {  	_ =	swait.ge [sflag:s29], $0x1  }
0xb6: {  	[sflag:s29] =	ssyncadd.s32 $0xFFFFFFFF  }
0xb7: {  	_ =	strace $0x90000048  }
0xb8: {  	_ =	sfence  }
0xb9: {  	s30 =	sld [smem:$0x0];
	_ =	sdelay $0x2  }
0xba: {  	s31 =	sshll.u32 s1, $0xD;
	s1 =	sshrl.u32 s1, $0x2  }
0xbb: {  	s3 =	sand.u32 $0x4000, s31;
	s1 =	sadd.s32 s1, s30  }
0xbc: {  	s0 =	sor.u32 s3, s0;
	s1 =	sshll.u32 s1, $0x11  }
0xbd: {  	s0 =	sor.u32 s1, s0  }
0xbe: {  	s0 =	sadd.s32 $0x8F2B, s0  }
0xbf: {  	[sflag:s0] =	ssyncadd.remote.s32 $0x1  }
0xc0: {  	_ =	sfence.sel $0xFFFF  }
0xc1: {  	[dreg:$0x0] =	wrdreg $0xFFFFFFFF;
	(pc) =	sbr.abs _section_cstart, $3  }
0xc2: {  	[dreg:$0x1] =	wrdreg $0xFFFFFFFF  }
0xc3: {  	_ =	task.clear_ibuf [dreg:s7], $0x2FFFF;
	_ =	strace $0x9FFFFFFF  }
0xc4: {  	(tm) =	ssettm $0x7FFFFFFF  }
0xc5: {  	_ =	shalt  }
tec
execute0_lowered:
.L_overlay_start_1:
0x0: {  	(tag) =	ssettag $0x1  }
0x1: {  	s2 =	rddreg [dreg:$0x0]  }
0x2: {  	s7 =	rddreg [dreg:$0x1];
	s12 =	stileid.u32  }
0x3: {  	s1 =	rddreg [dreg:$0x2];
	s6 =	smul.u32 $0x2800, s12  }
0x4: {  	s0 =	srdreg.scid;
	s9 =	smul.u32 $0xA00, s12  }
0x5: {  	s3 =	rddreg [dreg:$0x3];
	s10 =	smul.u32 $0x280, s12  }
0x6: {  	s4 =	simm.s32 $0x0;
	s8 =	sand.u32 $0x1, s0;
	s12 =	smul.u32 $0xA000, s12  }
0x7: {  	[smem:$0x7FF] =	sst s4;
	s0 =	smul.u32 $0x9C40, s8  }
0x8: {  	s5 =	smul.u32 $0x28000, s8;
	_ =	strace $0x80000047;
	s11 =	ssub.s32 $0x2, s8  }
0x9: {  	s16 =	smul.u32 $0xA0000, s8;
	p0 =	seq.s32 s8, $0x1;
	p1 =	sne.s32 s8, $0x0  }
0xa: {  	p2 =	seq.s32 s8, $0x0;
	s9 =	sadd.s32 s9, s2;
	s19 =	sshrl.u32 s11, $0x1  }
0xb: {  	s20 =	sshrl.u32 s12, $0x1;
	s13 =	sor.u32 $0x40, s10;
	s23 =	sadd.s32 s6, s3  }
0xc: {  	s24 =	sadd.s32 $0x80, s10;
	s31 =	sadd.s32 $0xC0, s10;
	s15 =	sadd.s32 $0x100, s10  }
0xd: {  	s17 =	sadd.s32 $0x140, s10;
	s8 =	sadd.s32 $0x1C0, s10;
	s0 =	sadd.s32 s0, s2  }
0xe: {  	s5 =	sadd.s32 s6, s5;
	s11 =	ssub.s32 s11, s19;
	s22 =	sadd.s32 s20, s1  }
0xf: {  	s14 =	sshll.u32 s13, $0x5;
	s13 =	sshll.u32 s13, $0x4;
	s26 =	sshll.u32 s24, $0x5  }
0x10: {  	s20 =	sshll.u32 s17, $0x5;
	s12 =	sadd.s32 s12, s16;
	[dreg:$0x5] =	wrdreg s23  }
0x11: {  	s5 =	sshrl.u32 s5, $0x3;
	s21 =	sadd.s32 s14, s1;
	s25 =	sadd.s32 s13, s3  }
0x12: {  	s14 =	sshll.u32 s24, $0x4;
	s28 =	sadd.s32 s26, s1;
	s13 =	sshll.u32 s31, $0x4  }
0x13: {  	s24 =	sshll.u32 s17, $0x4;
	s26 =	sadd.s32 $0x180, s10;
	[dreg:$0x6] =	wrdreg s21  }
0x14: {  	s12 =	sshrl.u32 s12, $0x4;
	s29 =	sadd.s32 $0x2400, s0;
	[dreg:$0x7] =	wrdreg s25  }
0x15: {  	s0 =	simm.s32 $0xA000;
	s2 =	sadd.s32 s5, s2;
	[dreg:$0x8] =	wrdreg s28  }
0x16: {  	s30 =	sadd.s32 s14, s3;
	s5 =	sshll.u32 s31, $0x5;
	s13 =	sadd.s32 s13, s3  }
0x17: {  	s14 =	sshll.u32 s15, $0x5;
	s15 =	sshll.u32 s15, $0x4;
	[dreg:$0x9] =	wrdreg s30  }
0x18: {  	s21 =	sadd.s32 s20, s1;
	s25 =	sadd.s32 s24, s3;
	[dreg:$0xb] =	wrdreg s13  }
0x19: {  	s28 =	sadd.s32 s7, s12;
	s31 =	sshll.u32 s26, $0x4;
	[dreg:$0xe] =	wrdreg s21  }
0x1a: {  	s12 =	sshll.u32 s8, $0x5;
	s6 =	sadd.s32 s5, s1;
	[dreg:$0xf] =	wrdreg s25  }
0x1b: {  	s18 =	sadd.s32 s14, s1;
	s19 =	sadd.s32 s15, s3;
	[dreg:$0x10] =	wrdreg s28  }
0x1c: {  	s30 =	sshll.u32 s26, $0x5;
	s7 =	sadd.s32 s31, s3;
	[dreg:$0xa] =	wrdreg s6  }
0x1d: {  	s13 =	sadd.s32 $0x200, s10;
	s14 =	sadd.s32 s12, s1;
	[dreg:$0xc] =	wrdreg s18  }
0x1e: {  	s26 =	sadd.s32 $0x1FE00, s9;
	s28 =	sadd.s32 $0x15E00, s9;
	[dreg:$0xd] =	wrdreg s19  }
0x1f: {  	s31 =	smax.u32 s11, $0x1;
	s9 =	simm.s32 $0xB000;
	[dreg:$0x12] =	wrdreg s7  }
0x20: {  	s11 =	simm.s32 $0xD000;
	s12 =	simm.s32 $0x1;
	[dreg:$0x13] =	wrdreg s14  }
0x21: {  	s6 =	sadd.s32 s30, s1;
	s7 =	sshll.u32 s8, $0x4;
	[dreg:$0x19] =	wrdreg s26  }
0x22: {  	s16 =	sshll.u32 s13, $0x5;
	s18 =	sshll.u32 s13, $0x4;
	[dreg:$0x1a] =	wrdreg s28  }
0x23: {  	s19 =	sadd.s32 $0x240, s10;
	s30 =	sadd.s32 $0x29E00, s2;
	[dreg:$0x1c] =	wrdreg s31  }
0x24: {  	s2 =	simm.s32 $0x5;
	s10 =	simm.s32 $0xC000;
	s13 =	simm.s32 $0xE000  }
0x25: {  	s14 =	simm.s32 $0xF000;
	[dreg:$0x11] =	wrdreg s6;
	s15 =	sadd.s32 s7, s3  }
0x26: {  	s17 =	sadd.s32 s16, s1;
	s20 =	sadd.s32 s18, s3;
	[dreg:$0x1b] =	wrdreg s30  }
0x27: {  	s21 =	sshll.u32 s19, $0x5;
	s8 =	sshll.u32 s19, $0x4;
	[dreg:$0x14] =	wrdreg s15  }
0x28: {  	s7 =	simm.s32 $0x12800;
	s16 =	simm.s32 $0x11000;
	[dreg:$0x15] =	wrdreg s17  }
0x29: {  	s18 =	simm.s32 $0x3;
	[dreg:$0x16] =	wrdreg s20;
	s24 =	sadd.s32 s21, s1  }
0x2a: {  	s25 =	sadd.s32 s8, s3;
	s8 =	simm.s32 $0x80;
	[dreg:$0x17] =	wrdreg s24  }
0x2b: {  	v0 =	vimm.bf16 $0.0e+00;
	v1 =	vimm.f32 $1.000000000e+00;
	v2 =	vimm.f32 $0.0e+00;
	s15 =	simm.s32 $0x10000;
	s17 =	simm.s32 $0x2;
	[dreg:$0x18] =	wrdreg s25  }
.LBB2_1:
0x2c: {  	s19 =	simm.s32 $0x80;
	s20 =	simm.s32 $0x0  }
.LBB2_2:
0x2d: {  	p3 =	sne.s32 s19, $0x1F80;
	[tilespmem:s20+$0xA000] =	vst v0;
	s21 =	smov.u32 s19;
	s19 =	sadd.s32 $0x80, s19  }
.Ltmp0:
0x2e: {  	[tilespmem:s20+$0xA010] =	vst v0;
	(pc) =	sbr.rel @p3 .LBB2_2-.Ltmp0, $2  }
0x2f: {  	_ =	sdelay $0x2  }
0x30: {  	s20 =	sshra.s32 s21, $0x2  }
0x31: {  	[tilespmem:s20+$0xA000] =	vst v0  }
0x32: {  	[tilespmem:s20+$0xA010] =	vst v0;
	s19 =	simm.s32 $0x40;
	s20 =	simm.s32 $0x0  }
.LBB2_4:
0x33: {  	p3 =	sne.s32 s19, $0x1FC0;
	[tilespmem:s20+$0x12000] =	vst v1;
	s20 =	smov.u32 s19;
	s19 =	sadd.s32 $0x40, s19  }
.Ltmp1:
0x34: {  	(pc) =	sbr.rel @p3 .LBB2_4-.Ltmp1, $2  }
0x35: {  	_ =	sdelay $0x2  }
0x36: {  	s20 =	sshra.s32 s20, $0x2  }
0x37: {  	[tilespmem:s20+$0x12000] =	vst v1;
	s19 =	simm.s32 $0x40;
	s20 =	simm.s32 $0x0  }
.LBB2_6:
0x38: {  	p3 =	sne.s32 s19, $0xFC0;
	[tilespmem:s20+$0x12800] =	vst v2;
	s20 =	smov.u32 s19;
	s19 =	sadd.s32 $0x40, s19  }
.Ltmp2:
0x39: {  	(pc) =	sbr.rel @p3 .LBB2_6-.Ltmp2, $2  }
0x3a: {  	_ =	sdelay $0x2  }
0x3b: {  	s20 =	sshra.s32 s20, $0x2  }
0x3c: {  	[tilespmem:s20+$0x12800] =	vst v2  }
0x3d: {  	[spmem:s22] =	stream.linear.scatter [tilespmem:s0], [sflag:$0x5], $0x800, $0x38;
	[tilespmem:$0x1A400] =	vst v63  }
0x3e: {  	_ =	swait.ge [sflag:s2], $0x800  }
0x3f: {  	[sflag:s2] =	ssyncset.done $0x0  }
0x40: {  	[sflag:s2] =	ssyncadd.s32 $0xFFFFF800  }
0x41: {  	[spmem:s23] =	stream.linear.scatter [tilespmem:s7], [sflag:$0x5], $0x400, $0x38;
	[tilespmem:$0x1A400] =	vst v63  }
0x42: {  	_ =	swait.ge [sflag:s2], $0x400  }
0x43: {  	[sflag:s2] =	ssyncset.done $0x0  }
0x44: {  	s5 =	rddreg [dreg:$0x6];
	[sflag:s2] =	ssyncadd.s32 $0xFFFFFC00  }
0x45: {  	[spmem:s5] =	stream.linear.scatter [tilespmem:s0], [sflag:$0x5], $0x800, $0x38;
	[tilespmem:$0x1A400] =	vst v63  }
0x46: {  	_ =	swait.ge [sflag:s2], $0x800  }
0x47: {  	[sflag:s2] =	ssyncset.done $0x0  }
0x48: {  	s26 =	rddreg [dreg:$0x7];
	[sflag:s2] =	ssyncadd.s32 $0xFFFFF800  }
0x49: {  	[spmem:s26] =	stream.linear.scatter [tilespmem:s7], [sflag:$0x5], $0x400, $0x38;
	[tilespmem:$0x1A400] =	vst v63  }
0x4a: {  	_ =	swait.ge [sflag:s2], $0x400  }
0x4b: {  	[sflag:s2] =	ssyncset.done $0x0  }
0x4c: {  	s28 =	rddreg [dreg:$0x8];
	[sflag:s2] =	ssyncadd.s32 $0xFFFFFC00  }
0x4d: {  	[spmem:s28] =	stream.linear.scatter [tilespmem:s0], [sflag:$0x5], $0x800, $0x38;
	[tilespmem:$0x1A400] =	vst v63  }
0x4e: {  	_ =	swait.ge [sflag:s2], $0x800  }
0x4f: {  	[sflag:s2] =	ssyncset.done $0x0  }
0x50: {  	s30 =	rddreg [dreg:$0x9];
	[sflag:s2] =	ssyncadd.s32 $0xFFFFF800  }
0x51: {  	[spmem:s30] =	stream.linear.scatter [tilespmem:s7], [sflag:$0x5], $0x400, $0x38;
	[tilespmem:$0x1A400] =	vst v63  }
0x52: {  	_ =	swait.ge [sflag:s2], $0x400  }
0x53: {  	[sflag:s2] =	ssyncset.done $0x0  }
0x54: {  	s31 =	rddreg [dreg:$0xa];
	[sflag:s2] =	ssyncadd.s32 $0xFFFFFC00  }
0x55: {  	[spmem:s31] =	stream.linear.scatter [tilespmem:s0], [sflag:$0x5], $0x800, $0x38;
	[tilespmem:$0x1A400] =	vst v63  }
0x56: {  	_ =	swait.ge [sflag:s2], $0x800  }
0x57: {  	[sflag:s2] =	ssyncset.done $0x0  }
0x58: {  	s19 =	rddreg [dreg:$0xb];
	[sflag:s2] =	ssyncadd.s32 $0xFFFFF800  }
0x59: {  	[spmem:s19] =	stream.linear.scatter [tilespmem:s7], [sflag:$0x5], $0x400, $0x38;
	[tilespmem:$0x1A400] =	vst v63  }
0x5a: {  	_ =	swait.ge [sflag:s2], $0x400  }
0x5b: {  	[sflag:s2] =	ssyncset.done $0x0  }
0x5c: {  	s20 =	rddreg [dreg:$0xc];
	[sflag:s2] =	ssyncadd.s32 $0xFFFFFC00  }
0x5d: {  	[spmem:s20] =	stream.linear.scatter [tilespmem:s0], [sflag:$0x5], $0x800, $0x38;
	[tilespmem:$0x1A400] =	vst v63  }
0x5e: {  	_ =	swait.ge [sflag:s2], $0x800  }
0x5f: {  	[sflag:s2] =	ssyncset.done $0x0  }
0x60: {  	s21 =	rddreg [dreg:$0xd];
	[sflag:s2] =	ssyncadd.s32 $0xFFFFF800  }
0x61: {  	[spmem:s21] =	stream.linear.scatter [tilespmem:s7], [sflag:$0x5], $0x400, $0x38;
	[tilespmem:$0x1A400] =	vst v63  }
0x62: {  	_ =	swait.ge [sflag:s2], $0x400  }
0x63: {  	[sflag:s2] =	ssyncset.done $0x0  }
0x64: {  	s6 =	smov.u32 s22;
	s22 =	rddreg [dreg:$0xe];
	[sflag:s2] =	ssyncadd.s32 $0xFFFFFC00  }
0x65: {  	[spmem:s22] =	stream.linear.scatter [tilespmem:s0], [sflag:$0x5], $0x800, $0x38;
	[tilespmem:$0x1A400] =	vst v63  }
0x66: {  	_ =	swait.ge [sflag:s2], $0x800  }
0x67: {  	[sflag:s2] =	ssyncset.done $0x0  }
0x68: {  	s23 =	rddreg [dreg:$0xf];
	[sflag:s2] =	ssyncadd.s32 $0xFFFFF800  }
0x69: {  	[spmem:s23] =	stream.linear.scatter [tilespmem:s7], [sflag:$0x5], $0x400, $0x38;
	[tilespmem:$0x1A400] =	vst v63  }
0x6a: {  	_ =	swait.ge [sflag:s2], $0x400  }
0x6b: {  	[sflag:s2] =	ssyncset.done $0x0  }
0x6c: {  	s24 =	rddreg [dreg:$0x11];
	[sflag:s2] =	ssyncadd.s32 $0xFFFFFC00  }
0x6d: {  	[spmem:s24] =	stream.linear.scatter [tilespmem:s0], [sflag:$0x5], $0x800, $0x38;
	[tilespmem:$0x1A400] =	vst v63  }
0x6e: {  	_ =	swait.ge [sflag:s2], $0x800  }
0x6f: {  	[sflag:s2] =	ssyncset.done $0x0  }
0x70: {  	s25 =	rddreg [dreg:$0x12];
	[sflag:s2] =	ssyncadd.s32 $0xFFFFF800  }
0x71: {  	[spmem:s25] =	stream.linear.scatter [tilespmem:s7], [sflag:$0x5], $0x400, $0x38;
	[tilespmem:$0x1A400] =	vst v63  }
0x72: {  	_ =	swait.ge [sflag:s2], $0x400  }
0x73: {  	[sflag:s2] =	ssyncset.done $0x0  }
0x74: {  	s26 =	rddreg [dreg:$0x13];
	[sflag:s2] =	ssyncadd.s32 $0xFFFFFC00  }
0x75: {  	[spmem:s26] =	stream.linear.scatter [tilespmem:s0], [sflag:$0x5], $0x800, $0x38;
	[tilespmem:$0x1A400] =	vst v63  }
0x76: {  	_ =	swait.ge [sflag:s2], $0x800  }
0x77: {  	[sflag:s2] =	ssyncset.done $0x0  }
0x78: {  	s28 =	rddreg [dreg:$0x14];
	[sflag:s2] =	ssyncadd.s32 $0xFFFFF800  }
0x79: {  	[spmem:s28] =	stream.linear.scatter [tilespmem:s7], [sflag:$0x5], $0x400, $0x38;
	[tilespmem:$0x1A400] =	vst v63  }
0x7a: {  	_ =	swait.ge [sflag:s2], $0x400  }
0x7b: {  	[sflag:s2] =	ssyncset.done $0x0  }
0x7c: {  	s30 =	rddreg [dreg:$0x15];
	[sflag:s2] =	ssyncadd.s32 $0xFFFFFC00  }
0x7d: {  	[spmem:s30] =	stream.linear.scatter [tilespmem:s0], [sflag:$0x5], $0x800, $0x38;
	[tilespmem:$0x1A400] =	vst v63  }
0x7e: {  	_ =	swait.ge [sflag:s2], $0x800  }
0x7f: {  	[sflag:s2] =	ssyncset.done $0x0  }
0x80: {  	s31 =	rddreg [dreg:$0x16];
	[sflag:s2] =	ssyncadd.s32 $0xFFFFF800  }
0x81: {  	[spmem:s31] =	stream.linear.scatter [tilespmem:s7], [sflag:$0x5], $0x400, $0x38;
	[tilespmem:$0x1A400] =	vst v63  }
0x82: {  	_ =	swait.ge [sflag:s2], $0x400  }
0x83: {  	[sflag:s2] =	ssyncset.done $0x0  }
0x84: {  	s19 =	rddreg [dreg:$0x17];
	[sflag:s2] =	ssyncadd.s32 $0xFFFFFC00  }
0x85: {  	[spmem:s19] =	stream.linear.scatter [tilespmem:s0], [sflag:$0x5], $0x800, $0x38;
	[tilespmem:$0x1A400] =	vst v63  }
0x86: {  	_ =	swait.ge [sflag:s2], $0x800  }
0x87: {  	[sflag:s2] =	ssyncset.done $0x0  }
0x88: {  	s20 =	rddreg [dreg:$0x18];
	[sflag:s2] =	ssyncadd.s32 $0xFFFFF800  }
0x89: {  	[spmem:s20] =	stream.linear.scatter [tilespmem:s7], [sflag:$0x5], $0x400, $0x38;
	[tilespmem:$0x1A400] =	vst v63  }
0x8a: {  	_ =	swait.ge [sflag:s2], $0x400  }
0x8b: {  	[sflag:s2] =	ssyncset.done $0x0  }
0x8c: {  	[sflag:s2] =	ssyncadd.s32 $0xFFFFFC00  }
0x8d: {  	[bflag:$0x0] =	sbarrier.arrive $0xFFFF  }
0x8e: {  	s19 =	simm.s32 $0x0;
	s21 =	rddreg [dreg:$0x19]  }
0x8f: {  	[tilespmem:s19], [sflag:$0x5] =	stream.linear.gather [hbm4b:s21+s19], $0x5000, $0x38;
	[tilespmem:$0x1A400] =	vst v63  }
0x90: {  	_ =	swait.ge [sflag:s2], $0x5000  }
0x91: {  	[sflag:s2] =	ssyncset.done $0x0  }
0x92: {  	s23 =	simm.s32 $0x5000;
	s22 =	rddreg [dreg:$0x1a];
	[sflag:s2] =	ssyncadd.s32 $0xFFFFB000  }
0x93: {  	[tilespmem:s23], [sflag:$0x5] =	stream.linear.gather [hbm4b:s22+s19], $0x5000, $0x38;
	[tilespmem:$0x1A400] =	vst v63  }
0x94: {  	_ =	swait.ge [sflag:s2], $0x5000  }
0x95: {  	[sflag:s2] =	ssyncset.done $0x0  }
0x96: {  	[sflag:s2] =	ssyncadd.s32 $0xFFFFB000  }
0x97: {  	[tilespmem:s0], [sflag:$0x1] =	stream.indirect.gather [hbm4b:s29+s8], $0x20, s19, s8, $0xb8;
	[tilespmem:$0x1A400] =	vst v63  }
0x98: {  	_ = 	snop  }
0x99: {  	[tilespmem:s9], [sflag:$0x1] =	stream.indirect.gather [hbm4b:s29+s8], $0x20, s8, s8, $0xb8;
	[tilespmem:$0x1A400] =	vst v63  }
0x9a: {  	s24 =	simm.s32 $0x100  }
0x9b: {  	[tilespmem:s10], [sflag:$0x1] =	stream.indirect.gather [hbm4b:s29+s8], $0x20, s24, s8, $0xb8;
	[tilespmem:$0x1A400] =	vst v63  }
0x9c: {  	s25 =	simm.s32 $0x180  }
0x9d: {  	[tilespmem:s11], [sflag:$0x1] =	stream.indirect.gather [hbm4b:s29+s8], $0x20, s25, s8, $0xb8;
	[tilespmem:$0x1A400] =	vst v63  }
0x9e: {  	_ =	swait.ge [sflag:s12], $0x1000  }
0x9f: {  	[sflag:s12] =	ssyncset.done $0x0  }
0xa0: {  	[sflag:s12] =	ssyncadd.s32 $0xFFFFF000  }
0xa1: {  	_ =	swait.ge [sflag:s12], $0x1000  }
0xa2: {  	[sflag:s12] =	ssyncset.done $0x0  }
0xa3: {  	[sflag:s12] =	ssyncadd.s32 $0xFFFFF000  }
0xa4: {  	_ =	swait.ge [sflag:s12], $0x1000  }
0xa5: {  	[sflag:s12] =	ssyncset.done $0x0  }
0xa6: {  	[sflag:s12] =	ssyncadd.s32 $0xFFFFF000  }
0xa7: {  	_ =	swait.ge [sflag:s12], $0x1000  }
0xa8: {  	p3 =	por $0x1, $0x1;
	[sflag:s12] =	ssyncset.done $0x0  }
0xa9: {  	s19 =	simm.s32 @!p3 $0x3;
	[sflag:s12] =	ssyncadd.s32 $0xFFFFF000  }
0xaa: {  	_ =	swait.ge @!p3 [sflag:s19], $0x1000  }
0xab: {  	[sflag:s19] =	ssyncset.done @!p3 $0x0  }
0xac: {  	[sflag:s19] =	ssyncadd.s32 @!p3 $0xFFFFF000  }
0xad: {  	_ =	swait.ge @!p3 [sflag:s19], $0x1000  }
0xae: {  	[sflag:s19] =	ssyncset.done @!p3 $0x0  }
0xaf: {  	[sflag:s19] =	ssyncadd.s32 @!p3 $0xFFFFF000  }
0xb0: {  	_ =	swait.ge @!p3 [sflag:s19], $0x1000  }
0xb1: {  	[sflag:s19] =	ssyncset.done @!p3 $0x0  }
0xb2: {  	[sflag:s19] =	ssyncadd.s32 @!p3 $0xFFFFF000  }
0xb3: {  	_ =	swait.ge @!p3 [sflag:s19], $0x1000  }
0xb4: {  	p4 =	por !p0, p3;
	[sflag:s19] =	ssyncset.done @!p3 $0x0  }
0xb5: {  	[sflag:s19] =	ssyncadd.s32 @!p3 $0xFFFFF000;
	s19 =	simm.s32 @!p4 $0x4  }
0xb6: {  	_ =	swait.ge @!p4 [sflag:s19], $0x800  }
0xb7: {  	[sflag:s19] =	ssyncset.done @!p4 $0x0  }
0xb8: {  	[sflag:s19] =	ssyncadd.s32 @!p4 $0xFFFFF800  }
0xb9: {  	_ =	swait.ge @!p4 [sflag:s19], $0x800  }
0xba: {  	[sflag:s19] =	ssyncset.done @!p4 $0x0  }
0xbb: {  	[sflag:s19] =	ssyncadd.s32 @!p4 $0xFFFFF800  }
0xbc: {  	_ =	swait.ge @!p4 [sflag:s19], $0x800  }
0xbd: {  	[sflag:s19] =	ssyncset.done @!p4 $0x0  }
0xbe: {  	[sflag:s19] =	ssyncadd.s32 @!p4 $0xFFFFF800  }
0xbf: {  	_ =	swait.ge @!p4 [sflag:s19], $0x800  }
0xc0: {  	[sflag:s19] =	ssyncset.done @!p4 $0x0  }
0xc1: {  	s26 =	simm.s32 $0x200;
	[sflag:s19] =	ssyncadd.s32 @!p4 $0xFFFFF800  }
0xc2: {  	[tilespmem:s13], [sflag:$0x1] =	stream.indirect.gather [hbm4b:s29+s8], $0x20, s26, s8, $0xb8;
	[tilespmem:$0x1A400] =	vst v63  }
0xc3: {  	s28 =	simm.s32 $0x280  }
0xc4: {  	[tilespmem:s14], [sflag:$0x1] =	stream.indirect.gather [hbm4b:s29+s8], $0x20, s28, s8, $0xb8;
	[tilespmem:$0x1A400] =	vst v63  }
0xc5: {  	s30 =	simm.s32 $0x300  }
0xc6: {  	[tilespmem:s15], [sflag:$0x1] =	stream.indirect.gather [hbm4b:s29+s8], $0x20, s30, s8, $0xb8;
	[tilespmem:$0x1A400] =	vst v63  }
0xc7: {  	s31 =	simm.s32 $0x380  }
0xc8: {  	[tilespmem:s16], [sflag:$0x1] =	stream.indirect.gather [hbm4b:s29+s8], $0x20, s31, s8, $0xb8;
	[tilespmem:$0x1A400] =	vst v63  }
0xc9: {  	s21 =	simm.s32 $0x5000  }
0xca: {  	[spmem:s1] =	stream.indirect.scatter.add.bf16 [tilespmem:s0], [sflag:$0x2], $0x20, s21, s8, $0xb8;
	[tilespmem:$0x1A400] =	vst v63  }
0xcb: {  	s22 =	simm.s32 $0x5080  }
0xcc: {  	[spmem:s1] =	stream.indirect.scatter.add.bf16 [tilespmem:s9], [sflag:$0x2], $0x20, s22, s8, $0xb8;
	[tilespmem:$0x1A400] =	vst v63  }
0xcd: {  	s23 =	simm.s32 $0x5100  }
0xce: {  	[spmem:s1] =	stream.indirect.scatter.add.bf16 [tilespmem:s10], [sflag:$0x2], $0x20, s23, s8, $0xb8;
	[tilespmem:$0x1A400] =	vst v63  }
0xcf: {  	s24 =	simm.s32 $0x5180  }
0xd0: {  	[spmem:s1] =	stream.indirect.scatter.add.bf16 [tilespmem:s11], [sflag:$0x2], $0x20, s24, s8, $0xb8;
	[tilespmem:$0x1A400] =	vst v63  }
0xd1: {  	s20 =	simm.s32 @!p1 $0x12000;
	s19 =	simm.s32 @!p1 $0x80  }
0xd2: {  	[spmem:s3] =	stream.indirect.scatter.add.f32 @!p1 [tilespmem:s20], [sflag:$0x4], $0x10, s21, s19, $0xb8;
	[tilespmem:$0x1A400] =	vst v63  }
0xd3: {  	_ = 	snop  }
0xd4: {  	[spmem:s3] =	stream.indirect.scatter.add.f32 @!p1 [tilespmem:s20], [sflag:$0x4], $0x10, s22, s19, $0xb8;
	[tilespmem:$0x1A400] =	vst v63  }
0xd5: {  	_ = 	snop  }
0xd6: {  	[spmem:s3] =	stream.indirect.scatter.add.f32 @!p1 [tilespmem:s20], [sflag:$0x4], $0x10, s23, s19, $0xb8;
	[tilespmem:$0x1A400] =	vst v63  }
0xd7: {  	_ = 	snop  }
0xd8: {  	[spmem:s3] =	stream.indirect.scatter.add.f32 @!p1 [tilespmem:s20], [sflag:$0x4], $0x10, s24, s19, $0xb8;
	[tilespmem:$0x1A400] =	vst v63  }
0xd9: {  	_ =	swait.ge [sflag:s12], $0x1000  }
0xda: {  	[sflag:s12] =	ssyncset.done $0x0  }
0xdb: {  	[sflag:s12] =	ssyncadd.s32 $0xFFFFF000  }
0xdc: {  	_ =	swait.ge [sflag:s12], $0x1000  }
0xdd: {  	[sflag:s12] =	ssyncset.done $0x0  }
0xde: {  	[sflag:s12] =	ssyncadd.s32 $0xFFFFF000  }
0xdf: {  	_ =	swait.ge [sflag:s12], $0x1000  }
0xe0: {  	[sflag:s12] =	ssyncset.done $0x0  }
0xe1: {  	[sflag:s12] =	ssyncadd.s32 $0xFFFFF000  }
0xe2: {  	_ =	swait.ge [sflag:s12], $0x1000  }
0xe3: {  	[sflag:s12] =	ssyncset.done $0x0  }
0xe4: {  	[sflag:s12] =	ssyncadd.s32 $0xFFFFF000  }
0xe5: {  	_ =	swait.ge [sflag:s17], $0x1000  }
0xe6: {  	[sflag:s17] =	ssyncset.done $0x0  }
0xe7: {  	[sflag:s17] =	ssyncadd.s32 $0xFFFFF000  }
0xe8: {  	_ =	swait.ge [sflag:s17], $0x1000  }
0xe9: {  	[sflag:s17] =	ssyncset.done $0x0  }
0xea: {  	[sflag:s17] =	ssyncadd.s32 $0xFFFFF000  }
0xeb: {  	_ =	swait.ge [sflag:s17], $0x1000  }
0xec: {  	[sflag:s17] =	ssyncset.done $0x0  }
0xed: {  	[sflag:s17] =	ssyncadd.s32 $0xFFFFF000  }
0xee: {  	_ =	swait.ge [sflag:s17], $0x1000  }
0xef: {  	[sflag:s17] =	ssyncset.done $0x0  }
0xf0: {  	s21 =	simm.s32 @!p1 $0x4;
	[sflag:s17] =	ssyncadd.s32 $0xFFFFF000  }
0xf1: {  	_ =	swait.ge @!p1 [sflag:s21], $0x800  }
0xf2: {  	[sflag:s21] =	ssyncset.done @!p1 $0x0  }
0xf3: {  	[sflag:s21] =	ssyncadd.s32 @!p1 $0xFFFFF800  }
0xf4: {  	_ =	swait.ge @!p1 [sflag:s21], $0x800  }
0xf5: {  	[sflag:s21] =	ssyncset.done @!p1 $0x0  }
0xf6: {  	[sflag:s21] =	ssyncadd.s32 @!p1 $0xFFFFF800  }
0xf7: {  	_ =	swait.ge @!p1 [sflag:s21], $0x800  }
0xf8: {  	[sflag:s21] =	ssyncset.done @!p1 $0x0  }
0xf9: {  	[sflag:s21] =	ssyncadd.s32 @!p1 $0xFFFFF800  }
0xfa: {  	p3 =	por $0x0, $0x0;
	_ =	swait.ge @!p1 [sflag:s21], $0x800  }
0xfb: {  	s22 =	simm.s32 @!p3 $0xA000;
	[sflag:s21] =	ssyncset.done @!p1 $0x0  }
0xfc: {  	s23 =	simm.s32 @!p3 $0x400;
	s24 =	simm.s32 @!p3 $0x80;
	[sflag:s21] =	ssyncadd.s32 @!p1 $0xFFFFF800  }
0xfd: {  	[tilespmem:s22], [sflag:$0x1] =	stream.indirect.gather @!p3 [hbm4b:s29+s24], $0x20, s23, s24, $0xb8;
	[tilespmem:$0x1A400] =	vst v63  }
0xfe: {  	s22 =	simm.s32 @!p3 $0x480;
	s23 =	simm.s32 @!p3 $0xB000  }
0xff: {  	[tilespmem:s23], [sflag:$0x1] =	stream.indirect.gather @!p3 [hbm4b:s29+s24], $0x20, s22, s24, $0xb8;
	[tilespmem:$0x1A400] =	vst v63  }
0x100: {  	s22 =	simm.s32 @!p3 $0x500;
	s23 =	simm.s32 @!p3 $0xC000  }
0x101: {  	[tilespmem:s23], [sflag:$0x1] =	stream.indirect.gather @!p3 [hbm4b:s29+s24], $0x20, s22, s24, $0xb8;
	[tilespmem:$0x1A400] =	vst v63  }
0x102: {  	s22 =	simm.s32 @!p3 $0x580;
	s23 =	simm.s32 @!p3 $0xD000  }
0x103: {  	[tilespmem:s23], [sflag:$0x1] =	stream.indirect.gather @!p3 [hbm4b:s29+s24], $0x20, s22, s24, $0xb8;
	[tilespmem:$0x1A400] =	vst v63  }
0x104: {  	s24 =	simm.s32 $0x5200  }
0x105: {  	[spmem:s1] =	stream.indirect.scatter.add.bf16 [tilespmem:s13], [sflag:$0x3], $0x20, s24, s8, $0xb8;
	[tilespmem:$0x1A400] =	vst v63  }
0x106: {  	s26 =	simm.s32 $0x5280  }
0x107: {  	[spmem:s1] =	stream.indirect.scatter.add.bf16 [tilespmem:s14], [sflag:$0x3], $0x20, s26, s8, $0xb8;
	[tilespmem:$0x1A400] =	vst v63  }
0x108: {  	s28 =	simm.s32 $0x5300  }
0x109: {  	[spmem:s1] =	stream.indirect.scatter.add.bf16 [tilespmem:s15], [sflag:$0x3], $0x20, s28, s8, $0xb8;
	[tilespmem:$0x1A400] =	vst v63  }
0x10a: {  	s25 =	simm.s32 $0x5380  }
0x10b: {  	[spmem:s1] =	stream.indirect.scatter.add.bf16 [tilespmem:s16], [sflag:$0x3], $0x20, s25, s8, $0xb8;
	[tilespmem:$0x1A400] =	vst v63  }
0x10c: {  	s22 =	simm.s32 @!p2 $0x80;
	s23 =	simm.s32 @!p2 $0x12000  }
0x10d: {  	[spmem:s3] =	stream.indirect.scatter.add.f32 @!p2 [tilespmem:s23], [sflag:$0x4], $0x10, s24, s22, $0xb8;
	[tilespmem:$0x1A400] =	vst v63  }
0x10e: {  	_ = 	snop  }
0x10f: {  	[spmem:s3] =	stream.indirect.scatter.add.f32 @!p2 [tilespmem:s23], [sflag:$0x4], $0x10, s26, s22, $0xb8;
	[tilespmem:$0x1A400] =	vst v63  }
0x110: {  	s24 =	simm.s32 $0x1000  }
0x111: {  	[spmem:s3] =	stream.indirect.scatter.add.f32 @!p2 [tilespmem:s23], [sflag:$0x4], $0x10, s28, s22, $0xb8;
	[tilespmem:$0x1A400] =	vst v63  }
.LBB2_8:
0x112: {  	[spmem:s3] =	stream.indirect.scatter.add.f32 @!p2 [tilespmem:s23], [sflag:$0x4], $0x10, s25, s22, $0xb8;
	[tilespmem:$0x1A400] =	vst v63  }
0x113: {  	s25 =	smov.u32 s24;
	s24 =	sadd.s32 $0x1000, s24;
	_ =	swait.ge [sflag:s12], $0x1000  }
0x114: {  	p3 =	sne.s32 s24, $0x14000;
	[sflag:s12] =	ssyncset.done $0x0  }
0x115: {  	[sflag:s12] =	ssyncadd.s32 $0xFFFFF000  }
0x116: {  	_ =	swait.ge [sflag:s12], $0x1000  }
0x117: {  	[sflag:s12] =	ssyncset.done $0x0  }
0x118: {  	[sflag:s12] =	ssyncadd.s32 $0xFFFFF000  }
0x119: {  	_ =	swait.ge [sflag:s12], $0x1000  }
0x11a: {  	[sflag:s12] =	ssyncset.done $0x0  }
0x11b: {  	[sflag:s12] =	ssyncadd.s32 $0xFFFFF000  }
0x11c: {  	_ =	swait.ge [sflag:s12], $0x1000  }
0x11d: {  	p4 =	seq.s32 s25, $0x0;
	[sflag:s12] =	ssyncset.done $0x0  }
0x11e: {  	s26 =	simm.s32 @!p4 $0x3;
	[sflag:s12] =	ssyncadd.s32 $0xFFFFF000  }
0x11f: {  	_ =	swait.ge @!p4 [sflag:s26], $0x1000  }
0x120: {  	[sflag:s26] =	ssyncset.done @!p4 $0x0  }
0x121: {  	[sflag:s26] =	ssyncadd.s32 @!p4 $0xFFFFF000  }
0x122: {  	_ =	swait.ge @!p4 [sflag:s26], $0x1000  }
0x123: {  	[sflag:s26] =	ssyncset.done @!p4 $0x0  }
0x124: {  	[sflag:s26] =	ssyncadd.s32 @!p4 $0xFFFFF000  }
0x125: {  	_ =	swait.ge @!p4 [sflag:s26], $0x1000  }
0x126: {  	[sflag:s26] =	ssyncset.done @!p4 $0x0  }
0x127: {  	[sflag:s26] =	ssyncadd.s32 @!p4 $0xFFFFF000  }
0x128: {  	_ =	swait.ge @!p4 [sflag:s26], $0x1000  }
0x129: {  	p5 =	por !p0, p4;
	[sflag:s26] =	ssyncset.done @!p4 $0x0  }
0x12a: {  	s28 =	simm.s32 @!p5 $0x4;
	[sflag:s26] =	ssyncadd.s32 @!p4 $0xFFFFF000  }
0x12b: {  	_ =	swait.ge @!p5 [sflag:s28], $0x800  }
0x12c: {  	[sflag:s28] =	ssyncset.done @!p5 $0x0  }
0x12d: {  	[sflag:s28] =	ssyncadd.s32 @!p5 $0xFFFFF800  }
0x12e: {  	_ =	swait.ge @!p5 [sflag:s28], $0x800  }
0x12f: {  	[sflag:s28] =	ssyncset.done @!p5 $0x0  }
0x130: {  	[sflag:s28] =	ssyncadd.s32 @!p5 $0xFFFFF800  }
0x131: {  	_ =	swait.ge @!p5 [sflag:s28], $0x800  }
0x132: {  	[sflag:s28] =	ssyncset.done @!p5 $0x0  }
0x133: {  	[sflag:s28] =	ssyncadd.s32 @!p5 $0xFFFFF800  }
0x134: {  	_ =	swait.ge @!p5 [sflag:s28], $0x800  }
0x135: {  	s26 =	sshra.s32 s25, $0x2;
	[sflag:s28] =	ssyncset.done @!p5 $0x0  }
0x136: {  	[sflag:s28] =	ssyncadd.s32 @!p5 $0xFFFFF800;
	s28 =	sadd.s32 $0x200, s26  }
0x137: {  	[tilespmem:s13], [sflag:$0x1] =	stream.indirect.gather [hbm4b:s29+s8], $0x20, s28, s8, $0xb8;
	[tilespmem:$0x1A400] =	vst v63  }
0x138: {  	s28 =	sadd.s32 $0x280, s26  }
0x139: {  	[tilespmem:s14], [sflag:$0x1] =	stream.indirect.gather [hbm4b:s29+s8], $0x20, s28, s8, $0xb8;
	[tilespmem:$0x1A400] =	vst v63  }
0x13a: {  	s28 =	sadd.s32 $0x300, s26  }
0x13b: {  	[tilespmem:s15], [sflag:$0x1] =	stream.indirect.gather [hbm4b:s29+s8], $0x20, s28, s8, $0xb8;
	[tilespmem:$0x1A400] =	vst v63  }
0x13c: {  	s28 =	sadd.s32 $0x380, s26  }
0x13d: {  	[tilespmem:s16], [sflag:$0x1] =	stream.indirect.gather [hbm4b:s29+s8], $0x20, s28, s8, $0xb8;
	[tilespmem:$0x1A400] =	vst v63  }
0x13e: {  	s28 =	sadd.s32 $0x5000, s26  }
0x13f: {  	[spmem:s1] =	stream.indirect.scatter.add.bf16 [tilespmem:s0], [sflag:$0x2], $0x20, s28, s8, $0xb8;
	[tilespmem:$0x1A400] =	vst v63  }
0x140: {  	s30 =	sadd.s32 $0x5080, s26  }
0x141: {  	[spmem:s1] =	stream.indirect.scatter.add.bf16 [tilespmem:s9], [sflag:$0x2], $0x20, s30, s8, $0xb8;
	[tilespmem:$0x1A400] =	vst v63  }
0x142: {  	s31 =	sadd.s32 $0x5100, s26  }
0x143: {  	[spmem:s1] =	stream.indirect.scatter.add.bf16 [tilespmem:s10], [sflag:$0x2], $0x20, s31, s8, $0xb8;
	[tilespmem:$0x1A400] =	vst v63  }
0x144: {  	s5 =	sadd.s32 $0x5180, s26  }
0x145: {  	[spmem:s1] =	stream.indirect.scatter.add.bf16 [tilespmem:s11], [sflag:$0x2], $0x20, s5, s8, $0xb8;
	[tilespmem:$0x1A400] =	vst v63  }
0x146: {  	_ = 	snop  }
0x147: {  	[spmem:s3] =	stream.indirect.scatter.add.f32 @!p1 [tilespmem:s20], [sflag:$0x4], $0x10, s28, s19, $0xb8;
	[tilespmem:$0x1A400] =	vst v63  }
0x148: {  	_ = 	snop  }
0x149: {  	[spmem:s3] =	stream.indirect.scatter.add.f32 @!p1 [tilespmem:s20], [sflag:$0x4], $0x10, s30, s19, $0xb8;
	[tilespmem:$0x1A400] =	vst v63  }
0x14a: {  	_ = 	snop  }
0x14b: {  	[spmem:s3] =	stream.indirect.scatter.add.f32 @!p1 [tilespmem:s20], [sflag:$0x4], $0x10, s31, s19, $0xb8;
	[tilespmem:$0x1A400] =	vst v63  }
0x14c: {  	_ = 	snop  }
0x14d: {  	[spmem:s3] =	stream.indirect.scatter.add.f32 @!p1 [tilespmem:s20], [sflag:$0x4], $0x10, s5, s19, $0xb8;
	[tilespmem:$0x1A400] =	vst v63  }
0x14e: {  	_ =	swait.ge [sflag:s12], $0x1000  }
0x14f: {  	[sflag:s12] =	ssyncset.done $0x0  }
0x150: {  	[sflag:s12] =	ssyncadd.s32 $0xFFFFF000  }
0x151: {  	_ =	swait.ge [sflag:s12], $0x1000  }
0x152: {  	[sflag:s12] =	ssyncset.done $0x0  }
0x153: {  	[sflag:s12] =	ssyncadd.s32 $0xFFFFF000  }
0x154: {  	_ =	swait.ge [sflag:s12], $0x1000  }
0x155: {  	[sflag:s12] =	ssyncset.done $0x0  }
0x156: {  	[sflag:s12] =	ssyncadd.s32 $0xFFFFF000  }
0x157: {  	_ =	swait.ge [sflag:s12], $0x1000  }
0x158: {  	[sflag:s12] =	ssyncset.done $0x0  }
0x159: {  	[sflag:s12] =	ssyncadd.s32 $0xFFFFF000  }
0x15a: {  	_ =	swait.ge [sflag:s17], $0x1000  }
0x15b: {  	[sflag:s17] =	ssyncset.done $0x0  }
0x15c: {  	[sflag:s17] =	ssyncadd.s32 $0xFFFFF000  }
0x15d: {  	_ =	swait.ge [sflag:s17], $0x1000  }
0x15e: {  	[sflag:s17] =	ssyncset.done $0x0  }
0x15f: {  	[sflag:s17] =	ssyncadd.s32 $0xFFFFF000  }
0x160: {  	_ =	swait.ge [sflag:s17], $0x1000  }
0x161: {  	[sflag:s17] =	ssyncset.done $0x0  }
0x162: {  	[sflag:s17] =	ssyncadd.s32 $0xFFFFF000  }
0x163: {  	_ =	swait.ge [sflag:s17], $0x1000  }
0x164: {  	[sflag:s17] =	ssyncset.done $0x0  }
0x165: {  	[sflag:s17] =	ssyncadd.s32 $0xFFFFF000  }
0x166: {  	_ =	swait.ge @!p1 [sflag:s21], $0x800  }
0x167: {  	[sflag:s21] =	ssyncset.done @!p1 $0x0  }
0x168: {  	[sflag:s21] =	ssyncadd.s32 @!p1 $0xFFFFF800  }
0x169: {  	_ =	swait.ge @!p1 [sflag:s21], $0x800  }
0x16a: {  	[sflag:s21] =	ssyncset.done @!p1 $0x0  }
0x16b: {  	[sflag:s21] =	ssyncadd.s32 @!p1 $0xFFFFF800  }
0x16c: {  	_ =	swait.ge @!p1 [sflag:s21], $0x800  }
0x16d: {  	[sflag:s21] =	ssyncset.done @!p1 $0x0  }
0x16e: {  	[sflag:s21] =	ssyncadd.s32 @!p1 $0xFFFFF800  }
0x16f: {  	p4 =	seq.s32 s25, $0x13000;
	_ =	swait.ge @!p1 [sflag:s21], $0x800  }
0x170: {  	s5 =	sshra.s32 @!p4 s25, $0x2;
	s25 =	simm.s32 @!p4 $0xA000;
	[sflag:s21] =	ssyncset.done @!p1 $0x0  }
0x171: {  	s30 =	simm.s32 @!p4 $0x80;
	s28 =	sadd.s32 @!p4 $0x400, s5;
	[sflag:s21] =	ssyncadd.s32 @!p1 $0xFFFFF800  }
0x172: {  	[tilespmem:s25], [sflag:$0x1] =	stream.indirect.gather @!p4 [hbm4b:s29+s30], $0x20, s28, s30, $0xb8;
	[tilespmem:$0x1A400] =	vst v63  }
0x173: {  	s31 =	sadd.s32 @!p4 $0x500, s5;
	s25 =	sadd.s32 @!p4 $0x480, s5;
	s28 =	simm.s32 @!p4 $0xB000  }
0x174: {  	[tilespmem:s28], [sflag:$0x1] =	stream.indirect.gather @!p4 [hbm4b:s29+s30], $0x20, s25, s30, $0xb8;
	[tilespmem:$0x1A400] =	vst v63  }
0x175: {  	s5 =	sadd.s32 @!p4 $0x580, s5;
	s25 =	simm.s32 @!p4 $0xC000  }
0x176: {  	[tilespmem:s25], [sflag:$0x1] =	stream.indirect.gather @!p4 [hbm4b:s29+s30], $0x20, s31, s30, $0xb8;
	[tilespmem:$0x1A400] =	vst v63  }
0x177: {  	s25 =	simm.s32 @!p4 $0xD000  }
0x178: {  	[tilespmem:s25], [sflag:$0x1] =	stream.indirect.gather @!p4 [hbm4b:s29+s30], $0x20, s5, s30, $0xb8;
	[tilespmem:$0x1A400] =	vst v63  }
0x179: {  	s5 =	sadd.s32 $0x5200, s26  }
0x17a: {  	[spmem:s1] =	stream.indirect.scatter.add.bf16 [tilespmem:s13], [sflag:$0x3], $0x20, s5, s8, $0xb8;
	[tilespmem:$0x1A400] =	vst v63  }
0x17b: {  	s28 =	sadd.s32 $0x5280, s26  }
0x17c: {  	[spmem:s1] =	stream.indirect.scatter.add.bf16 [tilespmem:s14], [sflag:$0x3], $0x20, s28, s8, $0xb8;
	[tilespmem:$0x1A400] =	vst v63  }
0x17d: {  	s30 =	sadd.s32 $0x5300, s26  }
0x17e: {  	[spmem:s1] =	stream.indirect.scatter.add.bf16 [tilespmem:s15], [sflag:$0x3], $0x20, s30, s8, $0xb8;
	[tilespmem:$0x1A400] =	vst v63  }
0x17f: {  	s25 =	sadd.s32 $0x5380, s26  }
0x180: {  	[spmem:s1] =	stream.indirect.scatter.add.bf16 [tilespmem:s16], [sflag:$0x3], $0x20, s25, s8, $0xb8;
	[tilespmem:$0x1A400] =	vst v63  }
0x181: {  	_ = 	snop  }
0x182: {  	[spmem:s3] =	stream.indirect.scatter.add.f32 @!p2 [tilespmem:s23], [sflag:$0x4], $0x10, s5, s22, $0xb8;
	[tilespmem:$0x1A400] =	vst v63  }
.Ltmp3:
0x183: {  	_ = 	snop;
	(pc) =	sbr.rel @p3 .LBB2_8-.Ltmp3, $4  }
0x184: {  	_ = 	snop  }
0x185: {  	[spmem:s3] =	stream.indirect.scatter.add.f32 @!p2 [tilespmem:s23], [sflag:$0x4], $0x10, s28, s22, $0xb8;
	[tilespmem:$0x1A400] =	vst v63  }
0x186: {  	_ = 	snop  }
0x187: {  	[spmem:s3] =	stream.indirect.scatter.add.f32 @!p2 [tilespmem:s23], [sflag:$0x4], $0x10, s30, s22, $0xb8;
	[tilespmem:$0x1A400] =	vst v63  }
0x188: {  	[spmem:s3] =	stream.indirect.scatter.add.f32 @!p2 [tilespmem:s23], [sflag:$0x4], $0x10, s25, s22, $0xb8;
	[tilespmem:$0x1A400] =	vst v63  }
0x189: {  	_ =	swait.ge [sflag:s18], $0x1000  }
0x18a: {  	[sflag:s18] =	ssyncset.done $0x0  }
0x18b: {  	[sflag:s18] =	ssyncadd.s32 $0xFFFFF000  }
0x18c: {  	_ =	swait.ge [sflag:s18], $0x1000  }
0x18d: {  	[sflag:s18] =	ssyncset.done $0x0  }
0x18e: {  	[sflag:s18] =	ssyncadd.s32 $0xFFFFF000  }
0x18f: {  	_ =	swait.ge [sflag:s18], $0x1000  }
0x190: {  	[sflag:s18] =	ssyncset.done $0x0  }
0x191: {  	[sflag:s18] =	ssyncadd.s32 $0xFFFFF000  }
0x192: {  	_ =	swait.ge [sflag:s18], $0x1000  }
0x193: {  	[sflag:s18] =	ssyncset.done $0x0  }
0x194: {  	s5 =	simm.s32 @!p2 $0x4;
	[sflag:s18] =	ssyncadd.s32 $0xFFFFF000  }
0x195: {  	_ =	swait.ge @!p2 [sflag:s5], $0x800  }
0x196: {  	[sflag:s5] =	ssyncset.done @!p2 $0x0  }
0x197: {  	[sflag:s5] =	ssyncadd.s32 @!p2 $0xFFFFF800  }
0x198: {  	_ =	swait.ge @!p2 [sflag:s5], $0x800  }
0x199: {  	[sflag:s5] =	ssyncset.done @!p2 $0x0  }
0x19a: {  	[sflag:s5] =	ssyncadd.s32 @!p2 $0xFFFFF800  }
0x19b: {  	_ =	swait.ge @!p2 [sflag:s5], $0x800  }
0x19c: {  	[sflag:s5] =	ssyncset.done @!p2 $0x0  }
0x19d: {  	[sflag:s5] =	ssyncadd.s32 @!p2 $0xFFFFF800  }
0x19e: {  	_ =	swait.ge @!p2 [sflag:s5], $0x800  }
0x19f: {  	[sflag:s5] =	ssyncset.done @!p2 $0x0  }
0x1a0: {  	s25 =	stileid.u32;
	[sflag:s5] =	ssyncadd.s32 @!p2 $0xFFFFF800  }
0x1a1: {  	s5 =	sshll.u32 s25, $0x6;
	[bflag:$0x0] =	sbarrier.arrive $0xFFFF  }
0x1a2: {  	s19 =	sshrl.u32 s6, $0x3;
	s5 =	sor.u32 $0x1C05, s5;
	s26 =	rddreg [dreg:$0x10]  }
0x1a3: {  	[hbm:s26], [sflag:s5] =	dma.local [spmem:s19], $0xA00  }
0x1a4: {  	_ =	swait.ge [sflag:s2], $0xA00  }
0x1a5: {  	[sflag:s2] =	ssyncset.done $0x0;
	s23 =	rddreg [dreg:$0x5]  }
0x1a6: {  	s30 =	rddreg [dreg:$0x1b];
	[sflag:s2] =	ssyncadd.s32 $0xFFFFF600;
	s28 =	sshrl.u32 s23, $0x3  }
0x1a7: {  	[hbm:s30], [sflag:s5] =	dma.local [spmem:s28], $0x500  }
0x1a8: {  	_ =	swait.ge [sflag:s2], $0x500  }
0x1a9: {  	s4 =	sadd.s32 $0x1, s4;
	s31 =	rddreg [dreg:$0x1c]  }
0x1aa: {  	p3 =	sne.s32 s4, s31  }
.Ltmp4:
0x1ab: {  	_ = 	snop;
	(pc) =	sbr.rel @p3 .LBB2_1-.Ltmp4, $3  }
0x1ac: {  	_ =	sdelay $0x1  }
0x1ad: {  	[sflag:s2] =	ssyncset.done $0x0  }
0x1ae: {  	s22 =	smov.u32 s6;
	[sflag:s2] =	ssyncadd.s32 $0xFFFFFB00  }
0x1af: {  	_ =	sfence.sel $0x180000  }
0x1b0: {  	[bflag:$0x0] =	sbarrier.arrive $0xFFFF  }
0x1b1: {  	_ =	strace $0x90000047  }
0x1b2: {  	s0 =	stileid.u32;
	[bflag:$0x2] =	sbarrier.arrive $0xFFFF  }
0x1b3: {  	p0 =	sne.s32 s0, $0x0;
	s0 =	rddreg [dreg:$0x4]  }
0x1b4: {  	s0 =	sadd.s32 @!p0 $0x100000, s0  }
0x1b5: {  	[sflag:s0] =	ssyncadd.tile.s32 @!p0 $0x1;
	_ =	shalt  }
.Lfunc_end2:
_tile_overlayer_lowered:
.L_overlay_start_2:
0x1b6: {  	(tag) =	ssettag $0x2  }
0x1b7: {  	s0 =	rddreg [dreg:$0x0];
	s2 =	stileid.u32  }
0x1b8: {  	s1 =	rddreg [dreg:$0x1];
	p0 =	sne.s32 s2, $0x0  }
0x1b9: {  	s3 =	rddreg [dreg:$0x2];
	[bflag:$0x3] =	sbarrier.arrive $0xFFFF;
	s2 =	simm.s32 @!p0 $0x1C05  }
0x1ba: {  	[timem:s3], [sflag:s2] =	dma.local @!p0 [hbm:s0], s1  }
0x1bb: {  	s0 =	simm.s32 @!p0 $0x5  }
0x1bc: {  	_ =	swait.ge @!p0 [sflag:s0], s1  }
0x1bd: {  	s1 =	ssub.s32 @!p0 $0x0, s1;
	[sflag:s0] =	ssyncset.done @!p0 $0x0  }
0x1be: {  	[sflag:s0] =	ssyncadd.s32 @!p0 s1  }
0x1bf: {  	[bflag:$0x3] =	sbarrier.arrive $0xFFFF  }
0x1c0: {  	_ =	shalt  }

</sc_bundles>
